<compile_context>
chip_gen: v7x
topology: tpu7x:2x2x1
jax: 0.10.2.dev20260603
libtpu: 0.0.44.dev20260713+nightly
codegen_flags: <defaults>
</compile_context>

<pallas_src>
import dataclasses
import functools

import jax
import jax.numpy as jnp
from jax import lax
from jax.experimental import pallas as pl
from jax.experimental.pallas import tpu as pltpu
from jax.experimental.pallas import tpu_sc as plsc

N = 10000
D = 128
E = 320000
B = 128
NBLK = E // B
ACCW = 144
NC = 2
NS = 16
NW = NC * NS
KMAX = (NBLK + NW - 1) // NW
ROWS_PER_TILE = N // NS

_HIGH = lax.Precision.HIGHEST


def _lrelu(z):
    return jnp.maximum(z, z * 0.2)



def _pre_body(x_ref, w_ref, asv_ref, adv_ref, h_ref, asrc_ref, adst_ref,
              gmax_ref, exl_ref):
    h = jnp.dot(x_ref[...], w_ref[...], preferred_element_type=jnp.float32,
                precision=_HIGH)
    h_ref[...] = h
    a_src = jnp.sum(h * asv_ref[...], axis=1, keepdims=True)
    a_dst = jnp.sum(h * adv_ref[...], axis=1, keepdims=True)
    gmax = jnp.max(a_src)
    m = _lrelu(a_dst + gmax)
    asrc_ref[...] = a_src
    adst_ref[...] = a_dst
    gmax_ref[...] = jnp.broadcast_to(gmax, (1, 1))
    exl_ref[...] = jnp.exp(_lrelu(a_src + a_dst) - m)


_pre = pl.pallas_call(
    _pre_body,
    out_shape=[
        jax.ShapeDtypeStruct((N, D), jnp.float32),
        jax.ShapeDtypeStruct((N, 1), jnp.float32),
        jax.ShapeDtypeStruct((N, 1), jnp.float32),
        jax.ShapeDtypeStruct((1, 1), jnp.float32),
        jax.ShapeDtypeStruct((N, 1), jnp.float32),
    ],
)


def _post_body(acc_ref, h_ref, exl_ref, b_ref, o_ref, *, act):
    s = acc_ref[0] + acc_ref[1]
    exl = exl_ref[...]
    num = s[:, :D] + exl * h_ref[...]
    den = s[:, D:D + 1] + exl + 1e-16
    out = num / den + b_ref[...]
    if act:
        out = jnp.where(out > 0, out, jnp.exp(out) - 1.0)
    o_ref[...] = out


def _make_post(act):
    return pl.pallas_call(
        functools.partial(_post_body, act=act),
        out_shape=jax.ShapeDtypeStruct((N, D), jnp.float32),
    )


_post_elu = _make_post(True)
_post_lin = _make_post(False)



_cp = pltpu.CompilerParams()
if "needs_layout_passes" in pltpu.CompilerParams.__dataclass_fields__:
    _cp = dataclasses.replace(_cp, needs_layout_passes=False)
if "use_tc_tiling_on_sc" in pltpu.CompilerParams.__dataclass_fields__:
    _cp = dataclasses.replace(_cp, use_tc_tiling_on_sc=False)

_mesh = plsc.VectorSubcoreMesh(core_axis_name="c", subcore_axis_name="s")


@functools.partial(
    pl.kernel,
    out_type=jax.ShapeDtypeStruct((NC, N, ACCW), jnp.float32),
    mesh=_mesh,
    scratch_types=[
        pltpu.VMEM((16,), jnp.float32),
        pltpu.VMEM((2, B), jnp.int32),
        pltpu.VMEM((2, B), jnp.int32),
        pltpu.VMEM((2, B), jnp.float32),
        pltpu.VMEM((2, B), jnp.float32),
        pltpu.VMEM((B,), jnp.float32),
        pltpu.VMEM((B, D // 2), jnp.int32),
        pltpu.VMEM((B, D // 2), jnp.int32),
        pltpu.VMEM((B,), jnp.int32),
        pltpu.VMEM((B, ACCW), jnp.float32),
        pltpu.VMEM_SHARED((N, ACCW), jnp.float32),
        pltpu.SemaphoreType.DMA,
        pltpu.SemaphoreType.DMA,
        pltpu.SemaphoreType.DMA,
    ],
    compiler_params=_cp,
)
def _sc_gat(ei_hbm, hbi_hbm, asrc_hbm, adst_hbm, gmax_hbm, out_hbm,
            gmax_t, src_v, dst_v, av_s, av_d, ex_v, raw0, raw1,
            dst_sc, scaled_v, acc_sh, si, sr, ss):
    cid = lax.axis_index("c")
    sid = lax.axis_index("s")
    wid = sid * NC + cid
    lane0 = (lax.iota(jnp.int32, 16) == 0).astype(jnp.float32)
    zeros16 = jnp.zeros((16,), jnp.float32)
    izeros16 = jnp.zeros((16,), jnp.int32)
    himask = jnp.full((16,), -65536, jnp.int32)

    pltpu.sync_copy(gmax_hbm, gmax_t)
    gmax = gmax_t[...]

    @pl.loop(0, B)
    def _(r):
        @pl.loop(0, ACCW, step=16)
        def _(c):
            scaled_v[r, pl.ds(c, 16)] = zeros16

    @pl.loop(0, ROWS_PER_TILE // B)
    def _(i):
        pltpu.sync_copy(
            scaled_v, acc_sh.at[pl.ds(sid * ROWS_PER_TILE + i * B, B)])

    pltpu.sync_copy(
        scaled_v.at[pl.ds(0, ROWS_PER_TILE % B)],
        acc_sh.at[pl.ds(sid * ROWS_PER_TILE
                        + (ROWS_PER_TILE // B) * B, ROWS_PER_TILE % B)])

    plsc.subcore_barrier()

    raws = (raw0, raw1)

    def valid(k):
        return wid + k * NW < NBLK

    def idx_start(k, q):
        off = (wid + k * NW) * B
        c0 = pltpu.make_async_copy(ei_hbm.at[0, pl.ds(off, B)],
                                   src_v.at[q], si)
        c1 = pltpu.make_async_copy(ei_hbm.at[1, pl.ds(off, B)],
                                   dst_v.at[q], si)
        c0.start()
        c1.start()
        return (c0, c1)

    def edge_gathers(q, p):
        return (pltpu.make_async_copy(hbi_hbm.at[src_v.at[q]], raws[p], sr),
                pltpu.make_async_copy(asrc_hbm.at[src_v.at[q]],
                                      av_s.at[q], sr),
                pltpu.make_async_copy(adst_hbm.at[dst_v.at[q]],
                                      av_d.at[q], sr))

    idx_start(0, 0)
    pltpu.make_async_copy(ei_hbm.at[0, pl.ds(wid * B, B)],
                          src_v.at[0], si).wait()
    pltpu.make_async_copy(ei_hbm.at[1, pl.ds(wid * B, B)],
                          dst_v.at[0], si).wait()
    for g0 in edge_gathers(0, 0):
        g0.start()
        g0.wait()
    idx_start(1, 1)
    pltpu.make_async_copy(ei_hbm.at[0, pl.ds((wid + NW) * B, B)],
                          src_v.at[1], si).wait()
    pltpu.make_async_copy(ei_hbm.at[1, pl.ds((wid + NW) * B, B)],
                          dst_v.at[1], si).wait()

    def body(k0, k, q):
        kk = k0 + k
        p = q

        @pl.when(valid(kk))
        def _():
            qn = 1 - q

            @pl.when(valid(kk + 1))
            def _():
                for g in edge_gathers(qn, 1 - p):
                    g.start()

            @plsc.parallel_loop(0, B, step=16, unroll=4)
            def _(g):
                a_s = av_s[q, pl.ds(g, 16)]
                a_d = av_d[q, pl.ds(g, 16)]
                m_d = _lrelu(a_d + gmax)
                ex_v[pl.ds(g, 16)] = jnp.exp(_lrelu(a_s + a_d) - m_d)

            raw = raws[p]

            @plsc.parallel_loop(0, B, unroll=8)
            def _(r):
                exr = plsc.load_gather(ex_v, [izeros16 + r])
                for c in range(D // 32):
                    w = raw[r, pl.ds(c * 16, 16)]
                    lo = plsc.bitcast(w << 16, jnp.float32)
                    hi = plsc.bitcast(w & himask, jnp.float32)
                    scaled_v[r, pl.ds(c * 32, 16)] = lo * exr
                    scaled_v[r, pl.ds(c * 32 + 16, 16)] = hi * exr
                scaled_v[r, pl.ds(D, 16)] = exr * lane0

            @pl.loop(0, B, step=16)
            def _(g):
                dst_sc[pl.ds(g, 16)] = dst_v[q, pl.ds(g, 16)]

            sc = pltpu.async_copy(scaled_v, acc_sh.at[dst_sc], ss, add=True)

            @pl.when(valid(kk + 2))
            def _():
                off2 = (wid + (kk + 2) * NW) * B
                c0 = pltpu.make_async_copy(ei_hbm.at[0, pl.ds(off2, B)],
                                           src_v.at[q], si)
                c1 = pltpu.make_async_copy(ei_hbm.at[1, pl.ds(off2, B)],
                                           dst_v.at[q], si)
                c0.start()
                c1.start()
                c0.wait()
                c1.wait()

            sc.wait()

            @pl.when(valid(kk + 1))
            def _():
                for g in edge_gathers(qn, 1 - p):
                    g.wait()

    @pl.loop(0, KMAX + (-KMAX) % 2, step=2)
    def _(k0):
        body(k0, 0, 0)
        body(k0, 1, 1)

    plsc.subcore_barrier()
    pltpu.sync_copy(
        acc_sh.at[pl.ds(sid * ROWS_PER_TILE, ROWS_PER_TILE)],
        out_hbm.at[cid, pl.ds(sid * ROWS_PER_TILE, ROWS_PER_TILE)])



def _gat_layer(x, edge_index, W, att_src, att_dst, bias, act):
    asv = att_src.reshape(1, D).astype(jnp.float32)
    adv = att_dst.reshape(1, D).astype(jnp.float32)
    h, a_src, a_dst, gmax, exl = _pre(x, W, asv, adv)
    hb = h.reshape(N, 4, 2, 16).transpose(0, 1, 3, 2).astype(
        jnp.bfloat16).reshape(N, D // 2, 2)
    hbi = jax.lax.bitcast_convert_type(hb, jnp.int32)
    acc = _sc_gat(edge_index, hbi, a_src.reshape(N), a_dst.reshape(N),
                  jnp.broadcast_to(gmax.reshape(()), (16,)))
    post = _post_elu if act else _post_lin
    return post(acc, h, exl, bias.reshape(1, D))


def kernel(x, edge_index, W1, att_src1, att_dst1, b1, W2, att_src2,
           att_dst2, b2):
    h1 = _gat_layer(x, edge_index, W1, att_src1, att_dst1, b1, act=True)
    return _gat_layer(h1, edge_index, W2, att_src2, att_dst2, b2, act=False)

# --- scband reference (transcript-rebuilt; emitter-appended) ---
"""Pipeline reference for scband-gatmodel-24644522345347 (READ-ONLY COPY).

The authoritative reference and input builder live on the scoring server;
editing this copy changes nothing except your own understanding.
"""

import jax, jax.numpy as jnp
import numpy as np

N = 10000
E = 320000
D_IN = 128
HEADS = 1
HID = 128
D_OUT = 128


def setup_inputs(seed: int = 0) -> dict:
    key = jax.random.key(seed)
    ks = jax.random.split(key, 12)
    x = jax.random.normal(ks[0], (N, D_IN), dtype=jnp.float32)
    edge_index = jax.random.randint(ks[1], (2, E), 0, N, dtype=jnp.int32)
    # GATConv layer 1 params (in=D_IN, out=HID, heads=HEADS, concat=True)
    W1 = jax.random.normal(ks[2], (D_IN, HEADS * HID), dtype=jnp.float32) * (1.0 / np.sqrt(D_IN))
    att_src1 = jax.random.normal(ks[3], (1, HEADS, HID), dtype=jnp.float32) * 0.1
    att_dst1 = jax.random.normal(ks[4], (1, HEADS, HID), dtype=jnp.float32) * 0.1
    b1 = jnp.zeros((HEADS * HID,), dtype=jnp.float32)
    # GATConv layer 2 params (in=HEADS*HID, out=D_OUT, heads=1, concat=False)
    W2 = jax.random.normal(ks[5], (HEADS * HID, 1 * D_OUT), dtype=jnp.float32) * (1.0 / np.sqrt(HEADS * HID))
    att_src2 = jax.random.normal(ks[6], (1, 1, D_OUT), dtype=jnp.float32) * 0.1
    att_dst2 = jax.random.normal(ks[7], (1, 1, D_OUT), dtype=jnp.float32) * 0.1
    b2 = jnp.zeros((D_OUT,), dtype=jnp.float32)
    return {"x": x, "edge_index": edge_index, "W1": W1, "att_src1": att_src1, "att_dst1": att_dst1, "b1": b1, "W2": W2, "att_src2": att_src2, "att_dst2": att_dst2, "b2": b2}


def gat_conv(x, edge_index, W, att_src, att_dst, bias, heads, out_ch, concat):
    n = x.shape[0]
    src = edge_index[0]
    dst = edge_index[1]
    # add_self_loops=True (PyG default)
    loops = jnp.arange(n, dtype=src.dtype)
    src = jnp.concatenate([src, loops])
    dst = jnp.concatenate([dst, loops])
    h = (x @ W).reshape(n, heads, out_ch)
    a_src = (h * att_src).sum(-1)  # [N, H]
    a_dst = (h * att_dst).sum(-1)  # [N, H]
    alpha = a_src[src] + a_dst[dst]  # [Etot, H]
    alpha = jax.nn.leaky_relu(alpha, 0.2)
    # segment softmax over incoming edges of each dst node
    amax = jax.ops.segment_max(alpha, dst, num_segments=n)
    amax = jnp.where(jnp.isfinite(amax), amax, 0.0)
    ex = jnp.exp(alpha - amax[dst])
    denom = jax.ops.segment_sum(ex, dst, num_segments=n)
    coef = ex / (denom[dst] + 1e-16)
    msg = h[src] * coef[:, :, None]  # [Etot, H, C]
    out = jax.ops.segment_sum(msg, dst, num_segments=n)  # [N, H, C]
    if concat:
        out = out.reshape(n, heads * out_ch)
    else:
        out = out.mean(axis=1)
    return out + bias


def reference(x, edge_index, W1, att_src1, att_dst1, b1, W2, att_src2, att_dst2, b2):
    h = jax.nn.elu(gat_conv(x, edge_index, W1, att_src1, att_dst1, b1, HEADS, HID, True))
    out = gat_conv(h, edge_index, W2, att_src2, att_dst2, b2, 1, D_OUT, False)
    return out

if __name__ == "__main__":
    import jax
    _d = setup_inputs()
    print(jax.jit(kernel)(*tuple(_d.values())))

</pallas_src>

<mosaic_0001>
#map = affine_map<(d0, d1) -> (0, 0)>
#map1 = affine_map<(d0, d1) -> (0)>
#map2 = affine_map<(d0, d1) -> (0, 0, 0)>
module attributes {stable_mosaic.version = 14 : i64} {
  func.func @_sc_gat(%arg0: i32, %arg1: i32, %arg2: memref<2x320000xi32, #tpu.memory_space<hbm>>, %arg3: memref<10000x64xi32, #tpu.memory_space<hbm>>, %arg4: memref<10000xf32, #tpu.memory_space<hbm>>, %arg5: memref<10000xf32, #tpu.memory_space<hbm>>, %arg6: memref<16xf32, #tpu.memory_space<hbm>>, %arg7: memref<2x10000x144xf32, #tpu.memory_space<hbm>>, %arg8: memref<16xf32, #tpu.memory_space<vmem>>, %arg9: memref<2x128xi32, #tpu.memory_space<vmem>>, %arg10: memref<2x128xi32, #tpu.memory_space<vmem>>, %arg11: memref<2x128xf32, #tpu.memory_space<vmem>>, %arg12: memref<2x128xf32, #tpu.memory_space<vmem>>, %arg13: memref<128xf32, #tpu.memory_space<vmem>>, %arg14: memref<128x64xi32, #tpu.memory_space<vmem>>, %arg15: memref<128x64xi32, #tpu.memory_space<vmem>>, %arg16: memref<128xi32, #tpu.memory_space<vmem>>, %arg17: memref<128x144xf32, #tpu.memory_space<vmem>>, %arg18: memref<10000x144xf32, #tpu.memory_space<vmem_shared>>, %arg19: memref<!tpu.dma_semaphore, #tpu.memory_space<semaphore_mem>>, %arg20: memref<!tpu.dma_semaphore, #tpu.memory_space<semaphore_mem>>, %arg21: memref<!tpu.dma_semaphore, #tpu.memory_space<semaphore_mem>>) attributes {dimension_semantics = [#tpu.dimension_semantics<core_parallel>, #tpu.dimension_semantics<subcore_parallel>], iteration_bounds = array<i64: 2, 16>, scalar_prefetch = 0 : i64, scratch_operands = 14 : i64, tpu.core_type = #tpu.core_type<sc_vector_subcore>, window_params = [{transform_indices = #map}, {transform_indices = #map}, {transform_indices = #map1}, {transform_indices = #map1}, {transform_indices = #map1}, {transform_indices = #map2}]} {
    %mul3A = arith.constant 2 : i32
    %mul3A_0 = arith.muli %arg1, %mul3A : i32
    %add3A = arith.addi %mul3A_0, %arg0 : i32
    %iota3A = tpu.iota {dimensions = array<i32: 0>} : vector<16xi32>
    %eq3A = arith.constant 0 : i32
    %eq3A_1 = vector.broadcast %eq3A : i32 to vector<16xi32>
    %eq3A_2 = arith.cmpi eq, %iota3A, %eq3A_1 : vector<16xi32>
    %convert_element_type3A = arith.extui %eq3A_2 : vector<16xi1> to vector<16xi32>
    %convert_element_type3A_3 = arith.sitofp %convert_element_type3A : vector<16xi32> to vector<16xf32>
    %broadcast_in_dim3A = arith.constant 0.000000e+00 : f32
    %broadcast_in_dim3A_4 = vector.broadcast %broadcast_in_dim3A : f32 to vector<16xf32>
    %broadcast_in_dim3A_5 = arith.constant 0 : i32
    %broadcast_in_dim3A_6 = vector.broadcast %broadcast_in_dim3A_5 : i32 to vector<16xi32>
    %broadcast_in_dim3A_7 = arith.constant -65536 : i32
    %broadcast_in_dim3A_8 = vector.broadcast %broadcast_in_dim3A_7 : i32 to vector<16xi32>
    "tpu.region"() ({
      %run_scoped3A = tpu.sem_alloc : memref<!tpu.dma_semaphore, #tpu.memory_space<semaphore_mem>>
      tpu.enqueue_dma source(%arg6 : memref<16xf32, #tpu.memory_space<hbm>>) target(%arg8 : memref<16xf32, #tpu.memory_space<vmem>>) target_semaphore(%run_scoped3A : memref<!tpu.dma_semaphore, #tpu.memory_space<semaphore_mem>>)
      tpu.wait_dma2 semaphore(%run_scoped3A : memref<!tpu.dma_semaphore, #tpu.memory_space<semaphore_mem>>) src(%arg6 : memref<16xf32, #tpu.memory_space<hbm>>) dst(%arg8 : memref<16xf32, #tpu.memory_space<vmem>>)
      tpu.yield
    }) : () -> ()
    %get3A = arith.constant 0 : index
    %get3A_9 = tpu.vector_load %arg8[%get3A] {strides = array<i32>} : memref<16xf32, #tpu.memory_space<vmem>>, vector<16xf32>,
    %scan3A = arith.constant 0 : i32
    %scan3A_10 = arith.constant 128 : i32
    %scan3A_11 = arith.addi %scan3A, %scan3A_10 : i32
    %scan3A_12 = arith.constant 1 : i32
    scf.for %scan3A_201 = %scan3A to %scan3A_11 step %scan3A_12  : i32 {
      %mul3A_202 = arith.constant 1 : i32
      %mul3A_203 = arith.muli %scan3A_201, %mul3A_202 : i32
      %add3A_204 = arith.constant 0 : i32
      %add3A_205 = arith.addi %add3A_204, %mul3A_203 : i32
      %scan3A_206 = arith.constant 0 : i32
      %scan3A_207 = arith.constant 9 : i32
      %scan3A_208 = arith.addi %scan3A_206, %scan3A_207 : i32
      %scan3A_209 = arith.constant 1 : i32
      scf.for %scan3A_211 = %scan3A_206 to %scan3A_208 step %scan3A_209  : i32 {
        %mul3A_212 = arith.constant 16 : i32
        %mul3A_213 = arith.muli %scan3A_211, %mul3A_212 : i32
        %add3A_214 = arith.constant 0 : i32
        %add3A_215 = arith.addi %add3A_214, %mul3A_213 : i32
        %swap3A = arith.index_cast %add3A_205 : i32 to index
        %swap3A_216 = arith.index_cast %add3A_215 : i32 to index
        %swap3A_217 = tpu.vector_load %arg17[%swap3A, %swap3A_216] {strides = array<i32>} : memref<128x144xf32, #tpu.memory_space<vmem>>, vector<16xf32>,
        tpu.vector_store %arg17[%swap3A, %swap3A_216], %broadcast_in_dim3A_4 {strides = array<i32>} : memref<128x144xf32, #tpu.memory_space<vmem>>, vector<16xf32>,
      }
      %scan3A_210 = arith.constant 9 : i32
    }
    %scan3A_13 = arith.constant 128 : i32
    %scan3A_14 = arith.constant 0 : i32
    %scan3A_15 = arith.constant 4 : i32
    %scan3A_16 = arith.addi %scan3A_14, %scan3A_15 : i32
    %scan3A_17 = arith.constant 1 : i32
    scf.for %scan3A_201 = %scan3A_14 to %scan3A_16 step %scan3A_17  : i32 {
      %mul3A_202 = arith.constant 1 : i32
      %mul3A_203 = arith.muli %scan3A_201, %mul3A_202 : i32
      %add3A_204 = arith.constant 0 : i32
      %add3A_205 = arith.addi %add3A_204, %mul3A_203 : i32
      %mul3A_206 = arith.constant 625 : i32
      %mul3A_207 = arith.muli %arg1, %mul3A_206 : i32
      %mul3A_208 = arith.constant 128 : i32
      %mul3A_209 = arith.muli %add3A_205, %mul3A_208 : i32
      %add3A_210 = arith.addi %mul3A_207, %mul3A_209 : i32
      "tpu.region"() ({
        %run_scoped3A = tpu.sem_alloc : memref<!tpu.dma_semaphore, #tpu.memory_space<semaphore_mem>>
        %dma_start3A_211 = arith.constant 0 : i32
        %dma_start3A_212 = tpu.memref_slice %arg18[%add3A_210, %dma_start3A_211] : memref<10000x144xf32, #tpu.memory_space<vmem_shared>> -> memref<128x144xf32, #tpu.memory_space<vmem_shared>>
        %dma_start3A_213 = arith.constant 0 : i32
        %dma_start3A_214 = tpu.memref_slice %arg18[%add3A_210, %dma_start3A_213] : memref<10000x144xf32, #tpu.memory_space<vmem_shared>> -> memref<128x144xf32, #tpu.memory_space<vmem_shared>>
        tpu.enqueue_dma source(%arg17 : memref<128x144xf32, #tpu.memory_space<vmem>>) target(%dma_start3A_214 : memref<128x144xf32, #tpu.memory_space<vmem_shared>>) target_semaphore(%run_scoped3A : memref<!tpu.dma_semaphore, #tpu.memory_space<semaphore_mem>>)
        %dma_wait3A_215 = arith.constant 0 : i32
        %dma_wait3A_216 = tpu.memref_slice %arg18[%add3A_210, %dma_wait3A_215] : memref<10000x144xf32, #tpu.memory_space<vmem_shared>> -> memref<128x144xf32, #tpu.memory_space<vmem_shared>>
        %dma_wait3A_217 = arith.constant 0 : i32
        %dma_wait3A_218 = tpu.memref_slice %arg18[%add3A_210, %dma_wait3A_217] : memref<10000x144xf32, #tpu.memory_space<vmem_shared>> -> memref<128x144xf32, #tpu.memory_space<vmem_shared>>
        tpu.wait_dma2 semaphore(%run_scoped3A : memref<!tpu.dma_semaphore, #tpu.memory_space<semaphore_mem>>) src(%arg17 : memref<128x144xf32, #tpu.memory_space<vmem>>) dst(%dma_wait3A_218 : memref<128x144xf32, #tpu.memory_space<vmem_shared>>)
        tpu.yield
      }) : () -> ()
    }
    %scan3A_18 = arith.constant 4 : i32
    %mul3A_19 = arith.constant 625 : i32
    %mul3A_20 = arith.muli %arg1, %mul3A_19 : i32
    %add3A_21 = arith.constant 512 : i32
    %add3A_22 = arith.addi %mul3A_20, %add3A_21 : i32
    "tpu.region"() ({
      %run_scoped3A = tpu.sem_alloc : memref<!tpu.dma_semaphore, #tpu.memory_space<semaphore_mem>>
      %dma_start3A_201 = arith.constant 0 : i32
      %dma_start3A_202 = arith.constant 0 : i32
      %dma_start3A_203 = tpu.memref_slice %arg17[%dma_start3A_201, %dma_start3A_202] : memref<128x144xf32, #tpu.memory_space<vmem>> -> memref<113x144xf32, #tpu.memory_space<vmem>>
      %dma_start3A_204 = arith.constant 0 : i32
      %dma_start3A_205 = tpu.memref_slice %arg18[%add3A_22, %dma_start3A_204] : memref<10000x144xf32, #tpu.memory_space<vmem_shared>> -> memref<113x144xf32, #tpu.memory_space<vmem_shared>>
      %dma_start3A_206 = arith.constant 0 : i32
      %dma_start3A_207 = tpu.memref_slice %arg18[%add3A_22, %dma_start3A_206] : memref<10000x144xf32, #tpu.memory_space<vmem_shared>> -> memref<113x144xf32, #tpu.memory_space<vmem_shared>>
      %dma_start3A_208 = arith.constant 0 : i32
      %dma_start3A_209 = arith.constant 0 : i32
      %dma_start3A_210 = tpu.memref_slice %arg17[%dma_start3A_208, %dma_start3A_209] : memref<128x144xf32, #tpu.memory_space<vmem>> -> memref<113x144xf32, #tpu.memory_space<vmem>>
      tpu.enqueue_dma source(%dma_start3A_210 : memref<113x144xf32, #tpu.memory_space<vmem>>) target(%dma_start3A_207 : memref<113x144xf32, #tpu.memory_space<vmem_shared>>) target_semaphore(%run_scoped3A : memref<!tpu.dma_semaphore, #tpu.memory_space<semaphore_mem>>)
      %dma_wait3A_211 = arith.constant 0 : i32
      %dma_wait3A_212 = arith.constant 0 : i32
      %dma_wait3A_213 = tpu.memref_slice %arg17[%dma_wait3A_211, %dma_wait3A_212] : memref<128x144xf32, #tpu.memory_space<vmem>> -> memref<113x144xf32, #tpu.memory_space<vmem>>
      %dma_wait3A_214 = arith.constant 0 : i32
      %dma_wait3A_215 = tpu.memref_slice %arg18[%add3A_22, %dma_wait3A_214] : memref<10000x144xf32, #tpu.memory_space<vmem_shared>> -> memref<113x144xf32, #tpu.memory_space<vmem_shared>>
      %dma_wait3A_216 = arith.constant 0 : i32
      %dma_wait3A_217 = tpu.memref_slice %arg18[%add3A_22, %dma_wait3A_216] : memref<10000x144xf32, #tpu.memory_space<vmem_shared>> -> memref<113x144xf32, #tpu.memory_space<vmem_shared>>
      %dma_wait3A_218 = arith.constant 0 : i32
      %dma_wait3A_219 = arith.constant 0 : i32
      %dma_wait3A_220 = tpu.memref_slice %arg17[%dma_wait3A_218, %dma_wait3A_219] : memref<128x144xf32, #tpu.memory_space<vmem>> -> memref<113x144xf32, #tpu.memory_space<vmem>>
      tpu.wait_dma2 semaphore(%run_scoped3A : memref<!tpu.dma_semaphore, #tpu.memory_space<semaphore_mem>>) src(%dma_wait3A_220 : memref<113x144xf32, #tpu.memory_space<vmem>>) dst(%dma_wait3A_217 : memref<113x144xf32, #tpu.memory_space<vmem_shared>>)
      tpu.yield
    }) : () -> ()
    %barrier3A = arith.constant 0 : index
    tpu.barrier barrier_id(%barrier3A)
    %add3A_23 = arith.constant 0 : i32
    %add3A_24 = arith.addi %add3A, %add3A_23 : i32
    %mul3A_25 = arith.constant 128 : i32
    %mul3A_26 = arith.muli %add3A_24, %mul3A_25 : i32
    %dma_start3A = arith.constant 0 : i32
    %dma_start3A_27 = arith.constant 0 : i32
    %dma_start3A_28 = arith.constant 0 : i32
    %dma_start3A_29 = tpu.memref_slice %arg9[%dma_start3A_27, %dma_start3A_28] : memref<2x128xi32, #tpu.memory_space<vmem>> -> memref<1x128xi32, #tpu.memory_space<vmem>>
    %dma_start3A_30 = tpu.memref_squeeze %dma_start3A_29 : memref<1x128xi32, #tpu.memory_space<vmem>> -> memref<128xi32, #tpu.memory_space<vmem>>
    %dma_start3A_31 = tpu.memref_slice %arg2[%dma_start3A, %mul3A_26] : memref<2x320000xi32, #tpu.memory_space<hbm>> -> memref<1x128xi32, #tpu.memory_space<hbm>>
    %dma_start3A_32 = tpu.memref_squeeze %dma_start3A_31 : memref<1x128xi32, #tpu.memory_space<hbm>> -> memref<128xi32, #tpu.memory_space<hbm>>
    %dma_start3A_33 = arith.constant 0 : i32
    %dma_start3A_34 = tpu.memref_slice %arg9[%dma_start3A_27, %dma_start3A_33] : memref<2x128xi32, #tpu.memory_space<vmem>> -> memref<1x128xi32, #tpu.memory_space<vmem>>
    %dma_start3A_35 = tpu.memref_squeeze %dma_start3A_34 : memref<1x128xi32, #tpu.memory_space<vmem>> -> memref<128xi32, #tpu.memory_space<vmem>>
    %dma_start3A_36 = tpu.memref_slice %arg2[%dma_start3A, %mul3A_26] : memref<2x320000xi32, #tpu.memory_space<hbm>> -> memref<1x128xi32, #tpu.memory_space<hbm>>
    %dma_start3A_37 = tpu.memref_squeeze %dma_start3A_36 : memref<1x128xi32, #tpu.memory_space<hbm>> -> memref<128xi32, #tpu.memory_space<hbm>>
    tpu.enqueue_dma source(%dma_start3A_37 : memref<128xi32, #tpu.memory_space<hbm>>) target(%dma_start3A_35 : memref<128xi32, #tpu.memory_space<vmem>>) target_semaphore(%arg19 : memref<!tpu.dma_semaphore, #tpu.memory_space<semaphore_mem>>)
    %dma_start3A_38 = arith.constant 1 : i32
    %dma_start3A_39 = arith.constant 0 : i32
    %dma_start3A_40 = arith.constant 0 : i32
    %dma_start3A_41 = tpu.memref_slice %arg10[%dma_start3A_39, %dma_start3A_40] : memref<2x128xi32, #tpu.memory_space<vmem>> -> memref<1x128xi32, #tpu.memory_space<vmem>>
    %dma_start3A_42 = tpu.memref_squeeze %dma_start3A_41 : memref<1x128xi32, #tpu.memory_space<vmem>> -> memref<128xi32, #tpu.memory_space<vmem>>
    %dma_start3A_43 = tpu.memref_slice %arg2[%dma_start3A_38, %mul3A_26] : memref<2x320000xi32, #tpu.memory_space<hbm>> -> memref<1x128xi32, #tpu.memory_space<hbm>>
    %dma_start3A_44 = tpu.memref_squeeze %dma_start3A_43 : memref<1x128xi32, #tpu.memory_space<hbm>> -> memref<128xi32, #tpu.memory_space<hbm>>
    %dma_start3A_45 = arith.constant 0 : i32
    %dma_start3A_46 = tpu.memref_slice %arg10[%dma_start3A_39, %dma_start3A_45] : memref<2x128xi32, #tpu.memory_space<vmem>> -> memref<1x128xi32, #tpu.memory_space<vmem>>
    %dma_start3A_47 = tpu.memref_squeeze %dma_start3A_46 : memref<1x128xi32, #tpu.memory_space<vmem>> -> memref<128xi32, #tpu.memory_space<vmem>>
    %dma_start3A_48 = tpu.memref_slice %arg2[%dma_start3A_38, %mul3A_26] : memref<2x320000xi32, #tpu.memory_space<hbm>> -> memref<1x128xi32, #tpu.memory_space<hbm>>
    %dma_start3A_49 = tpu.memref_squeeze %dma_start3A_48 : memref<1x128xi32, #tpu.memory_space<hbm>> -> memref<128xi32, #tpu.memory_space<hbm>>
    tpu.enqueue_dma source(%dma_start3A_49 : memref<128xi32, #tpu.memory_space<hbm>>) target(%dma_start3A_47 : memref<128xi32, #tpu.memory_space<vmem>>) target_semaphore(%arg19 : memref<!tpu.dma_semaphore, #tpu.memory_space<semaphore_mem>>)
    %mul3A_50 = arith.constant 128 : i32
    %mul3A_51 = arith.muli %add3A, %mul3A_50 : i32
    %dma_wait3A = arith.constant 0 : i32
    %dma_wait3A_52 = arith.constant 0 : i32
    %dma_wait3A_53 = arith.constant 0 : i32
    %dma_wait3A_54 = tpu.memref_slice %arg9[%dma_wait3A_52, %dma_wait3A_53] : memref<2x128xi32, #tpu.memory_space<vmem>> -> memref<1x128xi32, #tpu.memory_space<vmem>>
    %dma_wait3A_55 = tpu.memref_squeeze %dma_wait3A_54 : memref<1x128xi32, #tpu.memory_space<vmem>> -> memref<128xi32, #tpu.memory_space<vmem>>
    %dma_wait3A_56 = tpu.memref_slice %arg2[%dma_wait3A, %mul3A_51] : memref<2x320000xi32, #tpu.memory_space<hbm>> -> memref<1x128xi32, #tpu.memory_space<hbm>>
    %dma_wait3A_57 = tpu.memref_squeeze %dma_wait3A_56 : memref<1x128xi32, #tpu.memory_space<hbm>> -> memref<128xi32, #tpu.memory_space<hbm>>
    %dma_wait3A_58 = arith.constant 0 : i32
    %dma_wait3A_59 = tpu.memref_slice %arg9[%dma_wait3A_52, %dma_wait3A_58] : memref<2x128xi32, #tpu.memory_space<vmem>> -> memref<1x128xi32, #tpu.memory_space<vmem>>
    %dma_wait3A_60 = tpu.memref_squeeze %dma_wait3A_59 : memref<1x128xi32, #tpu.memory_space<vmem>> -> memref<128xi32, #tpu.memory_space<vmem>>
    %dma_wait3A_61 = tpu.memref_slice %arg2[%dma_wait3A, %mul3A_51] : memref<2x320000xi32, #tpu.memory_space<hbm>> -> memref<1x128xi32, #tpu.memory_space<hbm>>
    %dma_wait3A_62 = tpu.memref_squeeze %dma_wait3A_61 : memref<1x128xi32, #tpu.memory_space<hbm>> -> memref<128xi32, #tpu.memory_space<hbm>>
    tpu.wait_dma2 semaphore(%arg19 : memref<!tpu.dma_semaphore, #tpu.memory_space<semaphore_mem>>) src(%dma_wait3A_62 : memref<128xi32, #tpu.memory_space<hbm>>) dst(%dma_wait3A_60 : memref<128xi32, #tpu.memory_space<vmem>>)
    %mul3A_63 = arith.constant 128 : i32
    %mul3A_64 = arith.muli %add3A, %mul3A_63 : i32
    %dma_wait3A_65 = arith.constant 1 : i32
    %dma_wait3A_66 = arith.constant 0 : i32
    %dma_wait3A_67 = arith.constant 0 : i32
    %dma_wait3A_68 = tpu.memref_slice %arg10[%dma_wait3A_66, %dma_wait3A_67] : memref<2x128xi32, #tpu.memory_space<vmem>> -> memref<1x128xi32, #tpu.memory_space<vmem>>
    %dma_wait3A_69 = tpu.memref_squeeze %dma_wait3A_68 : memref<1x128xi32, #tpu.memory_space<vmem>> -> memref<128xi32, #tpu.memory_space<vmem>>
    %dma_wait3A_70 = tpu.memref_slice %arg2[%dma_wait3A_65, %mul3A_64] : memref<2x320000xi32, #tpu.memory_space<hbm>> -> memref<1x128xi32, #tpu.memory_space<hbm>>
    %dma_wait3A_71 = tpu.memref_squeeze %dma_wait3A_70 : memref<1x128xi32, #tpu.memory_space<hbm>> -> memref<128xi32, #tpu.memory_space<hbm>>
    %dma_wait3A_72 = arith.constant 0 : i32
    %dma_wait3A_73 = tpu.memref_slice %arg10[%dma_wait3A_66, %dma_wait3A_72] : memref<2x128xi32, #tpu.memory_space<vmem>> -> memref<1x128xi32, #tpu.memory_space<vmem>>
    %dma_wait3A_74 = tpu.memref_squeeze %dma_wait3A_73 : memref<1x128xi32, #tpu.memory_space<vmem>> -> memref<128xi32, #tpu.memory_space<vmem>>
    %dma_wait3A_75 = tpu.memref_slice %arg2[%dma_wait3A_65, %mul3A_64] : memref<2x320000xi32, #tpu.memory_space<hbm>> -> memref<1x128xi32, #tpu.memory_space<hbm>>
    %dma_wait3A_76 = tpu.memref_squeeze %dma_wait3A_75 : memref<1x128xi32, #tpu.memory_space<hbm>> -> memref<128xi32, #tpu.memory_space<hbm>>
    tpu.wait_dma2 semaphore(%arg19 : memref<!tpu.dma_semaphore, #tpu.memory_space<semaphore_mem>>) src(%dma_wait3A_76 : memref<128xi32, #tpu.memory_space<hbm>>) dst(%dma_wait3A_74 : memref<128xi32, #tpu.memory_space<vmem>>)
    %dma_start3A_77 = arith.constant 0 : i32
    %dma_start3A_78 = arith.constant 0 : i32
    %dma_start3A_79 = tpu.memref_slice %arg9[%dma_start3A_77, %dma_start3A_78] : memref<2x128xi32, #tpu.memory_space<vmem>> -> memref<1x128xi32, #tpu.memory_space<vmem>>
    %dma_start3A_80 = tpu.memref_squeeze %dma_start3A_79 : memref<1x128xi32, #tpu.memory_space<vmem>> -> memref<128xi32, #tpu.memory_space<vmem>>
    %dma_start3A_81 = arith.constant 0 : i32
    %dma_start3A_82 = arith.constant 0 : i32
    %dma_start3A_83 = tpu.memref_slice %arg3[%dma_start3A_81, %dma_start3A_82] : memref<10000x64xi32, #tpu.memory_space<hbm>> -> memref<10000x64xi32, #tpu.memory_space<hbm>>
    tpu.enqueue_indirect_dma source(%dma_start3A_83 : memref<10000x64xi32, #tpu.memory_space<hbm>>) target(%arg14 : memref<128x64xi32, #tpu.memory_space<vmem>>) offsets(%dma_start3A_80 : memref<128xi32, #tpu.memory_space<vmem>>) semaphore(%arg20 : memref<!tpu.dma_semaphore, #tpu.memory_space<semaphore_mem>>)
    %dma_wait3A_84 = arith.constant 0 : i32
    %dma_wait3A_85 = arith.constant 0 : i32
    %dma_wait3A_86 = tpu.memref_slice %arg9[%dma_wait3A_84, %dma_wait3A_85] : memref<2x128xi32, #tpu.memory_space<vmem>> -> memref<1x128xi32, #tpu.memory_space<vmem>>
    %dma_wait3A_87 = tpu.memref_squeeze %dma_wait3A_86 : memref<1x128xi32, #tpu.memory_space<vmem>> -> memref<128xi32, #tpu.memory_space<vmem>>
    %dma_wait3A_88 = arith.constant 0 : i32
    %dma_wait3A_89 = arith.constant 0 : i32
    %dma_wait3A_90 = tpu.memref_slice %arg3[%dma_wait3A_88, %dma_wait3A_89] : memref<10000x64xi32, #tpu.memory_space<hbm>> -> memref<10000x64xi32, #tpu.memory_space<hbm>>
    tpu.wait_indirect_dma semaphore(%arg20 : memref<!tpu.dma_semaphore, #tpu.memory_space<semaphore_mem>>) src(%dma_wait3A_90 : memref<10000x64xi32, #tpu.memory_space<hbm>>) dst(%arg14 : memref<128x64xi32, #tpu.memory_space<vmem>>)
    %dma_start3A_91 = arith.constant 0 : i32
    %dma_start3A_92 = arith.constant 0 : i32
    %dma_start3A_93 = arith.constant 0 : i32
    %dma_start3A_94 = tpu.memref_slice %arg11[%dma_start3A_92, %dma_start3A_93] : memref<2x128xf32, #tpu.memory_space<vmem>> -> memref<1x128xf32, #tpu.memory_space<vmem>>
    %dma_start3A_95 = tpu.memref_squeeze %dma_start3A_94 : memref<1x128xf32, #tpu.memory_space<vmem>> -> memref<128xf32, #tpu.memory_space<vmem>>
    %dma_start3A_96 = arith.constant 0 : i32
    %dma_start3A_97 = tpu.memref_slice %arg9[%dma_start3A_91, %dma_start3A_96] : memref<2x128xi32, #tpu.memory_space<vmem>> -> memref<1x128xi32, #tpu.memory_space<vmem>>
    %dma_start3A_98 = tpu.memref_squeeze %dma_start3A_97 : memref<1x128xi32, #tpu.memory_space<vmem>> -> memref<128xi32, #tpu.memory_space<vmem>>
    %dma_start3A_99 = arith.constant 0 : i32
    %dma_start3A_100 = tpu.memref_slice %arg4[%dma_start3A_99] : memref<10000xf32, #tpu.memory_space<hbm>> -> memref<10000xf32, #tpu.memory_space<hbm>>
    tpu.enqueue_indirect_dma source(%dma_start3A_100 : memref<10000xf32, #tpu.memory_space<hbm>>) target(%dma_start3A_95 : memref<128xf32, #tpu.memory_space<vmem>>) offsets(%dma_start3A_98 : memref<128xi32, #tpu.memory_space<vmem>>) semaphore(%arg20 : memref<!tpu.dma_semaphore, #tpu.memory_space<semaphore_mem>>)
    %dma_wait3A_101 = arith.constant 0 : i32
    %dma_wait3A_102 = arith.constant 0 : i32
    %dma_wait3A_103 = arith.constant 0 : i32
    %dma_wait3A_104 = tpu.memref_slice %arg11[%dma_wait3A_102, %dma_wait3A_103] : memref<2x128xf32, #tpu.memory_space<vmem>> -> memref<1x128xf32, #tpu.memory_space<vmem>>
    %dma_wait3A_105 = tpu.memref_squeeze %dma_wait3A_104 : memref<1x128xf32, #tpu.memory_space<vmem>> -> memref<128xf32, #tpu.memory_space<vmem>>
    %dma_wait3A_106 = arith.constant 0 : i32
    %dma_wait3A_107 = tpu.memref_slice %arg9[%dma_wait3A_101, %dma_wait3A_106] : memref<2x128xi32, #tpu.memory_space<vmem>> -> memref<1x128xi32, #tpu.memory_space<vmem>>
    %dma_wait3A_108 = tpu.memref_squeeze %dma_wait3A_107 : memref<1x128xi32, #tpu.memory_space<vmem>> -> memref<128xi32, #tpu.memory_space<vmem>>
    %dma_wait3A_109 = arith.constant 0 : i32
    %dma_wait3A_110 = tpu.memref_slice %arg4[%dma_wait3A_109] : memref<10000xf32, #tpu.memory_space<hbm>> -> memref<10000xf32, #tpu.memory_space<hbm>>
    tpu.wait_indirect_dma semaphore(%arg20 : memref<!tpu.dma_semaphore, #tpu.memory_space<semaphore_mem>>) src(%dma_wait3A_110 : memref<10000xf32, #tpu.memory_space<hbm>>) dst(%dma_wait3A_105 : memref<128xf32, #tpu.memory_space<vmem>>)
    %dma_start3A_111 = arith.constant 0 : i32
    %dma_start3A_112 = arith.constant 0 : i32
    %dma_start3A_113 = arith.constant 0 : i32
    %dma_start3A_114 = tpu.memref_slice %arg12[%dma_start3A_112, %dma_start3A_113] : memref<2x128xf32, #tpu.memory_space<vmem>> -> memref<1x128xf32, #tpu.memory_space<vmem>>
    %dma_start3A_115 = tpu.memref_squeeze %dma_start3A_114 : memref<1x128xf32, #tpu.memory_space<vmem>> -> memref<128xf32, #tpu.memory_space<vmem>>
    %dma_start3A_116 = arith.constant 0 : i32
    %dma_start3A_117 = tpu.memref_slice %arg10[%dma_start3A_111, %dma_start3A_116] : memref<2x128xi32, #tpu.memory_space<vmem>> -> memref<1x128xi32, #tpu.memory_space<vmem>>
    %dma_start3A_118 = tpu.memref_squeeze %dma_start3A_117 : memref<1x128xi32, #tpu.memory_space<vmem>> -> memref<128xi32, #tpu.memory_space<vmem>>
    %dma_start3A_119 = arith.constant 0 : i32
    %dma_start3A_120 = tpu.memref_slice %arg5[%dma_start3A_119] : memref<10000xf32, #tpu.memory_space<hbm>> -> memref<10000xf32, #tpu.memory_space<hbm>>
    tpu.enqueue_indirect_dma source(%dma_start3A_120 : memref<10000xf32, #tpu.memory_space<hbm>>) target(%dma_start3A_115 : memref<128xf32, #tpu.memory_space<vmem>>) offsets(%dma_start3A_118 : memref<128xi32, #tpu.memory_space<vmem>>) semaphore(%arg20 : memref<!tpu.dma_semaphore, #tpu.memory_space<semaphore_mem>>)
    %dma_wait3A_121 = arith.constant 0 : i32
    %dma_wait3A_122 = arith.constant 0 : i32
    %dma_wait3A_123 = arith.constant 0 : i32
    %dma_wait3A_124 = tpu.memref_slice %arg12[%dma_wait3A_122, %dma_wait3A_123] : memref<2x128xf32, #tpu.memory_space<vmem>> -> memref<1x128xf32, #tpu.memory_space<vmem>>
    %dma_wait3A_125 = tpu.memref_squeeze %dma_wait3A_124 : memref<1x128xf32, #tpu.memory_space<vmem>> -> memref<128xf32, #tpu.memory_space<vmem>>
    %dma_wait3A_126 = arith.constant 0 : i32
    %dma_wait3A_127 = tpu.memref_slice %arg10[%dma_wait3A_121, %dma_wait3A_126] : memref<2x128xi32, #tpu.memory_space<vmem>> -> memref<1x128xi32, #tpu.memory_space<vmem>>
    %dma_wait3A_128 = tpu.memref_squeeze %dma_wait3A_127 : memref<1x128xi32, #tpu.memory_space<vmem>> -> memref<128xi32, #tpu.memory_space<vmem>>
    %dma_wait3A_129 = arith.constant 0 : i32
    %dma_wait3A_130 = tpu.memref_slice %arg5[%dma_wait3A_129] : memref<10000xf32, #tpu.memory_space<hbm>> -> memref<10000xf32, #tpu.memory_space<hbm>>
    tpu.wait_indirect_dma semaphore(%arg20 : memref<!tpu.dma_semaphore, #tpu.memory_space<semaphore_mem>>) src(%dma_wait3A_130 : memref<10000xf32, #tpu.memory_space<hbm>>) dst(%dma_wait3A_125 : memref<128xf32, #tpu.memory_space<vmem>>)
    %add3A_131 = arith.constant 32 : i32
    %add3A_132 = arith.addi %add3A, %add3A_131 : i32
    %mul3A_133 = arith.constant 128 : i32
    %mul3A_134 = arith.muli %add3A_132, %mul3A_133 : i32
    %dma_start3A_135 = arith.constant 0 : i32
    %dma_start3A_136 = arith.constant 1 : i32
    %dma_start3A_137 = arith.constant 0 : i32
    %dma_start3A_138 = tpu.memref_slice %arg9[%dma_start3A_136, %dma_start3A_137] : memref<2x128xi32, #tpu.memory_space<vmem>> -> memref<1x128xi32, #tpu.memory_space<vmem>>
    %dma_start3A_139 = tpu.memref_squeeze %dma_start3A_138 : memref<1x128xi32, #tpu.memory_space<vmem>> -> memref<128xi32, #tpu.memory_space<vmem>>
    %dma_start3A_140 = tpu.memref_slice %arg2[%dma_start3A_135, %mul3A_134] : memref<2x320000xi32, #tpu.memory_space<hbm>> -> memref<1x128xi32, #tpu.memory_space<hbm>>
    %dma_start3A_141 = tpu.memref_squeeze %dma_start3A_140 : memref<1x128xi32, #tpu.memory_space<hbm>> -> memref<128xi32, #tpu.memory_space<hbm>>
    %dma_start3A_142 = arith.constant 0 : i32
    %dma_start3A_143 = tpu.memref_slice %arg9[%dma_start3A_136, %dma_start3A_142] : memref<2x128xi32, #tpu.memory_space<vmem>> -> memref<1x128xi32, #tpu.memory_space<vmem>>
    %dma_start3A_144 = tpu.memref_squeeze %dma_start3A_143 : memref<1x128xi32, #tpu.memory_space<vmem>> -> memref<128xi32, #tpu.memory_space<vmem>>
    %dma_start3A_145 = tpu.memref_slice %arg2[%dma_start3A_135, %mul3A_134] : memref<2x320000xi32, #tpu.memory_space<hbm>> -> memref<1x128xi32, #tpu.memory_space<hbm>>
    %dma_start3A_146 = tpu.memref_squeeze %dma_start3A_145 : memref<1x128xi32, #tpu.memory_space<hbm>> -> memref<128xi32, #tpu.memory_space<hbm>>
    tpu.enqueue_dma source(%dma_start3A_146 : memref<128xi32, #tpu.memory_space<hbm>>) target(%dma_start3A_144 : memref<128xi32, #tpu.memory_space<vmem>>) target_semaphore(%arg19 : memref<!tpu.dma_semaphore, #tpu.memory_space<semaphore_mem>>)
    %dma_start3A_147 = arith.constant 1 : i32
    %dma_start3A_148 = arith.constant 1 : i32
    %dma_start3A_149 = arith.constant 0 : i32
    %dma_start3A_150 = tpu.memref_slice %arg10[%dma_start3A_148, %dma_start3A_149] : memref<2x128xi32, #tpu.memory_space<vmem>> -> memref<1x128xi32, #tpu.memory_space<vmem>>
    %dma_start3A_151 = tpu.memref_squeeze %dma_start3A_150 : memref<1x128xi32, #tpu.memory_space<vmem>> -> memref<128xi32, #tpu.memory_space<vmem>>
    %dma_start3A_152 = tpu.memref_slice %arg2[%dma_start3A_147, %mul3A_134] : memref<2x320000xi32, #tpu.memory_space<hbm>> -> memref<1x128xi32, #tpu.memory_space<hbm>>
    %dma_start3A_153 = tpu.memref_squeeze %dma_start3A_152 : memref<1x128xi32, #tpu.memory_space<hbm>> -> memref<128xi32, #tpu.memory_space<hbm>>
    %dma_start3A_154 = arith.constant 0 : i32
    %dma_start3A_155 = tpu.memref_slice %arg10[%dma_start3A_148, %dma_start3A_154] : memref<2x128xi32, #tpu.memory_space<vmem>> -> memref<1x128xi32, #tpu.memory_space<vmem>>
    %dma_start3A_156 = tpu.memref_squeeze %dma_start3A_155 : memref<1x128xi32, #tpu.memory_space<vmem>> -> memref<128xi32, #tpu.memory_space<vmem>>
    %dma_start3A_157 = tpu.memref_slice %arg2[%dma_start3A_147, %mul3A_134] : memref<2x320000xi32, #tpu.memory_space<hbm>> -> memref<1x128xi32, #tpu.memory_space<hbm>>
    %dma_start3A_158 = tpu.memref_squeeze %dma_start3A_157 : memref<1x128xi32, #tpu.memory_space<hbm>> -> memref<128xi32, #tpu.memory_space<hbm>>
    tpu.enqueue_dma source(%dma_start3A_158 : memref<128xi32, #tpu.memory_space<hbm>>) target(%dma_start3A_156 : memref<128xi32, #tpu.memory_space<vmem>>) target_semaphore(%arg19 : memref<!tpu.dma_semaphore, #tpu.memory_space<semaphore_mem>>)
    %add3A_159 = arith.constant 32 : i32
    %add3A_160 = arith.addi %add3A, %add3A_159 : i32
    %mul3A_161 = arith.constant 128 : i32
    %mul3A_162 = arith.muli %add3A_160, %mul3A_161 : i32
    %dma_wait3A_163 = arith.constant 0 : i32
    %dma_wait3A_164 = arith.constant 1 : i32
    %dma_wait3A_165 = arith.constant 0 : i32
    %dma_wait3A_166 = tpu.memref_slice %arg9[%dma_wait3A_164, %dma_wait3A_165] : memref<2x128xi32, #tpu.memory_space<vmem>> -> memref<1x128xi32, #tpu.memory_space<vmem>>
    %dma_wait3A_167 = tpu.memref_squeeze %dma_wait3A_166 : memref<1x128xi32, #tpu.memory_space<vmem>> -> memref<128xi32, #tpu.memory_space<vmem>>
    %dma_wait3A_168 = tpu.memref_slice %arg2[%dma_wait3A_163, %mul3A_162] : memref<2x320000xi32, #tpu.memory_space<hbm>> -> memref<1x128xi32, #tpu.memory_space<hbm>>
    %dma_wait3A_169 = tpu.memref_squeeze %dma_wait3A_168 : memref<1x128xi32, #tpu.memory_space<hbm>> -> memref<128xi32, #tpu.memory_space<hbm>>
    %dma_wait3A_170 = arith.constant 0 : i32
    %dma_wait3A_171 = tpu.memref_slice %arg9[%dma_wait3A_164, %dma_wait3A_170] : memref<2x128xi32, #tpu.memory_space<vmem>> -> memref<1x128xi32, #tpu.memory_space<vmem>>
    %dma_wait3A_172 = tpu.memref_squeeze %dma_wait3A_171 : memref<1x128xi32, #tpu.memory_space<vmem>> -> memref<128xi32, #tpu.memory_space<vmem>>
    %dma_wait3A_173 = tpu.memref_slice %arg2[%dma_wait3A_163, %mul3A_162] : memref<2x320000xi32, #tpu.memory_space<hbm>> -> memref<1x128xi32, #tpu.memory_space<hbm>>
    %dma_wait3A_174 = tpu.memref_squeeze %dma_wait3A_173 : memref<1x128xi32, #tpu.memory_space<hbm>> -> memref<128xi32, #tpu.memory_space<hbm>>
    tpu.wait_dma2 semaphore(%arg19 : memref<!tpu.dma_semaphore, #tpu.memory_space<semaphore_mem>>) src(%dma_wait3A_174 : memref<128xi32, #tpu.memory_space<hbm>>) dst(%dma_wait3A_172 : memref<128xi32, #tpu.memory_space<vmem>>)
    %add3A_175 = arith.constant 32 : i32
    %add3A_176 = arith.addi %add3A, %add3A_175 : i32
    %mul3A_177 = arith.constant 128 : i32
    %mul3A_178 = arith.muli %add3A_176, %mul3A_177 : i32
    %dma_wait3A_179 = arith.constant 1 : i32
    %dma_wait3A_180 = arith.constant 1 : i32
    %dma_wait3A_181 = arith.constant 0 : i32
    %dma_wait3A_182 = tpu.memref_slice %arg10[%dma_wait3A_180, %dma_wait3A_181] : memref<2x128xi32, #tpu.memory_space<vmem>> -> memref<1x128xi32, #tpu.memory_space<vmem>>
    %dma_wait3A_183 = tpu.memref_squeeze %dma_wait3A_182 : memref<1x128xi32, #tpu.memory_space<vmem>> -> memref<128xi32, #tpu.memory_space<vmem>>
    %dma_wait3A_184 = tpu.memref_slice %arg2[%dma_wait3A_179, %mul3A_178] : memref<2x320000xi32, #tpu.memory_space<hbm>> -> memref<1x128xi32, #tpu.memory_space<hbm>>
    %dma_wait3A_185 = tpu.memref_squeeze %dma_wait3A_184 : memref<1x128xi32, #tpu.memory_space<hbm>> -> memref<128xi32, #tpu.memory_space<hbm>>
    %dma_wait3A_186 = arith.constant 0 : i32
    %dma_wait3A_187 = tpu.memref_slice %arg10[%dma_wait3A_180, %dma_wait3A_186] : memref<2x128xi32, #tpu.memory_space<vmem>> -> memref<1x128xi32, #tpu.memory_space<vmem>>
    %dma_wait3A_188 = tpu.memref_squeeze %dma_wait3A_187 : memref<1x128xi32, #tpu.memory_space<vmem>> -> memref<128xi32, #tpu.memory_space<vmem>>
    %dma_wait3A_189 = tpu.memref_slice %arg2[%dma_wait3A_179, %mul3A_178] : memref<2x320000xi32, #tpu.memory_space<hbm>> -> memref<1x128xi32, #tpu.memory_space<hbm>>
    %dma_wait3A_190 = tpu.memref_squeeze %dma_wait3A_189 : memref<1x128xi32, #tpu.memory_space<hbm>> -> memref<128xi32, #tpu.memory_space<hbm>>
    tpu.wait_dma2 semaphore(%arg19 : memref<!tpu.dma_semaphore, #tpu.memory_space<semaphore_mem>>) src(%dma_wait3A_190 : memref<128xi32, #tpu.memory_space<hbm>>) dst(%dma_wait3A_188 : memref<128xi32, #tpu.memory_space<vmem>>)
    %scan3A_191 = arith.constant 0 : i32
    %scan3A_192 = arith.constant 40 : i32
    %scan3A_193 = arith.addi %scan3A_191, %scan3A_192 : i32
    %scan3A_194 = arith.constant 1 : i32
    scf.for %scan3A_201 = %scan3A_191 to %scan3A_193 step %scan3A_194  : i32 {
      %mul3A_202 = arith.constant 2 : i32
      %mul3A_203 = arith.muli %scan3A_201, %mul3A_202 : i32
      %add3A_204 = arith.constant 0 : i32
      %add3A_205 = arith.addi %add3A_204, %mul3A_203 : i32
      %add3A_206 = arith.constant 0 : i32
      %add3A_207 = arith.addi %add3A_205, %add3A_206 : i32
      %mul3A_208 = arith.constant 32 : i32
      %mul3A_209 = arith.muli %add3A_207, %mul3A_208 : i32
      %add3A_210 = arith.addi %add3A, %mul3A_209 : i32
      %lt3A = arith.constant 2500 : i32
      %lt3A_211 = arith.cmpi slt, %add3A_210, %lt3A : i32
      %convert_element_type3A_212 = arith.extui %lt3A_211 : i1 to i32
      %cond3A = arith.constant 0 : i32
      %cond3A_213 = arith.cmpi ne, %convert_element_type3A_212, %cond3A : i32
      scf.if %cond3A_213 {
        %add3A_224 = arith.constant 1 : i32
        %add3A_225 = arith.addi %add3A_207, %add3A_224 : i32
        %mul3A_226 = arith.constant 32 : i32
        %mul3A_227 = arith.muli %add3A_225, %mul3A_226 : i32
        %add3A_228 = arith.addi %add3A, %mul3A_227 : i32
        %lt3A_229 = arith.constant 2500 : i32
        %lt3A_230 = arith.cmpi slt, %add3A_228, %lt3A_229 : i32
        %convert_element_type3A_231 = arith.extui %lt3A_230 : i1 to i32
        %cond3A_232 = arith.constant 0 : i32
        %cond3A_233 = arith.cmpi ne, %convert_element_type3A_231, %cond3A_232 : i32
        scf.if %cond3A_233 {
          %dma_start3A_270 = arith.constant 1 : i32
          %dma_start3A_271 = arith.constant 0 : i32
          %dma_start3A_272 = tpu.memref_slice %arg9[%dma_start3A_270, %dma_start3A_271] : memref<2x128xi32, #tpu.memory_space<vmem>> -> memref<1x128xi32, #tpu.memory_space<vmem>>
          %dma_start3A_273 = tpu.memref_squeeze %dma_start3A_272 : memref<1x128xi32, #tpu.memory_space<vmem>> -> memref<128xi32, #tpu.memory_space<vmem>>
          %dma_start3A_274 = arith.constant 0 : i32
          %dma_start3A_275 = arith.constant 0 : i32
          %dma_start3A_276 = tpu.memref_slice %arg3[%dma_start3A_274, %dma_start3A_275] : memref<10000x64xi32, #tpu.memory_space<hbm>> -> memref<10000x64xi32, #tpu.memory_space<hbm>>
          tpu.enqueue_indirect_dma source(%dma_start3A_276 : memref<10000x64xi32, #tpu.memory_space<hbm>>) target(%arg15 : memref<128x64xi32, #tpu.memory_space<vmem>>) offsets(%dma_start3A_273 : memref<128xi32, #tpu.memory_space<vmem>>) semaphore(%arg20 : memref<!tpu.dma_semaphore, #tpu.memory_space<semaphore_mem>>)
          %dma_start3A_277 = arith.constant 1 : i32
          %dma_start3A_278 = arith.constant 1 : i32
          %dma_start3A_279 = arith.constant 0 : i32
          %dma_start3A_280 = tpu.memref_slice %arg11[%dma_start3A_278, %dma_start3A_279] : memref<2x128xf32, #tpu.memory_space<vmem>> -> memref<1x128xf32, #tpu.memory_space<vmem>>
          %dma_start3A_281 = tpu.memref_squeeze %dma_start3A_280 : memref<1x128xf32, #tpu.memory_space<vmem>> -> memref<128xf32, #tpu.memory_space<vmem>>
          %dma_start3A_282 = arith.constant 0 : i32
          %dma_start3A_283 = tpu.memref_slice %arg9[%dma_start3A_277, %dma_start3A_282] : memref<2x128xi32, #tpu.memory_space<vmem>> -> memref<1x128xi32, #tpu.memory_space<vmem>>
          %dma_start3A_284 = tpu.memref_squeeze %dma_start3A_283 : memref<1x128xi32, #tpu.memory_space<vmem>> -> memref<128xi32, #tpu.memory_space<vmem>>
          %dma_start3A_285 = arith.constant 0 : i32
          %dma_start3A_286 = tpu.memref_slice %arg4[%dma_start3A_285] : memref<10000xf32, #tpu.memory_space<hbm>> -> memref<10000xf32, #tpu.memory_space<hbm>>
          tpu.enqueue_indirect_dma source(%dma_start3A_286 : memref<10000xf32, #tpu.memory_space<hbm>>) target(%dma_start3A_281 : memref<128xf32, #tpu.memory_space<vmem>>) offsets(%dma_start3A_284 : memref<128xi32, #tpu.memory_space<vmem>>) semaphore(%arg20 : memref<!tpu.dma_semaphore, #tpu.memory_space<semaphore_mem>>)
          %dma_start3A_287 = arith.constant 1 : i32
          %dma_start3A_288 = arith.constant 1 : i32
          %dma_start3A_289 = arith.constant 0 : i32
          %dma_start3A_290 = tpu.memref_slice %arg12[%dma_start3A_288, %dma_start3A_289] : memref<2x128xf32, #tpu.memory_space<vmem>> -> memref<1x128xf32, #tpu.memory_space<vmem>>
          %dma_start3A_291 = tpu.memref_squeeze %dma_start3A_290 : memref<1x128xf32, #tpu.memory_space<vmem>> -> memref<128xf32, #tpu.memory_space<vmem>>
          %dma_start3A_292 = arith.constant 0 : i32
          %dma_start3A_293 = tpu.memref_slice %arg10[%dma_start3A_287, %dma_start3A_292] : memref<2x128xi32, #tpu.memory_space<vmem>> -> memref<1x128xi32, #tpu.memory_space<vmem>>
          %dma_start3A_294 = tpu.memref_squeeze %dma_start3A_293 : memref<1x128xi32, #tpu.memory_space<vmem>> -> memref<128xi32, #tpu.memory_space<vmem>>
          %dma_start3A_295 = arith.constant 0 : i32
          %dma_start3A_296 = tpu.memref_slice %arg5[%dma_start3A_295] : memref<10000xf32, #tpu.memory_space<hbm>> -> memref<10000xf32, #tpu.memory_space<hbm>>
          tpu.enqueue_indirect_dma source(%dma_start3A_296 : memref<10000xf32, #tpu.memory_space<hbm>>) target(%dma_start3A_291 : memref<128xf32, #tpu.memory_space<vmem>>) offsets(%dma_start3A_294 : memref<128xi32, #tpu.memory_space<vmem>>) semaphore(%arg20 : memref<!tpu.dma_semaphore, #tpu.memory_space<semaphore_mem>>)
        } else {
        }
        %parallel_loop3A = arith.constant 0 : i32
        %parallel_loop3A_234 = arith.constant 128 : i32
        %parallel_loop3A_235 = arith.constant 16 : i32
        scf.for %parallel_loop3A_270 = %parallel_loop3A to %parallel_loop3A_234 step %parallel_loop3A_235  : i32 {
          %parallel_loop3A_271 = arith.constant 0 : i32
          %parallel_loop3A_272 = arith.index_cast %parallel_loop3A_271 : i32 to index
          %parallel_loop3A_273 = arith.index_cast %parallel_loop3A_270 : i32 to index
          %parallel_loop3A_274 = tpu.vector_load %arg11[%parallel_loop3A_272, %parallel_loop3A_273] {strides = array<i32>} : memref<2x128xf32, #tpu.memory_space<vmem>>, vector<16xf32>,
          %parallel_loop3A_275 = arith.constant 0 : i32
          %parallel_loop3A_276 = arith.index_cast %parallel_loop3A_275 : i32 to index
          %parallel_loop3A_277 = arith.index_cast %parallel_loop3A_270 : i32 to index
          %parallel_loop3A_278 = tpu.vector_load %arg12[%parallel_loop3A_276, %parallel_loop3A_277] {strides = array<i32>} : memref<2x128xf32, #tpu.memory_space<vmem>>, vector<16xf32>,
          %parallel_loop3A_279 = arith.addf %parallel_loop3A_278, %get3A_9 : vector<16xf32>
          %parallel_loop3A_280 = arith.constant 2.000000e-01 : f32
          %parallel_loop3A_281 = vector.broadcast %parallel_loop3A_280 : f32 to vector<16xf32>
          %parallel_loop3A_282 = arith.mulf %parallel_loop3A_279, %parallel_loop3A_281 : vector<16xf32>
          %parallel_loop3A_283 = arith.maximumf %parallel_loop3A_279, %parallel_loop3A_282 : vector<16xf32>
          %parallel_loop3A_284 = arith.addf %parallel_loop3A_274, %parallel_loop3A_278 : vector<16xf32>
          %parallel_loop3A_285 = arith.constant 2.000000e-01 : f32
          %parallel_loop3A_286 = vector.broadcast %parallel_loop3A_285 : f32 to vector<16xf32>
          %parallel_loop3A_287 = arith.mulf %parallel_loop3A_284, %parallel_loop3A_286 : vector<16xf32>
          %parallel_loop3A_288 = arith.maximumf %parallel_loop3A_284, %parallel_loop3A_287 : vector<16xf32>
          %parallel_loop3A_289 = arith.subf %parallel_loop3A_288, %parallel_loop3A_283 : vector<16xf32>
          %parallel_loop3A_290 = math.exp %parallel_loop3A_289 : vector<16xf32>
          %parallel_loop3A_291 = arith.index_cast %parallel_loop3A_270 : i32 to index
          %parallel_loop3A_292 = tpu.vector_load %arg13[%parallel_loop3A_291] {strides = array<i32>} : memref<128xf32, #tpu.memory_space<vmem>>, vector<16xf32>,
          tpu.vector_store %arg13[%parallel_loop3A_291], %parallel_loop3A_290 {strides = array<i32>} : memref<128xf32, #tpu.memory_space<vmem>>, vector<16xf32>,
        } {sc.loop_unroll_factor = 4 : i64, sc.parallel_access}
        %parallel_loop3A_236 = arith.constant 0 : i32
        %parallel_loop3A_237 = arith.constant 128 : i32
        %parallel_loop3A_238 = arith.constant 1 : i32
        scf.for %parallel_loop3A_270 = %parallel_loop3A_236 to %parallel_loop3A_237 step %parallel_loop3A_238  : i32 {
          %parallel_loop3A_271 = vector.broadcast %parallel_loop3A_270 : i32 to vector<16xi32>
          %parallel_loop3A_272 = arith.addi %broadcast_in_dim3A_6, %parallel_loop3A_271 : vector<16xi32>
          %parallel_loop3A_273 = tpu.vector_load_idx %arg13[%parallel_loop3A_272] : memref<128xf32, #tpu.memory_space<vmem>>[vector<16xi32>], vector<16xf32>,
          %parallel_loop3A_274 = arith.index_cast %parallel_loop3A_270 : i32 to index
          %parallel_loop3A_275 = arith.constant 0 : index
          %parallel_loop3A_276 = tpu.vector_load %arg14[%parallel_loop3A_274, %parallel_loop3A_275] {strides = array<i32>} : memref<128x64xi32, #tpu.memory_space<vmem>>, vector<16xi32>,
          %parallel_loop3A_277 = arith.constant 16 : i32
          %parallel_loop3A_278 = vector.broadcast %parallel_loop3A_277 : i32 to vector<16xi32>
          %parallel_loop3A_279 = arith.shli %parallel_loop3A_276, %parallel_loop3A_278 : vector<16xi32>
          %parallel_loop3A_280 = vector.bitcast %parallel_loop3A_279 : vector<16xi32> to vector<16xf32>
          %parallel_loop3A_281 = arith.andi %parallel_loop3A_276, %broadcast_in_dim3A_8 : vector<16xi32>
          %parallel_loop3A_282 = vector.bitcast %parallel_loop3A_281 : vector<16xi32> to vector<16xf32>
          %parallel_loop3A_283 = arith.mulf %parallel_loop3A_280, %parallel_loop3A_273 : vector<16xf32>
          %parallel_loop3A_284 = arith.index_cast %parallel_loop3A_270 : i32 to index
          %parallel_loop3A_285 = arith.constant 0 : index
          %parallel_loop3A_286 = tpu.vector_load %arg17[%parallel_loop3A_284, %parallel_loop3A_285] {strides = array<i32>} : memref<128x144xf32, #tpu.memory_space<vmem>>, vector<16xf32>,
          tpu.vector_store %arg17[%parallel_loop3A_284, %parallel_loop3A_285], %parallel_loop3A_283 {strides = array<i32>} : memref<128x144xf32, #tpu.memory_space<vmem>>, vector<16xf32>,
          %parallel_loop3A_287 = arith.mulf %parallel_loop3A_282, %parallel_loop3A_273 : vector<16xf32>
          %parallel_loop3A_288 = arith.index_cast %parallel_loop3A_270 : i32 to index
          %parallel_loop3A_289 = arith.constant 16 : index
          %parallel_loop3A_290 = tpu.vector_load %arg17[%parallel_loop3A_288, %parallel_loop3A_289] {strides = array<i32>} : memref<128x144xf32, #tpu.memory_space<vmem>>, vector<16xf32>,
          tpu.vector_store %arg17[%parallel_loop3A_288, %parallel_loop3A_289], %parallel_loop3A_287 {strides = array<i32>} : memref<128x144xf32, #tpu.memory_space<vmem>>, vector<16xf32>,
          %parallel_loop3A_291 = arith.index_cast %parallel_loop3A_270 : i32 to index
          %parallel_loop3A_292 = arith.constant 16 : index
          %parallel_loop3A_293 = tpu.vector_load %arg14[%parallel_loop3A_291, %parallel_loop3A_292] {strides = array<i32>} : memref<128x64xi32, #tpu.memory_space<vmem>>, vector<16xi32>,
          %parallel_loop3A_294 = arith.constant 16 : i32
          %parallel_loop3A_295 = vector.broadcast %parallel_loop3A_294 : i32 to vector<16xi32>
          %parallel_loop3A_296 = arith.shli %parallel_loop3A_293, %parallel_loop3A_295 : vector<16xi32>
          %parallel_loop3A_297 = vector.bitcast %parallel_loop3A_296 : vector<16xi32> to vector<16xf32>
          %parallel_loop3A_298 = arith.andi %parallel_loop3A_293, %broadcast_in_dim3A_8 : vector<16xi32>
          %parallel_loop3A_299 = vector.bitcast %parallel_loop3A_298 : vector<16xi32> to vector<16xf32>
          %parallel_loop3A_300 = arith.mulf %parallel_loop3A_297, %parallel_loop3A_273 : vector<16xf32>
          %parallel_loop3A_301 = arith.index_cast %parallel_loop3A_270 : i32 to index
          %parallel_loop3A_302 = arith.constant 32 : index
          %parallel_loop3A_303 = tpu.vector_load %arg17[%parallel_loop3A_301, %parallel_loop3A_302] {strides = array<i32>} : memref<128x144xf32, #tpu.memory_space<vmem>>, vector<16xf32>,
          tpu.vector_store %arg17[%parallel_loop3A_301, %parallel_loop3A_302], %parallel_loop3A_300 {strides = array<i32>} : memref<128x144xf32, #tpu.memory_space<vmem>>, vector<16xf32>,
          %parallel_loop3A_304 = arith.mulf %parallel_loop3A_299, %parallel_loop3A_273 : vector<16xf32>
          %parallel_loop3A_305 = arith.index_cast %parallel_loop3A_270 : i32 to index
          %parallel_loop3A_306 = arith.constant 48 : index
          %parallel_loop3A_307 = tpu.vector_load %arg17[%parallel_loop3A_305, %parallel_loop3A_306] {strides = array<i32>} : memref<128x144xf32, #tpu.memory_space<vmem>>, vector<16xf32>,
          tpu.vector_store %arg17[%parallel_loop3A_305, %parallel_loop3A_306], %parallel_loop3A_304 {strides = array<i32>} : memref<128x144xf32, #tpu.memory_space<vmem>>, vector<16xf32>,
          %parallel_loop3A_308 = arith.index_cast %parallel_loop3A_270 : i32 to index
          %parallel_loop3A_309 = arith.constant 32 : index
          %parallel_loop3A_310 = tpu.vector_load %arg14[%parallel_loop3A_308, %parallel_loop3A_309] {strides = array<i32>} : memref<128x64xi32, #tpu.memory_space<vmem>>, vector<16xi32>,
          %parallel_loop3A_311 = arith.constant 16 : i32
          %parallel_loop3A_312 = vector.broadcast %parallel_loop3A_311 : i32 to vector<16xi32>
          %parallel_loop3A_313 = arith.shli %parallel_loop3A_310, %parallel_loop3A_312 : vector<16xi32>
          %parallel_loop3A_314 = vector.bitcast %parallel_loop3A_313 : vector<16xi32> to vector<16xf32>
          %parallel_loop3A_315 = arith.andi %parallel_loop3A_310, %broadcast_in_dim3A_8 : vector<16xi32>
          %parallel_loop3A_316 = vector.bitcast %parallel_loop3A_315 : vector<16xi32> to vector<16xf32>
          %parallel_loop3A_317 = arith.mulf %parallel_loop3A_314, %parallel_loop3A_273 : vector<16xf32>
          %parallel_loop3A_318 = arith.index_cast %parallel_loop3A_270 : i32 to index
          %parallel_loop3A_319 = arith.constant 64 : index
          %parallel_loop3A_320 = tpu.vector_load %arg17[%parallel_loop3A_318, %parallel_loop3A_319] {strides = array<i32>} : memref<128x144xf32, #tpu.memory_space<vmem>>, vector<16xf32>,
          tpu.vector_store %arg17[%parallel_loop3A_318, %parallel_loop3A_319], %parallel_loop3A_317 {strides = array<i32>} : memref<128x144xf32, #tpu.memory_space<vmem>>, vector<16xf32>,
          %parallel_loop3A_321 = arith.mulf %parallel_loop3A_316, %parallel_loop3A_273 : vector<16xf32>
          %parallel_loop3A_322 = arith.index_cast %parallel_loop3A_270 : i32 to index
          %parallel_loop3A_323 = arith.constant 80 : index
          %parallel_loop3A_324 = tpu.vector_load %arg17[%parallel_loop3A_322, %parallel_loop3A_323] {strides = array<i32>} : memref<128x144xf32, #tpu.memory_space<vmem>>, vector<16xf32>,
          tpu.vector_store %arg17[%parallel_loop3A_322, %parallel_loop3A_323], %parallel_loop3A_321 {strides = array<i32>} : memref<128x144xf32, #tpu.memory_space<vmem>>, vector<16xf32>,
          %parallel_loop3A_325 = arith.index_cast %parallel_loop3A_270 : i32 to index
          %parallel_loop3A_326 = arith.constant 48 : index
          %parallel_loop3A_327 = tpu.vector_load %arg14[%parallel_loop3A_325, %parallel_loop3A_326] {strides = array<i32>} : memref<128x64xi32, #tpu.memory_space<vmem>>, vector<16xi32>,
          %parallel_loop3A_328 = arith.constant 16 : i32
          %parallel_loop3A_329 = vector.broadcast %parallel_loop3A_328 : i32 to vector<16xi32>
          %parallel_loop3A_330 = arith.shli %parallel_loop3A_327, %parallel_loop3A_329 : vector<16xi32>
          %parallel_loop3A_331 = vector.bitcast %parallel_loop3A_330 : vector<16xi32> to vector<16xf32>
          %parallel_loop3A_332 = arith.andi %parallel_loop3A_327, %broadcast_in_dim3A_8 : vector<16xi32>
          %parallel_loop3A_333 = vector.bitcast %parallel_loop3A_332 : vector<16xi32> to vector<16xf32>
          %parallel_loop3A_334 = arith.mulf %parallel_loop3A_331, %parallel_loop3A_273 : vector<16xf32>
          %parallel_loop3A_335 = arith.index_cast %parallel_loop3A_270 : i32 to index
          %parallel_loop3A_336 = arith.constant 96 : index
          %parallel_loop3A_337 = tpu.vector_load %arg17[%parallel_loop3A_335, %parallel_loop3A_336] {strides = array<i32>} : memref<128x144xf32, #tpu.memory_space<vmem>>, vector<16xf32>,
          tpu.vector_store %arg17[%parallel_loop3A_335, %parallel_loop3A_336], %parallel_loop3A_334 {strides = array<i32>} : memref<128x144xf32, #tpu.memory_space<vmem>>, vector<16xf32>,
          %parallel_loop3A_338 = arith.mulf %parallel_loop3A_333, %parallel_loop3A_273 : vector<16xf32>
          %parallel_loop3A_339 = arith.index_cast %parallel_loop3A_270 : i32 to index
          %parallel_loop3A_340 = arith.constant 112 : index
          %parallel_loop3A_341 = tpu.vector_load %arg17[%parallel_loop3A_339, %parallel_loop3A_340] {strides = array<i32>} : memref<128x144xf32, #tpu.memory_space<vmem>>, vector<16xf32>,
          tpu.vector_store %arg17[%parallel_loop3A_339, %parallel_loop3A_340], %parallel_loop3A_338 {strides = array<i32>} : memref<128x144xf32, #tpu.memory_space<vmem>>, vector<16xf32>,
          %parallel_loop3A_342 = arith.mulf %parallel_loop3A_273, %convert_element_type3A_3 : vector<16xf32>
          %parallel_loop3A_343 = arith.index_cast %parallel_loop3A_270 : i32 to index
          %parallel_loop3A_344 = arith.constant 128 : index
          %parallel_loop3A_345 = tpu.vector_load %arg17[%parallel_loop3A_343, %parallel_loop3A_344] {strides = array<i32>} : memref<128x144xf32, #tpu.memory_space<vmem>>, vector<16xf32>,
          tpu.vector_store %arg17[%parallel_loop3A_343, %parallel_loop3A_344], %parallel_loop3A_342 {strides = array<i32>} : memref<128x144xf32, #tpu.memory_space<vmem>>, vector<16xf32>,
        } {sc.loop_unroll_factor = 8 : i64, sc.parallel_access}
        %scan3A_239 = arith.constant 0 : i32
        %scan3A_240 = arith.constant 8 : i32
        %scan3A_241 = arith.addi %scan3A_239, %scan3A_240 : i32
        %scan3A_242 = arith.constant 1 : i32
        scf.for %scan3A_270 = %scan3A_239 to %scan3A_241 step %scan3A_242  : i32 {
          %mul3A_271 = arith.constant 16 : i32
          %mul3A_272 = arith.muli %scan3A_270, %mul3A_271 : i32
          %add3A_273 = arith.constant 0 : i32
          %add3A_274 = arith.addi %add3A_273, %mul3A_272 : i32
          %get3A_275 = arith.constant 0 : i32
          %get3A_276 = arith.index_cast %get3A_275 : i32 to index
          %get3A_277 = arith.index_cast %add3A_274 : i32 to index
          %get3A_278 = tpu.vector_load %arg10[%get3A_276, %get3A_277] {strides = array<i32>} : memref<2x128xi32, #tpu.memory_space<vmem>>, vector<16xi32>,
          %swap3A = arith.index_cast %add3A_274 : i32 to index
          %swap3A_279 = tpu.vector_load %arg16[%swap3A] {strides = array<i32>} : memref<128xi32, #tpu.memory_space<vmem>>, vector<16xi32>,
          tpu.vector_store %arg16[%swap3A], %get3A_278 {strides = array<i32>} : memref<128xi32, #tpu.memory_space<vmem>>, vector<16xi32>,
        }
        %scan3A_243 = arith.constant 8 : i32
        %dma_start3A_244 = arith.constant 0 : i32
        %dma_start3A_245 = arith.constant 0 : i32
        %dma_start3A_246 = tpu.memref_slice %arg18[%dma_start3A_244, %dma_start3A_245] : memref<10000x144xf32, #tpu.memory_space<vmem_shared>> -> memref<10000x144xf32, #tpu.memory_space<vmem_shared>>
        tpu.enqueue_indirect_dma source(%arg17 : memref<128x144xf32, #tpu.memory_space<vmem>>) target(%dma_start3A_246 : memref<10000x144xf32, #tpu.memory_space<vmem_shared>>) offsets(%arg16 : memref<128xi32, #tpu.memory_space<vmem>>) semaphore(%arg21 : memref<!tpu.dma_semaphore, #tpu.memory_space<semaphore_mem>>) {add = true}
        %add3A_247 = arith.constant 2 : i32
        %add3A_248 = arith.addi %add3A_207, %add3A_247 : i32
        %mul3A_249 = arith.constant 32 : i32
        %mul3A_250 = arith.muli %add3A_248, %mul3A_249 : i32
        %add3A_251 = arith.addi %add3A, %mul3A_250 : i32
        %lt3A_252 = arith.constant 2500 : i32
        %lt3A_253 = arith.cmpi slt, %add3A_251, %lt3A_252 : i32
        %convert_element_type3A_254 = arith.extui %lt3A_253 : i1 to i32
        %cond3A_255 = arith.constant 0 : i32
        %cond3A_256 = arith.cmpi ne, %convert_element_type3A_254, %cond3A_255 : i32
        scf.if %cond3A_256 {
          %add3A_270 = arith.constant 2 : i32
          %add3A_271 = arith.addi %add3A_207, %add3A_270 : i32
          %mul3A_272 = arith.constant 32 : i32
          %mul3A_273 = arith.muli %add3A_271, %mul3A_272 : i32
          %add3A_274 = arith.addi %add3A, %mul3A_273 : i32
          %mul3A_275 = arith.constant 128 : i32
          %mul3A_276 = arith.muli %add3A_274, %mul3A_275 : i32
          %dma_start3A_277 = arith.constant 0 : i32
          %dma_start3A_278 = arith.constant 0 : i32
          %dma_start3A_279 = arith.constant 0 : i32
          %dma_start3A_280 = tpu.memref_slice %arg9[%dma_start3A_278, %dma_start3A_279] : memref<2x128xi32, #tpu.memory_space<vmem>> -> memref<1x128xi32, #tpu.memory_space<vmem>>
          %dma_start3A_281 = tpu.memref_squeeze %dma_start3A_280 : memref<1x128xi32, #tpu.memory_space<vmem>> -> memref<128xi32, #tpu.memory_space<vmem>>
          %dma_start3A_282 = tpu.memref_slice %arg2[%dma_start3A_277, %mul3A_276] : memref<2x320000xi32, #tpu.memory_space<hbm>> -> memref<1x128xi32, #tpu.memory_space<hbm>>
          %dma_start3A_283 = tpu.memref_squeeze %dma_start3A_282 : memref<1x128xi32, #tpu.memory_space<hbm>> -> memref<128xi32, #tpu.memory_space<hbm>>
          %dma_start3A_284 = arith.constant 0 : i32
          %dma_start3A_285 = tpu.memref_slice %arg9[%dma_start3A_278, %dma_start3A_284] : memref<2x128xi32, #tpu.memory_space<vmem>> -> memref<1x128xi32, #tpu.memory_space<vmem>>
          %dma_start3A_286 = tpu.memref_squeeze %dma_start3A_285 : memref<1x128xi32, #tpu.memory_space<vmem>> -> memref<128xi32, #tpu.memory_space<vmem>>
          %dma_start3A_287 = tpu.memref_slice %arg2[%dma_start3A_277, %mul3A_276] : memref<2x320000xi32, #tpu.memory_space<hbm>> -> memref<1x128xi32, #tpu.memory_space<hbm>>
          %dma_start3A_288 = tpu.memref_squeeze %dma_start3A_287 : memref<1x128xi32, #tpu.memory_space<hbm>> -> memref<128xi32, #tpu.memory_space<hbm>>
          tpu.enqueue_dma source(%dma_start3A_288 : memref<128xi32, #tpu.memory_space<hbm>>) target(%dma_start3A_286 : memref<128xi32, #tpu.memory_space<vmem>>) target_semaphore(%arg19 : memref<!tpu.dma_semaphore, #tpu.memory_space<semaphore_mem>>)
          %dma_start3A_289 = arith.constant 1 : i32
          %dma_start3A_290 = arith.constant 0 : i32
          %dma_start3A_291 = arith.constant 0 : i32
          %dma_start3A_292 = tpu.memref_slice %arg10[%dma_start3A_290, %dma_start3A_291] : memref<2x128xi32, #tpu.memory_space<vmem>> -> memref<1x128xi32, #tpu.memory_space<vmem>>
          %dma_start3A_293 = tpu.memref_squeeze %dma_start3A_292 : memref<1x128xi32, #tpu.memory_space<vmem>> -> memref<128xi32, #tpu.memory_space<vmem>>
          %dma_start3A_294 = tpu.memref_slice %arg2[%dma_start3A_289, %mul3A_276] : memref<2x320000xi32, #tpu.memory_space<hbm>> -> memref<1x128xi32, #tpu.memory_space<hbm>>
          %dma_start3A_295 = tpu.memref_squeeze %dma_start3A_294 : memref<1x128xi32, #tpu.memory_space<hbm>> -> memref<128xi32, #tpu.memory_space<hbm>>
          %dma_start3A_296 = arith.constant 0 : i32
          %dma_start3A_297 = tpu.memref_slice %arg10[%dma_start3A_290, %dma_start3A_296] : memref<2x128xi32, #tpu.memory_space<vmem>> -> memref<1x128xi32, #tpu.memory_space<vmem>>
          %dma_start3A_298 = tpu.memref_squeeze %dma_start3A_297 : memref<1x128xi32, #tpu.memory_space<vmem>> -> memref<128xi32, #tpu.memory_space<vmem>>
          %dma_start3A_299 = tpu.memref_slice %arg2[%dma_start3A_289, %mul3A_276] : memref<2x320000xi32, #tpu.memory_space<hbm>> -> memref<1x128xi32, #tpu.memory_space<hbm>>
          %dma_start3A_300 = tpu.memref_squeeze %dma_start3A_299 : memref<1x128xi32, #tpu.memory_space<hbm>> -> memref<128xi32, #tpu.memory_space<hbm>>
          tpu.enqueue_dma source(%dma_start3A_300 : memref<128xi32, #tpu.memory_space<hbm>>) target(%dma_start3A_298 : memref<128xi32, #tpu.memory_space<vmem>>) target_semaphore(%arg19 : memref<!tpu.dma_semaphore, #tpu.memory_space<semaphore_mem>>)
          %dma_wait3A_301 = arith.constant 0 : i32
          %dma_wait3A_302 = arith.constant 0 : i32
          %dma_wait3A_303 = arith.constant 0 : i32
          %dma_wait3A_304 = tpu.memref_slice %arg9[%dma_wait3A_302, %dma_wait3A_303] : memref<2x128xi32, #tpu.memory_space<vmem>> -> memref<1x128xi32, #tpu.memory_space<vmem>>
          %dma_wait3A_305 = tpu.memref_squeeze %dma_wait3A_304 : memref<1x128xi32, #tpu.memory_space<vmem>> -> memref<128xi32, #tpu.memory_space<vmem>>
          %dma_wait3A_306 = tpu.memref_slice %arg2[%dma_wait3A_301, %mul3A_276] : memref<2x320000xi32, #tpu.memory_space<hbm>> -> memref<1x128xi32, #tpu.memory_space<hbm>>
          %dma_wait3A_307 = tpu.memref_squeeze %dma_wait3A_306 : memref<1x128xi32, #tpu.memory_space<hbm>> -> memref<128xi32, #tpu.memory_space<hbm>>
          %dma_wait3A_308 = arith.constant 0 : i32
          %dma_wait3A_309 = tpu.memref_slice %arg9[%dma_wait3A_302, %dma_wait3A_308] : memref<2x128xi32, #tpu.memory_space<vmem>> -> memref<1x128xi32, #tpu.memory_space<vmem>>
          %dma_wait3A_310 = tpu.memref_squeeze %dma_wait3A_309 : memref<1x128xi32, #tpu.memory_space<vmem>> -> memref<128xi32, #tpu.memory_space<vmem>>
          %dma_wait3A_311 = tpu.memref_slice %arg2[%dma_wait3A_301, %mul3A_276] : memref<2x320000xi32, #tpu.memory_space<hbm>> -> memref<1x128xi32, #tpu.memory_space<hbm>>
          %dma_wait3A_312 = tpu.memref_squeeze %dma_wait3A_311 : memref<1x128xi32, #tpu.memory_space<hbm>> -> memref<128xi32, #tpu.memory_space<hbm>>
          tpu.wait_dma2 semaphore(%arg19 : memref<!tpu.dma_semaphore, #tpu.memory_space<semaphore_mem>>) src(%dma_wait3A_312 : memref<128xi32, #tpu.memory_space<hbm>>) dst(%dma_wait3A_310 : memref<128xi32, #tpu.memory_space<vmem>>)
          %dma_wait3A_313 = arith.constant 1 : i32
          %dma_wait3A_314 = arith.constant 0 : i32
          %dma_wait3A_315 = arith.constant 0 : i32
          %dma_wait3A_316 = tpu.memref_slice %arg10[%dma_wait3A_314, %dma_wait3A_315] : memref<2x128xi32, #tpu.memory_space<vmem>> -> memref<1x128xi32, #tpu.memory_space<vmem>>
          %dma_wait3A_317 = tpu.memref_squeeze %dma_wait3A_316 : memref<1x128xi32, #tpu.memory_space<vmem>> -> memref<128xi32, #tpu.memory_space<vmem>>
          %dma_wait3A_318 = tpu.memref_slice %arg2[%dma_wait3A_313, %mul3A_276] : memref<2x320000xi32, #tpu.memory_space<hbm>> -> memref<1x128xi32, #tpu.memory_space<hbm>>
          %dma_wait3A_319 = tpu.memref_squeeze %dma_wait3A_318 : memref<1x128xi32, #tpu.memory_space<hbm>> -> memref<128xi32, #tpu.memory_space<hbm>>
          %dma_wait3A_320 = arith.constant 0 : i32
          %dma_wait3A_321 = tpu.memref_slice %arg10[%dma_wait3A_314, %dma_wait3A_320] : memref<2x128xi32, #tpu.memory_space<vmem>> -> memref<1x128xi32, #tpu.memory_space<vmem>>
          %dma_wait3A_322 = tpu.memref_squeeze %dma_wait3A_321 : memref<1x128xi32, #tpu.memory_space<vmem>> -> memref<128xi32, #tpu.memory_space<vmem>>
          %dma_wait3A_323 = tpu.memref_slice %arg2[%dma_wait3A_313, %mul3A_276] : memref<2x320000xi32, #tpu.memory_space<hbm>> -> memref<1x128xi32, #tpu.memory_space<hbm>>
          %dma_wait3A_324 = tpu.memref_squeeze %dma_wait3A_323 : memref<1x128xi32, #tpu.memory_space<hbm>> -> memref<128xi32, #tpu.memory_space<hbm>>
          tpu.wait_dma2 semaphore(%arg19 : memref<!tpu.dma_semaphore, #tpu.memory_space<semaphore_mem>>) src(%dma_wait3A_324 : memref<128xi32, #tpu.memory_space<hbm>>) dst(%dma_wait3A_322 : memref<128xi32, #tpu.memory_space<vmem>>)
        } else {
        }
        %dma_wait3A_257 = arith.constant 0 : i32
        %dma_wait3A_258 = arith.constant 0 : i32
        %dma_wait3A_259 = tpu.memref_slice %arg18[%dma_wait3A_257, %dma_wait3A_258] : memref<10000x144xf32, #tpu.memory_space<vmem_shared>> -> memref<10000x144xf32, #tpu.memory_space<vmem_shared>>
        tpu.wait_indirect_dma semaphore(%arg21 : memref<!tpu.dma_semaphore, #tpu.memory_space<semaphore_mem>>) src(%arg17 : memref<128x144xf32, #tpu.memory_space<vmem>>) dst(%dma_wait3A_259 : memref<10000x144xf32, #tpu.memory_space<vmem_shared>>)
        %add3A_260 = arith.constant 1 : i32
        %add3A_261 = arith.addi %add3A_207, %add3A_260 : i32
        %mul3A_262 = arith.constant 32 : i32
        %mul3A_263 = arith.muli %add3A_261, %mul3A_262 : i32
        %add3A_264 = arith.addi %add3A, %mul3A_263 : i32
        %lt3A_265 = arith.constant 2500 : i32
        %lt3A_266 = arith.cmpi slt, %add3A_264, %lt3A_265 : i32
        %convert_element_type3A_267 = arith.extui %lt3A_266 : i1 to i32
        %cond3A_268 = arith.constant 0 : i32
        %cond3A_269 = arith.cmpi ne, %convert_element_type3A_267, %cond3A_268 : i32
        scf.if %cond3A_269 {
          %dma_wait3A_270 = arith.constant 1 : i32
          %dma_wait3A_271 = arith.constant 0 : i32
          %dma_wait3A_272 = tpu.memref_slice %arg9[%dma_wait3A_270, %dma_wait3A_271] : memref<2x128xi32, #tpu.memory_space<vmem>> -> memref<1x128xi32, #tpu.memory_space<vmem>>
          %dma_wait3A_273 = tpu.memref_squeeze %dma_wait3A_272 : memref<1x128xi32, #tpu.memory_space<vmem>> -> memref<128xi32, #tpu.memory_space<vmem>>
          %dma_wait3A_274 = arith.constant 0 : i32
          %dma_wait3A_275 = arith.constant 0 : i32
          %dma_wait3A_276 = tpu.memref_slice %arg3[%dma_wait3A_274, %dma_wait3A_275] : memref<10000x64xi32, #tpu.memory_space<hbm>> -> memref<10000x64xi32, #tpu.memory_space<hbm>>
          tpu.wait_indirect_dma semaphore(%arg20 : memref<!tpu.dma_semaphore, #tpu.memory_space<semaphore_mem>>) src(%dma_wait3A_276 : memref<10000x64xi32, #tpu.memory_space<hbm>>) dst(%arg15 : memref<128x64xi32, #tpu.memory_space<vmem>>)
          %dma_wait3A_277 = arith.constant 1 : i32
          %dma_wait3A_278 = arith.constant 1 : i32
          %dma_wait3A_279 = arith.constant 0 : i32
          %dma_wait3A_280 = tpu.memref_slice %arg11[%dma_wait3A_278, %dma_wait3A_279] : memref<2x128xf32, #tpu.memory_space<vmem>> -> memref<1x128xf32, #tpu.memory_space<vmem>>
          %dma_wait3A_281 = tpu.memref_squeeze %dma_wait3A_280 : memref<1x128xf32, #tpu.memory_space<vmem>> -> memref<128xf32, #tpu.memory_space<vmem>>
          %dma_wait3A_282 = arith.constant 0 : i32
          %dma_wait3A_283 = tpu.memref_slice %arg9[%dma_wait3A_277, %dma_wait3A_282] : memref<2x128xi32, #tpu.memory_space<vmem>> -> memref<1x128xi32, #tpu.memory_space<vmem>>
          %dma_wait3A_284 = tpu.memref_squeeze %dma_wait3A_283 : memref<1x128xi32, #tpu.memory_space<vmem>> -> memref<128xi32, #tpu.memory_space<vmem>>
          %dma_wait3A_285 = arith.constant 0 : i32
          %dma_wait3A_286 = tpu.memref_slice %arg4[%dma_wait3A_285] : memref<10000xf32, #tpu.memory_space<hbm>> -> memref<10000xf32, #tpu.memory_space<hbm>>
          tpu.wait_indirect_dma semaphore(%arg20 : memref<!tpu.dma_semaphore, #tpu.memory_space<semaphore_mem>>) src(%dma_wait3A_286 : memref<10000xf32, #tpu.memory_space<hbm>>) dst(%dma_wait3A_281 : memref<128xf32, #tpu.memory_space<vmem>>)
          %dma_wait3A_287 = arith.constant 1 : i32
          %dma_wait3A_288 = arith.constant 1 : i32
          %dma_wait3A_289 = arith.constant 0 : i32
          %dma_wait3A_290 = tpu.memref_slice %arg12[%dma_wait3A_288, %dma_wait3A_289] : memref<2x128xf32, #tpu.memory_space<vmem>> -> memref<1x128xf32, #tpu.memory_space<vmem>>
          %dma_wait3A_291 = tpu.memref_squeeze %dma_wait3A_290 : memref<1x128xf32, #tpu.memory_space<vmem>> -> memref<128xf32, #tpu.memory_space<vmem>>
          %dma_wait3A_292 = arith.constant 0 : i32
          %dma_wait3A_293 = tpu.memref_slice %arg10[%dma_wait3A_287, %dma_wait3A_292] : memref<2x128xi32, #tpu.memory_space<vmem>> -> memref<1x128xi32, #tpu.memory_space<vmem>>
          %dma_wait3A_294 = tpu.memref_squeeze %dma_wait3A_293 : memref<1x128xi32, #tpu.memory_space<vmem>> -> memref<128xi32, #tpu.memory_space<vmem>>
          %dma_wait3A_295 = arith.constant 0 : i32
          %dma_wait3A_296 = tpu.memref_slice %arg5[%dma_wait3A_295] : memref<10000xf32, #tpu.memory_space<hbm>> -> memref<10000xf32, #tpu.memory_space<hbm>>
          tpu.wait_indirect_dma semaphore(%arg20 : memref<!tpu.dma_semaphore, #tpu.memory_space<semaphore_mem>>) src(%dma_wait3A_296 : memref<10000xf32, #tpu.memory_space<hbm>>) dst(%dma_wait3A_291 : memref<128xf32, #tpu.memory_space<vmem>>)
        } else {
        }
      } else {
      }
      %add3A_214 = arith.constant 1 : i32
      %add3A_215 = arith.addi %add3A_205, %add3A_214 : i32
      %mul3A_216 = arith.constant 32 : i32
      %mul3A_217 = arith.muli %add3A_215, %mul3A_216 : i32
      %add3A_218 = arith.addi %add3A, %mul3A_217 : i32
      %lt3A_219 = arith.constant 2500 : i32
      %lt3A_220 = arith.cmpi slt, %add3A_218, %lt3A_219 : i32
      %convert_element_type3A_221 = arith.extui %lt3A_220 : i1 to i32
      %cond3A_222 = arith.constant 0 : i32
      %cond3A_223 = arith.cmpi ne, %convert_element_type3A_221, %cond3A_222 : i32
      scf.if %cond3A_223 {
        %add3A_224 = arith.constant 1 : i32
        %add3A_225 = arith.addi %add3A_215, %add3A_224 : i32
        %mul3A_226 = arith.constant 32 : i32
        %mul3A_227 = arith.muli %add3A_225, %mul3A_226 : i32
        %add3A_228 = arith.addi %add3A, %mul3A_227 : i32
        %lt3A_229 = arith.constant 2500 : i32
        %lt3A_230 = arith.cmpi slt, %add3A_228, %lt3A_229 : i32
        %convert_element_type3A_231 = arith.extui %lt3A_230 : i1 to i32
        %cond3A_232 = arith.constant 0 : i32
        %cond3A_233 = arith.cmpi ne, %convert_element_type3A_231, %cond3A_232 : i32
        scf.if %cond3A_233 {
          %dma_start3A_270 = arith.constant 0 : i32
          %dma_start3A_271 = arith.constant 0 : i32
          %dma_start3A_272 = tpu.memref_slice %arg9[%dma_start3A_270, %dma_start3A_271] : memref<2x128xi32, #tpu.memory_space<vmem>> -> memref<1x128xi32, #tpu.memory_space<vmem>>
          %dma_start3A_273 = tpu.memref_squeeze %dma_start3A_272 : memref<1x128xi32, #tpu.memory_space<vmem>> -> memref<128xi32, #tpu.memory_space<vmem>>
          %dma_start3A_274 = arith.constant 0 : i32
          %dma_start3A_275 = arith.constant 0 : i32
          %dma_start3A_276 = tpu.memref_slice %arg3[%dma_start3A_274, %dma_start3A_275] : memref<10000x64xi32, #tpu.memory_space<hbm>> -> memref<10000x64xi32, #tpu.memory_space<hbm>>
          tpu.enqueue_indirect_dma source(%dma_start3A_276 : memref<10000x64xi32, #tpu.memory_space<hbm>>) target(%arg14 : memref<128x64xi32, #tpu.memory_space<vmem>>) offsets(%dma_start3A_273 : memref<128xi32, #tpu.memory_space<vmem>>) semaphore(%arg20 : memref<!tpu.dma_semaphore, #tpu.memory_space<semaphore_mem>>)
          %dma_start3A_277 = arith.constant 0 : i32
          %dma_start3A_278 = arith.constant 0 : i32
          %dma_start3A_279 = arith.constant 0 : i32
          %dma_start3A_280 = tpu.memref_slice %arg11[%dma_start3A_278, %dma_start3A_279] : memref<2x128xf32, #tpu.memory_space<vmem>> -> memref<1x128xf32, #tpu.memory_space<vmem>>
          %dma_start3A_281 = tpu.memref_squeeze %dma_start3A_280 : memref<1x128xf32, #tpu.memory_space<vmem>> -> memref<128xf32, #tpu.memory_space<vmem>>
          %dma_start3A_282 = arith.constant 0 : i32
          %dma_start3A_283 = tpu.memref_slice %arg9[%dma_start3A_277, %dma_start3A_282] : memref<2x128xi32, #tpu.memory_space<vmem>> -> memref<1x128xi32, #tpu.memory_space<vmem>>
          %dma_start3A_284 = tpu.memref_squeeze %dma_start3A_283 : memref<1x128xi32, #tpu.memory_space<vmem>> -> memref<128xi32, #tpu.memory_space<vmem>>
          %dma_start3A_285 = arith.constant 0 : i32
          %dma_start3A_286 = tpu.memref_slice %arg4[%dma_start3A_285] : memref<10000xf32, #tpu.memory_space<hbm>> -> memref<10000xf32, #tpu.memory_space<hbm>>
          tpu.enqueue_indirect_dma source(%dma_start3A_286 : memref<10000xf32, #tpu.memory_space<hbm>>) target(%dma_start3A_281 : memref<128xf32, #tpu.memory_space<vmem>>) offsets(%dma_start3A_284 : memref<128xi32, #tpu.memory_space<vmem>>) semaphore(%arg20 : memref<!tpu.dma_semaphore, #tpu.memory_space<semaphore_mem>>)
          %dma_start3A_287 = arith.constant 0 : i32
          %dma_start3A_288 = arith.constant 0 : i32
          %dma_start3A_289 = arith.constant 0 : i32
          %dma_start3A_290 = tpu.memref_slice %arg12[%dma_start3A_288, %dma_start3A_289] : memref<2x128xf32, #tpu.memory_space<vmem>> -> memref<1x128xf32, #tpu.memory_space<vmem>>
          %dma_start3A_291 = tpu.memref_squeeze %dma_start3A_290 : memref<1x128xf32, #tpu.memory_space<vmem>> -> memref<128xf32, #tpu.memory_space<vmem>>
          %dma_start3A_292 = arith.constant 0 : i32
          %dma_start3A_293 = tpu.memref_slice %arg10[%dma_start3A_287, %dma_start3A_292] : memref<2x128xi32, #tpu.memory_space<vmem>> -> memref<1x128xi32, #tpu.memory_space<vmem>>
          %dma_start3A_294 = tpu.memref_squeeze %dma_start3A_293 : memref<1x128xi32, #tpu.memory_space<vmem>> -> memref<128xi32, #tpu.memory_space<vmem>>
          %dma_start3A_295 = arith.constant 0 : i32
          %dma_start3A_296 = tpu.memref_slice %arg5[%dma_start3A_295] : memref<10000xf32, #tpu.memory_space<hbm>> -> memref<10000xf32, #tpu.memory_space<hbm>>
          tpu.enqueue_indirect_dma source(%dma_start3A_296 : memref<10000xf32, #tpu.memory_space<hbm>>) target(%dma_start3A_291 : memref<128xf32, #tpu.memory_space<vmem>>) offsets(%dma_start3A_294 : memref<128xi32, #tpu.memory_space<vmem>>) semaphore(%arg20 : memref<!tpu.dma_semaphore, #tpu.memory_space<semaphore_mem>>)
        } else {
        }
        %parallel_loop3A = arith.constant 0 : i32
        %parallel_loop3A_234 = arith.constant 128 : i32
        %parallel_loop3A_235 = arith.constant 16 : i32
        scf.for %parallel_loop3A_270 = %parallel_loop3A to %parallel_loop3A_234 step %parallel_loop3A_235  : i32 {
          %parallel_loop3A_271 = arith.constant 1 : i32
          %parallel_loop3A_272 = arith.index_cast %parallel_loop3A_271 : i32 to index
          %parallel_loop3A_273 = arith.index_cast %parallel_loop3A_270 : i32 to index
          %parallel_loop3A_274 = tpu.vector_load %arg11[%parallel_loop3A_272, %parallel_loop3A_273] {strides = array<i32>} : memref<2x128xf32, #tpu.memory_space<vmem>>, vector<16xf32>,
          %parallel_loop3A_275 = arith.constant 1 : i32
          %parallel_loop3A_276 = arith.index_cast %parallel_loop3A_275 : i32 to index
          %parallel_loop3A_277 = arith.index_cast %parallel_loop3A_270 : i32 to index
          %parallel_loop3A_278 = tpu.vector_load %arg12[%parallel_loop3A_276, %parallel_loop3A_277] {strides = array<i32>} : memref<2x128xf32, #tpu.memory_space<vmem>>, vector<16xf32>,
          %parallel_loop3A_279 = arith.addf %parallel_loop3A_278, %get3A_9 : vector<16xf32>
          %parallel_loop3A_280 = arith.constant 2.000000e-01 : f32
          %parallel_loop3A_281 = vector.broadcast %parallel_loop3A_280 : f32 to vector<16xf32>
          %parallel_loop3A_282 = arith.mulf %parallel_loop3A_279, %parallel_loop3A_281 : vector<16xf32>
          %parallel_loop3A_283 = arith.maximumf %parallel_loop3A_279, %parallel_loop3A_282 : vector<16xf32>
          %parallel_loop3A_284 = arith.addf %parallel_loop3A_274, %parallel_loop3A_278 : vector<16xf32>
          %parallel_loop3A_285 = arith.constant 2.000000e-01 : f32
          %parallel_loop3A_286 = vector.broadcast %parallel_loop3A_285 : f32 to vector<16xf32>
          %parallel_loop3A_287 = arith.mulf %parallel_loop3A_284, %parallel_loop3A_286 : vector<16xf32>
          %parallel_loop3A_288 = arith.maximumf %parallel_loop3A_284, %parallel_loop3A_287 : vector<16xf32>
          %parallel_loop3A_289 = arith.subf %parallel_loop3A_288, %parallel_loop3A_283 : vector<16xf32>
          %parallel_loop3A_290 = math.exp %parallel_loop3A_289 : vector<16xf32>
          %parallel_loop3A_291 = arith.index_cast %parallel_loop3A_270 : i32 to index
          %parallel_loop3A_292 = tpu.vector_load %arg13[%parallel_loop3A_291] {strides = array<i32>} : memref<128xf32, #tpu.memory_space<vmem>>, vector<16xf32>,
          tpu.vector_store %arg13[%parallel_loop3A_291], %parallel_loop3A_290 {strides = array<i32>} : memref<128xf32, #tpu.memory_space<vmem>>, vector<16xf32>,
        } {sc.loop_unroll_factor = 4 : i64, sc.parallel_access}
        %parallel_loop3A_236 = arith.constant 0 : i32
        %parallel_loop3A_237 = arith.constant 128 : i32
        %parallel_loop3A_238 = arith.constant 1 : i32
        scf.for %parallel_loop3A_270 = %parallel_loop3A_236 to %parallel_loop3A_237 step %parallel_loop3A_238  : i32 {
          %parallel_loop3A_271 = vector.broadcast %parallel_loop3A_270 : i32 to vector<16xi32>
          %parallel_loop3A_272 = arith.addi %broadcast_in_dim3A_6, %parallel_loop3A_271 : vector<16xi32>
          %parallel_loop3A_273 = tpu.vector_load_idx %arg13[%parallel_loop3A_272] : memref<128xf32, #tpu.memory_space<vmem>>[vector<16xi32>], vector<16xf32>,
          %parallel_loop3A_274 = arith.index_cast %parallel_loop3A_270 : i32 to index
          %parallel_loop3A_275 = arith.constant 0 : index
          %parallel_loop3A_276 = tpu.vector_load %arg15[%parallel_loop3A_274, %parallel_loop3A_275] {strides = array<i32>} : memref<128x64xi32, #tpu.memory_space<vmem>>, vector<16xi32>,
          %parallel_loop3A_277 = arith.constant 16 : i32
          %parallel_loop3A_278 = vector.broadcast %parallel_loop3A_277 : i32 to vector<16xi32>
          %parallel_loop3A_279 = arith.shli %parallel_loop3A_276, %parallel_loop3A_278 : vector<16xi32>
          %parallel_loop3A_280 = vector.bitcast %parallel_loop3A_279 : vector<16xi32> to vector<16xf32>
          %parallel_loop3A_281 = arith.andi %parallel_loop3A_276, %broadcast_in_dim3A_8 : vector<16xi32>
          %parallel_loop3A_282 = vector.bitcast %parallel_loop3A_281 : vector<16xi32> to vector<16xf32>
          %parallel_loop3A_283 = arith.mulf %parallel_loop3A_280, %parallel_loop3A_273 : vector<16xf32>
          %parallel_loop3A_284 = arith.index_cast %parallel_loop3A_270 : i32 to index
          %parallel_loop3A_285 = arith.constant 0 : index
          %parallel_loop3A_286 = tpu.vector_load %arg17[%parallel_loop3A_284, %parallel_loop3A_285] {strides = array<i32>} : memref<128x144xf32, #tpu.memory_space<vmem>>, vector<16xf32>,
          tpu.vector_store %arg17[%parallel_loop3A_284, %parallel_loop3A_285], %parallel_loop3A_283 {strides = array<i32>} : memref<128x144xf32, #tpu.memory_space<vmem>>, vector<16xf32>,
          %parallel_loop3A_287 = arith.mulf %parallel_loop3A_282, %parallel_loop3A_273 : vector<16xf32>
          %parallel_loop3A_288 = arith.index_cast %parallel_loop3A_270 : i32 to index
          %parallel_loop3A_289 = arith.constant 16 : index
          %parallel_loop3A_290 = tpu.vector_load %arg17[%parallel_loop3A_288, %parallel_loop3A_289] {strides = array<i32>} : memref<128x144xf32, #tpu.memory_space<vmem>>, vector<16xf32>,
          tpu.vector_store %arg17[%parallel_loop3A_288, %parallel_loop3A_289], %parallel_loop3A_287 {strides = array<i32>} : memref<128x144xf32, #tpu.memory_space<vmem>>, vector<16xf32>,
          %parallel_loop3A_291 = arith.index_cast %parallel_loop3A_270 : i32 to index
          %parallel_loop3A_292 = arith.constant 16 : index
          %parallel_loop3A_293 = tpu.vector_load %arg15[%parallel_loop3A_291, %parallel_loop3A_292] {strides = array<i32>} : memref<128x64xi32, #tpu.memory_space<vmem>>, vector<16xi32>,
          %parallel_loop3A_294 = arith.constant 16 : i32
          %parallel_loop3A_295 = vector.broadcast %parallel_loop3A_294 : i32 to vector<16xi32>
          %parallel_loop3A_296 = arith.shli %parallel_loop3A_293, %parallel_loop3A_295 : vector<16xi32>
          %parallel_loop3A_297 = vector.bitcast %parallel_loop3A_296 : vector<16xi32> to vector<16xf32>
          %parallel_loop3A_298 = arith.andi %parallel_loop3A_293, %broadcast_in_dim3A_8 : vector<16xi32>
          %parallel_loop3A_299 = vector.bitcast %parallel_loop3A_298 : vector<16xi32> to vector<16xf32>
          %parallel_loop3A_300 = arith.mulf %parallel_loop3A_297, %parallel_loop3A_273 : vector<16xf32>
          %parallel_loop3A_301 = arith.index_cast %parallel_loop3A_270 : i32 to index
          %parallel_loop3A_302 = arith.constant 32 : index
          %parallel_loop3A_303 = tpu.vector_load %arg17[%parallel_loop3A_301, %parallel_loop3A_302] {strides = array<i32>} : memref<128x144xf32, #tpu.memory_space<vmem>>, vector<16xf32>,
          tpu.vector_store %arg17[%parallel_loop3A_301, %parallel_loop3A_302], %parallel_loop3A_300 {strides = array<i32>} : memref<128x144xf32, #tpu.memory_space<vmem>>, vector<16xf32>,
          %parallel_loop3A_304 = arith.mulf %parallel_loop3A_299, %parallel_loop3A_273 : vector<16xf32>
          %parallel_loop3A_305 = arith.index_cast %parallel_loop3A_270 : i32 to index
          %parallel_loop3A_306 = arith.constant 48 : index
          %parallel_loop3A_307 = tpu.vector_load %arg17[%parallel_loop3A_305, %parallel_loop3A_306] {strides = array<i32>} : memref<128x144xf32, #tpu.memory_space<vmem>>, vector<16xf32>,
          tpu.vector_store %arg17[%parallel_loop3A_305, %parallel_loop3A_306], %parallel_loop3A_304 {strides = array<i32>} : memref<128x144xf32, #tpu.memory_space<vmem>>, vector<16xf32>,
          %parallel_loop3A_308 = arith.index_cast %parallel_loop3A_270 : i32 to index
          %parallel_loop3A_309 = arith.constant 32 : index
          %parallel_loop3A_310 = tpu.vector_load %arg15[%parallel_loop3A_308, %parallel_loop3A_309] {strides = array<i32>} : memref<128x64xi32, #tpu.memory_space<vmem>>, vector<16xi32>,
          %parallel_loop3A_311 = arith.constant 16 : i32
          %parallel_loop3A_312 = vector.broadcast %parallel_loop3A_311 : i32 to vector<16xi32>
          %parallel_loop3A_313 = arith.shli %parallel_loop3A_310, %parallel_loop3A_312 : vector<16xi32>
          %parallel_loop3A_314 = vector.bitcast %parallel_loop3A_313 : vector<16xi32> to vector<16xf32>
          %parallel_loop3A_315 = arith.andi %parallel_loop3A_310, %broadcast_in_dim3A_8 : vector<16xi32>
          %parallel_loop3A_316 = vector.bitcast %parallel_loop3A_315 : vector<16xi32> to vector<16xf32>
          %parallel_loop3A_317 = arith.mulf %parallel_loop3A_314, %parallel_loop3A_273 : vector<16xf32>
          %parallel_loop3A_318 = arith.index_cast %parallel_loop3A_270 : i32 to index
          %parallel_loop3A_319 = arith.constant 64 : index
          %parallel_loop3A_320 = tpu.vector_load %arg17[%parallel_loop3A_318, %parallel_loop3A_319] {strides = array<i32>} : memref<128x144xf32, #tpu.memory_space<vmem>>, vector<16xf32>,
          tpu.vector_store %arg17[%parallel_loop3A_318, %parallel_loop3A_319], %parallel_loop3A_317 {strides = array<i32>} : memref<128x144xf32, #tpu.memory_space<vmem>>, vector<16xf32>,
          %parallel_loop3A_321 = arith.mulf %parallel_loop3A_316, %parallel_loop3A_273 : vector<16xf32>
          %parallel_loop3A_322 = arith.index_cast %parallel_loop3A_270 : i32 to index
          %parallel_loop3A_323 = arith.constant 80 : index
          %parallel_loop3A_324 = tpu.vector_load %arg17[%parallel_loop3A_322, %parallel_loop3A_323] {strides = array<i32>} : memref<128x144xf32, #tpu.memory_space<vmem>>, vector<16xf32>,
          tpu.vector_store %arg17[%parallel_loop3A_322, %parallel_loop3A_323], %parallel_loop3A_321 {strides = array<i32>} : memref<128x144xf32, #tpu.memory_space<vmem>>, vector<16xf32>,
          %parallel_loop3A_325 = arith.index_cast %parallel_loop3A_270 : i32 to index
          %parallel_loop3A_326 = arith.constant 48 : index
          %parallel_loop3A_327 = tpu.vector_load %arg15[%parallel_loop3A_325, %parallel_loop3A_326] {strides = array<i32>} : memref<128x64xi32, #tpu.memory_space<vmem>>, vector<16xi32>,
          %parallel_loop3A_328 = arith.constant 16 : i32
          %parallel_loop3A_329 = vector.broadcast %parallel_loop3A_328 : i32 to vector<16xi32>
          %parallel_loop3A_330 = arith.shli %parallel_loop3A_327, %parallel_loop3A_329 : vector<16xi32>
          %parallel_loop3A_331 = vector.bitcast %parallel_loop3A_330 : vector<16xi32> to vector<16xf32>
          %parallel_loop3A_332 = arith.andi %parallel_loop3A_327, %broadcast_in_dim3A_8 : vector<16xi32>
          %parallel_loop3A_333 = vector.bitcast %parallel_loop3A_332 : vector<16xi32> to vector<16xf32>
          %parallel_loop3A_334 = arith.mulf %parallel_loop3A_331, %parallel_loop3A_273 : vector<16xf32>
          %parallel_loop3A_335 = arith.index_cast %parallel_loop3A_270 : i32 to index
          %parallel_loop3A_336 = arith.constant 96 : index
          %parallel_loop3A_337 = tpu.vector_load %arg17[%parallel_loop3A_335, %parallel_loop3A_336] {strides = array<i32>} : memref<128x144xf32, #tpu.memory_space<vmem>>, vector<16xf32>,
          tpu.vector_store %arg17[%parallel_loop3A_335, %parallel_loop3A_336], %parallel_loop3A_334 {strides = array<i32>} : memref<128x144xf32, #tpu.memory_space<vmem>>, vector<16xf32>,
          %parallel_loop3A_338 = arith.mulf %parallel_loop3A_333, %parallel_loop3A_273 : vector<16xf32>
          %parallel_loop3A_339 = arith.index_cast %parallel_loop3A_270 : i32 to index
          %parallel_loop3A_340 = arith.constant 112 : index
          %parallel_loop3A_341 = tpu.vector_load %arg17[%parallel_loop3A_339, %parallel_loop3A_340] {strides = array<i32>} : memref<128x144xf32, #tpu.memory_space<vmem>>, vector<16xf32>,
          tpu.vector_store %arg17[%parallel_loop3A_339, %parallel_loop3A_340], %parallel_loop3A_338 {strides = array<i32>} : memref<128x144xf32, #tpu.memory_space<vmem>>, vector<16xf32>,
          %parallel_loop3A_342 = arith.mulf %parallel_loop3A_273, %convert_element_type3A_3 : vector<16xf32>
          %parallel_loop3A_343 = arith.index_cast %parallel_loop3A_270 : i32 to index
          %parallel_loop3A_344 = arith.constant 128 : index
          %parallel_loop3A_345 = tpu.vector_load %arg17[%parallel_loop3A_343, %parallel_loop3A_344] {strides = array<i32>} : memref<128x144xf32, #tpu.memory_space<vmem>>, vector<16xf32>,
          tpu.vector_store %arg17[%parallel_loop3A_343, %parallel_loop3A_344], %parallel_loop3A_342 {strides = array<i32>} : memref<128x144xf32, #tpu.memory_space<vmem>>, vector<16xf32>,
        } {sc.loop_unroll_factor = 8 : i64, sc.parallel_access}
        %scan3A_239 = arith.constant 0 : i32
        %scan3A_240 = arith.constant 8 : i32
        %scan3A_241 = arith.addi %scan3A_239, %scan3A_240 : i32
        %scan3A_242 = arith.constant 1 : i32
        scf.for %scan3A_270 = %scan3A_239 to %scan3A_241 step %scan3A_242  : i32 {
          %mul3A_271 = arith.constant 16 : i32
          %mul3A_272 = arith.muli %scan3A_270, %mul3A_271 : i32
          %add3A_273 = arith.constant 0 : i32
          %add3A_274 = arith.addi %add3A_273, %mul3A_272 : i32
          %get3A_275 = arith.constant 1 : i32
          %get3A_276 = arith.index_cast %get3A_275 : i32 to index
          %get3A_277 = arith.index_cast %add3A_274 : i32 to index
          %get3A_278 = tpu.vector_load %arg10[%get3A_276, %get3A_277] {strides = array<i32>} : memref<2x128xi32, #tpu.memory_space<vmem>>, vector<16xi32>,
          %swap3A = arith.index_cast %add3A_274 : i32 to index
          %swap3A_279 = tpu.vector_load %arg16[%swap3A] {strides = array<i32>} : memref<128xi32, #tpu.memory_space<vmem>>, vector<16xi32>,
          tpu.vector_store %arg16[%swap3A], %get3A_278 {strides = array<i32>} : memref<128xi32, #tpu.memory_space<vmem>>, vector<16xi32>,
        }
        %scan3A_243 = arith.constant 8 : i32
        %dma_start3A_244 = arith.constant 0 : i32
        %dma_start3A_245 = arith.constant 0 : i32
        %dma_start3A_246 = tpu.memref_slice %arg18[%dma_start3A_244, %dma_start3A_245] : memref<10000x144xf32, #tpu.memory_space<vmem_shared>> -> memref<10000x144xf32, #tpu.memory_space<vmem_shared>>
        tpu.enqueue_indirect_dma source(%arg17 : memref<128x144xf32, #tpu.memory_space<vmem>>) target(%dma_start3A_246 : memref<10000x144xf32, #tpu.memory_space<vmem_shared>>) offsets(%arg16 : memref<128xi32, #tpu.memory_space<vmem>>) semaphore(%arg21 : memref<!tpu.dma_semaphore, #tpu.memory_space<semaphore_mem>>) {add = true}
        %add3A_247 = arith.constant 2 : i32
        %add3A_248 = arith.addi %add3A_215, %add3A_247 : i32
        %mul3A_249 = arith.constant 32 : i32
        %mul3A_250 = arith.muli %add3A_248, %mul3A_249 : i32
        %add3A_251 = arith.addi %add3A, %mul3A_250 : i32
        %lt3A_252 = arith.constant 2500 : i32
        %lt3A_253 = arith.cmpi slt, %add3A_251, %lt3A_252 : i32
        %convert_element_type3A_254 = arith.extui %lt3A_253 : i1 to i32
        %cond3A_255 = arith.constant 0 : i32
        %cond3A_256 = arith.cmpi ne, %convert_element_type3A_254, %cond3A_255 : i32
        scf.if %cond3A_256 {
          %add3A_270 = arith.constant 2 : i32
          %add3A_271 = arith.addi %add3A_215, %add3A_270 : i32
          %mul3A_272 = arith.constant 32 : i32
          %mul3A_273 = arith.muli %add3A_271, %mul3A_272 : i32
          %add3A_274 = arith.addi %add3A, %mul3A_273 : i32
          %mul3A_275 = arith.constant 128 : i32
          %mul3A_276 = arith.muli %add3A_274, %mul3A_275 : i32
          %dma_start3A_277 = arith.constant 0 : i32
          %dma_start3A_278 = arith.constant 1 : i32
          %dma_start3A_279 = arith.constant 0 : i32
          %dma_start3A_280 = tpu.memref_slice %arg9[%dma_start3A_278, %dma_start3A_279] : memref<2x128xi32, #tpu.memory_space<vmem>> -> memref<1x128xi32, #tpu.memory_space<vmem>>
          %dma_start3A_281 = tpu.memref_squeeze %dma_start3A_280 : memref<1x128xi32, #tpu.memory_space<vmem>> -> memref<128xi32, #tpu.memory_space<vmem>>
          %dma_start3A_282 = tpu.memref_slice %arg2[%dma_start3A_277, %mul3A_276] : memref<2x320000xi32, #tpu.memory_space<hbm>> -> memref<1x128xi32, #tpu.memory_space<hbm>>
          %dma_start3A_283 = tpu.memref_squeeze %dma_start3A_282 : memref<1x128xi32, #tpu.memory_space<hbm>> -> memref<128xi32, #tpu.memory_space<hbm>>
          %dma_start3A_284 = arith.constant 0 : i32
          %dma_start3A_285 = tpu.memref_slice %arg9[%dma_start3A_278, %dma_start3A_284] : memref<2x128xi32, #tpu.memory_space<vmem>> -> memref<1x128xi32, #tpu.memory_space<vmem>>
          %dma_start3A_286 = tpu.memref_squeeze %dma_start3A_285 : memref<1x128xi32, #tpu.memory_space<vmem>> -> memref<128xi32, #tpu.memory_space<vmem>>
          %dma_start3A_287 = tpu.memref_slice %arg2[%dma_start3A_277, %mul3A_276] : memref<2x320000xi32, #tpu.memory_space<hbm>> -> memref<1x128xi32, #tpu.memory_space<hbm>>
          %dma_start3A_288 = tpu.memref_squeeze %dma_start3A_287 : memref<1x128xi32, #tpu.memory_space<hbm>> -> memref<128xi32, #tpu.memory_space<hbm>>
          tpu.enqueue_dma source(%dma_start3A_288 : memref<128xi32, #tpu.memory_space<hbm>>) target(%dma_start3A_286 : memref<128xi32, #tpu.memory_space<vmem>>) target_semaphore(%arg19 : memref<!tpu.dma_semaphore, #tpu.memory_space<semaphore_mem>>)
          %dma_start3A_289 = arith.constant 1 : i32
          %dma_start3A_290 = arith.constant 1 : i32
          %dma_start3A_291 = arith.constant 0 : i32
          %dma_start3A_292 = tpu.memref_slice %arg10[%dma_start3A_290, %dma_start3A_291] : memref<2x128xi32, #tpu.memory_space<vmem>> -> memref<1x128xi32, #tpu.memory_space<vmem>>
          %dma_start3A_293 = tpu.memref_squeeze %dma_start3A_292 : memref<1x128xi32, #tpu.memory_space<vmem>> -> memref<128xi32, #tpu.memory_space<vmem>>
          %dma_start3A_294 = tpu.memref_slice %arg2[%dma_start3A_289, %mul3A_276] : memref<2x320000xi32, #tpu.memory_space<hbm>> -> memref<1x128xi32, #tpu.memory_space<hbm>>
          %dma_start3A_295 = tpu.memref_squeeze %dma_start3A_294 : memref<1x128xi32, #tpu.memory_space<hbm>> -> memref<128xi32, #tpu.memory_space<hbm>>
          %dma_start3A_296 = arith.constant 0 : i32
          %dma_start3A_297 = tpu.memref_slice %arg10[%dma_start3A_290, %dma_start3A_296] : memref<2x128xi32, #tpu.memory_space<vmem>> -> memref<1x128xi32, #tpu.memory_space<vmem>>
          %dma_start3A_298 = tpu.memref_squeeze %dma_start3A_297 : memref<1x128xi32, #tpu.memory_space<vmem>> -> memref<128xi32, #tpu.memory_space<vmem>>
          %dma_start3A_299 = tpu.memref_slice %arg2[%dma_start3A_289, %mul3A_276] : memref<2x320000xi32, #tpu.memory_space<hbm>> -> memref<1x128xi32, #tpu.memory_space<hbm>>
          %dma_start3A_300 = tpu.memref_squeeze %dma_start3A_299 : memref<1x128xi32, #tpu.memory_space<hbm>> -> memref<128xi32, #tpu.memory_space<hbm>>
          tpu.enqueue_dma source(%dma_start3A_300 : memref<128xi32, #tpu.memory_space<hbm>>) target(%dma_start3A_298 : memref<128xi32, #tpu.memory_space<vmem>>) target_semaphore(%arg19 : memref<!tpu.dma_semaphore, #tpu.memory_space<semaphore_mem>>)
          %dma_wait3A_301 = arith.constant 0 : i32
          %dma_wait3A_302 = arith.constant 1 : i32
          %dma_wait3A_303 = arith.constant 0 : i32
          %dma_wait3A_304 = tpu.memref_slice %arg9[%dma_wait3A_302, %dma_wait3A_303] : memref<2x128xi32, #tpu.memory_space<vmem>> -> memref<1x128xi32, #tpu.memory_space<vmem>>
          %dma_wait3A_305 = tpu.memref_squeeze %dma_wait3A_304 : memref<1x128xi32, #tpu.memory_space<vmem>> -> memref<128xi32, #tpu.memory_space<vmem>>
          %dma_wait3A_306 = tpu.memref_slice %arg2[%dma_wait3A_301, %mul3A_276] : memref<2x320000xi32, #tpu.memory_space<hbm>> -> memref<1x128xi32, #tpu.memory_space<hbm>>
          %dma_wait3A_307 = tpu.memref_squeeze %dma_wait3A_306 : memref<1x128xi32, #tpu.memory_space<hbm>> -> memref<128xi32, #tpu.memory_space<hbm>>
          %dma_wait3A_308 = arith.constant 0 : i32
          %dma_wait3A_309 = tpu.memref_slice %arg9[%dma_wait3A_302, %dma_wait3A_308] : memref<2x128xi32, #tpu.memory_space<vmem>> -> memref<1x128xi32, #tpu.memory_space<vmem>>
          %dma_wait3A_310 = tpu.memref_squeeze %dma_wait3A_309 : memref<1x128xi32, #tpu.memory_space<vmem>> -> memref<128xi32, #tpu.memory_space<vmem>>
          %dma_wait3A_311 = tpu.memref_slice %arg2[%dma_wait3A_301, %mul3A_276] : memref<2x320000xi32, #tpu.memory_space<hbm>> -> memref<1x128xi32, #tpu.memory_space<hbm>>
          %dma_wait3A_312 = tpu.memref_squeeze %dma_wait3A_311 : memref<1x128xi32, #tpu.memory_space<hbm>> -> memref<128xi32, #tpu.memory_space<hbm>>
          tpu.wait_dma2 semaphore(%arg19 : memref<!tpu.dma_semaphore, #tpu.memory_space<semaphore_mem>>) src(%dma_wait3A_312 : memref<128xi32, #tpu.memory_space<hbm>>) dst(%dma_wait3A_310 : memref<128xi32, #tpu.memory_space<vmem>>)
          %dma_wait3A_313 = arith.constant 1 : i32
          %dma_wait3A_314 = arith.constant 1 : i32
          %dma_wait3A_315 = arith.constant 0 : i32
          %dma_wait3A_316 = tpu.memref_slice %arg10[%dma_wait3A_314, %dma_wait3A_315] : memref<2x128xi32, #tpu.memory_space<vmem>> -> memref<1x128xi32, #tpu.memory_space<vmem>>
          %dma_wait3A_317 = tpu.memref_squeeze %dma_wait3A_316 : memref<1x128xi32, #tpu.memory_space<vmem>> -> memref<128xi32, #tpu.memory_space<vmem>>
          %dma_wait3A_318 = tpu.memref_slice %arg2[%dma_wait3A_313, %mul3A_276] : memref<2x320000xi32, #tpu.memory_space<hbm>> -> memref<1x128xi32, #tpu.memory_space<hbm>>
          %dma_wait3A_319 = tpu.memref_squeeze %dma_wait3A_318 : memref<1x128xi32, #tpu.memory_space<hbm>> -> memref<128xi32, #tpu.memory_space<hbm>>
          %dma_wait3A_320 = arith.constant 0 : i32
          %dma_wait3A_321 = tpu.memref_slice %arg10[%dma_wait3A_314, %dma_wait3A_320] : memref<2x128xi32, #tpu.memory_space<vmem>> -> memref<1x128xi32, #tpu.memory_space<vmem>>
          %dma_wait3A_322 = tpu.memref_squeeze %dma_wait3A_321 : memref<1x128xi32, #tpu.memory_space<vmem>> -> memref<128xi32, #tpu.memory_space<vmem>>
          %dma_wait3A_323 = tpu.memref_slice %arg2[%dma_wait3A_313, %mul3A_276] : memref<2x320000xi32, #tpu.memory_space<hbm>> -> memref<1x128xi32, #tpu.memory_space<hbm>>
          %dma_wait3A_324 = tpu.memref_squeeze %dma_wait3A_323 : memref<1x128xi32, #tpu.memory_space<hbm>> -> memref<128xi32, #tpu.memory_space<hbm>>
          tpu.wait_dma2 semaphore(%arg19 : memref<!tpu.dma_semaphore, #tpu.memory_space<semaphore_mem>>) src(%dma_wait3A_324 : memref<128xi32, #tpu.memory_space<hbm>>) dst(%dma_wait3A_322 : memref<128xi32, #tpu.memory_space<vmem>>)
        } else {
        }
        %dma_wait3A_257 = arith.constant 0 : i32
        %dma_wait3A_258 = arith.constant 0 : i32
        %dma_wait3A_259 = tpu.memref_slice %arg18[%dma_wait3A_257, %dma_wait3A_258] : memref<10000x144xf32, #tpu.memory_space<vmem_shared>> -> memref<10000x144xf32, #tpu.memory_space<vmem_shared>>
        tpu.wait_indirect_dma semaphore(%arg21 : memref<!tpu.dma_semaphore, #tpu.memory_space<semaphore_mem>>) src(%arg17 : memref<128x144xf32, #tpu.memory_space<vmem>>) dst(%dma_wait3A_259 : memref<10000x144xf32, #tpu.memory_space<vmem_shared>>)
        %add3A_260 = arith.constant 1 : i32
        %add3A_261 = arith.addi %add3A_215, %add3A_260 : i32
        %mul3A_262 = arith.constant 32 : i32
        %mul3A_263 = arith.muli %add3A_261, %mul3A_262 : i32
        %add3A_264 = arith.addi %add3A, %mul3A_263 : i32
        %lt3A_265 = arith.constant 2500 : i32
        %lt3A_266 = arith.cmpi slt, %add3A_264, %lt3A_265 : i32
        %convert_element_type3A_267 = arith.extui %lt3A_266 : i1 to i32
        %cond3A_268 = arith.constant 0 : i32
        %cond3A_269 = arith.cmpi ne, %convert_element_type3A_267, %cond3A_268 : i32
        scf.if %cond3A_269 {
          %dma_wait3A_270 = arith.constant 0 : i32
          %dma_wait3A_271 = arith.constant 0 : i32
          %dma_wait3A_272 = tpu.memref_slice %arg9[%dma_wait3A_270, %dma_wait3A_271] : memref<2x128xi32, #tpu.memory_space<vmem>> -> memref<1x128xi32, #tpu.memory_space<vmem>>
          %dma_wait3A_273 = tpu.memref_squeeze %dma_wait3A_272 : memref<1x128xi32, #tpu.memory_space<vmem>> -> memref<128xi32, #tpu.memory_space<vmem>>
          %dma_wait3A_274 = arith.constant 0 : i32
          %dma_wait3A_275 = arith.constant 0 : i32
          %dma_wait3A_276 = tpu.memref_slice %arg3[%dma_wait3A_274, %dma_wait3A_275] : memref<10000x64xi32, #tpu.memory_space<hbm>> -> memref<10000x64xi32, #tpu.memory_space<hbm>>
          tpu.wait_indirect_dma semaphore(%arg20 : memref<!tpu.dma_semaphore, #tpu.memory_space<semaphore_mem>>) src(%dma_wait3A_276 : memref<10000x64xi32, #tpu.memory_space<hbm>>) dst(%arg14 : memref<128x64xi32, #tpu.memory_space<vmem>>)
          %dma_wait3A_277 = arith.constant 0 : i32
          %dma_wait3A_278 = arith.constant 0 : i32
          %dma_wait3A_279 = arith.constant 0 : i32
          %dma_wait3A_280 = tpu.memref_slice %arg11[%dma_wait3A_278, %dma_wait3A_279] : memref<2x128xf32, #tpu.memory_space<vmem>> -> memref<1x128xf32, #tpu.memory_space<vmem>>
          %dma_wait3A_281 = tpu.memref_squeeze %dma_wait3A_280 : memref<1x128xf32, #tpu.memory_space<vmem>> -> memref<128xf32, #tpu.memory_space<vmem>>
          %dma_wait3A_282 = arith.constant 0 : i32
          %dma_wait3A_283 = tpu.memref_slice %arg9[%dma_wait3A_277, %dma_wait3A_282] : memref<2x128xi32, #tpu.memory_space<vmem>> -> memref<1x128xi32, #tpu.memory_space<vmem>>
          %dma_wait3A_284 = tpu.memref_squeeze %dma_wait3A_283 : memref<1x128xi32, #tpu.memory_space<vmem>> -> memref<128xi32, #tpu.memory_space<vmem>>
          %dma_wait3A_285 = arith.constant 0 : i32
          %dma_wait3A_286 = tpu.memref_slice %arg4[%dma_wait3A_285] : memref<10000xf32, #tpu.memory_space<hbm>> -> memref<10000xf32, #tpu.memory_space<hbm>>
          tpu.wait_indirect_dma semaphore(%arg20 : memref<!tpu.dma_semaphore, #tpu.memory_space<semaphore_mem>>) src(%dma_wait3A_286 : memref<10000xf32, #tpu.memory_space<hbm>>) dst(%dma_wait3A_281 : memref<128xf32, #tpu.memory_space<vmem>>)
          %dma_wait3A_287 = arith.constant 0 : i32
          %dma_wait3A_288 = arith.constant 0 : i32
          %dma_wait3A_289 = arith.constant 0 : i32
          %dma_wait3A_290 = tpu.memref_slice %arg12[%dma_wait3A_288, %dma_wait3A_289] : memref<2x128xf32, #tpu.memory_space<vmem>> -> memref<1x128xf32, #tpu.memory_space<vmem>>
          %dma_wait3A_291 = tpu.memref_squeeze %dma_wait3A_290 : memref<1x128xf32, #tpu.memory_space<vmem>> -> memref<128xf32, #tpu.memory_space<vmem>>
          %dma_wait3A_292 = arith.constant 0 : i32
          %dma_wait3A_293 = tpu.memref_slice %arg10[%dma_wait3A_287, %dma_wait3A_292] : memref<2x128xi32, #tpu.memory_space<vmem>> -> memref<1x128xi32, #tpu.memory_space<vmem>>
          %dma_wait3A_294 = tpu.memref_squeeze %dma_wait3A_293 : memref<1x128xi32, #tpu.memory_space<vmem>> -> memref<128xi32, #tpu.memory_space<vmem>>
          %dma_wait3A_295 = arith.constant 0 : i32
          %dma_wait3A_296 = tpu.memref_slice %arg5[%dma_wait3A_295] : memref<10000xf32, #tpu.memory_space<hbm>> -> memref<10000xf32, #tpu.memory_space<hbm>>
          tpu.wait_indirect_dma semaphore(%arg20 : memref<!tpu.dma_semaphore, #tpu.memory_space<semaphore_mem>>) src(%dma_wait3A_296 : memref<10000xf32, #tpu.memory_space<hbm>>) dst(%dma_wait3A_291 : memref<128xf32, #tpu.memory_space<vmem>>)
        } else {
        }
      } else {
      }
    }
    %scan3A_195 = arith.constant 40 : i32
    %barrier3A_196 = arith.constant 0 : index
    tpu.barrier barrier_id(%barrier3A_196)
    %mul3A_197 = arith.constant 625 : i32
    %mul3A_198 = arith.muli %arg1, %mul3A_197 : i32
    %mul3A_199 = arith.constant 625 : i32
    %mul3A_200 = arith.muli %arg1, %mul3A_199 : i32
    "tpu.region"() ({
      %run_scoped3A = tpu.sem_alloc : memref<!tpu.dma_semaphore, #tpu.memory_space<semaphore_mem>>
      %dma_start3A_201 = arith.constant 0 : i32
      %dma_start3A_202 = tpu.memref_slice %arg7[%arg0, %mul3A_200, %dma_start3A_201] : memref<2x10000x144xf32, #tpu.memory_space<hbm>> -> memref<1x625x144xf32, #tpu.memory_space<hbm>>
      %dma_start3A_203 = tpu.memref_squeeze %dma_start3A_202 : memref<1x625x144xf32, #tpu.memory_space<hbm>> -> memref<625x144xf32, #tpu.memory_space<hbm>>
      %dma_start3A_204 = arith.constant 0 : i32
      %dma_start3A_205 = tpu.memref_slice %arg18[%mul3A_198, %dma_start3A_204] : memref<10000x144xf32, #tpu.memory_space<vmem_shared>> -> memref<625x144xf32, #tpu.memory_space<vmem_shared>>
      tpu.enqueue_dma source(%dma_start3A_205 : memref<625x144xf32, #tpu.memory_space<vmem_shared>>) target(%dma_start3A_203 : memref<625x144xf32, #tpu.memory_space<hbm>>) target_semaphore(%run_scoped3A : memref<!tpu.dma_semaphore, #tpu.memory_space<semaphore_mem>>)
      %dma_wait3A_206 = arith.constant 0 : i32
      %dma_wait3A_207 = tpu.memref_slice %arg7[%arg0, %mul3A_200, %dma_wait3A_206] : memref<2x10000x144xf32, #tpu.memory_space<hbm>> -> memref<1x625x144xf32, #tpu.memory_space<hbm>>
      %dma_wait3A_208 = tpu.memref_squeeze %dma_wait3A_207 : memref<1x625x144xf32, #tpu.memory_space<hbm>> -> memref<625x144xf32, #tpu.memory_space<hbm>>
      %dma_wait3A_209 = arith.constant 0 : i32
      %dma_wait3A_210 = tpu.memref_slice %arg18[%mul3A_198, %dma_wait3A_209] : memref<10000x144xf32, #tpu.memory_space<vmem_shared>> -> memref<625x144xf32, #tpu.memory_space<vmem_shared>>
      tpu.wait_dma2 semaphore(%run_scoped3A : memref<!tpu.dma_semaphore, #tpu.memory_space<semaphore_mem>>) src(%dma_wait3A_210 : memref<625x144xf32, #tpu.memory_space<vmem_shared>>) dst(%dma_wait3A_208 : memref<625x144xf32, #tpu.memory_space<hbm>>)
      tpu.yield
    }) : () -> ()
    return
  }
}

#map = affine_map<(d0, d1) -> (0, 0)>
#map1 = affine_map<(d0, d1) -> (0)>
#map2 = affine_map<(d0, d1) -> (0, 0, 0)>
module attributes {stable_mosaic.version = 14 : i64} {
  func.func @_sc_gat(%arg0: i32, %arg1: i32, %arg2: memref<2x320000xi32, #tpu.memory_space<hbm>>, %arg3: memref<10000x64xi32, #tpu.memory_space<hbm>>, %arg4: memref<10000xf32, #tpu.memory_space<hbm>>, %arg5: memref<10000xf32, #tpu.memory_space<hbm>>, %arg6: memref<16xf32, #tpu.memory_space<hbm>>, %arg7: memref<2x10000x144xf32, #tpu.memory_space<hbm>>, %arg8: memref<16xf32, #tpu.memory_space<vmem>>, %arg9: memref<2x128xi32, #tpu.memory_space<vmem>>, %arg10: memref<2x128xi32, #tpu.memory_space<vmem>>, %arg11: memref<2x128xf32, #tpu.memory_space<vmem>>, %arg12: memref<2x128xf32, #tpu.memory_space<vmem>>, %arg13: memref<128xf32, #tpu.memory_space<vmem>>, %arg14: memref<128x64xi32, #tpu.memory_space<vmem>>, %arg15: memref<128x64xi32, #tpu.memory_space<vmem>>, %arg16: memref<128xi32, #tpu.memory_space<vmem>>, %arg17: memref<128x144xf32, #tpu.memory_space<vmem>>, %arg18: memref<10000x144xf32, #tpu.memory_space<vmem_shared>>, %arg19: memref<!tpu.dma_semaphore, #tpu.memory_space<semaphore_mem>>, %arg20: memref<!tpu.dma_semaphore, #tpu.memory_space<semaphore_mem>>, %arg21: memref<!tpu.dma_semaphore, #tpu.memory_space<semaphore_mem>>) attributes {dimension_semantics = [#tpu.dimension_semantics<core_parallel>, #tpu.dimension_semantics<subcore_parallel>], iteration_bounds = array<i64: 2, 16>, scalar_prefetch = 0 : i64, scratch_operands = 14 : i64, tpu.core_type = #tpu.core_type<sc_vector_subcore>, window_params = [{transform_indices = #map}, {transform_indices = #map}, {transform_indices = #map1}, {transform_indices = #map1}, {transform_indices = #map1}, {transform_indices = #map2}]} {
    %mul3A = arith.constant 2 : i32
    %mul3A_0 = arith.muli %arg1, %mul3A : i32
    %add3A = arith.addi %mul3A_0, %arg0 : i32
    %iota3A = tpu.iota {dimensions = array<i32: 0>} : vector<16xi32>
    %eq3A = arith.constant 0 : i32
    %eq3A_1 = vector.broadcast %eq3A : i32 to vector<16xi32>
    %eq3A_2 = arith.cmpi eq, %iota3A, %eq3A_1 : vector<16xi32>
    %convert_element_type3A = arith.extui %eq3A_2 : vector<16xi1> to vector<16xi32>
    %convert_element_type3A_3 = arith.sitofp %convert_element_type3A : vector<16xi32> to vector<16xf32>
    %broadcast_in_dim3A = arith.constant 0.000000e+00 : f32
    %broadcast_in_dim3A_4 = vector.broadcast %broadcast_in_dim3A : f32 to vector<16xf32>
    %broadcast_in_dim3A_5 = arith.constant 0 : i32
    %broadcast_in_dim3A_6 = vector.broadcast %broadcast_in_dim3A_5 : i32 to vector<16xi32>
    %broadcast_in_dim3A_7 = arith.constant -65536 : i32
    %broadcast_in_dim3A_8 = vector.broadcast %broadcast_in_dim3A_7 : i32 to vector<16xi32>
    "tpu.region"() ({
      %run_scoped3A = tpu.sem_alloc : memref<!tpu.dma_semaphore, #tpu.memory_space<semaphore_mem>>
      tpu.enqueue_dma source(%arg6 : memref<16xf32, #tpu.memory_space<hbm>>) target(%arg8 : memref<16xf32, #tpu.memory_space<vmem>>) target_semaphore(%run_scoped3A : memref<!tpu.dma_semaphore, #tpu.memory_space<semaphore_mem>>)
      tpu.wait_dma2 semaphore(%run_scoped3A : memref<!tpu.dma_semaphore, #tpu.memory_space<semaphore_mem>>) src(%arg6 : memref<16xf32, #tpu.memory_space<hbm>>) dst(%arg8 : memref<16xf32, #tpu.memory_space<vmem>>)
      tpu.yield
    }) : () -> ()
    %get3A = arith.constant 0 : index
    %get3A_9 = tpu.vector_load %arg8[%get3A] {strides = array<i32>} : memref<16xf32, #tpu.memory_space<vmem>>, vector<16xf32>,
    %scan3A = arith.constant 0 : i32
    %scan3A_10 = arith.constant 128 : i32
    %scan3A_11 = arith.addi %scan3A, %scan3A_10 : i32
    %scan3A_12 = arith.constant 1 : i32
    scf.for %scan3A_201 = %scan3A to %scan3A_11 step %scan3A_12  : i32 {
      %mul3A_202 = arith.constant 1 : i32
      %mul3A_203 = arith.muli %scan3A_201, %mul3A_202 : i32
      %add3A_204 = arith.constant 0 : i32
      %add3A_205 = arith.addi %add3A_204, %mul3A_203 : i32
      %scan3A_206 = arith.constant 0 : i32
      %scan3A_207 = arith.constant 9 : i32
      %scan3A_208 = arith.addi %scan3A_206, %scan3A_207 : i32
      %scan3A_209 = arith.constant 1 : i32
      scf.for %scan3A_211 = %scan3A_206 to %scan3A_208 step %scan3A_209  : i32 {
        %mul3A_212 = arith.constant 16 : i32
        %mul3A_213 = arith.muli %scan3A_211, %mul3A_212 : i32
        %add3A_214 = arith.constant 0 : i32
        %add3A_215 = arith.addi %add3A_214, %mul3A_213 : i32
        %swap3A = arith.index_cast %add3A_205 : i32 to index
        %swap3A_216 = arith.index_cast %add3A_215 : i32 to index
        %swap3A_217 = tpu.vector_load %arg17[%swap3A, %swap3A_216] {strides = array<i32>} : memref<128x144xf32, #tpu.memory_space<vmem>>, vector<16xf32>,
        tpu.vector_store %arg17[%swap3A, %swap3A_216], %broadcast_in_dim3A_4 {strides = array<i32>} : memref<128x144xf32, #tpu.memory_space<vmem>>, vector<16xf32>,
      }
      %scan3A_210 = arith.constant 9 : i32
    }
    %scan3A_13 = arith.constant 128 : i32
    %scan3A_14 = arith.constant 0 : i32
    %scan3A_15 = arith.constant 4 : i32
    %scan3A_16 = arith.addi %scan3A_14, %scan3A_15 : i32
    %scan3A_17 = arith.constant 1 : i32
    scf.for %scan3A_201 = %scan3A_14 to %scan3A_16 step %scan3A_17  : i32 {
      %mul3A_202 = arith.constant 1 : i32
      %mul3A_203 = arith.muli %scan3A_201, %mul3A_202 : i32
      %add3A_204 = arith.constant 0 : i32
      %add3A_205 = arith.addi %add3A_204, %mul3A_203 : i32
      %mul3A_206 = arith.constant 625 : i32
      %mul3A_207 = arith.muli %arg1, %mul3A_206 : i32
      %mul3A_208 = arith.constant 128 : i32
      %mul3A_209 = arith.muli %add3A_205, %mul3A_208 : i32
      %add3A_210 = arith.addi %mul3A_207, %mul3A_209 : i32
      "tpu.region"() ({
        %run_scoped3A = tpu.sem_alloc : memref<!tpu.dma_semaphore, #tpu.memory_space<semaphore_mem>>
        %dma_start3A_211 = arith.constant 0 : i32
        %dma_start3A_212 = tpu.memref_slice %arg18[%add3A_210, %dma_start3A_211] : memref<10000x144xf32, #tpu.memory_space<vmem_shared>> -> memref<128x144xf32, #tpu.memory_space<vmem_shared>>
        %dma_start3A_213 = arith.constant 0 : i32
        %dma_start3A_214 = tpu.memref_slice %arg18[%add3A_210, %dma_start3A_213] : memref<10000x144xf32, #tpu.memory_space<vmem_shared>> -> memref<128x144xf32, #tpu.memory_space<vmem_shared>>
        tpu.enqueue_dma source(%arg17 : memref<128x144xf32, #tpu.memory_space<vmem>>) target(%dma_start3A_214 : memref<128x144xf32, #tpu.memory_space<vmem_shared>>) target_semaphore(%run_scoped3A : memref<!tpu.dma_semaphore, #tpu.memory_space<semaphore_mem>>)
        %dma_wait3A_215 = arith.constant 0 : i32
        %dma_wait3A_216 = tpu.memref_slice %arg18[%add3A_210, %dma_wait3A_215] : memref<10000x144xf32, #tpu.memory_space<vmem_shared>> -> memref<128x144xf32, #tpu.memory_space<vmem_shared>>
        %dma_wait3A_217 = arith.constant 0 : i32
        %dma_wait3A_218 = tpu.memref_slice %arg18[%add3A_210, %dma_wait3A_217] : memref<10000x144xf32, #tpu.memory_space<vmem_shared>> -> memref<128x144xf32, #tpu.memory_space<vmem_shared>>
        tpu.wait_dma2 semaphore(%run_scoped3A : memref<!tpu.dma_semaphore, #tpu.memory_space<semaphore_mem>>) src(%arg17 : memref<128x144xf32, #tpu.memory_space<vmem>>) dst(%dma_wait3A_218 : memref<128x144xf32, #tpu.memory_space<vmem_shared>>)
        tpu.yield
      }) : () -> ()
    }
    %scan3A_18 = arith.constant 4 : i32
    %mul3A_19 = arith.constant 625 : i32
    %mul3A_20 = arith.muli %arg1, %mul3A_19 : i32
    %add3A_21 = arith.constant 512 : i32
    %add3A_22 = arith.addi %mul3A_20, %add3A_21 : i32
    "tpu.region"() ({
      %run_scoped3A = tpu.sem_alloc : memref<!tpu.dma_semaphore, #tpu.memory_space<semaphore_mem>>
      %dma_start3A_201 = arith.constant 0 : i32
      %dma_start3A_202 = arith.constant 0 : i32
      %dma_start3A_203 = tpu.memref_slice %arg17[%dma_start3A_201, %dma_start3A_202] : memref<128x144xf32, #tpu.memory_space<vmem>> -> memref<113x144xf32, #tpu.memory_space<vmem>>
      %dma_start3A_204 = arith.constant 0 : i32
      %dma_start3A_205 = tpu.memref_slice %arg18[%add3A_22, %dma_start3A_204] : memref<10000x144xf32, #tpu.memory_space<vmem_shared>> -> memref<113x144xf32, #tpu.memory_space<vmem_shared>>
      %dma_start3A_206 = arith.constant 0 : i32
      %dma_start3A_207 = tpu.memref_slice %arg18[%add3A_22, %dma_start3A_206] : memref<10000x144xf32, #tpu.memory_space<vmem_shared>> -> memref<113x144xf32, #tpu.memory_space<vmem_shared>>
      %dma_start3A_208 = arith.constant 0 : i32
      %dma_start3A_209 = arith.constant 0 : i32
      %dma_start3A_210 = tpu.memref_slice %arg17[%dma_start3A_208, %dma_start3A_209] : memref<128x144xf32, #tpu.memory_space<vmem>> -> memref<113x144xf32, #tpu.memory_space<vmem>>
      tpu.enqueue_dma source(%dma_start3A_210 : memref<113x144xf32, #tpu.memory_space<vmem>>) target(%dma_start3A_207 : memref<113x144xf32, #tpu.memory_space<vmem_shared>>) target_semaphore(%run_scoped3A : memref<!tpu.dma_semaphore, #tpu.memory_space<semaphore_mem>>)
      %dma_wait3A_211 = arith.constant 0 : i32
      %dma_wait3A_212 = arith.constant 0 : i32
      %dma_wait3A_213 = tpu.memref_slice %arg17[%dma_wait3A_211, %dma_wait3A_212] : memref<128x144xf32, #tpu.memory_space<vmem>> -> memref<113x144xf32, #tpu.memory_space<vmem>>
      %dma_wait3A_214 = arith.constant 0 : i32
      %dma_wait3A_215 = tpu.memref_slice %arg18[%add3A_22, %dma_wait3A_214] : memref<10000x144xf32, #tpu.memory_space<vmem_shared>> -> memref<113x144xf32, #tpu.memory_space<vmem_shared>>
      %dma_wait3A_216 = arith.constant 0 : i32
      %dma_wait3A_217 = tpu.memref_slice %arg18[%add3A_22, %dma_wait3A_216] : memref<10000x144xf32, #tpu.memory_space<vmem_shared>> -> memref<113x144xf32, #tpu.memory_space<vmem_shared>>
      %dma_wait3A_218 = arith.constant 0 : i32
      %dma_wait3A_219 = arith.constant 0 : i32
      %dma_wait3A_220 = tpu.memref_slice %arg17[%dma_wait3A_218, %dma_wait3A_219] : memref<128x144xf32, #tpu.memory_space<vmem>> -> memref<113x144xf32, #tpu.memory_space<vmem>>
      tpu.wait_dma2 semaphore(%run_scoped3A : memref<!tpu.dma_semaphore, #tpu.memory_space<semaphore_mem>>) src(%dma_wait3A_220 : memref<113x144xf32, #tpu.memory_space<vmem>>) dst(%dma_wait3A_217 : memref<113x144xf32, #tpu.memory_space<vmem_shared>>)
      tpu.yield
    }) : () -> ()
    %barrier3A = arith.constant 0 : index
    tpu.barrier barrier_id(%barrier3A)
    %add3A_23 = arith.constant 0 : i32
    %add3A_24 = arith.addi %add3A, %add3A_23 : i32
    %mul3A_25 = arith.constant 128 : i32
    %mul3A_26 = arith.muli %add3A_24, %mul3A_25 : i32
    %dma_start3A = arith.constant 0 : i32
    %dma_start3A_27 = arith.constant 0 : i32
    %dma_start3A_28 = arith.constant 0 : i32
    %dma_start3A_29 = tpu.memref_slice %arg9[%dma_start3A_27, %dma_start3A_28] : memref<2x128xi32, #tpu.memory_space<vmem>> -> memref<1x128xi32, #tpu.memory_space<vmem>>
    %dma_start3A_30 = tpu.memref_squeeze %dma_start3A_29 : memref<1x128xi32, #tpu.memory_space<vmem>> -> memref<128xi32, #tpu.memory_space<vmem>>
    %dma_start3A_31 = tpu.memref_slice %arg2[%dma_start3A, %mul3A_26] : memref<2x320000xi32, #tpu.memory_space<hbm>> -> memref<1x128xi32, #tpu.memory_space<hbm>>
    %dma_start3A_32 = tpu.memref_squeeze %dma_start3A_31 : memref<1x128xi32, #tpu.memory_space<hbm>> -> memref<128xi32, #tpu.memory_space<hbm>>
    %dma_start3A_33 = arith.constant 0 : i32
    %dma_start3A_34 = tpu.memref_slice %arg9[%dma_start3A_27, %dma_start3A_33] : memref<2x128xi32, #tpu.memory_space<vmem>> -> memref<1x128xi32, #tpu.memory_space<vmem>>
    %dma_start3A_35 = tpu.memref_squeeze %dma_start3A_34 : memref<1x128xi32, #tpu.memory_space<vmem>> -> memref<128xi32, #tpu.memory_space<vmem>>
    %dma_start3A_36 = tpu.memref_slice %arg2[%dma_start3A, %mul3A_26] : memref<2x320000xi32, #tpu.memory_space<hbm>> -> memref<1x128xi32, #tpu.memory_space<hbm>>
    %dma_start3A_37 = tpu.memref_squeeze %dma_start3A_36 : memref<1x128xi32, #tpu.memory_space<hbm>> -> memref<128xi32, #tpu.memory_space<hbm>>
    tpu.enqueue_dma source(%dma_start3A_37 : memref<128xi32, #tpu.memory_space<hbm>>) target(%dma_start3A_35 : memref<128xi32, #tpu.memory_space<vmem>>) target_semaphore(%arg19 : memref<!tpu.dma_semaphore, #tpu.memory_space<semaphore_mem>>)
    %dma_start3A_38 = arith.constant 1 : i32
    %dma_start3A_39 = arith.constant 0 : i32
    %dma_start3A_40 = arith.constant 0 : i32
    %dma_start3A_41 = tpu.memref_slice %arg10[%dma_start3A_39, %dma_start3A_40] : memref<2x128xi32, #tpu.memory_space<vmem>> -> memref<1x128xi32, #tpu.memory_space<vmem>>
    %dma_start3A_42 = tpu.memref_squeeze %dma_start3A_41 : memref<1x128xi32, #tpu.memory_space<vmem>> -> memref<128xi32, #tpu.memory_space<vmem>>
    %dma_start3A_43 = tpu.memref_slice %arg2[%dma_start3A_38, %mul3A_26] : memref<2x320000xi32, #tpu.memory_space<hbm>> -> memref<1x128xi32, #tpu.memory_space<hbm>>
    %dma_start3A_44 = tpu.memref_squeeze %dma_start3A_43 : memref<1x128xi32, #tpu.memory_space<hbm>> -> memref<128xi32, #tpu.memory_space<hbm>>
    %dma_start3A_45 = arith.constant 0 : i32
    %dma_start3A_46 = tpu.memref_slice %arg10[%dma_start3A_39, %dma_start3A_45] : memref<2x128xi32, #tpu.memory_space<vmem>> -> memref<1x128xi32, #tpu.memory_space<vmem>>
    %dma_start3A_47 = tpu.memref_squeeze %dma_start3A_46 : memref<1x128xi32, #tpu.memory_space<vmem>> -> memref<128xi32, #tpu.memory_space<vmem>>
    %dma_start3A_48 = tpu.memref_slice %arg2[%dma_start3A_38, %mul3A_26] : memref<2x320000xi32, #tpu.memory_space<hbm>> -> memref<1x128xi32, #tpu.memory_space<hbm>>
    %dma_start3A_49 = tpu.memref_squeeze %dma_start3A_48 : memref<1x128xi32, #tpu.memory_space<hbm>> -> memref<128xi32, #tpu.memory_space<hbm>>
    tpu.enqueue_dma source(%dma_start3A_49 : memref<128xi32, #tpu.memory_space<hbm>>) target(%dma_start3A_47 : memref<128xi32, #tpu.memory_space<vmem>>) target_semaphore(%arg19 : memref<!tpu.dma_semaphore, #tpu.memory_space<semaphore_mem>>)
    %mul3A_50 = arith.constant 128 : i32
    %mul3A_51 = arith.muli %add3A, %mul3A_50 : i32
    %dma_wait3A = arith.constant 0 : i32
    %dma_wait3A_52 = arith.constant 0 : i32
    %dma_wait3A_53 = arith.constant 0 : i32
    %dma_wait3A_54 = tpu.memref_slice %arg9[%dma_wait3A_52, %dma_wait3A_53] : memref<2x128xi32, #tpu.memory_space<vmem>> -> memref<1x128xi32, #tpu.memory_space<vmem>>
    %dma_wait3A_55 = tpu.memref_squeeze %dma_wait3A_54 : memref<1x128xi32, #tpu.memory_space<vmem>> -> memref<128xi32, #tpu.memory_space<vmem>>
    %dma_wait3A_56 = tpu.memref_slice %arg2[%dma_wait3A, %mul3A_51] : memref<2x320000xi32, #tpu.memory_space<hbm>> -> memref<1x128xi32, #tpu.memory_space<hbm>>
    %dma_wait3A_57 = tpu.memref_squeeze %dma_wait3A_56 : memref<1x128xi32, #tpu.memory_space<hbm>> -> memref<128xi32, #tpu.memory_space<hbm>>
    %dma_wait3A_58 = arith.constant 0 : i32
    %dma_wait3A_59 = tpu.memref_slice %arg9[%dma_wait3A_52, %dma_wait3A_58] : memref<2x128xi32, #tpu.memory_space<vmem>> -> memref<1x128xi32, #tpu.memory_space<vmem>>
    %dma_wait3A_60 = tpu.memref_squeeze %dma_wait3A_59 : memref<1x128xi32, #tpu.memory_space<vmem>> -> memref<128xi32, #tpu.memory_space<vmem>>
    %dma_wait3A_61 = tpu.memref_slice %arg2[%dma_wait3A, %mul3A_51] : memref<2x320000xi32, #tpu.memory_space<hbm>> -> memref<1x128xi32, #tpu.memory_space<hbm>>
    %dma_wait3A_62 = tpu.memref_squeeze %dma_wait3A_61 : memref<1x128xi32, #tpu.memory_space<hbm>> -> memref<128xi32, #tpu.memory_space<hbm>>
    tpu.wait_dma2 semaphore(%arg19 : memref<!tpu.dma_semaphore, #tpu.memory_space<semaphore_mem>>) src(%dma_wait3A_62 : memref<128xi32, #tpu.memory_space<hbm>>) dst(%dma_wait3A_60 : memref<128xi32, #tpu.memory_space<vmem>>)
    %mul3A_63 = arith.constant 128 : i32
    %mul3A_64 = arith.muli %add3A, %mul3A_63 : i32
    %dma_wait3A_65 = arith.constant 1 : i32
    %dma_wait3A_66 = arith.constant 0 : i32
    %dma_wait3A_67 = arith.constant 0 : i32
    %dma_wait3A_68 = tpu.memref_slice %arg10[%dma_wait3A_66, %dma_wait3A_67] : memref<2x128xi32, #tpu.memory_space<vmem>> -> memref<1x128xi32, #tpu.memory_space<vmem>>
    %dma_wait3A_69 = tpu.memref_squeeze %dma_wait3A_68 : memref<1x128xi32, #tpu.memory_space<vmem>> -> memref<128xi32, #tpu.memory_space<vmem>>
    %dma_wait3A_70 = tpu.memref_slice %arg2[%dma_wait3A_65, %mul3A_64] : memref<2x320000xi32, #tpu.memory_space<hbm>> -> memref<1x128xi32, #tpu.memory_space<hbm>>
    %dma_wait3A_71 = tpu.memref_squeeze %dma_wait3A_70 : memref<1x128xi32, #tpu.memory_space<hbm>> -> memref<128xi32, #tpu.memory_space<hbm>>
    %dma_wait3A_72 = arith.constant 0 : i32
    %dma_wait3A_73 = tpu.memref_slice %arg10[%dma_wait3A_66, %dma_wait3A_72] : memref<2x128xi32, #tpu.memory_space<vmem>> -> memref<1x128xi32, #tpu.memory_space<vmem>>
    %dma_wait3A_74 = tpu.memref_squeeze %dma_wait3A_73 : memref<1x128xi32, #tpu.memory_space<vmem>> -> memref<128xi32, #tpu.memory_space<vmem>>
    %dma_wait3A_75 = tpu.memref_slice %arg2[%dma_wait3A_65, %mul3A_64] : memref<2x320000xi32, #tpu.memory_space<hbm>> -> memref<1x128xi32, #tpu.memory_space<hbm>>
    %dma_wait3A_76 = tpu.memref_squeeze %dma_wait3A_75 : memref<1x128xi32, #tpu.memory_space<hbm>> -> memref<128xi32, #tpu.memory_space<hbm>>
    tpu.wait_dma2 semaphore(%arg19 : memref<!tpu.dma_semaphore, #tpu.memory_space<semaphore_mem>>) src(%dma_wait3A_76 : memref<128xi32, #tpu.memory_space<hbm>>) dst(%dma_wait3A_74 : memref<128xi32, #tpu.memory_space<vmem>>)
    %dma_start3A_77 = arith.constant 0 : i32
    %dma_start3A_78 = arith.constant 0 : i32
    %dma_start3A_79 = tpu.memref_slice %arg9[%dma_start3A_77, %dma_start3A_78] : memref<2x128xi32, #tpu.memory_space<vmem>> -> memref<1x128xi32, #tpu.memory_space<vmem>>
    %dma_start3A_80 = tpu.memref_squeeze %dma_start3A_79 : memref<1x128xi32, #tpu.memory_space<vmem>> -> memref<128xi32, #tpu.memory_space<vmem>>
    %dma_start3A_81 = arith.constant 0 : i32
    %dma_start3A_82 = arith.constant 0 : i32
    %dma_start3A_83 = tpu.memref_slice %arg3[%dma_start3A_81, %dma_start3A_82] : memref<10000x64xi32, #tpu.memory_space<hbm>> -> memref<10000x64xi32, #tpu.memory_space<hbm>>
    tpu.enqueue_indirect_dma source(%dma_start3A_83 : memref<10000x64xi32, #tpu.memory_space<hbm>>) target(%arg14 : memref<128x64xi32, #tpu.memory_space<vmem>>) offsets(%dma_start3A_80 : memref<128xi32, #tpu.memory_space<vmem>>) semaphore(%arg20 : memref<!tpu.dma_semaphore, #tpu.memory_space<semaphore_mem>>)
    %dma_wait3A_84 = arith.constant 0 : i32
    %dma_wait3A_85 = arith.constant 0 : i32
    %dma_wait3A_86 = tpu.memref_slice %arg9[%dma_wait3A_84, %dma_wait3A_85] : memref<2x128xi32, #tpu.memory_space<vmem>> -> memref<1x128xi32, #tpu.memory_space<vmem>>
    %dma_wait3A_87 = tpu.memref_squeeze %dma_wait3A_86 : memref<1x128xi32, #tpu.memory_space<vmem>> -> memref<128xi32, #tpu.memory_space<vmem>>
    %dma_wait3A_88 = arith.constant 0 : i32
    %dma_wait3A_89 = arith.constant 0 : i32
    %dma_wait3A_90 = tpu.memref_slice %arg3[%dma_wait3A_88, %dma_wait3A_89] : memref<10000x64xi32, #tpu.memory_space<hbm>> -> memref<10000x64xi32, #tpu.memory_space<hbm>>
    tpu.wait_indirect_dma semaphore(%arg20 : memref<!tpu.dma_semaphore, #tpu.memory_space<semaphore_mem>>) src(%dma_wait3A_90 : memref<10000x64xi32, #tpu.memory_space<hbm>>) dst(%arg14 : memref<128x64xi32, #tpu.memory_space<vmem>>)
    %dma_start3A_91 = arith.constant 0 : i32
    %dma_start3A_92 = arith.constant 0 : i32
    %dma_start3A_93 = arith.constant 0 : i32
    %dma_start3A_94 = tpu.memref_slice %arg11[%dma_start3A_92, %dma_start3A_93] : memref<2x128xf32, #tpu.memory_space<vmem>> -> memref<1x128xf32, #tpu.memory_space<vmem>>
    %dma_start3A_95 = tpu.memref_squeeze %dma_start3A_94 : memref<1x128xf32, #tpu.memory_space<vmem>> -> memref<128xf32, #tpu.memory_space<vmem>>
    %dma_start3A_96 = arith.constant 0 : i32
    %dma_start3A_97 = tpu.memref_slice %arg9[%dma_start3A_91, %dma_start3A_96] : memref<2x128xi32, #tpu.memory_space<vmem>> -> memref<1x128xi32, #tpu.memory_space<vmem>>
    %dma_start3A_98 = tpu.memref_squeeze %dma_start3A_97 : memref<1x128xi32, #tpu.memory_space<vmem>> -> memref<128xi32, #tpu.memory_space<vmem>>
    %dma_start3A_99 = arith.constant 0 : i32
    %dma_start3A_100 = tpu.memref_slice %arg4[%dma_start3A_99] : memref<10000xf32, #tpu.memory_space<hbm>> -> memref<10000xf32, #tpu.memory_space<hbm>>
    tpu.enqueue_indirect_dma source(%dma_start3A_100 : memref<10000xf32, #tpu.memory_space<hbm>>) target(%dma_start3A_95 : memref<128xf32, #tpu.memory_space<vmem>>) offsets(%dma_start3A_98 : memref<128xi32, #tpu.memory_space<vmem>>) semaphore(%arg20 : memref<!tpu.dma_semaphore, #tpu.memory_space<semaphore_mem>>)
    %dma_wait3A_101 = arith.constant 0 : i32
    %dma_wait3A_102 = arith.constant 0 : i32
    %dma_wait3A_103 = arith.constant 0 : i32
    %dma_wait3A_104 = tpu.memref_slice %arg11[%dma_wait3A_102, %dma_wait3A_103] : memref<2x128xf32, #tpu.memory_space<vmem>> -> memref<1x128xf32, #tpu.memory_space<vmem>>
    %dma_wait3A_105 = tpu.memref_squeeze %dma_wait3A_104 : memref<1x128xf32, #tpu.memory_space<vmem>> -> memref<128xf32, #tpu.memory_space<vmem>>
    %dma_wait3A_106 = arith.constant 0 : i32
    %dma_wait3A_107 = tpu.memref_slice %arg9[%dma_wait3A_101, %dma_wait3A_106] : memref<2x128xi32, #tpu.memory_space<vmem>> -> memref<1x128xi32, #tpu.memory_space<vmem>>
    %dma_wait3A_108 = tpu.memref_squeeze %dma_wait3A_107 : memref<1x128xi32, #tpu.memory_space<vmem>> -> memref<128xi32, #tpu.memory_space<vmem>>
    %dma_wait3A_109 = arith.constant 0 : i32
    %dma_wait3A_110 = tpu.memref_slice %arg4[%dma_wait3A_109] : memref<10000xf32, #tpu.memory_space<hbm>> -> memref<10000xf32, #tpu.memory_space<hbm>>
    tpu.wait_indirect_dma semaphore(%arg20 : memref<!tpu.dma_semaphore, #tpu.memory_space<semaphore_mem>>) src(%dma_wait3A_110 : memref<10000xf32, #tpu.memory_space<hbm>>) dst(%dma_wait3A_105 : memref<128xf32, #tpu.memory_space<vmem>>)
    %dma_start3A_111 = arith.constant 0 : i32
    %dma_start3A_112 = arith.constant 0 : i32
    %dma_start3A_113 = arith.constant 0 : i32
    %dma_start3A_114 = tpu.memref_slice %arg12[%dma_start3A_112, %dma_start3A_113] : memref<2x128xf32, #tpu.memory_space<vmem>> -> memref<1x128xf32, #tpu.memory_space<vmem>>
    %dma_start3A_115 = tpu.memref_squeeze %dma_start3A_114 : memref<1x128xf32, #tpu.memory_space<vmem>> -> memref<128xf32, #tpu.memory_space<vmem>>
    %dma_start3A_116 = arith.constant 0 : i32
    %dma_start3A_117 = tpu.memref_slice %arg10[%dma_start3A_111, %dma_start3A_116] : memref<2x128xi32, #tpu.memory_space<vmem>> -> memref<1x128xi32, #tpu.memory_space<vmem>>
    %dma_start3A_118 = tpu.memref_squeeze %dma_start3A_117 : memref<1x128xi32, #tpu.memory_space<vmem>> -> memref<128xi32, #tpu.memory_space<vmem>>
    %dma_start3A_119 = arith.constant 0 : i32
    %dma_start3A_120 = tpu.memref_slice %arg5[%dma_start3A_119] : memref<10000xf32, #tpu.memory_space<hbm>> -> memref<10000xf32, #tpu.memory_space<hbm>>
    tpu.enqueue_indirect_dma source(%dma_start3A_120 : memref<10000xf32, #tpu.memory_space<hbm>>) target(%dma_start3A_115 : memref<128xf32, #tpu.memory_space<vmem>>) offsets(%dma_start3A_118 : memref<128xi32, #tpu.memory_space<vmem>>) semaphore(%arg20 : memref<!tpu.dma_semaphore, #tpu.memory_space<semaphore_mem>>)
    %dma_wait3A_121 = arith.constant 0 : i32
    %dma_wait3A_122 = arith.constant 0 : i32
    %dma_wait3A_123 = arith.constant 0 : i32
    %dma_wait3A_124 = tpu.memref_slice %arg12[%dma_wait3A_122, %dma_wait3A_123] : memref<2x128xf32, #tpu.memory_space<vmem>> -> memref<1x128xf32, #tpu.memory_space<vmem>>
    %dma_wait3A_125 = tpu.memref_squeeze %dma_wait3A_124 : memref<1x128xf32, #tpu.memory_space<vmem>> -> memref<128xf32, #tpu.memory_space<vmem>>
    %dma_wait3A_126 = arith.constant 0 : i32
    %dma_wait3A_127 = tpu.memref_slice %arg10[%dma_wait3A_121, %dma_wait3A_126] : memref<2x128xi32, #tpu.memory_space<vmem>> -> memref<1x128xi32, #tpu.memory_space<vmem>>
    %dma_wait3A_128 = tpu.memref_squeeze %dma_wait3A_127 : memref<1x128xi32, #tpu.memory_space<vmem>> -> memref<128xi32, #tpu.memory_space<vmem>>
    %dma_wait3A_129 = arith.constant 0 : i32
    %dma_wait3A_130 = tpu.memref_slice %arg5[%dma_wait3A_129] : memref<10000xf32, #tpu.memory_space<hbm>> -> memref<10000xf32, #tpu.memory_space<hbm>>
    tpu.wait_indirect_dma semaphore(%arg20 : memref<!tpu.dma_semaphore, #tpu.memory_space<semaphore_mem>>) src(%dma_wait3A_130 : memref<10000xf32, #tpu.memory_space<hbm>>) dst(%dma_wait3A_125 : memref<128xf32, #tpu.memory_space<vmem>>)
    %add3A_131 = arith.constant 32 : i32
    %add3A_132 = arith.addi %add3A, %add3A_131 : i32
    %mul3A_133 = arith.constant 128 : i32
    %mul3A_134 = arith.muli %add3A_132, %mul3A_133 : i32
    %dma_start3A_135 = arith.constant 0 : i32
    %dma_start3A_136 = arith.constant 1 : i32
    %dma_start3A_137 = arith.constant 0 : i32
    %dma_start3A_138 = tpu.memref_slice %arg9[%dma_start3A_136, %dma_start3A_137] : memref<2x128xi32, #tpu.memory_space<vmem>> -> memref<1x128xi32, #tpu.memory_space<vmem>>
    %dma_start3A_139 = tpu.memref_squeeze %dma_start3A_138 : memref<1x128xi32, #tpu.memory_space<vmem>> -> memref<128xi32, #tpu.memory_space<vmem>>
    %dma_start3A_140 = tpu.memref_slice %arg2[%dma_start3A_135, %mul3A_134] : memref<2x320000xi32, #tpu.memory_space<hbm>> -> memref<1x128xi32, #tpu.memory_space<hbm>>
    %dma_start3A_141 = tpu.memref_squeeze %dma_start3A_140 : memref<1x128xi32, #tpu.memory_space<hbm>> -> memref<128xi32, #tpu.memory_space<hbm>>
    %dma_start3A_142 = arith.constant 0 : i32
    %dma_start3A_143 = tpu.memref_slice %arg9[%dma_start3A_136, %dma_start3A_142] : memref<2x128xi32, #tpu.memory_space<vmem>> -> memref<1x128xi32, #tpu.memory_space<vmem>>
    %dma_start3A_144 = tpu.memref_squeeze %dma_start3A_143 : memref<1x128xi32, #tpu.memory_space<vmem>> -> memref<128xi32, #tpu.memory_space<vmem>>
    %dma_start3A_145 = tpu.memref_slice %arg2[%dma_start3A_135, %mul3A_134] : memref<2x320000xi32, #tpu.memory_space<hbm>> -> memref<1x128xi32, #tpu.memory_space<hbm>>
    %dma_start3A_146 = tpu.memref_squeeze %dma_start3A_145 : memref<1x128xi32, #tpu.memory_space<hbm>> -> memref<128xi32, #tpu.memory_space<hbm>>
    tpu.enqueue_dma source(%dma_start3A_146 : memref<128xi32, #tpu.memory_space<hbm>>) target(%dma_start3A_144 : memref<128xi32, #tpu.memory_space<vmem>>) target_semaphore(%arg19 : memref<!tpu.dma_semaphore, #tpu.memory_space<semaphore_mem>>)
    %dma_start3A_147 = arith.constant 1 : i32
    %dma_start3A_148 = arith.constant 1 : i32
    %dma_start3A_149 = arith.constant 0 : i32
    %dma_start3A_150 = tpu.memref_slice %arg10[%dma_start3A_148, %dma_start3A_149] : memref<2x128xi32, #tpu.memory_space<vmem>> -> memref<1x128xi32, #tpu.memory_space<vmem>>
    %dma_start3A_151 = tpu.memref_squeeze %dma_start3A_150 : memref<1x128xi32, #tpu.memory_space<vmem>> -> memref<128xi32, #tpu.memory_space<vmem>>
    %dma_start3A_152 = tpu.memref_slice %arg2[%dma_start3A_147, %mul3A_134] : memref<2x320000xi32, #tpu.memory_space<hbm>> -> memref<1x128xi32, #tpu.memory_space<hbm>>
    %dma_start3A_153 = tpu.memref_squeeze %dma_start3A_152 : memref<1x128xi32, #tpu.memory_space<hbm>> -> memref<128xi32, #tpu.memory_space<hbm>>
    %dma_start3A_154 = arith.constant 0 : i32
    %dma_start3A_155 = tpu.memref_slice %arg10[%dma_start3A_148, %dma_start3A_154] : memref<2x128xi32, #tpu.memory_space<vmem>> -> memref<1x128xi32, #tpu.memory_space<vmem>>
    %dma_start3A_156 = tpu.memref_squeeze %dma_start3A_155 : memref<1x128xi32, #tpu.memory_space<vmem>> -> memref<128xi32, #tpu.memory_space<vmem>>
    %dma_start3A_157 = tpu.memref_slice %arg2[%dma_start3A_147, %mul3A_134] : memref<2x320000xi32, #tpu.memory_space<hbm>> -> memref<1x128xi32, #tpu.memory_space<hbm>>
    %dma_start3A_158 = tpu.memref_squeeze %dma_start3A_157 : memref<1x128xi32, #tpu.memory_space<hbm>> -> memref<128xi32, #tpu.memory_space<hbm>>
    tpu.enqueue_dma source(%dma_start3A_158 : memref<128xi32, #tpu.memory_space<hbm>>) target(%dma_start3A_156 : memref<128xi32, #tpu.memory_space<vmem>>) target_semaphore(%arg19 : memref<!tpu.dma_semaphore, #tpu.memory_space<semaphore_mem>>)
    %add3A_159 = arith.constant 32 : i32
    %add3A_160 = arith.addi %add3A, %add3A_159 : i32
    %mul3A_161 = arith.constant 128 : i32
    %mul3A_162 = arith.muli %add3A_160, %mul3A_161 : i32
    %dma_wait3A_163 = arith.constant 0 : i32
    %dma_wait3A_164 = arith.constant 1 : i32
    %dma_wait3A_165 = arith.constant 0 : i32
    %dma_wait3A_166 = tpu.memref_slice %arg9[%dma_wait3A_164, %dma_wait3A_165] : memref<2x128xi32, #tpu.memory_space<vmem>> -> memref<1x128xi32, #tpu.memory_space<vmem>>
    %dma_wait3A_167 = tpu.memref_squeeze %dma_wait3A_166 : memref<1x128xi32, #tpu.memory_space<vmem>> -> memref<128xi32, #tpu.memory_space<vmem>>
    %dma_wait3A_168 = tpu.memref_slice %arg2[%dma_wait3A_163, %mul3A_162] : memref<2x320000xi32, #tpu.memory_space<hbm>> -> memref<1x128xi32, #tpu.memory_space<hbm>>
    %dma_wait3A_169 = tpu.memref_squeeze %dma_wait3A_168 : memref<1x128xi32, #tpu.memory_space<hbm>> -> memref<128xi32, #tpu.memory_space<hbm>>
    %dma_wait3A_170 = arith.constant 0 : i32
    %dma_wait3A_171 = tpu.memref_slice %arg9[%dma_wait3A_164, %dma_wait3A_170] : memref<2x128xi32, #tpu.memory_space<vmem>> -> memref<1x128xi32, #tpu.memory_space<vmem>>
    %dma_wait3A_172 = tpu.memref_squeeze %dma_wait3A_171 : memref<1x128xi32, #tpu.memory_space<vmem>> -> memref<128xi32, #tpu.memory_space<vmem>>
    %dma_wait3A_173 = tpu.memref_slice %arg2[%dma_wait3A_163, %mul3A_162] : memref<2x320000xi32, #tpu.memory_space<hbm>> -> memref<1x128xi32, #tpu.memory_space<hbm>>
    %dma_wait3A_174 = tpu.memref_squeeze %dma_wait3A_173 : memref<1x128xi32, #tpu.memory_space<hbm>> -> memref<128xi32, #tpu.memory_space<hbm>>
    tpu.wait_dma2 semaphore(%arg19 : memref<!tpu.dma_semaphore, #tpu.memory_space<semaphore_mem>>) src(%dma_wait3A_174 : memref<128xi32, #tpu.memory_space<hbm>>) dst(%dma_wait3A_172 : memref<128xi32, #tpu.memory_space<vmem>>)
    %add3A_175 = arith.constant 32 : i32
    %add3A_176 = arith.addi %add3A, %add3A_175 : i32
    %mul3A_177 = arith.constant 128 : i32
    %mul3A_178 = arith.muli %add3A_176, %mul3A_177 : i32
    %dma_wait3A_179 = arith.constant 1 : i32
    %dma_wait3A_180 = arith.constant 1 : i32
    %dma_wait3A_181 = arith.constant 0 : i32
    %dma_wait3A_182 = tpu.memref_slice %arg10[%dma_wait3A_180, %dma_wait3A_181] : memref<2x128xi32, #tpu.memory_space<vmem>> -> memref<1x128xi32, #tpu.memory_space<vmem>>
    %dma_wait3A_183 = tpu.memref_squeeze %dma_wait3A_182 : memref<1x128xi32, #tpu.memory_space<vmem>> -> memref<128xi32, #tpu.memory_space<vmem>>
    %dma_wait3A_184 = tpu.memref_slice %arg2[%dma_wait3A_179, %mul3A_178] : memref<2x320000xi32, #tpu.memory_space<hbm>> -> memref<1x128xi32, #tpu.memory_space<hbm>>
    %dma_wait3A_185 = tpu.memref_squeeze %dma_wait3A_184 : memref<1x128xi32, #tpu.memory_space<hbm>> -> memref<128xi32, #tpu.memory_space<hbm>>
    %dma_wait3A_186 = arith.constant 0 : i32
    %dma_wait3A_187 = tpu.memref_slice %arg10[%dma_wait3A_180, %dma_wait3A_186] : memref<2x128xi32, #tpu.memory_space<vmem>> -> memref<1x128xi32, #tpu.memory_space<vmem>>
    %dma_wait3A_188 = tpu.memref_squeeze %dma_wait3A_187 : memref<1x128xi32, #tpu.memory_space<vmem>> -> memref<128xi32, #tpu.memory_space<vmem>>
    %dma_wait3A_189 = tpu.memref_slice %arg2[%dma_wait3A_179, %mul3A_178] : memref<2x320000xi32, #tpu.memory_space<hbm>> -> memref<1x128xi32, #tpu.memory_space<hbm>>
    %dma_wait3A_190 = tpu.memref_squeeze %dma_wait3A_189 : memref<1x128xi32, #tpu.memory_space<hbm>> -> memref<128xi32, #tpu.memory_space<hbm>>
    tpu.wait_dma2 semaphore(%arg19 : memref<!tpu.dma_semaphore, #tpu.memory_space<semaphore_mem>>) src(%dma_wait3A_190 : memref<128xi32, #tpu.memory_space<hbm>>) dst(%dma_wait3A_188 : memref<128xi32, #tpu.memory_space<vmem>>)
    %scan3A_191 = arith.constant 0 : i32
    %scan3A_192 = arith.constant 40 : i32
    %scan3A_193 = arith.addi %scan3A_191, %scan3A_192 : i32
    %scan3A_194 = arith.constant 1 : i32
    scf.for %scan3A_201 = %scan3A_191 to %scan3A_193 step %scan3A_194  : i32 {
      %mul3A_202 = arith.constant 2 : i32
      %mul3A_203 = arith.muli %scan3A_201, %mul3A_202 : i32
      %add3A_204 = arith.constant 0 : i32
      %add3A_205 = arith.addi %add3A_204, %mul3A_203 : i32
      %add3A_206 = arith.constant 0 : i32
      %add3A_207 = arith.addi %add3A_205, %add3A_206 : i32
      %mul3A_208 = arith.constant 32 : i32
      %mul3A_209 = arith.muli %add3A_207, %mul3A_208 : i32
      %add3A_210 = arith.addi %add3A, %mul3A_209 : i32
      %lt3A = arith.constant 2500 : i32
      %lt3A_211 = arith.cmpi slt, %add3A_210, %lt3A : i32
      %convert_element_type3A_212 = arith.extui %lt3A_211 : i1 to i32
      %cond3A = arith.constant 0 : i32
      %cond3A_213 = arith.cmpi ne, %convert_element_type3A_212, %cond3A : i32
      scf.if %cond3A_213 {
        %add3A_224 = arith.constant 1 : i32
        %add3A_225 = arith.addi %add3A_207, %add3A_224 : i32
        %mul3A_226 = arith.constant 32 : i32
        %mul3A_227 = arith.muli %add3A_225, %mul3A_226 : i32
        %add3A_228 = arith.addi %add3A, %mul3A_227 : i32
        %lt3A_229 = arith.constant 2500 : i32
        %lt3A_230 = arith.cmpi slt, %add3A_228, %lt3A_229 : i32
        %convert_element_type3A_231 = arith.extui %lt3A_230 : i1 to i32
        %cond3A_232 = arith.constant 0 : i32
        %cond3A_233 = arith.cmpi ne, %convert_element_type3A_231, %cond3A_232 : i32
        scf.if %cond3A_233 {
          %dma_start3A_270 = arith.constant 1 : i32
          %dma_start3A_271 = arith.constant 0 : i32
          %dma_start3A_272 = tpu.memref_slice %arg9[%dma_start3A_270, %dma_start3A_271] : memref<2x128xi32, #tpu.memory_space<vmem>> -> memref<1x128xi32, #tpu.memory_space<vmem>>
          %dma_start3A_273 = tpu.memref_squeeze %dma_start3A_272 : memref<1x128xi32, #tpu.memory_space<vmem>> -> memref<128xi32, #tpu.memory_space<vmem>>
          %dma_start3A_274 = arith.constant 0 : i32
          %dma_start3A_275 = arith.constant 0 : i32
          %dma_start3A_276 = tpu.memref_slice %arg3[%dma_start3A_274, %dma_start3A_275] : memref<10000x64xi32, #tpu.memory_space<hbm>> -> memref<10000x64xi32, #tpu.memory_space<hbm>>
          tpu.enqueue_indirect_dma source(%dma_start3A_276 : memref<10000x64xi32, #tpu.memory_space<hbm>>) target(%arg15 : memref<128x64xi32, #tpu.memory_space<vmem>>) offsets(%dma_start3A_273 : memref<128xi32, #tpu.memory_space<vmem>>) semaphore(%arg20 : memref<!tpu.dma_semaphore, #tpu.memory_space<semaphore_mem>>)
          %dma_start3A_277 = arith.constant 1 : i32
          %dma_start3A_278 = arith.constant 1 : i32
          %dma_start3A_279 = arith.constant 0 : i32
          %dma_start3A_280 = tpu.memref_slice %arg11[%dma_start3A_278, %dma_start3A_279] : memref<2x128xf32, #tpu.memory_space<vmem>> -> memref<1x128xf32, #tpu.memory_space<vmem>>
          %dma_start3A_281 = tpu.memref_squeeze %dma_start3A_280 : memref<1x128xf32, #tpu.memory_space<vmem>> -> memref<128xf32, #tpu.memory_space<vmem>>
          %dma_start3A_282 = arith.constant 0 : i32
          %dma_start3A_283 = tpu.memref_slice %arg9[%dma_start3A_277, %dma_start3A_282] : memref<2x128xi32, #tpu.memory_space<vmem>> -> memref<1x128xi32, #tpu.memory_space<vmem>>
          %dma_start3A_284 = tpu.memref_squeeze %dma_start3A_283 : memref<1x128xi32, #tpu.memory_space<vmem>> -> memref<128xi32, #tpu.memory_space<vmem>>
          %dma_start3A_285 = arith.constant 0 : i32
          %dma_start3A_286 = tpu.memref_slice %arg4[%dma_start3A_285] : memref<10000xf32, #tpu.memory_space<hbm>> -> memref<10000xf32, #tpu.memory_space<hbm>>
          tpu.enqueue_indirect_dma source(%dma_start3A_286 : memref<10000xf32, #tpu.memory_space<hbm>>) target(%dma_start3A_281 : memref<128xf32, #tpu.memory_space<vmem>>) offsets(%dma_start3A_284 : memref<128xi32, #tpu.memory_space<vmem>>) semaphore(%arg20 : memref<!tpu.dma_semaphore, #tpu.memory_space<semaphore_mem>>)
          %dma_start3A_287 = arith.constant 1 : i32
          %dma_start3A_288 = arith.constant 1 : i32
          %dma_start3A_289 = arith.constant 0 : i32
          %dma_start3A_290 = tpu.memref_slice %arg12[%dma_start3A_288, %dma_start3A_289] : memref<2x128xf32, #tpu.memory_space<vmem>> -> memref<1x128xf32, #tpu.memory_space<vmem>>
          %dma_start3A_291 = tpu.memref_squeeze %dma_start3A_290 : memref<1x128xf32, #tpu.memory_space<vmem>> -> memref<128xf32, #tpu.memory_space<vmem>>
          %dma_start3A_292 = arith.constant 0 : i32
          %dma_start3A_293 = tpu.memref_slice %arg10[%dma_start3A_287, %dma_start3A_292] : memref<2x128xi32, #tpu.memory_space<vmem>> -> memref<1x128xi32, #tpu.memory_space<vmem>>
          %dma_start3A_294 = tpu.memref_squeeze %dma_start3A_293 : memref<1x128xi32, #tpu.memory_space<vmem>> -> memref<128xi32, #tpu.memory_space<vmem>>
          %dma_start3A_295 = arith.constant 0 : i32
          %dma_start3A_296 = tpu.memref_slice %arg5[%dma_start3A_295] : memref<10000xf32, #tpu.memory_space<hbm>> -> memref<10000xf32, #tpu.memory_space<hbm>>
          tpu.enqueue_indirect_dma source(%dma_start3A_296 : memref<10000xf32, #tpu.memory_space<hbm>>) target(%dma_start3A_291 : memref<128xf32, #tpu.memory_space<vmem>>) offsets(%dma_start3A_294 : memref<128xi32, #tpu.memory_space<vmem>>) semaphore(%arg20 : memref<!tpu.dma_semaphore, #tpu.memory_space<semaphore_mem>>)
        } else {
        }
        %parallel_loop3A = arith.constant 0 : i32
        %parallel_loop3A_234 = arith.constant 128 : i32
        %parallel_loop3A_235 = arith.constant 16 : i32
        scf.for %parallel_loop3A_270 = %parallel_loop3A to %parallel_loop3A_234 step %parallel_loop3A_235  : i32 {
          %parallel_loop3A_271 = arith.constant 0 : i32
          %parallel_loop3A_272 = arith.index_cast %parallel_loop3A_271 : i32 to index
          %parallel_loop3A_273 = arith.index_cast %parallel_loop3A_270 : i32 to index
          %parallel_loop3A_274 = tpu.vector_load %arg11[%parallel_loop3A_272, %parallel_loop3A_273] {strides = array<i32>} : memref<2x128xf32, #tpu.memory_space<vmem>>, vector<16xf32>,
          %parallel_loop3A_275 = arith.constant 0 : i32
          %parallel_loop3A_276 = arith.index_cast %parallel_loop3A_275 : i32 to index
          %parallel_loop3A_277 = arith.index_cast %parallel_loop3A_270 : i32 to index
          %parallel_loop3A_278 = tpu.vector_load %arg12[%parallel_loop3A_276, %parallel_loop3A_277] {strides = array<i32>} : memref<2x128xf32, #tpu.memory_space<vmem>>, vector<16xf32>,
          %parallel_loop3A_279 = arith.addf %parallel_loop3A_278, %get3A_9 : vector<16xf32>
          %parallel_loop3A_280 = arith.constant 2.000000e-01 : f32
          %parallel_loop3A_281 = vector.broadcast %parallel_loop3A_280 : f32 to vector<16xf32>
          %parallel_loop3A_282 = arith.mulf %parallel_loop3A_279, %parallel_loop3A_281 : vector<16xf32>
          %parallel_loop3A_283 = arith.maximumf %parallel_loop3A_279, %parallel_loop3A_282 : vector<16xf32>
          %parallel_loop3A_284 = arith.addf %parallel_loop3A_274, %parallel_loop3A_278 : vector<16xf32>
          %parallel_loop3A_285 = arith.constant 2.000000e-01 : f32
          %parallel_loop3A_286 = vector.broadcast %parallel_loop3A_285 : f32 to vector<16xf32>
          %parallel_loop3A_287 = arith.mulf %parallel_loop3A_284, %parallel_loop3A_286 : vector<16xf32>
          %parallel_loop3A_288 = arith.maximumf %parallel_loop3A_284, %parallel_loop3A_287 : vector<16xf32>
          %parallel_loop3A_289 = arith.subf %parallel_loop3A_288, %parallel_loop3A_283 : vector<16xf32>
          %parallel_loop3A_290 = math.exp %parallel_loop3A_289 : vector<16xf32>
          %parallel_loop3A_291 = arith.index_cast %parallel_loop3A_270 : i32 to index
          %parallel_loop3A_292 = tpu.vector_load %arg13[%parallel_loop3A_291] {strides = array<i32>} : memref<128xf32, #tpu.memory_space<vmem>>, vector<16xf32>,
          tpu.vector_store %arg13[%parallel_loop3A_291], %parallel_loop3A_290 {strides = array<i32>} : memref<128xf32, #tpu.memory_space<vmem>>, vector<16xf32>,
        } {sc.loop_unroll_factor = 4 : i64, sc.parallel_access}
        %parallel_loop3A_236 = arith.constant 0 : i32
        %parallel_loop3A_237 = arith.constant 128 : i32
        %parallel_loop3A_238 = arith.constant 1 : i32
        scf.for %parallel_loop3A_270 = %parallel_loop3A_236 to %parallel_loop3A_237 step %parallel_loop3A_238  : i32 {
          %parallel_loop3A_271 = vector.broadcast %parallel_loop3A_270 : i32 to vector<16xi32>
          %parallel_loop3A_272 = arith.addi %broadcast_in_dim3A_6, %parallel_loop3A_271 : vector<16xi32>
          %parallel_loop3A_273 = tpu.vector_load_idx %arg13[%parallel_loop3A_272] : memref<128xf32, #tpu.memory_space<vmem>>[vector<16xi32>], vector<16xf32>,
          %parallel_loop3A_274 = arith.index_cast %parallel_loop3A_270 : i32 to index
          %parallel_loop3A_275 = arith.constant 0 : index
          %parallel_loop3A_276 = tpu.vector_load %arg14[%parallel_loop3A_274, %parallel_loop3A_275] {strides = array<i32>} : memref<128x64xi32, #tpu.memory_space<vmem>>, vector<16xi32>,
          %parallel_loop3A_277 = arith.constant 16 : i32
          %parallel_loop3A_278 = vector.broadcast %parallel_loop3A_277 : i32 to vector<16xi32>
          %parallel_loop3A_279 = arith.shli %parallel_loop3A_276, %parallel_loop3A_278 : vector<16xi32>
          %parallel_loop3A_280 = vector.bitcast %parallel_loop3A_279 : vector<16xi32> to vector<16xf32>
          %parallel_loop3A_281 = arith.andi %parallel_loop3A_276, %broadcast_in_dim3A_8 : vector<16xi32>
          %parallel_loop3A_282 = vector.bitcast %parallel_loop3A_281 : vector<16xi32> to vector<16xf32>
          %parallel_loop3A_283 = arith.mulf %parallel_loop3A_280, %parallel_loop3A_273 : vector<16xf32>
          %parallel_loop3A_284 = arith.index_cast %parallel_loop3A_270 : i32 to index
          %parallel_loop3A_285 = arith.constant 0 : index
          %parallel_loop3A_286 = tpu.vector_load %arg17[%parallel_loop3A_284, %parallel_loop3A_285] {strides = array<i32>} : memref<128x144xf32, #tpu.memory_space<vmem>>, vector<16xf32>,
          tpu.vector_store %arg17[%parallel_loop3A_284, %parallel_loop3A_285], %parallel_loop3A_283 {strides = array<i32>} : memref<128x144xf32, #tpu.memory_space<vmem>>, vector<16xf32>,
          %parallel_loop3A_287 = arith.mulf %parallel_loop3A_282, %parallel_loop3A_273 : vector<16xf32>
          %parallel_loop3A_288 = arith.index_cast %parallel_loop3A_270 : i32 to index
          %parallel_loop3A_289 = arith.constant 16 : index
          %parallel_loop3A_290 = tpu.vector_load %arg17[%parallel_loop3A_288, %parallel_loop3A_289] {strides = array<i32>} : memref<128x144xf32, #tpu.memory_space<vmem>>, vector<16xf32>,
          tpu.vector_store %arg17[%parallel_loop3A_288, %parallel_loop3A_289], %parallel_loop3A_287 {strides = array<i32>} : memref<128x144xf32, #tpu.memory_space<vmem>>, vector<16xf32>,
          %parallel_loop3A_291 = arith.index_cast %parallel_loop3A_270 : i32 to index
          %parallel_loop3A_292 = arith.constant 16 : index
          %parallel_loop3A_293 = tpu.vector_load %arg14[%parallel_loop3A_291, %parallel_loop3A_292] {strides = array<i32>} : memref<128x64xi32, #tpu.memory_space<vmem>>, vector<16xi32>,
          %parallel_loop3A_294 = arith.constant 16 : i32
          %parallel_loop3A_295 = vector.broadcast %parallel_loop3A_294 : i32 to vector<16xi32>
          %parallel_loop3A_296 = arith.shli %parallel_loop3A_293, %parallel_loop3A_295 : vector<16xi32>
          %parallel_loop3A_297 = vector.bitcast %parallel_loop3A_296 : vector<16xi32> to vector<16xf32>
          %parallel_loop3A_298 = arith.andi %parallel_loop3A_293, %broadcast_in_dim3A_8 : vector<16xi32>
          %parallel_loop3A_299 = vector.bitcast %parallel_loop3A_298 : vector<16xi32> to vector<16xf32>
          %parallel_loop3A_300 = arith.mulf %parallel_loop3A_297, %parallel_loop3A_273 : vector<16xf32>
          %parallel_loop3A_301 = arith.index_cast %parallel_loop3A_270 : i32 to index
          %parallel_loop3A_302 = arith.constant 32 : index
          %parallel_loop3A_303 = tpu.vector_load %arg17[%parallel_loop3A_301, %parallel_loop3A_302] {strides = array<i32>} : memref<128x144xf32, #tpu.memory_space<vmem>>, vector<16xf32>,
          tpu.vector_store %arg17[%parallel_loop3A_301, %parallel_loop3A_302], %parallel_loop3A_300 {strides = array<i32>} : memref<128x144xf32, #tpu.memory_space<vmem>>, vector<16xf32>,
          %parallel_loop3A_304 = arith.mulf %parallel_loop3A_299, %parallel_loop3A_273 : vector<16xf32>
          %parallel_loop3A_305 = arith.index_cast %parallel_loop3A_270 : i32 to index
          %parallel_loop3A_306 = arith.constant 48 : index
          %parallel_loop3A_307 = tpu.vector_load %arg17[%parallel_loop3A_305, %parallel_loop3A_306] {strides = array<i32>} : memref<128x144xf32, #tpu.memory_space<vmem>>, vector<16xf32>,
          tpu.vector_store %arg17[%parallel_loop3A_305, %parallel_loop3A_306], %parallel_loop3A_304 {strides = array<i32>} : memref<128x144xf32, #tpu.memory_space<vmem>>, vector<16xf32>,
          %parallel_loop3A_308 = arith.index_cast %parallel_loop3A_270 : i32 to index
          %parallel_loop3A_309 = arith.constant 32 : index
          %parallel_loop3A_310 = tpu.vector_load %arg14[%parallel_loop3A_308, %parallel_loop3A_309] {strides = array<i32>} : memref<128x64xi32, #tpu.memory_space<vmem>>, vector<16xi32>,
          %parallel_loop3A_311 = arith.constant 16 : i32
          %parallel_loop3A_312 = vector.broadcast %parallel_loop3A_311 : i32 to vector<16xi32>
          %parallel_loop3A_313 = arith.shli %parallel_loop3A_310, %parallel_loop3A_312 : vector<16xi32>
          %parallel_loop3A_314 = vector.bitcast %parallel_loop3A_313 : vector<16xi32> to vector<16xf32>
          %parallel_loop3A_315 = arith.andi %parallel_loop3A_310, %broadcast_in_dim3A_8 : vector<16xi32>
          %parallel_loop3A_316 = vector.bitcast %parallel_loop3A_315 : vector<16xi32> to vector<16xf32>
          %parallel_loop3A_317 = arith.mulf %parallel_loop3A_314, %parallel_loop3A_273 : vector<16xf32>
          %parallel_loop3A_318 = arith.index_cast %parallel_loop3A_270 : i32 to index
          %parallel_loop3A_319 = arith.constant 64 : index
          %parallel_loop3A_320 = tpu.vector_load %arg17[%parallel_loop3A_318, %parallel_loop3A_319] {strides = array<i32>} : memref<128x144xf32, #tpu.memory_space<vmem>>, vector<16xf32>,
          tpu.vector_store %arg17[%parallel_loop3A_318, %parallel_loop3A_319], %parallel_loop3A_317 {strides = array<i32>} : memref<128x144xf32, #tpu.memory_space<vmem>>, vector<16xf32>,
          %parallel_loop3A_321 = arith.mulf %parallel_loop3A_316, %parallel_loop3A_273 : vector<16xf32>
          %parallel_loop3A_322 = arith.index_cast %parallel_loop3A_270 : i32 to index
          %parallel_loop3A_323 = arith.constant 80 : index
          %parallel_loop3A_324 = tpu.vector_load %arg17[%parallel_loop3A_322, %parallel_loop3A_323] {strides = array<i32>} : memref<128x144xf32, #tpu.memory_space<vmem>>, vector<16xf32>,
          tpu.vector_store %arg17[%parallel_loop3A_322, %parallel_loop3A_323], %parallel_loop3A_321 {strides = array<i32>} : memref<128x144xf32, #tpu.memory_space<vmem>>, vector<16xf32>,
          %parallel_loop3A_325 = arith.index_cast %parallel_loop3A_270 : i32 to index
          %parallel_loop3A_326 = arith.constant 48 : index
          %parallel_loop3A_327 = tpu.vector_load %arg14[%parallel_loop3A_325, %parallel_loop3A_326] {strides = array<i32>} : memref<128x64xi32, #tpu.memory_space<vmem>>, vector<16xi32>,
          %parallel_loop3A_328 = arith.constant 16 : i32
          %parallel_loop3A_329 = vector.broadcast %parallel_loop3A_328 : i32 to vector<16xi32>
          %parallel_loop3A_330 = arith.shli %parallel_loop3A_327, %parallel_loop3A_329 : vector<16xi32>
          %parallel_loop3A_331 = vector.bitcast %parallel_loop3A_330 : vector<16xi32> to vector<16xf32>
          %parallel_loop3A_332 = arith.andi %parallel_loop3A_327, %broadcast_in_dim3A_8 : vector<16xi32>
          %parallel_loop3A_333 = vector.bitcast %parallel_loop3A_332 : vector<16xi32> to vector<16xf32>
          %parallel_loop3A_334 = arith.mulf %parallel_loop3A_331, %parallel_loop3A_273 : vector<16xf32>
          %parallel_loop3A_335 = arith.index_cast %parallel_loop3A_270 : i32 to index
          %parallel_loop3A_336 = arith.constant 96 : index
          %parallel_loop3A_337 = tpu.vector_load %arg17[%parallel_loop3A_335, %parallel_loop3A_336] {strides = array<i32>} : memref<128x144xf32, #tpu.memory_space<vmem>>, vector<16xf32>,
          tpu.vector_store %arg17[%parallel_loop3A_335, %parallel_loop3A_336], %parallel_loop3A_334 {strides = array<i32>} : memref<128x144xf32, #tpu.memory_space<vmem>>, vector<16xf32>,
          %parallel_loop3A_338 = arith.mulf %parallel_loop3A_333, %parallel_loop3A_273 : vector<16xf32>
          %parallel_loop3A_339 = arith.index_cast %parallel_loop3A_270 : i32 to index
          %parallel_loop3A_340 = arith.constant 112 : index
          %parallel_loop3A_341 = tpu.vector_load %arg17[%parallel_loop3A_339, %parallel_loop3A_340] {strides = array<i32>} : memref<128x144xf32, #tpu.memory_space<vmem>>, vector<16xf32>,
          tpu.vector_store %arg17[%parallel_loop3A_339, %parallel_loop3A_340], %parallel_loop3A_338 {strides = array<i32>} : memref<128x144xf32, #tpu.memory_space<vmem>>, vector<16xf32>,
          %parallel_loop3A_342 = arith.mulf %parallel_loop3A_273, %convert_element_type3A_3 : vector<16xf32>
          %parallel_loop3A_343 = arith.index_cast %parallel_loop3A_270 : i32 to index
          %parallel_loop3A_344 = arith.constant 128 : index
          %parallel_loop3A_345 = tpu.vector_load %arg17[%parallel_loop3A_343, %parallel_loop3A_344] {strides = array<i32>} : memref<128x144xf32, #tpu.memory_space<vmem>>, vector<16xf32>,
          tpu.vector_store %arg17[%parallel_loop3A_343, %parallel_loop3A_344], %parallel_loop3A_342 {strides = array<i32>} : memref<128x144xf32, #tpu.memory_space<vmem>>, vector<16xf32>,
        } {sc.loop_unroll_factor = 8 : i64, sc.parallel_access}
        %scan3A_239 = arith.constant 0 : i32
        %scan3A_240 = arith.constant 8 : i32
        %scan3A_241 = arith.addi %scan3A_239, %scan3A_240 : i32
        %scan3A_242 = arith.constant 1 : i32
        scf.for %scan3A_270 = %scan3A_239 to %scan3A_241 step %scan3A_242  : i32 {
          %mul3A_271 = arith.constant 16 : i32
          %mul3A_272 = arith.muli %scan3A_270, %mul3A_271 : i32
          %add3A_273 = arith.constant 0 : i32
          %add3A_274 = arith.addi %add3A_273, %mul3A_272 : i32
          %get3A_275 = arith.constant 0 : i32
          %get3A_276 = arith.index_cast %get3A_275 : i32 to index
          %get3A_277 = arith.index_cast %add3A_274 : i32 to index
          %get3A_278 = tpu.vector_load %arg10[%get3A_276, %get3A_277] {strides = array<i32>} : memref<2x128xi32, #tpu.memory_space<vmem>>, vector<16xi32>,
          %swap3A = arith.index_cast %add3A_274 : i32 to index
          %swap3A_279 = tpu.vector_load %arg16[%swap3A] {strides = array<i32>} : memref<128xi32, #tpu.memory_space<vmem>>, vector<16xi32>,
          tpu.vector_store %arg16[%swap3A], %get3A_278 {strides = array<i32>} : memref<128xi32, #tpu.memory_space<vmem>>, vector<16xi32>,
        }
        %scan3A_243 = arith.constant 8 : i32
        %dma_start3A_244 = arith.constant 0 : i32
        %dma_start3A_245 = arith.constant 0 : i32
        %dma_start3A_246 = tpu.memref_slice %arg18[%dma_start3A_244, %dma_start3A_245] : memref<10000x144xf32, #tpu.memory_space<vmem_shared>> -> memref<10000x144xf32, #tpu.memory_space<vmem_shared>>
        tpu.enqueue_indirect_dma source(%arg17 : memref<128x144xf32, #tpu.memory_space<vmem>>) target(%dma_start3A_246 : memref<10000x144xf32, #tpu.memory_space<vmem_shared>>) offsets(%arg16 : memref<128xi32, #tpu.memory_space<vmem>>) semaphore(%arg21 : memref<!tpu.dma_semaphore, #tpu.memory_space<semaphore_mem>>) {add = true}
        %add3A_247 = arith.constant 2 : i32
        %add3A_248 = arith.addi %add3A_207, %add3A_247 : i32
        %mul3A_249 = arith.constant 32 : i32
        %mul3A_250 = arith.muli %add3A_248, %mul3A_249 : i32
        %add3A_251 = arith.addi %add3A, %mul3A_250 : i32
        %lt3A_252 = arith.constant 2500 : i32
        %lt3A_253 = arith.cmpi slt, %add3A_251, %lt3A_252 : i32
        %convert_element_type3A_254 = arith.extui %lt3A_253 : i1 to i32
        %cond3A_255 = arith.constant 0 : i32
        %cond3A_256 = arith.cmpi ne, %convert_element_type3A_254, %cond3A_255 : i32
        scf.if %cond3A_256 {
          %add3A_270 = arith.constant 2 : i32
          %add3A_271 = arith.addi %add3A_207, %add3A_270 : i32
          %mul3A_272 = arith.constant 32 : i32
          %mul3A_273 = arith.muli %add3A_271, %mul3A_272 : i32
          %add3A_274 = arith.addi %add3A, %mul3A_273 : i32
          %mul3A_275 = arith.constant 128 : i32
          %mul3A_276 = arith.muli %add3A_274, %mul3A_275 : i32
          %dma_start3A_277 = arith.constant 0 : i32
          %dma_start3A_278 = arith.constant 0 : i32
          %dma_start3A_279 = arith.constant 0 : i32
          %dma_start3A_280 = tpu.memref_slice %arg9[%dma_start3A_278, %dma_start3A_279] : memref<2x128xi32, #tpu.memory_space<vmem>> -> memref<1x128xi32, #tpu.memory_space<vmem>>
          %dma_start3A_281 = tpu.memref_squeeze %dma_start3A_280 : memref<1x128xi32, #tpu.memory_space<vmem>> -> memref<128xi32, #tpu.memory_space<vmem>>
          %dma_start3A_282 = tpu.memref_slice %arg2[%dma_start3A_277, %mul3A_276] : memref<2x320000xi32, #tpu.memory_space<hbm>> -> memref<1x128xi32, #tpu.memory_space<hbm>>
          %dma_start3A_283 = tpu.memref_squeeze %dma_start3A_282 : memref<1x128xi32, #tpu.memory_space<hbm>> -> memref<128xi32, #tpu.memory_space<hbm>>
          %dma_start3A_284 = arith.constant 0 : i32
          %dma_start3A_285 = tpu.memref_slice %arg9[%dma_start3A_278, %dma_start3A_284] : memref<2x128xi32, #tpu.memory_space<vmem>> -> memref<1x128xi32, #tpu.memory_space<vmem>>
          %dma_start3A_286 = tpu.memref_squeeze %dma_start3A_285 : memref<1x128xi32, #tpu.memory_space<vmem>> -> memref<128xi32, #tpu.memory_space<vmem>>
          %dma_start3A_287 = tpu.memref_slice %arg2[%dma_start3A_277, %mul3A_276] : memref<2x320000xi32, #tpu.memory_space<hbm>> -> memref<1x128xi32, #tpu.memory_space<hbm>>
          %dma_start3A_288 = tpu.memref_squeeze %dma_start3A_287 : memref<1x128xi32, #tpu.memory_space<hbm>> -> memref<128xi32, #tpu.memory_space<hbm>>
          tpu.enqueue_dma source(%dma_start3A_288 : memref<128xi32, #tpu.memory_space<hbm>>) target(%dma_start3A_286 : memref<128xi32, #tpu.memory_space<vmem>>) target_semaphore(%arg19 : memref<!tpu.dma_semaphore, #tpu.memory_space<semaphore_mem>>)
          %dma_start3A_289 = arith.constant 1 : i32
          %dma_start3A_290 = arith.constant 0 : i32
          %dma_start3A_291 = arith.constant 0 : i32
          %dma_start3A_292 = tpu.memref_slice %arg10[%dma_start3A_290, %dma_start3A_291] : memref<2x128xi32, #tpu.memory_space<vmem>> -> memref<1x128xi32, #tpu.memory_space<vmem>>
          %dma_start3A_293 = tpu.memref_squeeze %dma_start3A_292 : memref<1x128xi32, #tpu.memory_space<vmem>> -> memref<128xi32, #tpu.memory_space<vmem>>
          %dma_start3A_294 = tpu.memref_slice %arg2[%dma_start3A_289, %mul3A_276] : memref<2x320000xi32, #tpu.memory_space<hbm>> -> memref<1x128xi32, #tpu.memory_space<hbm>>
          %dma_start3A_295 = tpu.memref_squeeze %dma_start3A_294 : memref<1x128xi32, #tpu.memory_space<hbm>> -> memref<128xi32, #tpu.memory_space<hbm>>
          %dma_start3A_296 = arith.constant 0 : i32
          %dma_start3A_297 = tpu.memref_slice %arg10[%dma_start3A_290, %dma_start3A_296] : memref<2x128xi32, #tpu.memory_space<vmem>> -> memref<1x128xi32, #tpu.memory_space<vmem>>
          %dma_start3A_298 = tpu.memref_squeeze %dma_start3A_297 : memref<1x128xi32, #tpu.memory_space<vmem>> -> memref<128xi32, #tpu.memory_space<vmem>>
          %dma_start3A_299 = tpu.memref_slice %arg2[%dma_start3A_289, %mul3A_276] : memref<2x320000xi32, #tpu.memory_space<hbm>> -> memref<1x128xi32, #tpu.memory_space<hbm>>
          %dma_start3A_300 = tpu.memref_squeeze %dma_start3A_299 : memref<1x128xi32, #tpu.memory_space<hbm>> -> memref<128xi32, #tpu.memory_space<hbm>>
          tpu.enqueue_dma source(%dma_start3A_300 : memref<128xi32, #tpu.memory_space<hbm>>) target(%dma_start3A_298 : memref<128xi32, #tpu.memory_space<vmem>>) target_semaphore(%arg19 : memref<!tpu.dma_semaphore, #tpu.memory_space<semaphore_mem>>)
          %dma_wait3A_301 = arith.constant 0 : i32
          %dma_wait3A_302 = arith.constant 0 : i32
          %dma_wait3A_303 = arith.constant 0 : i32
          %dma_wait3A_304 = tpu.memref_slice %arg9[%dma_wait3A_302, %dma_wait3A_303] : memref<2x128xi32, #tpu.memory_space<vmem>> -> memref<1x128xi32, #tpu.memory_space<vmem>>
          %dma_wait3A_305 = tpu.memref_squeeze %dma_wait3A_304 : memref<1x128xi32, #tpu.memory_space<vmem>> -> memref<128xi32, #tpu.memory_space<vmem>>
          %dma_wait3A_306 = tpu.memref_slice %arg2[%dma_wait3A_301, %mul3A_276] : memref<2x320000xi32, #tpu.memory_space<hbm>> -> memref<1x128xi32, #tpu.memory_space<hbm>>
          %dma_wait3A_307 = tpu.memref_squeeze %dma_wait3A_306 : memref<1x128xi32, #tpu.memory_space<hbm>> -> memref<128xi32, #tpu.memory_space<hbm>>
          %dma_wait3A_308 = arith.constant 0 : i32
          %dma_wait3A_309 = tpu.memref_slice %arg9[%dma_wait3A_302, %dma_wait3A_308] : memref<2x128xi32, #tpu.memory_space<vmem>> -> memref<1x128xi32, #tpu.memory_space<vmem>>
          %dma_wait3A_310 = tpu.memref_squeeze %dma_wait3A_309 : memref<1x128xi32, #tpu.memory_space<vmem>> -> memref<128xi32, #tpu.memory_space<vmem>>
          %dma_wait3A_311 = tpu.memref_slice %arg2[%dma_wait3A_301, %mul3A_276] : memref<2x320000xi32, #tpu.memory_space<hbm>> -> memref<1x128xi32, #tpu.memory_space<hbm>>
          %dma_wait3A_312 = tpu.memref_squeeze %dma_wait3A_311 : memref<1x128xi32, #tpu.memory_space<hbm>> -> memref<128xi32, #tpu.memory_space<hbm>>
          tpu.wait_dma2 semaphore(%arg19 : memref<!tpu.dma_semaphore, #tpu.memory_space<semaphore_mem>>) src(%dma_wait3A_312 : memref<128xi32, #tpu.memory_space<hbm>>) dst(%dma_wait3A_310 : memref<128xi32, #tpu.memory_space<vmem>>)
          %dma_wait3A_313 = arith.constant 1 : i32
          %dma_wait3A_314 = arith.constant 0 : i32
          %dma_wait3A_315 = arith.constant 0 : i32
          %dma_wait3A_316 = tpu.memref_slice %arg10[%dma_wait3A_314, %dma_wait3A_315] : memref<2x128xi32, #tpu.memory_space<vmem>> -> memref<1x128xi32, #tpu.memory_space<vmem>>
          %dma_wait3A_317 = tpu.memref_squeeze %dma_wait3A_316 : memref<1x128xi32, #tpu.memory_space<vmem>> -> memref<128xi32, #tpu.memory_space<vmem>>
          %dma_wait3A_318 = tpu.memref_slice %arg2[%dma_wait3A_313, %mul3A_276] : memref<2x320000xi32, #tpu.memory_space<hbm>> -> memref<1x128xi32, #tpu.memory_space<hbm>>
          %dma_wait3A_319 = tpu.memref_squeeze %dma_wait3A_318 : memref<1x128xi32, #tpu.memory_space<hbm>> -> memref<128xi32, #tpu.memory_space<hbm>>
          %dma_wait3A_320 = arith.constant 0 : i32
          %dma_wait3A_321 = tpu.memref_slice %arg10[%dma_wait3A_314, %dma_wait3A_320] : memref<2x128xi32, #tpu.memory_space<vmem>> -> memref<1x128xi32, #tpu.memory_space<vmem>>
          %dma_wait3A_322 = tpu.memref_squeeze %dma_wait3A_321 : memref<1x128xi32, #tpu.memory_space<vmem>> -> memref<128xi32, #tpu.memory_space<vmem>>
          %dma_wait3A_323 = tpu.memref_slice %arg2[%dma_wait3A_313, %mul3A_276] : memref<2x320000xi32, #tpu.memory_space<hbm>> -> memref<1x128xi32, #tpu.memory_space<hbm>>
          %dma_wait3A_324 = tpu.memref_squeeze %dma_wait3A_323 : memref<1x128xi32, #tpu.memory_space<hbm>> -> memref<128xi32, #tpu.memory_space<hbm>>
          tpu.wait_dma2 semaphore(%arg19 : memref<!tpu.dma_semaphore, #tpu.memory_space<semaphore_mem>>) src(%dma_wait3A_324 : memref<128xi32, #tpu.memory_space<hbm>>) dst(%dma_wait3A_322 : memref<128xi32, #tpu.memory_space<vmem>>)
        } else {
        }
        %dma_wait3A_257 = arith.constant 0 : i32
        %dma_wait3A_258 = arith.constant 0 : i32
        %dma_wait3A_259 = tpu.memref_slice %arg18[%dma_wait3A_257, %dma_wait3A_258] : memref<10000x144xf32, #tpu.memory_space<vmem_shared>> -> memref<10000x144xf32, #tpu.memory_space<vmem_shared>>
        tpu.wait_indirect_dma semaphore(%arg21 : memref<!tpu.dma_semaphore, #tpu.memory_space<semaphore_mem>>) src(%arg17 : memref<128x144xf32, #tpu.memory_space<vmem>>) dst(%dma_wait3A_259 : memref<10000x144xf32, #tpu.memory_space<vmem_shared>>)
        %add3A_260 = arith.constant 1 : i32
        %add3A_261 = arith.addi %add3A_207, %add3A_260 : i32
        %mul3A_262 = arith.constant 32 : i32
        %mul3A_263 = arith.muli %add3A_261, %mul3A_262 : i32
        %add3A_264 = arith.addi %add3A, %mul3A_263 : i32
        %lt3A_265 = arith.constant 2500 : i32
        %lt3A_266 = arith.cmpi slt, %add3A_264, %lt3A_265 : i32
        %convert_element_type3A_267 = arith.extui %lt3A_266 : i1 to i32
        %cond3A_268 = arith.constant 0 : i32
        %cond3A_269 = arith.cmpi ne, %convert_element_type3A_267, %cond3A_268 : i32
        scf.if %cond3A_269 {
          %dma_wait3A_270 = arith.constant 1 : i32
          %dma_wait3A_271 = arith.constant 0 : i32
          %dma_wait3A_272 = tpu.memref_slice %arg9[%dma_wait3A_270, %dma_wait3A_271] : memref<2x128xi32, #tpu.memory_space<vmem>> -> memref<1x128xi32, #tpu.memory_space<vmem>>
          %dma_wait3A_273 = tpu.memref_squeeze %dma_wait3A_272 : memref<1x128xi32, #tpu.memory_space<vmem>> -> memref<128xi32, #tpu.memory_space<vmem>>
          %dma_wait3A_274 = arith.constant 0 : i32
          %dma_wait3A_275 = arith.constant 0 : i32
          %dma_wait3A_276 = tpu.memref_slice %arg3[%dma_wait3A_274, %dma_wait3A_275] : memref<10000x64xi32, #tpu.memory_space<hbm>> -> memref<10000x64xi32, #tpu.memory_space<hbm>>
          tpu.wait_indirect_dma semaphore(%arg20 : memref<!tpu.dma_semaphore, #tpu.memory_space<semaphore_mem>>) src(%dma_wait3A_276 : memref<10000x64xi32, #tpu.memory_space<hbm>>) dst(%arg15 : memref<128x64xi32, #tpu.memory_space<vmem>>)
          %dma_wait3A_277 = arith.constant 1 : i32
          %dma_wait3A_278 = arith.constant 1 : i32
          %dma_wait3A_279 = arith.constant 0 : i32
          %dma_wait3A_280 = tpu.memref_slice %arg11[%dma_wait3A_278, %dma_wait3A_279] : memref<2x128xf32, #tpu.memory_space<vmem>> -> memref<1x128xf32, #tpu.memory_space<vmem>>
          %dma_wait3A_281 = tpu.memref_squeeze %dma_wait3A_280 : memref<1x128xf32, #tpu.memory_space<vmem>> -> memref<128xf32, #tpu.memory_space<vmem>>
          %dma_wait3A_282 = arith.constant 0 : i32
          %dma_wait3A_283 = tpu.memref_slice %arg9[%dma_wait3A_277, %dma_wait3A_282] : memref<2x128xi32, #tpu.memory_space<vmem>> -> memref<1x128xi32, #tpu.memory_space<vmem>>
          %dma_wait3A_284 = tpu.memref_squeeze %dma_wait3A_283 : memref<1x128xi32, #tpu.memory_space<vmem>> -> memref<128xi32, #tpu.memory_space<vmem>>
          %dma_wait3A_285 = arith.constant 0 : i32
          %dma_wait3A_286 = tpu.memref_slice %arg4[%dma_wait3A_285] : memref<10000xf32, #tpu.memory_space<hbm>> -> memref<10000xf32, #tpu.memory_space<hbm>>
          tpu.wait_indirect_dma semaphore(%arg20 : memref<!tpu.dma_semaphore, #tpu.memory_space<semaphore_mem>>) src(%dma_wait3A_286 : memref<10000xf32, #tpu.memory_space<hbm>>) dst(%dma_wait3A_281 : memref<128xf32, #tpu.memory_space<vmem>>)
          %dma_wait3A_287 = arith.constant 1 : i32
          %dma_wait3A_288 = arith.constant 1 : i32
          %dma_wait3A_289 = arith.constant 0 : i32
          %dma_wait3A_290 = tpu.memref_slice %arg12[%dma_wait3A_288, %dma_wait3A_289] : memref<2x128xf32, #tpu.memory_space<vmem>> -> memref<1x128xf32, #tpu.memory_space<vmem>>
          %dma_wait3A_291 = tpu.memref_squeeze %dma_wait3A_290 : memref<1x128xf32, #tpu.memory_space<vmem>> -> memref<128xf32, #tpu.memory_space<vmem>>
          %dma_wait3A_292 = arith.constant 0 : i32
          %dma_wait3A_293 = tpu.memref_slice %arg10[%dma_wait3A_287, %dma_wait3A_292] : memref<2x128xi32, #tpu.memory_space<vmem>> -> memref<1x128xi32, #tpu.memory_space<vmem>>
          %dma_wait3A_294 = tpu.memref_squeeze %dma_wait3A_293 : memref<1x128xi32, #tpu.memory_space<vmem>> -> memref<128xi32, #tpu.memory_space<vmem>>
          %dma_wait3A_295 = arith.constant 0 : i32
          %dma_wait3A_296 = tpu.memref_slice %arg5[%dma_wait3A_295] : memref<10000xf32, #tpu.memory_space<hbm>> -> memref<10000xf32, #tpu.memory_space<hbm>>
          tpu.wait_indirect_dma semaphore(%arg20 : memref<!tpu.dma_semaphore, #tpu.memory_space<semaphore_mem>>) src(%dma_wait3A_296 : memref<10000xf32, #tpu.memory_space<hbm>>) dst(%dma_wait3A_291 : memref<128xf32, #tpu.memory_space<vmem>>)
        } else {
        }
      } else {
      }
      %add3A_214 = arith.constant 1 : i32
      %add3A_215 = arith.addi %add3A_205, %add3A_214 : i32
      %mul3A_216 = arith.constant 32 : i32
      %mul3A_217 = arith.muli %add3A_215, %mul3A_216 : i32
      %add3A_218 = arith.addi %add3A, %mul3A_217 : i32
      %lt3A_219 = arith.constant 2500 : i32
      %lt3A_220 = arith.cmpi slt, %add3A_218, %lt3A_219 : i32
      %convert_element_type3A_221 = arith.extui %lt3A_220 : i1 to i32
      %cond3A_222 = arith.constant 0 : i32
      %cond3A_223 = arith.cmpi ne, %convert_element_type3A_221, %cond3A_222 : i32
      scf.if %cond3A_223 {
        %add3A_224 = arith.constant 1 : i32
        %add3A_225 = arith.addi %add3A_215, %add3A_224 : i32
        %mul3A_226 = arith.constant 32 : i32
        %mul3A_227 = arith.muli %add3A_225, %mul3A_226 : i32
        %add3A_228 = arith.addi %add3A, %mul3A_227 : i32
        %lt3A_229 = arith.constant 2500 : i32
        %lt3A_230 = arith.cmpi slt, %add3A_228, %lt3A_229 : i32
        %convert_element_type3A_231 = arith.extui %lt3A_230 : i1 to i32
        %cond3A_232 = arith.constant 0 : i32
        %cond3A_233 = arith.cmpi ne, %convert_element_type3A_231, %cond3A_232 : i32
        scf.if %cond3A_233 {
          %dma_start3A_270 = arith.constant 0 : i32
          %dma_start3A_271 = arith.constant 0 : i32
          %dma_start3A_272 = tpu.memref_slice %arg9[%dma_start3A_270, %dma_start3A_271] : memref<2x128xi32, #tpu.memory_space<vmem>> -> memref<1x128xi32, #tpu.memory_space<vmem>>
          %dma_start3A_273 = tpu.memref_squeeze %dma_start3A_272 : memref<1x128xi32, #tpu.memory_space<vmem>> -> memref<128xi32, #tpu.memory_space<vmem>>
          %dma_start3A_274 = arith.constant 0 : i32
          %dma_start3A_275 = arith.constant 0 : i32
          %dma_start3A_276 = tpu.memref_slice %arg3[%dma_start3A_274, %dma_start3A_275] : memref<10000x64xi32, #tpu.memory_space<hbm>> -> memref<10000x64xi32, #tpu.memory_space<hbm>>
          tpu.enqueue_indirect_dma source(%dma_start3A_276 : memref<10000x64xi32, #tpu.memory_space<hbm>>) target(%arg14 : memref<128x64xi32, #tpu.memory_space<vmem>>) offsets(%dma_start3A_273 : memref<128xi32, #tpu.memory_space<vmem>>) semaphore(%arg20 : memref<!tpu.dma_semaphore, #tpu.memory_space<semaphore_mem>>)
          %dma_start3A_277 = arith.constant 0 : i32
          %dma_start3A_278 = arith.constant 0 : i32
          %dma_start3A_279 = arith.constant 0 : i32
          %dma_start3A_280 = tpu.memref_slice %arg11[%dma_start3A_278, %dma_start3A_279] : memref<2x128xf32, #tpu.memory_space<vmem>> -> memref<1x128xf32, #tpu.memory_space<vmem>>
          %dma_start3A_281 = tpu.memref_squeeze %dma_start3A_280 : memref<1x128xf32, #tpu.memory_space<vmem>> -> memref<128xf32, #tpu.memory_space<vmem>>
          %dma_start3A_282 = arith.constant 0 : i32
          %dma_start3A_283 = tpu.memref_slice %arg9[%dma_start3A_277, %dma_start3A_282] : memref<2x128xi32, #tpu.memory_space<vmem>> -> memref<1x128xi32, #tpu.memory_space<vmem>>
          %dma_start3A_284 = tpu.memref_squeeze %dma_start3A_283 : memref<1x128xi32, #tpu.memory_space<vmem>> -> memref<128xi32, #tpu.memory_space<vmem>>
          %dma_start3A_285 = arith.constant 0 : i32
          %dma_start3A_286 = tpu.memref_slice %arg4[%dma_start3A_285] : memref<10000xf32, #tpu.memory_space<hbm>> -> memref<10000xf32, #tpu.memory_space<hbm>>
          tpu.enqueue_indirect_dma source(%dma_start3A_286 : memref<10000xf32, #tpu.memory_space<hbm>>) target(%dma_start3A_281 : memref<128xf32, #tpu.memory_space<vmem>>) offsets(%dma_start3A_284 : memref<128xi32, #tpu.memory_space<vmem>>) semaphore(%arg20 : memref<!tpu.dma_semaphore, #tpu.memory_space<semaphore_mem>>)
          %dma_start3A_287 = arith.constant 0 : i32
          %dma_start3A_288 = arith.constant 0 : i32
          %dma_start3A_289 = arith.constant 0 : i32
          %dma_start3A_290 = tpu.memref_slice %arg12[%dma_start3A_288, %dma_start3A_289] : memref<2x128xf32, #tpu.memory_space<vmem>> -> memref<1x128xf32, #tpu.memory_space<vmem>>
          %dma_start3A_291 = tpu.memref_squeeze %dma_start3A_290 : memref<1x128xf32, #tpu.memory_space<vmem>> -> memref<128xf32, #tpu.memory_space<vmem>>
          %dma_start3A_292 = arith.constant 0 : i32
          %dma_start3A_293 = tpu.memref_slice %arg10[%dma_start3A_287, %dma_start3A_292] : memref<2x128xi32, #tpu.memory_space<vmem>> -> memref<1x128xi32, #tpu.memory_space<vmem>>
          %dma_start3A_294 = tpu.memref_squeeze %dma_start3A_293 : memref<1x128xi32, #tpu.memory_space<vmem>> -> memref<128xi32, #tpu.memory_space<vmem>>
          %dma_start3A_295 = arith.constant 0 : i32
          %dma_start3A_296 = tpu.memref_slice %arg5[%dma_start3A_295] : memref<10000xf32, #tpu.memory_space<hbm>> -> memref<10000xf32, #tpu.memory_space<hbm>>
          tpu.enqueue_indirect_dma source(%dma_start3A_296 : memref<10000xf32, #tpu.memory_space<hbm>>) target(%dma_start3A_291 : memref<128xf32, #tpu.memory_space<vmem>>) offsets(%dma_start3A_294 : memref<128xi32, #tpu.memory_space<vmem>>) semaphore(%arg20 : memref<!tpu.dma_semaphore, #tpu.memory_space<semaphore_mem>>)
        } else {
        }
        %parallel_loop3A = arith.constant 0 : i32
        %parallel_loop3A_234 = arith.constant 128 : i32
        %parallel_loop3A_235 = arith.constant 16 : i32
        scf.for %parallel_loop3A_270 = %parallel_loop3A to %parallel_loop3A_234 step %parallel_loop3A_235  : i32 {
          %parallel_loop3A_271 = arith.constant 1 : i32
          %parallel_loop3A_272 = arith.index_cast %parallel_loop3A_271 : i32 to index
          %parallel_loop3A_273 = arith.index_cast %parallel_loop3A_270 : i32 to index
          %parallel_loop3A_274 = tpu.vector_load %arg11[%parallel_loop3A_272, %parallel_loop3A_273] {strides = array<i32>} : memref<2x128xf32, #tpu.memory_space<vmem>>, vector<16xf32>,
          %parallel_loop3A_275 = arith.constant 1 : i32
          %parallel_loop3A_276 = arith.index_cast %parallel_loop3A_275 : i32 to index
          %parallel_loop3A_277 = arith.index_cast %parallel_loop3A_270 : i32 to index
          %parallel_loop3A_278 = tpu.vector_load %arg12[%parallel_loop3A_276, %parallel_loop3A_277] {strides = array<i32>} : memref<2x128xf32, #tpu.memory_space<vmem>>, vector<16xf32>,
          %parallel_loop3A_279 = arith.addf %parallel_loop3A_278, %get3A_9 : vector<16xf32>
          %parallel_loop3A_280 = arith.constant 2.000000e-01 : f32
          %parallel_loop3A_281 = vector.broadcast %parallel_loop3A_280 : f32 to vector<16xf32>
          %parallel_loop3A_282 = arith.mulf %parallel_loop3A_279, %parallel_loop3A_281 : vector<16xf32>
          %parallel_loop3A_283 = arith.maximumf %parallel_loop3A_279, %parallel_loop3A_282 : vector<16xf32>
          %parallel_loop3A_284 = arith.addf %parallel_loop3A_274, %parallel_loop3A_278 : vector<16xf32>
          %parallel_loop3A_285 = arith.constant 2.000000e-01 : f32
          %parallel_loop3A_286 = vector.broadcast %parallel_loop3A_285 : f32 to vector<16xf32>
          %parallel_loop3A_287 = arith.mulf %parallel_loop3A_284, %parallel_loop3A_286 : vector<16xf32>
          %parallel_loop3A_288 = arith.maximumf %parallel_loop3A_284, %parallel_loop3A_287 : vector<16xf32>
          %parallel_loop3A_289 = arith.subf %parallel_loop3A_288, %parallel_loop3A_283 : vector<16xf32>
          %parallel_loop3A_290 = math.exp %parallel_loop3A_289 : vector<16xf32>
          %parallel_loop3A_291 = arith.index_cast %parallel_loop3A_270 : i32 to index
          %parallel_loop3A_292 = tpu.vector_load %arg13[%parallel_loop3A_291] {strides = array<i32>} : memref<128xf32, #tpu.memory_space<vmem>>, vector<16xf32>,
          tpu.vector_store %arg13[%parallel_loop3A_291], %parallel_loop3A_290 {strides = array<i32>} : memref<128xf32, #tpu.memory_space<vmem>>, vector<16xf32>,
        } {sc.loop_unroll_factor = 4 : i64, sc.parallel_access}
        %parallel_loop3A_236 = arith.constant 0 : i32
        %parallel_loop3A_237 = arith.constant 128 : i32
        %parallel_loop3A_238 = arith.constant 1 : i32
        scf.for %parallel_loop3A_270 = %parallel_loop3A_236 to %parallel_loop3A_237 step %parallel_loop3A_238  : i32 {
          %parallel_loop3A_271 = vector.broadcast %parallel_loop3A_270 : i32 to vector<16xi32>
          %parallel_loop3A_272 = arith.addi %broadcast_in_dim3A_6, %parallel_loop3A_271 : vector<16xi32>
          %parallel_loop3A_273 = tpu.vector_load_idx %arg13[%parallel_loop3A_272] : memref<128xf32, #tpu.memory_space<vmem>>[vector<16xi32>], vector<16xf32>,
          %parallel_loop3A_274 = arith.index_cast %parallel_loop3A_270 : i32 to index
          %parallel_loop3A_275 = arith.constant 0 : index
          %parallel_loop3A_276 = tpu.vector_load %arg15[%parallel_loop3A_274, %parallel_loop3A_275] {strides = array<i32>} : memref<128x64xi32, #tpu.memory_space<vmem>>, vector<16xi32>,
          %parallel_loop3A_277 = arith.constant 16 : i32
          %parallel_loop3A_278 = vector.broadcast %parallel_loop3A_277 : i32 to vector<16xi32>
          %parallel_loop3A_279 = arith.shli %parallel_loop3A_276, %parallel_loop3A_278 : vector<16xi32>
          %parallel_loop3A_280 = vector.bitcast %parallel_loop3A_279 : vector<16xi32> to vector<16xf32>
          %parallel_loop3A_281 = arith.andi %parallel_loop3A_276, %broadcast_in_dim3A_8 : vector<16xi32>
          %parallel_loop3A_282 = vector.bitcast %parallel_loop3A_281 : vector<16xi32> to vector<16xf32>
          %parallel_loop3A_283 = arith.mulf %parallel_loop3A_280, %parallel_loop3A_273 : vector<16xf32>
          %parallel_loop3A_284 = arith.index_cast %parallel_loop3A_270 : i32 to index
          %parallel_loop3A_285 = arith.constant 0 : index
          %parallel_loop3A_286 = tpu.vector_load %arg17[%parallel_loop3A_284, %parallel_loop3A_285] {strides = array<i32>} : memref<128x144xf32, #tpu.memory_space<vmem>>, vector<16xf32>,
          tpu.vector_store %arg17[%parallel_loop3A_284, %parallel_loop3A_285], %parallel_loop3A_283 {strides = array<i32>} : memref<128x144xf32, #tpu.memory_space<vmem>>, vector<16xf32>,
          %parallel_loop3A_287 = arith.mulf %parallel_loop3A_282, %parallel_loop3A_273 : vector<16xf32>
          %parallel_loop3A_288 = arith.index_cast %parallel_loop3A_270 : i32 to index
          %parallel_loop3A_289 = arith.constant 16 : index
          %parallel_loop3A_290 = tpu.vector_load %arg17[%parallel_loop3A_288, %parallel_loop3A_289] {strides = array<i32>} : memref<128x144xf32, #tpu.memory_space<vmem>>, vector<16xf32>,
          tpu.vector_store %arg17[%parallel_loop3A_288, %parallel_loop3A_289], %parallel_loop3A_287 {strides = array<i32>} : memref<128x144xf32, #tpu.memory_space<vmem>>, vector<16xf32>,
          %parallel_loop3A_291 = arith.index_cast %parallel_loop3A_270 : i32 to index
          %parallel_loop3A_292 = arith.constant 16 : index
          %parallel_loop3A_293 = tpu.vector_load %arg15[%parallel_loop3A_291, %parallel_loop3A_292] {strides = array<i32>} : memref<128x64xi32, #tpu.memory_space<vmem>>, vector<16xi32>,
          %parallel_loop3A_294 = arith.constant 16 : i32
          %parallel_loop3A_295 = vector.broadcast %parallel_loop3A_294 : i32 to vector<16xi32>
          %parallel_loop3A_296 = arith.shli %parallel_loop3A_293, %parallel_loop3A_295 : vector<16xi32>
          %parallel_loop3A_297 = vector.bitcast %parallel_loop3A_296 : vector<16xi32> to vector<16xf32>
          %parallel_loop3A_298 = arith.andi %parallel_loop3A_293, %broadcast_in_dim3A_8 : vector<16xi32>
          %parallel_loop3A_299 = vector.bitcast %parallel_loop3A_298 : vector<16xi32> to vector<16xf32>
          %parallel_loop3A_300 = arith.mulf %parallel_loop3A_297, %parallel_loop3A_273 : vector<16xf32>
          %parallel_loop3A_301 = arith.index_cast %parallel_loop3A_270 : i32 to index
          %parallel_loop3A_302 = arith.constant 32 : index
          %parallel_loop3A_303 = tpu.vector_load %arg17[%parallel_loop3A_301, %parallel_loop3A_302] {strides = array<i32>} : memref<128x144xf32, #tpu.memory_space<vmem>>, vector<16xf32>,
          tpu.vector_store %arg17[%parallel_loop3A_301, %parallel_loop3A_302], %parallel_loop3A_300 {strides = array<i32>} : memref<128x144xf32, #tpu.memory_space<vmem>>, vector<16xf32>,
          %parallel_loop3A_304 = arith.mulf %parallel_loop3A_299, %parallel_loop3A_273 : vector<16xf32>
          %parallel_loop3A_305 = arith.index_cast %parallel_loop3A_270 : i32 to index
          %parallel_loop3A_306 = arith.constant 48 : index
          %parallel_loop3A_307 = tpu.vector_load %arg17[%parallel_loop3A_305, %parallel_loop3A_306] {strides = array<i32>} : memref<128x144xf32, #tpu.memory_space<vmem>>, vector<16xf32>,
          tpu.vector_store %arg17[%parallel_loop3A_305, %parallel_loop3A_306], %parallel_loop3A_304 {strides = array<i32>} : memref<128x144xf32, #tpu.memory_space<vmem>>, vector<16xf32>,
          %parallel_loop3A_308 = arith.index_cast %parallel_loop3A_270 : i32 to index
          %parallel_loop3A_309 = arith.constant 32 : index
          %parallel_loop3A_310 = tpu.vector_load %arg15[%parallel_loop3A_308, %parallel_loop3A_309] {strides = array<i32>} : memref<128x64xi32, #tpu.memory_space<vmem>>, vector<16xi32>,
          %parallel_loop3A_311 = arith.constant 16 : i32
          %parallel_loop3A_312 = vector.broadcast %parallel_loop3A_311 : i32 to vector<16xi32>
          %parallel_loop3A_313 = arith.shli %parallel_loop3A_310, %parallel_loop3A_312 : vector<16xi32>
          %parallel_loop3A_314 = vector.bitcast %parallel_loop3A_313 : vector<16xi32> to vector<16xf32>
          %parallel_loop3A_315 = arith.andi %parallel_loop3A_310, %broadcast_in_dim3A_8 : vector<16xi32>
          %parallel_loop3A_316 = vector.bitcast %parallel_loop3A_315 : vector<16xi32> to vector<16xf32>
          %parallel_loop3A_317 = arith.mulf %parallel_loop3A_314, %parallel_loop3A_273 : vector<16xf32>
          %parallel_loop3A_318 = arith.index_cast %parallel_loop3A_270 : i32 to index
          %parallel_loop3A_319 = arith.constant 64 : index
          %parallel_loop3A_320 = tpu.vector_load %arg17[%parallel_loop3A_318, %parallel_loop3A_319] {strides = array<i32>} : memref<128x144xf32, #tpu.memory_space<vmem>>, vector<16xf32>,
          tpu.vector_store %arg17[%parallel_loop3A_318, %parallel_loop3A_319], %parallel_loop3A_317 {strides = array<i32>} : memref<128x144xf32, #tpu.memory_space<vmem>>, vector<16xf32>,
          %parallel_loop3A_321 = arith.mulf %parallel_loop3A_316, %parallel_loop3A_273 : vector<16xf32>
          %parallel_loop3A_322 = arith.index_cast %parallel_loop3A_270 : i32 to index
          %parallel_loop3A_323 = arith.constant 80 : index
          %parallel_loop3A_324 = tpu.vector_load %arg17[%parallel_loop3A_322, %parallel_loop3A_323] {strides = array<i32>} : memref<128x144xf32, #tpu.memory_space<vmem>>, vector<16xf32>,
          tpu.vector_store %arg17[%parallel_loop3A_322, %parallel_loop3A_323], %parallel_loop3A_321 {strides = array<i32>} : memref<128x144xf32, #tpu.memory_space<vmem>>, vector<16xf32>,
          %parallel_loop3A_325 = arith.index_cast %parallel_loop3A_270 : i32 to index
          %parallel_loop3A_326 = arith.constant 48 : index
          %parallel_loop3A_327 = tpu.vector_load %arg15[%parallel_loop3A_325, %parallel_loop3A_326] {strides = array<i32>} : memref<128x64xi32, #tpu.memory_space<vmem>>, vector<16xi32>,
          %parallel_loop3A_328 = arith.constant 16 : i32
          %parallel_loop3A_329 = vector.broadcast %parallel_loop3A_328 : i32 to vector<16xi32>
          %parallel_loop3A_330 = arith.shli %parallel_loop3A_327, %parallel_loop3A_329 : vector<16xi32>
          %parallel_loop3A_331 = vector.bitcast %parallel_loop3A_330 : vector<16xi32> to vector<16xf32>
          %parallel_loop3A_332 = arith.andi %parallel_loop3A_327, %broadcast_in_dim3A_8 : vector<16xi32>
          %parallel_loop3A_333 = vector.bitcast %parallel_loop3A_332 : vector<16xi32> to vector<16xf32>
          %parallel_loop3A_334 = arith.mulf %parallel_loop3A_331, %parallel_loop3A_273 : vector<16xf32>
          %parallel_loop3A_335 = arith.index_cast %parallel_loop3A_270 : i32 to index
          %parallel_loop3A_336 = arith.constant 96 : index
          %parallel_loop3A_337 = tpu.vector_load %arg17[%parallel_loop3A_335, %parallel_loop3A_336] {strides = array<i32>} : memref<128x144xf32, #tpu.memory_space<vmem>>, vector<16xf32>,
          tpu.vector_store %arg17[%parallel_loop3A_335, %parallel_loop3A_336], %parallel_loop3A_334 {strides = array<i32>} : memref<128x144xf32, #tpu.memory_space<vmem>>, vector<16xf32>,
          %parallel_loop3A_338 = arith.mulf %parallel_loop3A_333, %parallel_loop3A_273 : vector<16xf32>
          %parallel_loop3A_339 = arith.index_cast %parallel_loop3A_270 : i32 to index
          %parallel_loop3A_340 = arith.constant 112 : index
          %parallel_loop3A_341 = tpu.vector_load %arg17[%parallel_loop3A_339, %parallel_loop3A_340] {strides = array<i32>} : memref<128x144xf32, #tpu.memory_space<vmem>>, vector<16xf32>,
          tpu.vector_store %arg17[%parallel_loop3A_339, %parallel_loop3A_340], %parallel_loop3A_338 {strides = array<i32>} : memref<128x144xf32, #tpu.memory_space<vmem>>, vector<16xf32>,
          %parallel_loop3A_342 = arith.mulf %parallel_loop3A_273, %convert_element_type3A_3 : vector<16xf32>
          %parallel_loop3A_343 = arith.index_cast %parallel_loop3A_270 : i32 to index
          %parallel_loop3A_344 = arith.constant 128 : index
          %parallel_loop3A_345 = tpu.vector_load %arg17[%parallel_loop3A_343, %parallel_loop3A_344] {strides = array<i32>} : memref<128x144xf32, #tpu.memory_space<vmem>>, vector<16xf32>,
          tpu.vector_store %arg17[%parallel_loop3A_343, %parallel_loop3A_344], %parallel_loop3A_342 {strides = array<i32>} : memref<128x144xf32, #tpu.memory_space<vmem>>, vector<16xf32>,
        } {sc.loop_unroll_factor = 8 : i64, sc.parallel_access}
        %scan3A_239 = arith.constant 0 : i32
        %scan3A_240 = arith.constant 8 : i32
        %scan3A_241 = arith.addi %scan3A_239, %scan3A_240 : i32
        %scan3A_242 = arith.constant 1 : i32
        scf.for %scan3A_270 = %scan3A_239 to %scan3A_241 step %scan3A_242  : i32 {
          %mul3A_271 = arith.constant 16 : i32
          %mul3A_272 = arith.muli %scan3A_270, %mul3A_271 : i32
          %add3A_273 = arith.constant 0 : i32
          %add3A_274 = arith.addi %add3A_273, %mul3A_272 : i32
          %get3A_275 = arith.constant 1 : i32
          %get3A_276 = arith.index_cast %get3A_275 : i32 to index
          %get3A_277 = arith.index_cast %add3A_274 : i32 to index
          %get3A_278 = tpu.vector_load %arg10[%get3A_276, %get3A_277] {strides = array<i32>} : memref<2x128xi32, #tpu.memory_space<vmem>>, vector<16xi32>,
          %swap3A = arith.index_cast %add3A_274 : i32 to index
          %swap3A_279 = tpu.vector_load %arg16[%swap3A] {strides = array<i32>} : memref<128xi32, #tpu.memory_space<vmem>>, vector<16xi32>,
          tpu.vector_store %arg16[%swap3A], %get3A_278 {strides = array<i32>} : memref<128xi32, #tpu.memory_space<vmem>>, vector<16xi32>,
        }
        %scan3A_243 = arith.constant 8 : i32
        %dma_start3A_244 = arith.constant 0 : i32
        %dma_start3A_245 = arith.constant 0 : i32
        %dma_start3A_246 = tpu.memref_slice %arg18[%dma_start3A_244, %dma_start3A_245] : memref<10000x144xf32, #tpu.memory_space<vmem_shared>> -> memref<10000x144xf32, #tpu.memory_space<vmem_shared>>
        tpu.enqueue_indirect_dma source(%arg17 : memref<128x144xf32, #tpu.memory_space<vmem>>) target(%dma_start3A_246 : memref<10000x144xf32, #tpu.memory_space<vmem_shared>>) offsets(%arg16 : memref<128xi32, #tpu.memory_space<vmem>>) semaphore(%arg21 : memref<!tpu.dma_semaphore, #tpu.memory_space<semaphore_mem>>) {add = true}
        %add3A_247 = arith.constant 2 : i32
        %add3A_248 = arith.addi %add3A_215, %add3A_247 : i32
        %mul3A_249 = arith.constant 32 : i32
        %mul3A_250 = arith.muli %add3A_248, %mul3A_249 : i32
        %add3A_251 = arith.addi %add3A, %mul3A_250 : i32
        %lt3A_252 = arith.constant 2500 : i32
        %lt3A_253 = arith.cmpi slt, %add3A_251, %lt3A_252 : i32
        %convert_element_type3A_254 = arith.extui %lt3A_253 : i1 to i32
        %cond3A_255 = arith.constant 0 : i32
        %cond3A_256 = arith.cmpi ne, %convert_element_type3A_254, %cond3A_255 : i32
        scf.if %cond3A_256 {
          %add3A_270 = arith.constant 2 : i32
          %add3A_271 = arith.addi %add3A_215, %add3A_270 : i32
          %mul3A_272 = arith.constant 32 : i32
          %mul3A_273 = arith.muli %add3A_271, %mul3A_272 : i32
          %add3A_274 = arith.addi %add3A, %mul3A_273 : i32
          %mul3A_275 = arith.constant 128 : i32
          %mul3A_276 = arith.muli %add3A_274, %mul3A_275 : i32
          %dma_start3A_277 = arith.constant 0 : i32
          %dma_start3A_278 = arith.constant 1 : i32
          %dma_start3A_279 = arith.constant 0 : i32
          %dma_start3A_280 = tpu.memref_slice %arg9[%dma_start3A_278, %dma_start3A_279] : memref<2x128xi32, #tpu.memory_space<vmem>> -> memref<1x128xi32, #tpu.memory_space<vmem>>
          %dma_start3A_281 = tpu.memref_squeeze %dma_start3A_280 : memref<1x128xi32, #tpu.memory_space<vmem>> -> memref<128xi32, #tpu.memory_space<vmem>>
          %dma_start3A_282 = tpu.memref_slice %arg2[%dma_start3A_277, %mul3A_276] : memref<2x320000xi32, #tpu.memory_space<hbm>> -> memref<1x128xi32, #tpu.memory_space<hbm>>
          %dma_start3A_283 = tpu.memref_squeeze %dma_start3A_282 : memref<1x128xi32, #tpu.memory_space<hbm>> -> memref<128xi32, #tpu.memory_space<hbm>>
          %dma_start3A_284 = arith.constant 0 : i32
          %dma_start3A_285 = tpu.memref_slice %arg9[%dma_start3A_278, %dma_start3A_284] : memref<2x128xi32, #tpu.memory_space<vmem>> -> memref<1x128xi32, #tpu.memory_space<vmem>>
          %dma_start3A_286 = tpu.memref_squeeze %dma_start3A_285 : memref<1x128xi32, #tpu.memory_space<vmem>> -> memref<128xi32, #tpu.memory_space<vmem>>
          %dma_start3A_287 = tpu.memref_slice %arg2[%dma_start3A_277, %mul3A_276] : memref<2x320000xi32, #tpu.memory_space<hbm>> -> memref<1x128xi32, #tpu.memory_space<hbm>>
          %dma_start3A_288 = tpu.memref_squeeze %dma_start3A_287 : memref<1x128xi32, #tpu.memory_space<hbm>> -> memref<128xi32, #tpu.memory_space<hbm>>
          tpu.enqueue_dma source(%dma_start3A_288 : memref<128xi32, #tpu.memory_space<hbm>>) target(%dma_start3A_286 : memref<128xi32, #tpu.memory_space<vmem>>) target_semaphore(%arg19 : memref<!tpu.dma_semaphore, #tpu.memory_space<semaphore_mem>>)
          %dma_start3A_289 = arith.constant 1 : i32
          %dma_start3A_290 = arith.constant 1 : i32
          %dma_start3A_291 = arith.constant 0 : i32
          %dma_start3A_292 = tpu.memref_slice %arg10[%dma_start3A_290, %dma_start3A_291] : memref<2x128xi32, #tpu.memory_space<vmem>> -> memref<1x128xi32, #tpu.memory_space<vmem>>
          %dma_start3A_293 = tpu.memref_squeeze %dma_start3A_292 : memref<1x128xi32, #tpu.memory_space<vmem>> -> memref<128xi32, #tpu.memory_space<vmem>>
          %dma_start3A_294 = tpu.memref_slice %arg2[%dma_start3A_289, %mul3A_276] : memref<2x320000xi32, #tpu.memory_space<hbm>> -> memref<1x128xi32, #tpu.memory_space<hbm>>
          %dma_start3A_295 = tpu.memref_squeeze %dma_start3A_294 : memref<1x128xi32, #tpu.memory_space<hbm>> -> memref<128xi32, #tpu.memory_space<hbm>>
          %dma_start3A_296 = arith.constant 0 : i32
          %dma_start3A_297 = tpu.memref_slice %arg10[%dma_start3A_290, %dma_start3A_296] : memref<2x128xi32, #tpu.memory_space<vmem>> -> memref<1x128xi32, #tpu.memory_space<vmem>>
          %dma_start3A_298 = tpu.memref_squeeze %dma_start3A_297 : memref<1x128xi32, #tpu.memory_space<vmem>> -> memref<128xi32, #tpu.memory_space<vmem>>
          %dma_start3A_299 = tpu.memref_slice %arg2[%dma_start3A_289, %mul3A_276] : memref<2x320000xi32, #tpu.memory_space<hbm>> -> memref<1x128xi32, #tpu.memory_space<hbm>>
          %dma_start3A_300 = tpu.memref_squeeze %dma_start3A_299 : memref<1x128xi32, #tpu.memory_space<hbm>> -> memref<128xi32, #tpu.memory_space<hbm>>
          tpu.enqueue_dma source(%dma_start3A_300 : memref<128xi32, #tpu.memory_space<hbm>>) target(%dma_start3A_298 : memref<128xi32, #tpu.memory_space<vmem>>) target_semaphore(%arg19 : memref<!tpu.dma_semaphore, #tpu.memory_space<semaphore_mem>>)
          %dma_wait3A_301 = arith.constant 0 : i32
          %dma_wait3A_302 = arith.constant 1 : i32
          %dma_wait3A_303 = arith.constant 0 : i32
          %dma_wait3A_304 = tpu.memref_slice %arg9[%dma_wait3A_302, %dma_wait3A_303] : memref<2x128xi32, #tpu.memory_space<vmem>> -> memref<1x128xi32, #tpu.memory_space<vmem>>
          %dma_wait3A_305 = tpu.memref_squeeze %dma_wait3A_304 : memref<1x128xi32, #tpu.memory_space<vmem>> -> memref<128xi32, #tpu.memory_space<vmem>>
          %dma_wait3A_306 = tpu.memref_slice %arg2[%dma_wait3A_301, %mul3A_276] : memref<2x320000xi32, #tpu.memory_space<hbm>> -> memref<1x128xi32, #tpu.memory_space<hbm>>
          %dma_wait3A_307 = tpu.memref_squeeze %dma_wait3A_306 : memref<1x128xi32, #tpu.memory_space<hbm>> -> memref<128xi32, #tpu.memory_space<hbm>>
          %dma_wait3A_308 = arith.constant 0 : i32
          %dma_wait3A_309 = tpu.memref_slice %arg9[%dma_wait3A_302, %dma_wait3A_308] : memref<2x128xi32, #tpu.memory_space<vmem>> -> memref<1x128xi32, #tpu.memory_space<vmem>>
          %dma_wait3A_310 = tpu.memref_squeeze %dma_wait3A_309 : memref<1x128xi32, #tpu.memory_space<vmem>> -> memref<128xi32, #tpu.memory_space<vmem>>
          %dma_wait3A_311 = tpu.memref_slice %arg2[%dma_wait3A_301, %mul3A_276] : memref<2x320000xi32, #tpu.memory_space<hbm>> -> memref<1x128xi32, #tpu.memory_space<hbm>>
          %dma_wait3A_312 = tpu.memref_squeeze %dma_wait3A_311 : memref<1x128xi32, #tpu.memory_space<hbm>> -> memref<128xi32, #tpu.memory_space<hbm>>
          tpu.wait_dma2 semaphore(%arg19 : memref<!tpu.dma_semaphore, #tpu.memory_space<semaphore_mem>>) src(%dma_wait3A_312 : memref<128xi32, #tpu.memory_space<hbm>>) dst(%dma_wait3A_310 : memref<128xi32, #tpu.memory_space<vmem>>)
          %dma_wait3A_313 = arith.constant 1 : i32
          %dma_wait3A_314 = arith.constant 1 : i32
          %dma_wait3A_315 = arith.constant 0 : i32
          %dma_wait3A_316 = tpu.memref_slice %arg10[%dma_wait3A_314, %dma_wait3A_315] : memref<2x128xi32, #tpu.memory_space<vmem>> -> memref<1x128xi32, #tpu.memory_space<vmem>>
          %dma_wait3A_317 = tpu.memref_squeeze %dma_wait3A_316 : memref<1x128xi32, #tpu.memory_space<vmem>> -> memref<128xi32, #tpu.memory_space<vmem>>
          %dma_wait3A_318 = tpu.memref_slice %arg2[%dma_wait3A_313, %mul3A_276] : memref<2x320000xi32, #tpu.memory_space<hbm>> -> memref<1x128xi32, #tpu.memory_space<hbm>>
          %dma_wait3A_319 = tpu.memref_squeeze %dma_wait3A_318 : memref<1x128xi32, #tpu.memory_space<hbm>> -> memref<128xi32, #tpu.memory_space<hbm>>
          %dma_wait3A_320 = arith.constant 0 : i32
          %dma_wait3A_321 = tpu.memref_slice %arg10[%dma_wait3A_314, %dma_wait3A_320] : memref<2x128xi32, #tpu.memory_space<vmem>> -> memref<1x128xi32, #tpu.memory_space<vmem>>
          %dma_wait3A_322 = tpu.memref_squeeze %dma_wait3A_321 : memref<1x128xi32, #tpu.memory_space<vmem>> -> memref<128xi32, #tpu.memory_space<vmem>>
          %dma_wait3A_323 = tpu.memref_slice %arg2[%dma_wait3A_313, %mul3A_276] : memref<2x320000xi32, #tpu.memory_space<hbm>> -> memref<1x128xi32, #tpu.memory_space<hbm>>
          %dma_wait3A_324 = tpu.memref_squeeze %dma_wait3A_323 : memref<1x128xi32, #tpu.memory_space<hbm>> -> memref<128xi32, #tpu.memory_space<hbm>>
          tpu.wait_dma2 semaphore(%arg19 : memref<!tpu.dma_semaphore, #tpu.memory_space<semaphore_mem>>) src(%dma_wait3A_324 : memref<128xi32, #tpu.memory_space<hbm>>) dst(%dma_wait3A_322 : memref<128xi32, #tpu.memory_space<vmem>>)
        } else {
        }
        %dma_wait3A_257 = arith.constant 0 : i32
        %dma_wait3A_258 = arith.constant 0 : i32
        %dma_wait3A_259 = tpu.memref_slice %arg18[%dma_wait3A_257, %dma_wait3A_258] : memref<10000x144xf32, #tpu.memory_space<vmem_shared>> -> memref<10000x144xf32, #tpu.memory_space<vmem_shared>>
        tpu.wait_indirect_dma semaphore(%arg21 : memref<!tpu.dma_semaphore, #tpu.memory_space<semaphore_mem>>) src(%arg17 : memref<128x144xf32, #tpu.memory_space<vmem>>) dst(%dma_wait3A_259 : memref<10000x144xf32, #tpu.memory_space<vmem_shared>>)
        %add3A_260 = arith.constant 1 : i32
        %add3A_261 = arith.addi %add3A_215, %add3A_260 : i32
        %mul3A_262 = arith.constant 32 : i32
        %mul3A_263 = arith.muli %add3A_261, %mul3A_262 : i32
        %add3A_264 = arith.addi %add3A, %mul3A_263 : i32
        %lt3A_265 = arith.constant 2500 : i32
        %lt3A_266 = arith.cmpi slt, %add3A_264, %lt3A_265 : i32
        %convert_element_type3A_267 = arith.extui %lt3A_266 : i1 to i32
        %cond3A_268 = arith.constant 0 : i32
        %cond3A_269 = arith.cmpi ne, %convert_element_type3A_267, %cond3A_268 : i32
        scf.if %cond3A_269 {
          %dma_wait3A_270 = arith.constant 0 : i32
          %dma_wait3A_271 = arith.constant 0 : i32
          %dma_wait3A_272 = tpu.memref_slice %arg9[%dma_wait3A_270, %dma_wait3A_271] : memref<2x128xi32, #tpu.memory_space<vmem>> -> memref<1x128xi32, #tpu.memory_space<vmem>>
          %dma_wait3A_273 = tpu.memref_squeeze %dma_wait3A_272 : memref<1x128xi32, #tpu.memory_space<vmem>> -> memref<128xi32, #tpu.memory_space<vmem>>
          %dma_wait3A_274 = arith.constant 0 : i32
          %dma_wait3A_275 = arith.constant 0 : i32
          %dma_wait3A_276 = tpu.memref_slice %arg3[%dma_wait3A_274, %dma_wait3A_275] : memref<10000x64xi32, #tpu.memory_space<hbm>> -> memref<10000x64xi32, #tpu.memory_space<hbm>>
          tpu.wait_indirect_dma semaphore(%arg20 : memref<!tpu.dma_semaphore, #tpu.memory_space<semaphore_mem>>) src(%dma_wait3A_276 : memref<10000x64xi32, #tpu.memory_space<hbm>>) dst(%arg14 : memref<128x64xi32, #tpu.memory_space<vmem>>)
          %dma_wait3A_277 = arith.constant 0 : i32
          %dma_wait3A_278 = arith.constant 0 : i32
          %dma_wait3A_279 = arith.constant 0 : i32
          %dma_wait3A_280 = tpu.memref_slice %arg11[%dma_wait3A_278, %dma_wait3A_279] : memref<2x128xf32, #tpu.memory_space<vmem>> -> memref<1x128xf32, #tpu.memory_space<vmem>>
          %dma_wait3A_281 = tpu.memref_squeeze %dma_wait3A_280 : memref<1x128xf32, #tpu.memory_space<vmem>> -> memref<128xf32, #tpu.memory_space<vmem>>
          %dma_wait3A_282 = arith.constant 0 : i32
          %dma_wait3A_283 = tpu.memref_slice %arg9[%dma_wait3A_277, %dma_wait3A_282] : memref<2x128xi32, #tpu.memory_space<vmem>> -> memref<1x128xi32, #tpu.memory_space<vmem>>
          %dma_wait3A_284 = tpu.memref_squeeze %dma_wait3A_283 : memref<1x128xi32, #tpu.memory_space<vmem>> -> memref<128xi32, #tpu.memory_space<vmem>>
          %dma_wait3A_285 = arith.constant 0 : i32
          %dma_wait3A_286 = tpu.memref_slice %arg4[%dma_wait3A_285] : memref<10000xf32, #tpu.memory_space<hbm>> -> memref<10000xf32, #tpu.memory_space<hbm>>
          tpu.wait_indirect_dma semaphore(%arg20 : memref<!tpu.dma_semaphore, #tpu.memory_space<semaphore_mem>>) src(%dma_wait3A_286 : memref<10000xf32, #tpu.memory_space<hbm>>) dst(%dma_wait3A_281 : memref<128xf32, #tpu.memory_space<vmem>>)
          %dma_wait3A_287 = arith.constant 0 : i32
          %dma_wait3A_288 = arith.constant 0 : i32
          %dma_wait3A_289 = arith.constant 0 : i32
          %dma_wait3A_290 = tpu.memref_slice %arg12[%dma_wait3A_288, %dma_wait3A_289] : memref<2x128xf32, #tpu.memory_space<vmem>> -> memref<1x128xf32, #tpu.memory_space<vmem>>
          %dma_wait3A_291 = tpu.memref_squeeze %dma_wait3A_290 : memref<1x128xf32, #tpu.memory_space<vmem>> -> memref<128xf32, #tpu.memory_space<vmem>>
          %dma_wait3A_292 = arith.constant 0 : i32
          %dma_wait3A_293 = tpu.memref_slice %arg10[%dma_wait3A_287, %dma_wait3A_292] : memref<2x128xi32, #tpu.memory_space<vmem>> -> memref<1x128xi32, #tpu.memory_space<vmem>>
          %dma_wait3A_294 = tpu.memref_squeeze %dma_wait3A_293 : memref<1x128xi32, #tpu.memory_space<vmem>> -> memref<128xi32, #tpu.memory_space<vmem>>
          %dma_wait3A_295 = arith.constant 0 : i32
          %dma_wait3A_296 = tpu.memref_slice %arg5[%dma_wait3A_295] : memref<10000xf32, #tpu.memory_space<hbm>> -> memref<10000xf32, #tpu.memory_space<hbm>>
          tpu.wait_indirect_dma semaphore(%arg20 : memref<!tpu.dma_semaphore, #tpu.memory_space<semaphore_mem>>) src(%dma_wait3A_296 : memref<10000xf32, #tpu.memory_space<hbm>>) dst(%dma_wait3A_291 : memref<128xf32, #tpu.memory_space<vmem>>)
        } else {
        }
      } else {
      }
    }
    %scan3A_195 = arith.constant 40 : i32
    %barrier3A_196 = arith.constant 0 : index
    tpu.barrier barrier_id(%barrier3A_196)
    %mul3A_197 = arith.constant 625 : i32
    %mul3A_198 = arith.muli %arg1, %mul3A_197 : i32
    %mul3A_199 = arith.constant 625 : i32
    %mul3A_200 = arith.muli %arg1, %mul3A_199 : i32
    "tpu.region"() ({
      %run_scoped3A = tpu.sem_alloc : memref<!tpu.dma_semaphore, #tpu.memory_space<semaphore_mem>>
      %dma_start3A_201 = arith.constant 0 : i32
      %dma_start3A_202 = tpu.memref_slice %arg7[%arg0, %mul3A_200, %dma_start3A_201] : memref<2x10000x144xf32, #tpu.memory_space<hbm>> -> memref<1x625x144xf32, #tpu.memory_space<hbm>>
      %dma_start3A_203 = tpu.memref_squeeze %dma_start3A_202 : memref<1x625x144xf32, #tpu.memory_space<hbm>> -> memref<625x144xf32, #tpu.memory_space<hbm>>
      %dma_start3A_204 = arith.constant 0 : i32
      %dma_start3A_205 = tpu.memref_slice %arg18[%mul3A_198, %dma_start3A_204] : memref<10000x144xf32, #tpu.memory_space<vmem_shared>> -> memref<625x144xf32, #tpu.memory_space<vmem_shared>>
      tpu.enqueue_dma source(%dma_start3A_205 : memref<625x144xf32, #tpu.memory_space<vmem_shared>>) target(%dma_start3A_203 : memref<625x144xf32, #tpu.memory_space<hbm>>) target_semaphore(%run_scoped3A : memref<!tpu.dma_semaphore, #tpu.memory_space<semaphore_mem>>)
      %dma_wait3A_206 = arith.constant 0 : i32
      %dma_wait3A_207 = tpu.memref_slice %arg7[%arg0, %mul3A_200, %dma_wait3A_206] : memref<2x10000x144xf32, #tpu.memory_space<hbm>> -> memref<1x625x144xf32, #tpu.memory_space<hbm>>
      %dma_wait3A_208 = tpu.memref_squeeze %dma_wait3A_207 : memref<1x625x144xf32, #tpu.memory_space<hbm>> -> memref<625x144xf32, #tpu.memory_space<hbm>>
      %dma_wait3A_209 = arith.constant 0 : i32
      %dma_wait3A_210 = tpu.memref_slice %arg18[%mul3A_198, %dma_wait3A_209] : memref<10000x144xf32, #tpu.memory_space<vmem_shared>> -> memref<625x144xf32, #tpu.memory_space<vmem_shared>>
      tpu.wait_dma2 semaphore(%run_scoped3A : memref<!tpu.dma_semaphore, #tpu.memory_space<semaphore_mem>>) src(%dma_wait3A_210 : memref<625x144xf32, #tpu.memory_space<vmem_shared>>) dst(%dma_wait3A_208 : memref<625x144xf32, #tpu.memory_space<hbm>>)
      tpu.yield
    }) : () -> ()
    return
  }
}

module attributes {stable_mosaic.version = 14 : i64} {
  func.func @_pre_body(%arg0: memref<10000x128xf32, #tpu.memory_space<vmem>>, %arg1: memref<128x128xf32, #tpu.memory_space<vmem>>, %arg2: memref<1x128xf32, #tpu.memory_space<vmem>>, %arg3: memref<1x128xf32, #tpu.memory_space<vmem>>, %arg4: memref<10000x128xf32, #tpu.memory_space<vmem>>, %arg5: memref<10000x1xf32, #tpu.memory_space<vmem>>, %arg6: memref<10000x1xf32, #tpu.memory_space<vmem>>, %arg7: memref<1x1xf32, #tpu.memory_space<vmem>>, %arg8: memref<10000x1xf32, #tpu.memory_space<vmem>>) attributes {dimension_semantics = [], scalar_prefetch = 0 : i64, scratch_operands = 0 : i64, tpu.core_type = #tpu.core_type<tc>} {
    %get3A = arith.constant 0 : index
    %get3A_0 = arith.constant 0 : index
    %get3A_1 = vector.load %arg0[%get3A, %get3A_0] : memref<10000x128xf32, #tpu.memory_space<vmem>>, vector<10000x128xf32>
    %get3A_2 = arith.constant 0 : index
    %get3A_3 = arith.constant 0 : index
    %get3A_4 = vector.load %arg1[%get3A_2, %get3A_3] : memref<128x128xf32, #tpu.memory_space<vmem>>, vector<128x128xf32>
    %dot_general3A = arith.constant dense<0.000000e+00> : vector<10000x128xf32>
    %dot_general3A_5 = tpu.matmul %get3A_1, %get3A_4, %dot_general3A {dimension_numbers = #tpu.dot_dimension_numbers<[1], [0], [0], [1], [0, 0, 1, 1], [], []>, precision = #tpu.contract_precision<fp32>, transpose_lhs_hint = false} : vector<10000x128xf32>, vector<128x128xf32>, vector<10000x128xf32> -> vector<10000x128xf32>
    %swap3A = arith.constant 0 : index
    %swap3A_6 = arith.constant 0 : index
    %swap3A_7 = vector.load %arg4[%swap3A, %swap3A_6] : memref<10000x128xf32, #tpu.memory_space<vmem>>, vector<10000x128xf32>
    tpu.vector_store %arg4[%swap3A, %swap3A_6], %dot_general3A_5 {strides = array<i32>} : memref<10000x128xf32, #tpu.memory_space<vmem>>, vector<10000x128xf32>,
    %get3A_8 = arith.constant 0 : index
    %get3A_9 = arith.constant 0 : index
    %get3A_10 = vector.load %arg2[%get3A_8, %get3A_9] : memref<1x128xf32, #tpu.memory_space<vmem>>, vector<1x128xf32>
    %mul3A = vector.broadcast %get3A_10 : vector<1x128xf32> to vector<10000x128xf32>
    %mul3A_11 = arith.mulf %dot_general3A_5, %mul3A : vector<10000x128xf32>
    %reduce_sum3A = arith.constant dense<0.000000e+00> : vector<10000xf32>
    %reduce_sum3A_12 = vector.multi_reduction <add>, %mul3A_11, %reduce_sum3A [1] : vector<10000x128xf32> to vector<10000xf32>
    %broadcast_in_dim3A = vector.shape_cast %reduce_sum3A_12 : vector<10000xf32> to vector<10000x1xf32>
    %get3A_13 = arith.constant 0 : index
    %get3A_14 = arith.constant 0 : index
    %get3A_15 = vector.load %arg3[%get3A_13, %get3A_14] : memref<1x128xf32, #tpu.memory_space<vmem>>, vector<1x128xf32>
    %mul3A_16 = vector.broadcast %get3A_15 : vector<1x128xf32> to vector<10000x128xf32>
    %mul3A_17 = arith.mulf %dot_general3A_5, %mul3A_16 : vector<10000x128xf32>
    %reduce_sum3A_18 = arith.constant dense<0.000000e+00> : vector<10000xf32>
    %reduce_sum3A_19 = vector.multi_reduction <add>, %mul3A_17, %reduce_sum3A_18 [1] : vector<10000x128xf32> to vector<10000xf32>
    %broadcast_in_dim3A_20 = vector.shape_cast %reduce_sum3A_19 : vector<10000xf32> to vector<10000x1xf32>
    %reduce_max3A = vector.shape_cast %broadcast_in_dim3A : vector<10000x1xf32> to vector<1x10000x1xf32>
    %reduce_max3A_21 = arith.constant dense<0xFF800000> : vector<1xf32>
    %reduce_max3A_22 = vector.multi_reduction <maximumf>, %reduce_max3A, %reduce_max3A_21 [1, 2] : vector<1x10000x1xf32> to vector<1xf32>
    %reduce_max3A_23 = vector.shape_cast %reduce_max3A_22 : vector<1xf32> to vector<1x1x1xf32>
    %reduce_max3A_24 = vector.extract %reduce_max3A_23[0, 0, 0] : f32 from vector<1x1x1xf32>
    %add3A = vector.broadcast %reduce_max3A_24 : f32 to vector<10000x1xf32>
    %add3A_25 = arith.addf %broadcast_in_dim3A_20, %add3A : vector<10000x1xf32>
    %mul3A_26 = arith.constant 2.000000e-01 : f32
    %mul3A_27 = vector.broadcast %mul3A_26 : f32 to vector<10000x1xf32>
    %mul3A_28 = arith.mulf %add3A_25, %mul3A_27 : vector<10000x1xf32>
    %max3A = arith.maximumf %add3A_25, %mul3A_28 : vector<10000x1xf32>
    %swap3A_29 = arith.constant 0 : index
    %swap3A_30 = arith.constant 0 : index
    %swap3A_31 = vector.load %arg5[%swap3A_29, %swap3A_30] : memref<10000x1xf32, #tpu.memory_space<vmem>>, vector<10000x1xf32>
    tpu.vector_store %arg5[%swap3A_29, %swap3A_30], %broadcast_in_dim3A {strides = array<i32>} : memref<10000x1xf32, #tpu.memory_space<vmem>>, vector<10000x1xf32>,
    %swap3A_32 = arith.constant 0 : index
    %swap3A_33 = arith.constant 0 : index
    %swap3A_34 = vector.load %arg6[%swap3A_32, %swap3A_33] : memref<10000x1xf32, #tpu.memory_space<vmem>>, vector<10000x1xf32>
    tpu.vector_store %arg6[%swap3A_32, %swap3A_33], %broadcast_in_dim3A_20 {strides = array<i32>} : memref<10000x1xf32, #tpu.memory_space<vmem>>, vector<10000x1xf32>,
    %broadcast_in_dim3A_35 = vector.broadcast %reduce_max3A_24 : f32 to vector<1x1xf32>
    %swap3A_36 = arith.constant 0 : index
    %swap3A_37 = arith.constant 0 : index
    %swap3A_38 = vector.load %arg7[%swap3A_36, %swap3A_37] : memref<1x1xf32, #tpu.memory_space<vmem>>, vector<1x1xf32>
    tpu.vector_store %arg7[%swap3A_36, %swap3A_37], %broadcast_in_dim3A_35 {strides = array<i32>} : memref<1x1xf32, #tpu.memory_space<vmem>>, vector<1x1xf32>,
    %add3A_39 = arith.addf %broadcast_in_dim3A, %broadcast_in_dim3A_20 : vector<10000x1xf32>
    %mul3A_40 = arith.constant 2.000000e-01 : f32
    %mul3A_41 = vector.broadcast %mul3A_40 : f32 to vector<10000x1xf32>
    %mul3A_42 = arith.mulf %add3A_39, %mul3A_41 : vector<10000x1xf32>
    %max3A_43 = arith.maximumf %add3A_39, %mul3A_42 : vector<10000x1xf32>
    %sub3A = arith.subf %max3A_43, %max3A : vector<10000x1xf32>
    %exp3A = math.exp %sub3A : vector<10000x1xf32>
    %swap3A_44 = arith.constant 0 : index
    %swap3A_45 = arith.constant 0 : index
    %swap3A_46 = vector.load %arg8[%swap3A_44, %swap3A_45] : memref<10000x1xf32, #tpu.memory_space<vmem>>, vector<10000x1xf32>
    tpu.vector_store %arg8[%swap3A_44, %swap3A_45], %exp3A {strides = array<i32>} : memref<10000x1xf32, #tpu.memory_space<vmem>>, vector<10000x1xf32>,
    return
  }
}

module attributes {stable_mosaic.version = 14 : i64} {
  func.func @_post_body(%arg0: memref<2x10000x144xf32, #tpu.memory_space<vmem>>, %arg1: memref<10000x128xf32, #tpu.memory_space<vmem>>, %arg2: memref<10000x1xf32, #tpu.memory_space<vmem>>, %arg3: memref<1x128xf32, #tpu.memory_space<vmem>>, %arg4: memref<10000x128xf32, #tpu.memory_space<vmem>>) attributes {dimension_semantics = [], scalar_prefetch = 0 : i64, scratch_operands = 0 : i64, tpu.core_type = #tpu.core_type<tc>} {
    %get3A = arith.constant 0 : index
    %get3A_0 = arith.constant 0 : index
    %get3A_1 = arith.constant 0 : index
    %get3A_2 = vector.load %arg0[%get3A, %get3A_0, %get3A_1] : memref<2x10000x144xf32, #tpu.memory_space<vmem>>, vector<1x10000x144xf32>
    %get3A_3 = vector.shape_cast %get3A_2 : vector<1x10000x144xf32> to vector<10000x144xf32>
    %get3A_4 = arith.constant 1 : index
    %get3A_5 = arith.constant 0 : index
    %get3A_6 = arith.constant 0 : index
    %get3A_7 = vector.load %arg0[%get3A_4, %get3A_5, %get3A_6] : memref<2x10000x144xf32, #tpu.memory_space<vmem>>, vector<1x10000x144xf32>
    %get3A_8 = vector.shape_cast %get3A_7 : vector<1x10000x144xf32> to vector<10000x144xf32>
    %add3A = arith.addf %get3A_3, %get3A_8 : vector<10000x144xf32>
    %get3A_9 = arith.constant 0 : index
    %get3A_10 = arith.constant 0 : index
    %get3A_11 = vector.load %arg2[%get3A_9, %get3A_10] : memref<10000x1xf32, #tpu.memory_space<vmem>>, vector<10000x1xf32>
    %slice3A = vector.extract_strided_slice %add3A {offsets = [0, 0], sizes = [10000, 128], strides = [1, 1]} : vector<10000x144xf32> to vector<10000x128xf32>
    %get3A_12 = arith.constant 0 : index
    %get3A_13 = arith.constant 0 : index
    %get3A_14 = vector.load %arg1[%get3A_12, %get3A_13] : memref<10000x128xf32, #tpu.memory_space<vmem>>, vector<10000x128xf32>
    %mul3A = vector.broadcast %get3A_11 : vector<10000x1xf32> to vector<10000x128xf32>
    %mul3A_15 = arith.mulf %mul3A, %get3A_14 : vector<10000x128xf32>
    %add3A_16 = arith.addf %slice3A, %mul3A_15 : vector<10000x128xf32>
    %slice3A_17 = vector.extract_strided_slice %add3A {offsets = [0, 128], sizes = [10000, 1], strides = [1, 1]} : vector<10000x144xf32> to vector<10000x1xf32>
    %add3A_18 = arith.addf %slice3A_17, %get3A_11 : vector<10000x1xf32>
    %add3A_19 = arith.constant 1.000000e-16 : f32
    %add3A_20 = vector.broadcast %add3A_19 : f32 to vector<10000x1xf32>
    %add3A_21 = arith.addf %add3A_18, %add3A_20 : vector<10000x1xf32>
    %div3A = vector.broadcast %add3A_21 : vector<10000x1xf32> to vector<10000x128xf32>
    %div3A_22 = arith.divf %add3A_16, %div3A : vector<10000x128xf32>
    %get3A_23 = arith.constant 0 : index
    %get3A_24 = arith.constant 0 : index
    %get3A_25 = vector.load %arg3[%get3A_23, %get3A_24] : memref<1x128xf32, #tpu.memory_space<vmem>>, vector<1x128xf32>
    %add3A_26 = vector.broadcast %get3A_25 : vector<1x128xf32> to vector<10000x128xf32>
    %add3A_27 = arith.addf %div3A_22, %add3A_26 : vector<10000x128xf32>
    %gt3A = arith.constant 0.000000e+00 : f32
    %gt3A_28 = vector.broadcast %gt3A : f32 to vector<10000x128xf32>
    %gt3A_29 = arith.cmpf ogt, %add3A_27, %gt3A_28 : vector<10000x128xf32>
    %exp3A = math.exp %add3A_27 : vector<10000x128xf32>
    %sub3A = arith.constant 1.000000e+00 : f32
    %sub3A_30 = vector.broadcast %sub3A : f32 to vector<10000x128xf32>
    %sub3A_31 = arith.subf %exp3A, %sub3A_30 : vector<10000x128xf32>
    %select_n3A = arith.select %gt3A_29, %add3A_27, %sub3A_31 : vector<10000x128xi1>, vector<10000x128xf32>
    %swap3A = arith.constant 0 : index
    %swap3A_32 = arith.constant 0 : index
    %swap3A_33 = vector.load %arg4[%swap3A, %swap3A_32] : memref<10000x128xf32, #tpu.memory_space<vmem>>, vector<10000x128xf32>
    tpu.vector_store %arg4[%swap3A, %swap3A_32], %select_n3A {strides = array<i32>} : memref<10000x128xf32, #tpu.memory_space<vmem>>, vector<10000x128xf32>,
    return
  }
}

module attributes {stable_mosaic.version = 14 : i64} {
  func.func @_post_body(%arg0: memref<2x10000x144xf32, #tpu.memory_space<vmem>>, %arg1: memref<10000x128xf32, #tpu.memory_space<vmem>>, %arg2: memref<10000x1xf32, #tpu.memory_space<vmem>>, %arg3: memref<1x128xf32, #tpu.memory_space<vmem>>, %arg4: memref<10000x128xf32, #tpu.memory_space<vmem>>) attributes {dimension_semantics = [], scalar_prefetch = 0 : i64, scratch_operands = 0 : i64, tpu.core_type = #tpu.core_type<tc>} {
    %get3A = arith.constant 0 : index
    %get3A_0 = arith.constant 0 : index
    %get3A_1 = arith.constant 0 : index
    %get3A_2 = vector.load %arg0[%get3A, %get3A_0, %get3A_1] : memref<2x10000x144xf32, #tpu.memory_space<vmem>>, vector<1x10000x144xf32>
    %get3A_3 = vector.shape_cast %get3A_2 : vector<1x10000x144xf32> to vector<10000x144xf32>
    %get3A_4 = arith.constant 1 : index
    %get3A_5 = arith.constant 0 : index
    %get3A_6 = arith.constant 0 : index
    %get3A_7 = vector.load %arg0[%get3A_4, %get3A_5, %get3A_6] : memref<2x10000x144xf32, #tpu.memory_space<vmem>>, vector<1x10000x144xf32>
    %get3A_8 = vector.shape_cast %get3A_7 : vector<1x10000x144xf32> to vector<10000x144xf32>
    %add3A = arith.addf %get3A_3, %get3A_8 : vector<10000x144xf32>
    %get3A_9 = arith.constant 0 : index
    %get3A_10 = arith.constant 0 : index
    %get3A_11 = vector.load %arg2[%get3A_9, %get3A_10] : memref<10000x1xf32, #tpu.memory_space<vmem>>, vector<10000x1xf32>
    %slice3A = vector.extract_strided_slice %add3A {offsets = [0, 0], sizes = [10000, 128], strides = [1, 1]} : vector<10000x144xf32> to vector<10000x128xf32>
    %get3A_12 = arith.constant 0 : index
    %get3A_13 = arith.constant 0 : index
    %get3A_14 = vector.load %arg1[%get3A_12, %get3A_13] : memref<10000x128xf32, #tpu.memory_space<vmem>>, vector<10000x128xf32>
    %mul3A = vector.broadcast %get3A_11 : vector<10000x1xf32> to vector<10000x128xf32>
    %mul3A_15 = arith.mulf %mul3A, %get3A_14 : vector<10000x128xf32>
    %add3A_16 = arith.addf %slice3A, %mul3A_15 : vector<10000x128xf32>
    %slice3A_17 = vector.extract_strided_slice %add3A {offsets = [0, 128], sizes = [10000, 1], strides = [1, 1]} : vector<10000x144xf32> to vector<10000x1xf32>
    %add3A_18 = arith.addf %slice3A_17, %get3A_11 : vector<10000x1xf32>
    %add3A_19 = arith.constant 1.000000e-16 : f32
    %add3A_20 = vector.broadcast %add3A_19 : f32 to vector<10000x1xf32>
    %add3A_21 = arith.addf %add3A_18, %add3A_20 : vector<10000x1xf32>
    %div3A = vector.broadcast %add3A_21 : vector<10000x1xf32> to vector<10000x128xf32>
    %div3A_22 = arith.divf %add3A_16, %div3A : vector<10000x128xf32>
    %get3A_23 = arith.constant 0 : index
    %get3A_24 = arith.constant 0 : index
    %get3A_25 = vector.load %arg3[%get3A_23, %get3A_24] : memref<1x128xf32, #tpu.memory_space<vmem>>, vector<1x128xf32>
    %add3A_26 = vector.broadcast %get3A_25 : vector<1x128xf32> to vector<10000x128xf32>
    %add3A_27 = arith.addf %div3A_22, %add3A_26 : vector<10000x128xf32>
    %swap3A = arith.constant 0 : index
    %swap3A_28 = arith.constant 0 : index
    %swap3A_29 = vector.load %arg4[%swap3A, %swap3A_28] : memref<10000x128xf32, #tpu.memory_space<vmem>>, vector<10000x128xf32>
    tpu.vector_store %arg4[%swap3A, %swap3A_28], %add3A_27 {strides = array<i32>} : memref<10000x128xf32, #tpu.memory_space<vmem>>, vector<10000x128xf32>,
    return
  }
}

</mosaic_0001>

<sc_bundles>
// kernel: kernel.11.cloned.1.call-start
scs
__scs_entry_jumppad:
0x0: {  	(pc) =	sbr.rel $0x88, $3  }
0x1: {  	(tag) =	ssettag $0x0;
	lr =	simm.s32 $0x1  }
0x2: {  	[smem:$0x3F97] =	sst lr;
	_ =	strace $0xD0000000  }
0x3: {  	_ = 	snop  }
0x4: {  	_ = 	snop  }
0x5: {  	_ = 	snop  }
0x6: {  	_ = 	snop  }
0x7: {  	_ = 	snop  }
__scs_overlays_trampoline_lowered:
0x8: {  	[smem:$0x3FA6] =	sst s0  }
0x9: {  	[smem:$0x3FA7] =	sst s1  }
0xa: {  	[smem:$0x3FA8] =	sst s2  }
0xb: {  	[smem:$0x3FA9] =	sst s3  }
0xc: {  	[smem:$0x3FAA] =	sst s4  }
0xd: {  	[smem:$0x3FAB] =	sst s5  }
0xe: {  	[smem:$0x3FAC] =	sst s6  }
0xf: {  	[smem:$0x3FAD] =	sst s7  }
0x10: {  	[smem:$0x3FAE] =	sst s8  }
0x11: {  	[smem:$0x3FAF] =	sst s9;
	s0 =	simm.s32 @!p0 $0x0  }
0x12: {  	s1 =	sld [smem:$0x3F95];
	s0 =	simm.s32 @p0 $0x1  }
0x13: {  	[smem:$0x3FB0] =	sst s0;
	s0 =	simm.s32 @!p1 $0x0  }
0x14: {  	s2 =	sld [smem:$0x3F94];
	s0 =	simm.s32 @p1 $0x1  }
0x15: {  	[smem:$0x3FB1] =	sst s0;
	s0 =	simm.s32 @!p2 $0x0  }
0x16: {  	s3 =	sld [smem:$0x3FDB];
	s0 =	simm.s32 @p2 $0x1  }
0x17: {  	s4 =	simm.s32 $0x1BF5;
	[smem:$0x3FB3] =	sst s0  }
0x18: {  	s0 =	sld [smem:$0x3F96];
	_ =	swait.ge [sflag:s4], $0x0  }
0x19: {  	s7 =	sld [smem:$0x3F97]  }
0x1a: {  	s8 =	sadd.s32 $0xFFFFE003, lr  }
0x1b: {  	s9 =	sadd.s32 $0xFFFFFEF7, lr;
	s5 =	simm.s32 $0xFFFFFFFF;
	p2 =	slt.u32 s8, $0xFFFFF086  }
0x1c: {  	p1 =	slt.u32 s9, $0xF7A;
	s5 =	simm.s32 @!p2 $0x0  }
0x1d: {  	s5 =	simm.s32 @p1 $0x1;
	p0 =	seq.s32 s7, s2  }
0x1e: {  	s7 =	smul.u32 @!p0 $0xF7A, s2;
	p2 =	seq.s32 @!p0 s5, $0x0  }
0x1f: {  	s9 =	smul.u32 $0xF7A, s1;
	s8 =	simm.s32 @!p0 $0x1BF5;
	p2 =	por !p2, p0  }
0x20: {  	[sflag:s8] =	ssyncset.s32 @!p0 $0xFFFFF086;
	s6 =	sadd.s32 @!p0 s3, s7;
	s7 =	simm.s32 @!p0 $0x108  }
0x21: {  	s3 =	sadd.s32 s3, s9;
	s6 =	sadd.s32 @!p0 $0x88, s6;
	s7 =	simm.s32 @p2 $0x1082  }
0x22: {  	[simem:s7], [sflag:s8] =	dma.local @!p0 [hbm:s6], $0xF7A  }
0x23: {  	s9 =	sor.u32 $0xD0000000, s2;
	s6 =	simm.s32 $0x108;
	_ =	swait.ge @!p0 [sflag:s8], $0x0  }
0x24: {  	s3 =	sadd.s32 $0x88, s3;
	s6 =	simm.s32 @!p1 $0x1082;
	[sflag:s4] =	ssyncset.s32 $0xFFFFF086  }
0x25: {  	[simem:s6], [sflag:s4] =	dma.local [hbm:s3], $0xF7A  }
0x26: {  	[smem:$0x3F97] =	sst s1;
	(tag) =	ssettag s2;
	_ =	strace s9  }
0x27: {  	s1 =	sld [smem:$0x3FA7]  }
0x28: {  	s2 =	sld [smem:$0x3FA8]  }
0x29: {  	s4 =	sld [smem:$0x3FAA]  }
0x2a: {  	p0 =	seq.s32 s5, $0x0;
	s5 =	sld [smem:$0x3FAB]  }
0x2b: {  	s6 =	sld [smem:$0x3FAC]  }
0x2c: {  	s7 =	sld [smem:$0x3FAD]  }
0x2d: {  	s3 =	simm.s32 $0x108;
	s8 =	sld [smem:$0x3FAE]  }
0x2e: {  	s3 =	simm.s32 @!p0 $0x1082;
	s9 =	sld [smem:$0x3FAF]  }
0x2f: {  	lr =	sadd.s32 s0, s3;
	s0 =	sld [smem:$0x3FA6]  }
0x30: {  	s3 =	sld [smem:$0x3FA9]  }
0x31: {  	[smem:$0x3FB2] =	sst s10  }
0x32: {  	s10 =	sld [smem:$0x3FB0];
	_ =	sdelay $0x3  }
0x33: {  	p0 =	seq.s32 s10, $0x1;
	s10 =	sld [smem:$0x3FB2];
	_ =	sdelay $0x3  }
0x34: {  	[smem:$0x3FB2] =	sst s10  }
0x35: {  	s10 =	sld [smem:$0x3FB1];
	_ =	sdelay $0x3  }
0x36: {  	p1 =	seq.s32 s10, $0x1;
	s10 =	sld [smem:$0x3FB2];
	_ =	sdelay $0x3  }
0x37: {  	[smem:$0x3FB2] =	sst s10  }
0x38: {  	s10 =	sld [smem:$0x3FB3]  }
0x39: {  	_ = 	snop;
	(pc) =	sbr.ind lr, $3  }
0x3a: {  	_ = 	snop  }
0x3b: {  	_ = 	snop  }
0x3c: {  	p2 =	seq.s32 s10, $0x1;
	s10 =	sld [smem:$0x3FB2]  }
0x3d: {  	_ =	shalt  }
0x3e: {  	_ =	shalt  }
0x3f: {  	_ =	shalt  }
0x40: {  	_ =	shalt  }
0x41: {  	_ =	shalt  }
0x42: {  	_ =	shalt  }
0x43: {  	_ =	shalt  }
0x44: {  	_ =	shalt  }
0x45: {  	_ =	shalt  }
0x46: {  	_ =	shalt  }
0x47: {  	_ =	shalt  }
0x48: {  	_ =	shalt  }
0x49: {  	_ =	shalt  }
0x4a: {  	_ =	shalt  }
0x4b: {  	_ =	shalt  }
0x4c: {  	_ =	shalt  }
0x4d: {  	_ =	shalt  }
0x4e: {  	_ =	shalt  }
0x4f: {  	_ =	shalt  }
0x50: {  	_ =	shalt  }
0x51: {  	_ =	shalt  }
0x52: {  	_ =	shalt  }
0x53: {  	_ =	shalt  }
0x54: {  	_ =	shalt  }
0x55: {  	_ =	shalt  }
0x56: {  	_ =	shalt  }
0x57: {  	_ =	shalt  }
0x58: {  	_ =	shalt  }
0x59: {  	_ =	shalt  }
0x5a: {  	_ =	shalt  }
0x5b: {  	_ =	shalt  }
0x5c: {  	_ =	shalt  }
0x5d: {  	_ =	shalt  }
0x5e: {  	_ =	shalt  }
0x5f: {  	_ =	shalt  }
0x60: {  	_ =	shalt  }
0x61: {  	_ =	shalt  }
0x62: {  	_ =	shalt  }
0x63: {  	_ =	shalt  }
0x64: {  	_ =	shalt  }
0x65: {  	_ =	shalt  }
0x66: {  	_ =	shalt  }
0x67: {  	_ =	shalt  }
0x68: {  	_ =	shalt  }
0x69: {  	_ =	shalt  }
0x6a: {  	_ =	shalt  }
0x6b: {  	_ =	shalt  }
0x6c: {  	_ =	shalt  }
0x6d: {  	_ =	shalt  }
0x6e: {  	_ =	shalt  }
0x6f: {  	_ =	shalt  }
0x70: {  	_ =	shalt  }
0x71: {  	_ =	shalt  }
0x72: {  	_ =	shalt  }
0x73: {  	_ =	shalt  }
0x74: {  	_ =	shalt  }
0x75: {  	_ =	shalt  }
0x76: {  	_ =	shalt  }
0x77: {  	_ =	shalt  }
0x78: {  	_ =	shalt  }
0x79: {  	_ =	shalt  }
0x7a: {  	_ =	shalt  }
0x7b: {  	_ =	shalt  }
0x7c: {  	_ =	shalt  }
0x7d: {  	_ =	shalt  }
0x7e: {  	_ =	shalt  }
0x7f: {  	_ =	shalt  }
0x80: {  	_ =	shalt  }
0x81: {  	_ =	shalt  }
0x82: {  	_ =	shalt  }
0x83: {  	_ =	shalt  }
0x84: {  	_ =	shalt  }
0x85: {  	_ =	shalt  }
0x86: {  	_ =	shalt  }
0x87: {  	_ =	shalt  }
.Lfunc_end0:
.L_simem_size_0:
called_computation.1_lowered:
.L_overlay_start_0:
0x88: {  	s2 =	sld [smem:$0x3FD9]  }
0x89: {  	s3 =	sld [smem:$0x3FFE];
	_ =	sdelay $0x1  }
0x8a: {  	s1 =	srdreg.scid  }
0x8b: {  	s0 =	sand.u32 $0x1, s1  }
0x8c: {  	s17 =	sshll.u32 s0, $0xA;
	s2 =	sadd.s32 s3, s2  }
0x8d: {  	s2 =	sadd.s32 s2, s17  }
0x8e: {  	[smem:$0x3FBE] =	sst s2  }
0x8f: {  	_ = 	snop  }
0x90: {  	s2 =	sld [smem:$0x3FD0];
	(tm) =	ssettm $0x1  }
0x91: {  	s18 =	sld [smem:$0x3FFB];
	_ =	sdelay $0x3  }
0x92: {  	_ =	strace s18  }
0x93: {  	s3 =	sld [smem:$0x3FFC];
	_ =	sdelay $0x3  }
0x94: {  	_ =	strace s3  }
0x95: {  	s3 =	sld [smem:$0x3FFD];
	_ =	sdelay $0x3  }
0x96: {  	_ =	strace s3  }
0x97: {  	_ =	strace $0x8FFFFFFF  }
0x98: {  	s19 =	sld [smem:$0x3FDB];
	_ =	sdelay $0x1  }
0x99: {  	s4 =	simm.s32 $_scs_section_size  }
0x9a: {  	s5 =	simm.s32 $_size__tile_overlayer_lowered;
	s6 =	simm.s32 $_tile_overlayer_lowered  }
0x9b: {  	s22 =	simm.s32 $0x1BFF;
	s21 =	sshll.u32 s6, $0x1;
	s3 =	sadd.s32 s4, s19  }
0x9c: {  	s7 =	simm.s32 $0x0;
	s20 =	sshll.u32 s5, $0x1;
	s5 =	sadd.s32 s21, s3  }
0x9d: {  	[timem:s7], [sflag:s22] =	dma.local [hbm:s5], s20  }
0x9e: {  	_ =	swait.ge [sflag:s22], s20  }
0x9f: {  	s4 =	ssub.s32 $0x0, s20;
	[sflag:s22] =	ssyncset.done $0x0  }
0xa0: {  	[sflag:s22] =	ssyncadd.s32 s4;
	_ =	sdelay $0x1  }
0xa1: {  	s23 =	simm.s32 $0x1B8B  }
0xa2: {  	_ =	swait.ge [sflag:s23], $0x1  }
0xa3: {  	[sflag:s23] =	ssyncset.done $0x0  }
0xa4: {  	s25 =	simm.s32 $0x1B8E;
	s24 =	sld [smem:$0x3FFE];
	[sflag:s23] =	ssyncadd.s32 $0xFFFFFFFF  }
0xa5: {  	s26 =	simm.s32 $execute0_lowered;
	[smem:$0x3FD2] =	sst s25  }
0xa6: {  	s5 =	sshll.u32 s26, $0x1;
	_ =	strace $0x80000049;
	[dreg:$0x1] =	wrdreg $0xFFFFFFFF  }
0xa7: {  	s28 =	simm.s32 $_size_execute0_lowered;
	s3 =	sadd.s32 s3, s5;
	[dreg:$0x0] =	wrdreg $0x0  }
0xa8: {  	s5 =	sshll.u32 s28, $0x1;
	[dreg:$0x2] =	wrdreg s3  }
0xa9: {  	[dreg:$0x3] =	wrdreg s5  }
0xaa: {  	[dreg:$0x4] =	wrdreg $0xC0  }
0xab: {  	_ =	task [dreg:s7], $0x5FFFF  }
0xac: {  	[dreg:$0x1] =	wrdreg $0xFFFFFFFF  }
0xad: {  	[dreg:$0x0] =	wrdreg $0x60  }
0xae: {  	[dreg:$0x2] =	wrdreg s24  }
0xaf: {  	[dreg:$0x3] =	wrdreg s2  }
0xb0: {  	[dreg:$0x4] =	wrdreg $0x8D100  }
0xb1: {  	[dreg:$0x5] =	wrdreg $0x9  }
0xb2: {  	_ =	task.clear_ibuf [dreg:s7], $0x6FFFF;
	_ =	strace $0x90000049  }
0xb3: {  	s29 =	simm.s32 $0x9;
	_ =	strace $0x8000004B  }
0xb4: {  	_ =	swait.ge [sflag:s29], $0x1  }
0xb5: {  	[sflag:s29] =	ssyncadd.s32 $0xFFFFFFFF  }
0xb6: {  	_ =	strace $0x9000004B  }
0xb7: {  	_ =	sfence  }
0xb8: {  	s30 =	sld [smem:$0x0];
	_ =	sdelay $0x2  }
0xb9: {  	s31 =	sshll.u32 s1, $0xD;
	s1 =	sshrl.u32 s1, $0x2  }
0xba: {  	s3 =	sand.u32 $0x4000, s31;
	s1 =	sadd.s32 s1, s30  }
0xbb: {  	s0 =	sor.u32 s3, s0;
	s1 =	sshll.u32 s1, $0x11  }
0xbc: {  	s0 =	sor.u32 s1, s0  }
0xbd: {  	s0 =	sadd.s32 $0x8F2B, s0  }
0xbe: {  	[sflag:s0] =	ssyncadd.remote.s32 $0x1  }
0xbf: {  	_ =	sfence.sel $0xFFFF  }
0xc0: {  	[dreg:$0x0] =	wrdreg $0xFFFFFFFF;
	(pc) =	sbr.abs _section_cstart, $3  }
0xc1: {  	[dreg:$0x1] =	wrdreg $0xFFFFFFFF  }
0xc2: {  	_ =	task.clear_ibuf [dreg:s7], $0x2FFFF;
	_ =	strace $0x9FFFFFFF  }
0xc3: {  	(tm) =	ssettm $0x7FFFFFFF  }
tec
execute0_lowered:
.L_overlay_start_1:
0x0: {  	(tag) =	ssettag $0x1  }
0x1: {  	s1 =	rddreg [dreg:$0x0]  }
0x2: {  	s2 =	rddreg [dreg:$0x1]  }
0x3: {  	s3 =	rddreg [dreg:$0x2];
	s0 =	srdreg.scid  }
0x4: {  	s5 =	simm.s32 $0x0;
	s9 =	stileid.u32;
	s28 =	simm.s32 $0x4  }
0x5: {  	s29 =	simm.s32 $0x4510;
	s30 =	simm.s32 $0x10;
	s31 =	simm.s32 $0x410  }
0x6: {  	s0 =	sand.u32 $0x1, s0;
	[smem:$0x7FF] =	sst s5;
	s13 =	smul.u32 $0x15F90, s9  }
0x7: {  	s6 =	sadd.s32 $0x13C00, s1;
	s7 =	sadd.s32 $0x14200, s1;
	s8 =	sadd.s32 $0x14800, s1  }
0x8: {  	s14 =	sshll.u32 s9, $0x1;
	s9 =	smul.u32 $0x57E40, s9;
	s5 =	simm.s32 $0x80  }
0x9: {  	s4 =	smul.u32 $0x15F900, s0;
	_ =	strace $0x8000004A;
	[dreg:$0x4] =	wrdreg s8  }
0xa: {  	s10 =	ssub.s32 $0x2, s0;
	s0 =	sor.u32 s0, s14;
	s15 =	ssub.s32 $0x9C4, s14  }
0xb: {  	s8 =	simm.s32 $0x4490;
	s11 =	sshrl.u32 s10, $0x1;
	s9 =	sshrl.u32 s9, $0x2  }
0xc: {  	s12 =	sshll.u32 s0, $0x4;
	s16 =	sor.u32 $0x40, s0;
	s22 =	sadd.s32 s13, s3  }
0xd: {  	s4 =	sadd.s32 s13, s4;
	s9 =	sadd.s32 s9, s3;
	s17 =	sadd.s32 s1, s12  }
0xe: {  	s11 =	ssub.s32 s10, s11;
	s18 =	sadd.s32 $0x12000, s9;
	[dreg:$0x5] =	wrdreg s17  }
0xf: {  	s12 =	simm.s32 $0x0;
	s19 =	sadd.s32 $0x9C40, s17;
	[dreg:$0x6] =	wrdreg s18  }
0x10: {  	s4 =	sshrl.u32 s4, $0x3;
	s20 =	sadd.s32 $0x200, s17;
	[dreg:$0x7] =	wrdreg s19  }
0x11: {  	s10 =	sadd.s32 $0x9E40, s17;
	s17 =	ssub.s32 $0x984, s14;
	[dreg:$0x8] =	wrdreg s20  }
0x12: {  	s23 =	smax.u32 s11, $0x1;
	s24 =	sadd.s32 $0x4800, s9;
	[dreg:$0x9] =	wrdreg s10  }
0x13: {  	s25 =	sadd.s32 $0x9000, s9;
	s26 =	sadd.s32 $0xD800, s9;
	[dreg:$0xb] =	wrdreg s23  }
.Ltmp0:
0x14: {  	s11 =	simm.s32 $0x3;
	[dreg:$0xc] =	wrdreg s24;
	(pc) =	sbr.rel .LBB2_1-.Ltmp0, $4  }
0x15: {  	s4 =	sadd.s32 s4, s1;
	s18 =	sor.u32 $0x60, s0;
	[dreg:$0xd] =	wrdreg s25  }
0x16: {  	s19 =	ssub.s32 $0x9A4, s14;
	s0 =	sshrl.u32 s22, $0x3;
	[dreg:$0xf] =	wrdreg s26  }
0x17: {  	v0 =	vimm.f32 $0.0e+00;
	v1 =	vimm.s32 $0x0;
	vm0 =	vcmask $0x300;
	s20 =	sadd.s32 $0x9C40, s1;
	s21 =	sadd.s32 $0x14A00, s4;
	[dreg:$0xe] =	wrdreg s0  }
0x18: {  	v1 =	vsel vm0, $0x3, v1;
	v2 =	vsel vm0, $0x3F800000, v0;
	s0 =	simm.s32 $0x1;
	s4 =	simm.s32 $0x2;
	[dreg:$0xa] =	wrdreg s21  }
.LBB2_17:
0x19: {  	s10 =	stileid.u32;
	[bflag:$0x0] =	sbarrier.arrive $0xFFFF  }
0x1a: {  	s10 =	sshll.u32 s10, $0x6;
	s13 =	rddreg [dreg:$0xa]  }
0x1b: {  	s14 =	rddreg [dreg:$0xe];
	s10 =	sor.u32 $0x1C04, s10  }
0x1c: {  	[hbm:s13], [sflag:s10] =	dma.local [spmem:s14], $0x2BF2  }
0x1d: {  	_ =	swait.ge [sflag:s28], $0x2BF2  }
0x1e: {  	s12 =	sadd.s32 $0x1, s12;
	s26 =	rddreg [dreg:$0xb]  }
0x1f: {  	p0 =	sne.s32 s12, s26  }
.Ltmp1:
0x20: {  	_ = 	snop;
	(pc) =	sbr.rel @!p0 .LBB2_18-.Ltmp1, $3  }
0x21: {  	_ =	sdelay $0x1  }
0x22: {  	[sflag:s28] =	ssyncset.done $0x0  }
0x23: {  	[sflag:s28] =	ssyncadd.s32 $0xFFFFD40E  }
.LBB2_1:
0x24: {  	s10 =	simm.s32 $0x0;
	s13 =	rddreg [dreg:$0x4]  }
0x25: {  	[tilespmem:s10], [sflag:$0x4] =	stream.linear.gather [hbm4b:s13+s10], $0x10, $0x38;
	[tilespmem:$0x1ECA0] =	vst v63  }
0x26: {  	_ =	swait.ge [sflag:s28], $0x10  }
0x27: {  	[sflag:s28] =	ssyncset.done $0x0  }
0x28: {  	[sflag:s28] =	ssyncadd.s32 $0xFFFFFFF0  }
0x29: {  	s14 =	simm.s32 $0x440;
	s13 =	simm.s32 $0x80;
	v3 =	vld [tilespmem:$0x0]  }
.LBB2_2:
0x2a: {  	p0 =	sne.s32 s14, $0x11FC0;
	[tilespmem:s13+$0x4510] =	vst v0  }
0x2b: {  	[tilespmem:s13+$0x4490] =	vst v0  }
0x2c: {  	[tilespmem:s13+$0x44A0] =	vst v0  }
0x2d: {  	[tilespmem:s13+$0x44B0] =	vst v0  }
.Ltmp2:
0x2e: {  	[tilespmem:s13+$0x44C0] =	vst v0;
	(pc) =	sbr.rel @p0 .LBB2_2-.Ltmp2, $4  }
0x2f: {  	[tilespmem:s13+$0x44D0] =	vst v0  }
0x30: {  	[tilespmem:s13+$0x44E0] =	vst v0  }
0x31: {  	[tilespmem:s13+$0x44F0] =	vst v0  }
0x32: {  	[tilespmem:s13+$0x4500] =	vst v0;
	s13 =	sshra.s32 s14, $0x2;
	s14 =	sadd.s32 $0x240, s14  }
0x33: {  	[tilespmem:s13+$0x4510] =	vst v0  }
0x34: {  	[tilespmem:s13+$0x4490] =	vst v0  }
0x35: {  	[tilespmem:s13+$0x44A0] =	vst v0  }
0x36: {  	[tilespmem:s13+$0x44B0] =	vst v0  }
0x37: {  	[tilespmem:s13+$0x44C0] =	vst v0  }
0x38: {  	[tilespmem:s13+$0x44D0] =	vst v0  }
0x39: {  	[tilespmem:s13+$0x44E0] =	vst v0  }
0x3a: {  	[tilespmem:s13+$0x44F0] =	vst v0  }
0x3b: {  	[tilespmem:s13+$0x4500] =	vst v0  }
0x3c: {  	[spmem:s9] =	stream.linear.scatter [tilespmem:s29], [sflag:$0x4], $0x4800, $0x38;
	[tilespmem:$0x1ECA0] =	vst v63  }
0x3d: {  	_ =	swait.ge [sflag:s28], $0x4800  }
0x3e: {  	[sflag:s28] =	ssyncset.done $0x0  }
0x3f: {  	s10 =	rddreg [dreg:$0xc];
	[sflag:s28] =	ssyncadd.s32 $0xFFFFB800  }
0x40: {  	[spmem:s10] =	stream.linear.scatter [tilespmem:s29], [sflag:$0x4], $0x4800, $0x38;
	[tilespmem:$0x1ECA0] =	vst v63  }
0x41: {  	_ =	swait.ge [sflag:s28], $0x4800  }
0x42: {  	[sflag:s28] =	ssyncset.done $0x0  }
0x43: {  	s21 =	rddreg [dreg:$0xd];
	[sflag:s28] =	ssyncadd.s32 $0xFFFFB800  }
0x44: {  	[spmem:s21] =	stream.linear.scatter [tilespmem:s29], [sflag:$0x4], $0x4800, $0x38;
	[tilespmem:$0x1ECA0] =	vst v63  }
0x45: {  	_ =	swait.ge [sflag:s28], $0x4800  }
0x46: {  	[sflag:s28] =	ssyncset.done $0x0  }
0x47: {  	s22 =	rddreg [dreg:$0xf];
	[sflag:s28] =	ssyncadd.s32 $0xFFFFB800  }
0x48: {  	[spmem:s22] =	stream.linear.scatter [tilespmem:s29], [sflag:$0x4], $0x4800, $0x38;
	[tilespmem:$0x1ECA0] =	vst v63  }
0x49: {  	_ =	swait.ge [sflag:s28], $0x4800  }
0x4a: {  	[sflag:s28] =	ssyncset.done $0x0  }
0x4b: {  	s23 =	rddreg [dreg:$0x6];
	[sflag:s28] =	ssyncadd.s32 $0xFFFFB800  }
0x4c: {  	[spmem:s23] =	stream.linear.scatter [tilespmem:s29], [sflag:$0x4], $0x3F90, $0x38;
	[tilespmem:$0x1ECA0] =	vst v63  }
0x4d: {  	_ =	swait.ge [sflag:s28], $0x3F90  }
0x4e: {  	[sflag:s28] =	ssyncset.done $0x0  }
0x4f: {  	[sflag:s28] =	ssyncadd.s32 $0xFFFFC070  }
0x50: {  	[bflag:$0x0] =	sbarrier.arrive $0xFFFF  }
0x51: {  	s13 =	simm.s32 $0x0;
	s24 =	rddreg [dreg:$0x5]  }
0x52: {  	[tilespmem:s30], [sflag:$0x1] =	stream.linear.gather [hbm4b:s24+s13], $0x80, $0x38;
	[tilespmem:$0x1ECA0] =	vst v63  }
0x53: {  	s14 =	simm.s32 $0x110;
	s25 =	rddreg [dreg:$0x7]  }
0x54: {  	[tilespmem:s14], [sflag:$0x1] =	stream.linear.gather [hbm4b:s25+s13], $0x80, $0x38;
	[tilespmem:$0x1ECA0] =	vst v63  }
0x55: {  	_ =	swait.ge [sflag:s0], $0x80  }
0x56: {  	[sflag:s0] =	ssyncset.done $0x0  }
0x57: {  	[sflag:s0] =	ssyncadd.s32 $0xFFFFFF80  }
0x58: {  	_ =	swait.ge [sflag:s0], $0x80  }
0x59: {  	[sflag:s0] =	ssyncset.done $0x0  }
0x5a: {  	s26 =	simm.s32 $0x490;
	[sflag:s0] =	ssyncadd.s32 $0xFFFFFF80  }
0x5b: {  	[tilespmem:s26], [sflag:$0x2] =	stream.indirect.gather [hbm4b:s2+s5], $0x40, s30, s5, $0xb8;
	[tilespmem:$0x1ECA0] =	vst v63  }
0x5c: {  	_ =	swait.ge [sflag:s4], $0x2000  }
0x5d: {  	[sflag:s4] =	ssyncset.done $0x0  }
0x5e: {  	s21 =	simm.s32 $0x210;
	[sflag:s4] =	ssyncadd.s32 $0xFFFFE000  }
0x5f: {  	[tilespmem:s21], [sflag:$0x2] =	stream.indirect.gather [hbm4b:s6+s5], $0x1, s30, s5, $0xb8;
	[tilespmem:$0x1ECA0] =	vst v63  }
0x60: {  	_ =	swait.ge [sflag:s4], $0x80  }
0x61: {  	[sflag:s4] =	ssyncset.done $0x0  }
0x62: {  	s22 =	simm.s32 $0x310;
	[sflag:s4] =	ssyncadd.s32 $0xFFFFFF80  }
0x63: {  	[tilespmem:s22], [sflag:$0x2] =	stream.indirect.gather [hbm4b:s7+s5], $0x1, s14, s5, $0xb8;
	[tilespmem:$0x1ECA0] =	vst v63  }
0x64: {  	_ =	swait.ge [sflag:s4], $0x80  }
0x65: {  	[sflag:s4] =	ssyncset.done $0x0  }
0x66: {  	s24 =	simm.s32 $0x90;
	s23 =	rddreg [dreg:$0x8];
	[sflag:s4] =	ssyncadd.s32 $0xFFFFFF80  }
0x67: {  	[tilespmem:s24], [sflag:$0x1] =	stream.linear.gather [hbm4b:s23+s13], $0x80, $0x38;
	[tilespmem:$0x1ECA0] =	vst v63  }
0x68: {  	s26 =	simm.s32 $0x190;
	s25 =	rddreg [dreg:$0x9]  }
0x69: {  	[tilespmem:s26], [sflag:$0x1] =	stream.linear.gather [hbm4b:s25+s13], $0x80, $0x38;
	[tilespmem:$0x1ECA0] =	vst v63  }
0x6a: {  	_ =	swait.ge [sflag:s0], $0x80  }
.Ltmp3:
0x6b: {  	[sflag:s0] =	ssyncset.done $0x0;
	(pc) =	sbr.rel .LBB2_4-.Ltmp3, $4  }
0x6c: {  	[sflag:s0] =	ssyncadd.s32 $0xFFFFFF80  }
0x6d: {  	_ =	swait.ge [sflag:s0], $0x80  }
0x6e: {  	[sflag:s0] =	ssyncset.done $0x0  }
0x6f: {  	[sflag:s0] =	ssyncadd.s32 $0xFFFFFF80  }
.LBB2_16:
0x70: {  	s13 =	sadd.s32 $0x1, s13  }
0x71: {  	p0 =	sne.s32 s13, $0x28  }
.Ltmp4:
0x72: {  	_ = 	snop;
	(pc) =	sbr.rel @!p0 .LBB2_17-.Ltmp4, $1  }
0x73: {  	_ =	sdelay $0x3  }
.LBB2_4:
0x74: {  	s14 =	sshll.u32 s13, $0x6  }
0x75: {  	p1 =	sge.u32 s14, s15  }
.Ltmp5:
0x76: {  	_ = 	snop;
	(pc) =	sbr.rel @p1 .LBB2_10-.Ltmp5, $2  }
0x77: {  	_ =	sdelay $0x2  }
0x78: {  	p0 =	sge.u32 s14, s19  }
0x79: {  	s21 =	simm.s32 @!p0 $0x80;
	s22 =	simm.s32 @!p0 $0x90;
	s23 =	simm.s32 @!p0 $0x2490  }
0x7a: {  	[tilespmem:s23], [sflag:$0x2] =	stream.indirect.gather @!p0 [hbm4b:s2+s21], $0x40, s22, s21, $0xb8;
	[tilespmem:$0x1ECA0] =	vst v63  }
0x7b: {  	s23 =	simm.s32 @!p0 $0x290  }
0x7c: {  	[tilespmem:s23], [sflag:$0x2] =	stream.indirect.gather @!p0 [hbm4b:s6+s21], $0x1, s22, s21, $0xb8;
	[tilespmem:$0x1ECA0] =	vst v63  }
0x7d: {  	s22 =	simm.s32 @!p0 $0x190;
	s23 =	simm.s32 @!p0 $0x390  }
0x7e: {  	[tilespmem:s23], [sflag:$0x2] =	stream.indirect.gather @!p0 [hbm4b:s7+s21], $0x1, s22, s21, $0xb8;
	[tilespmem:$0x1ECA0] =	vst v63  }
0x7f: {  	p1 =	por $0x1, $0x1;
	s24 =	simm.s32 $0x0;
	s23 =	simm.s32 $0x0  }
.LBB2_6:
0x80: {  	v4 =	vld [tilespmem:s24+$0x310]  }
0x81: {  	v5 =	vld [tilespmem:s24+$0x210]  }
0x82: {  	v6 =	vld [tilespmem:s24+$0x220]  }
0x83: {  	v7 =	vld [tilespmem:s24+$0x320]  }
0x84: {  	v8 =	vld [tilespmem:s24+$0x330]  }
0x85: {  	v10 =	vld [tilespmem:s24+$0x230];
	_ =	sdelay $0x1  }
0x86: {  	v12 =	vld [tilespmem:s24+$0x340];
	v9 =	vadd.f32 v4, v3  }
0x87: {  	v4 =	vadd.f32 v4, v5;
	v5 =	vld [tilespmem:s24+$0x240];
	v14 =	vadd.f32 v7, v3  }
0x88: {  	v6 =	vadd.f32 v7, v6;
	v56 =	vadd.f32 v8, v3;
	v11 =	vmul.f32 $2.000000030e-01, v9  }
0x89: {  	v8 =	vadd.f32 v8, v10;
	v13 =	vmul.f32 $2.000000030e-01, v4;
	v57 =	vmul.f32 $2.000000030e-01, v14  }
0x8a: {  	v58 =	vmul.f32 $2.000000030e-01, v6;
	v59 =	vmul.f32 $2.000000030e-01, v56  }
0x8b: {  	v60 =	vmul.f32 $2.000000030e-01, v8;
	v9 =	vmax.f32 v9, v11;
	v4 =	vmax.f32 v4, v13  }
0x8c: {  	v11 =	vmax.f32 v14, v57;
	v5 =	vadd.f32 v12, v5;
	v12 =	vadd.f32 v12, v3  }
0x8d: {  	v6 =	vmax.f32 v6, v58;
	v7 =	vmax.f32 v56, v59;
	v8 =	vmax.f32 v8, v60  }
0x8e: {  	v4 =	vsub.f32 v4, v9;
	v61 =	vmul.f32 $2.000000030e-01, v12;
	v62 =	vmul.f32 $2.000000030e-01, v5  }
0x8f: {  	v6 =	vsub.f32 v6, v11;
	v7 =	vsub.f32 v8, v7  }
0x90: {  	v4 =	vmul.f32 $1.442695020e+00, v4;
	v63 =	vmax.f32 v12, v61;
	v5 =	vmax.f32 v5, v62  }
0x91: {  	v6 =	vmul.f32 $1.442695020e+00, v6;
	v5 =	vsub.f32 v5, v63  }
0x92: {  	(erf) = vpow2.f32 v4;
	v4 =	vmul.f32 $1.442695020e+00, v7  }
0x93: {  	(erf) = vpow2.f32 v6;
	v5 =	vmul.f32 $1.442695020e+00, v5  }
0x94: {  	(erf) = vpow2.f32 v4  }
0x95: {  	(erf) = vpow2.f32 v5;
	_ =	sdelay $0x4  }
0x96: {  	p2 =	por p1, p1  }
.Ltmp6:
0x97: {  	v4 =	vpop (erf);
	(pc) =	sbr.rel @p2 .LBB2_6-.Ltmp6, $4  }
0x98: {  	v5 =	vpop (erf);
	[tilespmem:s24+$0x410] =	vst v4  }
0x99: {  	v4 =	vpop (erf);
	[tilespmem:s24+$0x420] =	vst v5  }
0x9a: {  	s22 =	simm.s32 $0x590;
	[tilespmem:s24+$0x430] =	vst v4;
	v4 =	vpop (erf)  }
0x9b: {  	s21 =	simm.s32 $0x4750;
	p1 =	por $0x0, $0x0;
	[tilespmem:s24+$0x440] =	vst v4;
	s24 =	simm.s32 $0x40  }
0x9c: {  	s24 =	simm.s32 $0x7  }
0x9d: {  	v4 =	vmov s24  }
0x9e: {  	v4 =	vshrl.u32 v4, $0x3  }
0x9f: {  	s25 =	simm.s32 $0x1;
	s10 =	simm.s32 $0x2;
	v4 =	vshll.u32 v4, v1  }
0xa0: {  	s26 =	simm.s32 $0x4;
	v5 =	vmov s25;
	v6 =	vmov s10;
	v4 =	vadd.s32 $0x7, v4  }
0xa1: {  	s25 =	simm.s32 $0x3;
	v8 =	vmov s26;
	v5 =	vshrl.u32 v5, $0x3;
	v4 =	vbroadcast v4, $0x0  }
0xa2: {  	v6 =	vshrl.u32 v6, $0x3;
	v7 =	vmov s25;
	v5 =	vshll.u32 v5, v1  }
0xa3: {  	v6 =	vshll.u32 v6, v1;
	v7 =	vshrl.u32 v7, $0x3;
	v5 =	vadd.s32 $0x1, v5  }
0xa4: {  	v6 =	vadd.s32 $0x2, v6;
	v7 =	vshll.u32 v7, v1;
	v5 =	vbroadcast v5, $0x0  }
0xa5: {  	v9 =	vld [tilespmem:s22+$0xC0];
	v8 =	vshrl.u32 v8, $0x3;
	v6 =	vbroadcast v6, $0x0;
	v7 =	vadd.s32 $0x3, v7  }
0xa6: {  	v8 =	vshll.u32 v8, v1;
	v7 =	vbroadcast v7, $0x0  }
0xa7: {  	v8 =	vadd.s32 $0x4, v8;
	v12 =	vld.idx.msk [tilespmem:v4+s31+$0x0], $0xffff  }
0xa8: {  	v11 =	vld [tilespmem:s22+$0xFFFFFF40];
	v8 =	vbroadcast v8, $0x0  }
0xa9: {  	v15 =	vld [tilespmem:s22+$0xFFFFFF80];
	s10 =	simm.s32 $0x5  }
0xaa: {  	v13 =	vmov s23;
	s24 =	simm.s32 $0x6;
	v10 =	vmov s10;
	v16 =	vshll.u32 v9, $0x10;
	v4 =	vld.idx.msk [tilespmem:v5+s31+$0x0], $0xffff  }
0xab: {  	v9 =	vand.u32 $0xFFFF0000, v9;
	v5 =	vld.idx.msk [tilespmem:v6+s31+$0x0], $0xffff;
	v6 =	vshrl.u32 v10, $0x3;
	v10 =	vmov s24  }
0xac: {  	v14 =	vshll.u32 v6, v1;
	v6 =	vld.idx.msk [tilespmem:v7+s31+$0x0], $0xffff;
	v7 =	vshrl.u32 v10, $0x3;
	v10 =	vmul.f32 v16, v12  }
0xad: {  	v17 =	vld [tilespmem:s22+$0xFFFFFFC0];
	v14 =	vadd.s32 $0x5, v14;
	v16 =	vshll.u32 v7, v1;
	v9 =	vmul.f32 v9, v12  }
0xae: {  	v7 =	vld.idx.msk [tilespmem:v8+s31+$0x0], $0xffff;
	v8 =	vbroadcast v14, $0x0;
	v14 =	vadd.s32 $0x6, v16;
	v16 =	vshll.u32 v11, $0x10;
	[tilespmem:s21+$0x1B0] =	vst v10  }
0xaf: {  	v11 =	vand.u32 $0xFFFF0000, v11;
	v10 =	vshrl.u32 v13, $0x3;
	v13 =	vld [tilespmem:s22+$0x0];
	v16 =	vmul.f32 v16, v4;
	[tilespmem:s21+$0x1C0] =	vst v9  }
0xb0: {  	v9 =	vbroadcast v14, $0x0;
	v14 =	vshll.u32 v15, $0x10;
	v11 =	vmul.f32 v11, v4;
	v18 =	vld [tilespmem:s22+$0xD0]  }
0xb1: {  	v15 =	vand.u32 $0xFFFF0000, v15;
	v10 =	vshll.u32 v10, v1;
	v14 =	vmul.f32 v14, v5;
	[tilespmem:s21+$0xFFFFFE50] =	vst v16  }
0xb2: {  	v16 =	vbroadcast v10, $0x0;
	v10 =	vshll.u32 v17, $0x10;
	[tilespmem:s21+$0xFFFFFE60] =	vst v11;
	v11 =	vmul.f32 v15, v5  }
0xb3: {  	v15 =	vld [tilespmem:s22+$0x40];
	v17 =	vand.u32 $0xFFFF0000, v17;
	[tilespmem:s21+$0xFFFFFEE0] =	vst v14;
	v10 =	vmul.f32 v10, v6  }
0xb4: {  	v17 =	vmul.f32 v17, v6;
	v8 =	vld.idx.msk [tilespmem:v8+s31+$0x0], $0xffff;
	[tilespmem:s21+$0xFFFFFEF0] =	vst v11;
	v14 =	vshll.u32 v13, $0x10  }
0xb5: {  	v11 =	vld [tilespmem:s22+$0x80];
	[tilespmem:s21+$0xFFFFFF70] =	vst v10;
	v14 =	vmul.f32 v14, v7;
	v19 =	vshll.u32 v18, $0x10  }
0xb6: {  	[tilespmem:s21+$0xFFFFFF80] =	vst v17;
	v10 =	vld.idx.msk [tilespmem:v9+s31+$0x0], $0xffff;
	v9 =	vand.u32 $0xFFFF0000, v18;
	v17 =	vmul.f32 v19, v12  }
0xb7: {  	v13 =	vand.u32 $0xFFFF0000, v13;
	v18 =	vld [tilespmem:s22+$0xFFFFFF00];
	[tilespmem:s21+$0x0] =	vst v14;
	v14 =	vmul.f32 v9, v12  }
0xb8: {  	v13 =	vmul.f32 v13, v7;
	v19 =	vshll.u32 v15, $0x10;
	v9 =	vld.idx.msk [tilespmem:v16+s31+$0x0], $0xffff;
	[tilespmem:s21+$0x1D0] =	vst v17  }
0xb9: {  	v15 =	vand.u32 $0xFFFF0000, v15;
	v16 =	vld [tilespmem:s22+$0xFFFFFF50];
	v17 =	vmul.f32 v19, v8;
	[tilespmem:s21+$0x1E0] =	vst v14  }
0xba: {  	[tilespmem:s21+$0x10] =	vst v13;
	v15 =	vmul.f32 v15, v8;
	v14 =	vshll.u32 v11, $0x10;
	v13 =	vld [tilespmem:s22+$0xE0]  }
0xbb: {  	v11 =	vand.u32 $0xFFFF0000, v11;
	v14 =	vmul.f32 v14, v10;
	[tilespmem:s21+$0x90] =	vst v17  }
0xbc: {  	v17 =	vshll.u32 v18, $0x10;
	v11 =	vmul.f32 v11, v10;
	[tilespmem:s21+$0xA0] =	vst v15  }
0xbd: {  	v15 =	vand.u32 $0xFFFF0000, v18;
	v18 =	vld [tilespmem:s22+$0xFFFFFF90];
	v17 =	vmul.f32 v17, v9;
	[tilespmem:s21+$0x120] =	vst v14  }
0xbe: {  	v14 =	vmul.f32 v15, v9;
	v15 =	vshll.u32 v16, $0x10;
	[tilespmem:s21+$0x130] =	vst v11  }
0xbf: {  	v19 =	vld [tilespmem:s22+$0xFFFFFFD0];
	v11 =	vmul.f32 v15, v4;
	[tilespmem:s21+$0xFFFFFDC0] =	vst v17;
	v15 =	vshll.u32 v13, $0x10  }
0xc0: {  	[tilespmem:s21+$0xFFFFFDD0] =	vst v14;
	v13 =	vand.u32 $0xFFFF0000, v13;
	v14 =	vmul.f32 v15, v12  }
0xc1: {  	v17 =	vld [tilespmem:s22+$0x10];
	[tilespmem:s21+$0xFFFFFE70] =	vst v11;
	v15 =	vand.u32 $0xFFFF0000, v16;
	v13 =	vmul.f32 v13, v12  }
0xc2: {  	v20 =	vshll.u32 v18, $0x10;
	v16 =	vld [tilespmem:s22+$0x50];
	v15 =	vmul.f32 v15, v4;
	[tilespmem:s21+$0x1F0] =	vst v14  }
0xc3: {  	v14 =	vand.u32 $0xFFFF0000, v18;
	v18 =	vmul.f32 v20, v5;
	[tilespmem:s21+$0x200] =	vst v13  }
0xc4: {  	v20 =	vld [tilespmem:s22+$0x90];
	v13 =	vmul.f32 v14, v5;
	v14 =	vshll.u32 v19, $0x10;
	[tilespmem:s21+$0xFFFFFE80] =	vst v15  }
0xc5: {  	v22 =	vld [tilespmem:s22+$0xFFFFFF10];
	v19 =	vand.u32 $0xFFFF0000, v19;
	v14 =	vmul.f32 v14, v6;
	[tilespmem:s21+$0xFFFFFF00] =	vst v18  }
0xc6: {  	v11 =	vmul.f32 v2, v12;
	v15 =	vld [tilespmem:s22+$0xF0];
	v21 =	vshll.u32 v17, $0x10;
	v19 =	vmul.f32 v19, v6;
	[tilespmem:s21+$0xFFFFFF10] =	vst v13  }
0xc7: {  	v17 =	vand.u32 $0xFFFF0000, v17;
	v18 =	vmul.f32 v21, v7;
	v21 =	vshll.u32 v16, $0x10;
	[tilespmem:s21+$0xFFFFFF90] =	vst v14  }
0xc8: {  	v13 =	vmul.f32 v17, v7;
	v16 =	vand.u32 $0xFFFF0000, v16;
	v17 =	vmul.f32 v21, v8;
	v21 =	vld [tilespmem:s22+$0xFFFFFF60];
	[tilespmem:s21+$0xFFFFFFA0] =	vst v19  }
0xc9: {  	v14 =	vmul.f32 v16, v8;
	v23 =	vld [tilespmem:s22+$0xFFFFFFA0];
	[tilespmem:s21+$0x20] =	vst v18;
	v16 =	vshll.u32 v20, $0x10;
	v20 =	vand.u32 $0xFFFF0000, v20  }
0xca: {  	[tilespmem:s21+$0x30] =	vst v13;
	v16 =	vmul.f32 v16, v10;
	v19 =	vmul.f32 v20, v10  }
0xcb: {  	v24 =	vld [tilespmem:s22+$0xFFFFFFE0];
	v18 =	vand.u32 $0xFFFF0000, v15;
	v20 =	vshll.u32 v22, $0x10;
	v22 =	vand.u32 $0xFFFF0000, v22;
	[tilespmem:s21+$0xB0] =	vst v17  }
0xcc: {  	s10 =	simm.s32 $0xB;
	v15 =	vshll.u32 v15, $0x10;
	[tilespmem:s21+$0xC0] =	vst v14;
	v13 =	vmul.f32 v18, v12;
	v18 =	vmul.f32 v20, v9  }
0xcd: {  	v25 =	vmov s10;
	v20 =	vmul.f32 v22, v9;
	v22 =	vld [tilespmem:s22+$0x20];
	v12 =	vmul.f32 v15, v12;
	[tilespmem:s21+$0x140] =	vst v16  }
0xce: {  	[tilespmem:s21+$0x150] =	vst v19;
	v17 =	vshll.u32 v21, $0x10;
	v21 =	vand.u32 $0xFFFF0000, v21;
	v14 =	vand.u32 $0xFFFF0000, v23  }
0xcf: {  	[tilespmem:s21+$0x220] =	vst v13;
	v13 =	vmul.f32 v17, v4;
	v17 =	vmul.f32 v21, v4;
	v21 =	vshll.u32 v23, $0x10  }
0xd0: {  	s25 =	simm.s32 $0x9;
	[tilespmem:s21+$0xFFFFFDE0] =	vst v18;
	v14 =	vmul.f32 v14, v5;
	v23 =	vand.u32 $0xFFFF0000, v24;
	v15 =	vmul.f32 v21, v5;
	v21 =	vld [tilespmem:s22+$0x60]  }
0xd1: {  	[tilespmem:s21+$0xFFFFFDF0] =	vst v20;
	v16 =	vshll.u32 v24, $0x10;
	v24 =	vmov s25;
	v19 =	vmul.f32 v23, v6;
	v23 =	vld [tilespmem:s22+$0xA0]  }
0xd2: {  	s25 =	simm.s32 $0xC;
	v16 =	vmul.f32 v16, v6;
	v24 =	vshrl.u32 v24, $0x3;
	v18 =	vshll.u32 v22, $0x10;
	[tilespmem:s21+$0xFFFFFE90] =	vst v13  }
0xd3: {  	s26 =	simm.s32 $0xA;
	v26 =	vld [tilespmem:s22+$0xFFFFFF20];
	v22 =	vand.u32 $0xFFFF0000, v22;
	v13 =	vmov s25;
	[tilespmem:s21+$0xFFFFFEA0] =	vst v17;
	v18 =	vmul.f32 v18, v7  }
0xd4: {  	[tilespmem:s21+$0xFFFFFF30] =	vst v14;
	v20 =	vmul.f32 v22, v7;
	v22 =	vmov s26;
	v13 =	vshrl.u32 v13, $0x3  }
0xd5: {  	v27 =	vld [tilespmem:s22+$0xFFFFFF70];
	[tilespmem:s21+$0xFFFFFFC0] =	vst v19;
	v19 =	vshll.u32 v24, v1;
	v17 =	vshll.u32 v21, $0x10;
	v21 =	vand.u32 $0xFFFF0000, v21  }
0xd6: {  	[tilespmem:s21+$0xFFFFFF20] =	vst v15;
	v14 =	vshll.u32 v23, $0x10;
	v15 =	vmul.f32 v17, v8;
	v17 =	vmul.f32 v21, v8  }
0xd7: {  	[tilespmem:s21+$0xFFFFFFB0] =	vst v16;
	v21 =	vshrl.u32 v22, $0x3;
	v22 =	vand.u32 $0xFFFF0000, v23;
	v23 =	vshrl.u32 v25, $0x3  }
0xd8: {  	[tilespmem:s21+$0x40] =	vst v18;
	v25 =	vld [tilespmem:s22+$0xFFFFFFB0];
	v16 =	vmul.f32 v22, v10;
	v22 =	vshll.u32 v26, $0x10;
	v26 =	vand.u32 $0xFFFF0000, v26  }
0xd9: {  	v28 =	vshll.u32 v13, v1;
	[tilespmem:s21+$0x50] =	vst v20;
	v14 =	vmul.f32 v14, v10;
	v24 =	vmul.f32 v26, v9;
	v26 =	vld [tilespmem:s22+$0xFFFFFFF0]  }
0xda: {  	v18 =	vshll.u32 v21, v1;
	v21 =	vshll.u32 v27, $0x10;
	v27 =	vand.u32 $0xFFFF0000, v27;
	[tilespmem:s21+$0xD0] =	vst v15  }
0xdb: {  	v20 =	vshll.u32 v23, v1;
	v22 =	vmul.f32 v22, v9;
	v21 =	vmul.f32 v21, v4;
	[tilespmem:s21+$0xE0] =	vst v17  }
0xdc: {  	v23 =	vmul.f32 v27, v4;
	v27 =	vld [tilespmem:s22+$0x30];
	v17 =	vadd.s32 $0x1, v19;
	[tilespmem:s21+$0x170] =	vst v16;
	v16 =	vadd.s32 $0x2, v18  }
0xdd: {  	[tilespmem:s21+$0x160] =	vst v14;
	v29 =	vld [tilespmem:s22+$0x70];
	v18 =	vadd.s32 $0x3, v20;
	v13 =	vshll.u32 v25, $0x10;
	v15 =	vand.u32 $0xFFFF0000, v25  }
0xde: {  	[tilespmem:s21+$0xFFFFFE00] =	vst v22;
	v19 =	vmul.f32 v13, v5;
	v25 =	vmul.f32 v15, v5;
	v14 =	vshll.u32 v26, $0x10  }
0xdf: {  	v30 =	vld [tilespmem:s22+$0xB0];
	[tilespmem:s21+$0xFFFFFE10] =	vst v24;
	v13 =	vbroadcast v17, $0x0;
	v15 =	vand.u32 $0xFFFF0000, v26;
	v22 =	vmul.f32 v14, v6  }
0xe0: {  	s26 =	simm.s32 $0xF;
	[tilespmem:s21+$0xFFFFFEB0] =	vst v21;
	v21 =	vadd.s32 $0x4, v28;
	v20 =	vld [tilespmem:s22+$0xFFFFFF30];
	v26 =	vmul.f32 v15, v6;
	v14 =	vbroadcast v16, $0x0  }
0xe1: {  	v15 =	vshll.u32 v27, $0x10;
	v16 =	vand.u32 $0xFFFF0000, v27;
	[tilespmem:s21+$0xFFFFFF50] =	vst v25;
	v25 =	vmov s26  }
0xe2: {  	v27 =	vmul.f32 v15, v7;
	v17 =	vmul.f32 v16, v7;
	v16 =	vshll.u32 v29, $0x10  }
0xe3: {  	[tilespmem:s21+$0xFFFFFF40] =	vst v19;
	v15 =	vbroadcast v18, $0x0;
	v18 =	vand.u32 $0xFFFF0000, v29;
	v19 =	vmul.f32 v16, v8  }
0xe4: {  	[tilespmem:s21+$0xFFFFFEC0] =	vst v23;
	v24 =	vand.u32 $0xFFFF0000, v30;
	v18 =	vmul.f32 v18, v8;
	v16 =	vbroadcast v21, $0x0  }
0xe5: {  	v21 =	vshll.u32 v30, $0x10;
	[tilespmem:s21+$0xFFFFFFD0] =	vst v22;
	v22 =	vshrl.u32 v25, $0x3;
	v25 =	vshll.u32 v20, $0x10  }
0xe6: {  	v20 =	vand.u32 $0xFFFF0000, v20;
	[tilespmem:s21+$0xFFFFFFE0] =	vst v26;
	v23 =	vmul.f32 v21, v10;
	v21 =	vmul.f32 v24, v10  }
0xe7: {  	s23 =	simm.s32 $0x4750;
	s24 =	simm.s32 $0x8;
	s25 =	simm.s32 $0x10;
	v24 =	vshll.u32 v22, v1;
	v22 =	vmul.f32 v25, v9;
	v20 =	vmul.f32 v20, v9;
	[tilespmem:s21+$0x60] =	vst v27  }
.LBB2_8:
0xe8: {  	p1 =	slt.u32 s25, $0x78;
	v24 =	vadd.s32 $0x7, v24;
	[tilespmem:s21+$0x70] =	vst v17  }
0xe9: {  	v17 =	vbroadcast v24, $0x0;
	[tilespmem:s21+$0xF0] =	vst v19  }
0xea: {  	v13 =	vld.idx.msk [tilespmem:v13+s31+$0x0], $0xffff;
	[tilespmem:s21+$0x100] =	vst v18  }
0xeb: {  	v14 =	vld.idx.msk [tilespmem:v14+s31+$0x0], $0xffff;
	[tilespmem:s21+$0x180] =	vst v23  }
0xec: {  	s26 =	sadd.s32 $0x5, s24;
	v15 =	vld.idx.msk [tilespmem:v15+s31+$0x0], $0xffff;
	[tilespmem:s21+$0x190] =	vst v21  }
0xed: {  	s22 =	sadd.s32 $0x200, s22;
	v19 =	vmov s26;
	s26 =	sadd.s32 $0x6, s24;
	v18 =	vmov s24;
	s24 =	smov.u32 s25;
	v16 =	vld.idx.msk [tilespmem:v16+s31+$0x0], $0xffff;
	[tilespmem:s21+$0x210] =	vst v12  }
0xee: {  	v23 =	vmul.f32 v2, v4;
	v12 =	vshrl.u32 v19, $0x3;
	v19 =	vmov s26;
	v21 =	vld [tilespmem:s22+$0xC0];
	[tilespmem:s21+$0xFFFFFE20] =	vst v22  }
0xef: {  	v24 =	vmul.f32 v2, v5;
	v22 =	vshll.u32 v12, v1;
	v19 =	vshrl.u32 v19, $0x3;
	v12 =	vld.idx.msk [tilespmem:v17+s31+$0x0], $0xffff;
	[tilespmem:s21+$0xFFFFFE30] =	vst v20  }
0xf0: {  	v20 =	vadd.s32 $0x5, v22;
	v19 =	vshll.u32 v19, v1;
	v22 =	vmul.f32 v2, v6;
	v4 =	vmovc v13;
	v17 =	vld [tilespmem:s22+$0xFFFFFF00];
	[tilespmem:s21+$0xFFFFFED0] =	vst v23  }
0xf1: {  	v20 =	vbroadcast v20, $0x0;
	v19 =	vadd.s32 $0x6, v19;
	v23 =	vmul.f32 v2, v7;
	v5 =	vmovc v14;
	v13 =	vld [tilespmem:s22+$0xFFFFFF40];
	[tilespmem:s21+$0xFFFFFF60] =	vst v24  }
0xf2: {  	v8 =	vmul.f32 v2, v8;
	v14 =	vshrl.u32 v18, $0x3;
	v19 =	vbroadcast v19, $0x0;
	v6 =	vmovc v15;
	v18 =	vld [tilespmem:s22+$0xFFFFFF80];
	[tilespmem:s21+$0xFFFFFFF0] =	vst v22  }
0xf3: {  	v10 =	vmul.f32 v2, v10;
	v14 =	vshll.u32 v14, v1;
	v7 =	vmov v16;
	v15 =	vld [tilespmem:s22+$0xFFFFFFC0];
	[tilespmem:s21+$0x80] =	vst v23  }
0xf4: {  	v9 =	vmul.f32 v2, v9;
	v14 =	vbroadcast v14, $0x0;
	v22 =	vshll.u32 v21, $0x10;
	v16 =	vld [tilespmem:s22+$0x0];
	[tilespmem:s21+$0x110] =	vst v8  }
0xf5: {  	v8 =	vand.u32 $0xFFFF0000, v21;
	v21 =	vmul.f32 v22, v12;
	v23 =	vshll.u32 v17, $0x10;
	v24 =	vld [tilespmem:s22+$0x40];
	[tilespmem:s21+$0x1A0] =	vst v10  }
0xf6: {  	v17 =	vand.u32 $0xFFFF0000, v17;
	v25 =	vmul.f32 v8, v12;
	s21 =	sadd.s32 $0x480, s21;
	v10 =	vshll.u32 v13, $0x10;
	v22 =	vld [tilespmem:s22+$0x80];
	[tilespmem:s23+$0x230] =	vst v11  }
0xf7: {  	v11 =	vand.u32 $0xFFFF0000, v13;
	v13 =	vshll.u32 v18, $0x10;
	v18 =	vand.u32 $0xFFFF0000, v18;
	v8 =	vld.idx.msk [tilespmem:v20+s31+$0x0], $0xffff;
	[tilespmem:s21+$0x1B0] =	vst v21  }
0xf8: {  	v20 =	vmul.f32 v10, v4;
	v21 =	vshll.u32 v15, $0x10;
	v15 =	vand.u32 $0xFFFF0000, v15;
	v10 =	vld.idx.msk [tilespmem:v19+s31+$0x0], $0xffff;
	[tilespmem:s21+$0x1C0] =	vst v25  }
0xf9: {  	v11 =	vmul.f32 v11, v4;
	v19 =	vshll.u32 v16, $0x10;
	v16 =	vand.u32 $0xFFFF0000, v16;
	v25 =	vld [tilespmem:s22+$0xD0];
	[tilespmem:s23+$0xFFFFFE40] =	vst v9;
	s23 =	smov.u32 s21  }
0xfa: {  	v13 =	vmul.f32 v13, v5;
	[tilespmem:s21+$0xFFFFFE50] =	vst v20;
	v20 =	vshll.u32 v24, $0x10;
	v24 =	vand.u32 $0xFFFF0000, v24  }
0xfb: {  	v9 =	vld.idx.msk [tilespmem:v14+s31+$0x0], $0xffff;
	[tilespmem:s21+$0xFFFFFE60] =	vst v11;
	v11 =	vmul.f32 v18, v5;
	v14 =	vshll.u32 v22, $0x10;
	v18 =	vand.u32 $0xFFFF0000, v22  }
0xfc: {  	v15 =	vmul.f32 v15, v6;
	v22 =	vld [tilespmem:s22+$0xFFFFFF50];
	[tilespmem:s21+$0xFFFFFEE0] =	vst v13;
	v13 =	vmul.f32 v21, v6  }
0xfd: {  	v16 =	vmul.f32 v16, v7;
	[tilespmem:s21+$0xFFFFFEF0] =	vst v11;
	v11 =	vmul.f32 v19, v7  }
0xfe: {  	v19 =	vld [tilespmem:s22+$0xFFFFFF90];
	[tilespmem:s21+$0xFFFFFF70] =	vst v13;
	v13 =	vmul.f32 v20, v8;
	v20 =	vmul.f32 v24, v8;
	v21 =	vshll.u32 v25, $0x10  }
0xff: {  	v14 =	vmul.f32 v14, v10;
	[tilespmem:s21+$0xFFFFFF80] =	vst v15;
	v15 =	vand.u32 $0xFFFF0000, v25;
	v21 =	vmul.f32 v21, v12  }
0x100: {  	v18 =	vmul.f32 v18, v10;
	v24 =	vld [tilespmem:s22+$0xFFFFFFD0];
	[tilespmem:s21+$0x0] =	vst v11;
	v11 =	vmul.f32 v15, v12  }
0x101: {  	v15 =	vmul.f32 v23, v9;
	v17 =	vmul.f32 v17, v9;
	v23 =	vshll.u32 v22, $0x10;
	[tilespmem:s21+$0x1D0] =	vst v21  }
0x102: {  	v21 =	vand.u32 $0xFFFF0000, v22;
	v22 =	vmul.f32 v23, v4;
	[tilespmem:s21+$0x1E0] =	vst v11;
	v11 =	vmul.f32 v2, v12  }
0x103: {  	v21 =	vmul.f32 v21, v4;
	v23 =	vshll.u32 v19, $0x10;
	v19 =	vand.u32 $0xFFFF0000, v19;
	[tilespmem:s21+$0x10] =	vst v16;
	v16 =	vld [tilespmem:s22+$0xE0]  }
0x104: {  	v23 =	vmul.f32 v23, v5;
	v19 =	vmul.f32 v19, v5;
	v25 =	vld [tilespmem:s22+$0x10];
	[tilespmem:s21+$0x90] =	vst v13  }
0x105: {  	v13 =	vshll.u32 v24, $0x10;
	v24 =	vand.u32 $0xFFFF0000, v24;
	[tilespmem:s21+$0xA0] =	vst v20  }
0x106: {  	v13 =	vmul.f32 v13, v6;
	v20 =	vmul.f32 v24, v6;
	v24 =	vld [tilespmem:s22+$0x50];
	[tilespmem:s21+$0x120] =	vst v14  }
0x107: {  	[tilespmem:s21+$0x130] =	vst v18  }
0x108: {  	[tilespmem:s21+$0xFFFFFDC0] =	vst v15;
	v14 =	vld [tilespmem:s22+$0x90];
	v15 =	vshll.u32 v16, $0x10  }
0x109: {  	v16 =	vand.u32 $0xFFFF0000, v16;
	[tilespmem:s21+$0xFFFFFDD0] =	vst v17;
	v17 =	vshll.u32 v25, $0x10;
	v15 =	vmul.f32 v15, v12  }
0x10a: {  	v16 =	vmul.f32 v16, v12;
	v18 =	vld [tilespmem:s22+$0xFFFFFF10];
	[tilespmem:s21+$0xFFFFFE70] =	vst v22;
	v22 =	vand.u32 $0xFFFF0000, v25;
	v17 =	vmul.f32 v17, v7  }
0x10b: {  	v22 =	vmul.f32 v22, v7;
	v25 =	vshll.u32 v24, $0x10;
	v24 =	vand.u32 $0xFFFF0000, v24;
	[tilespmem:s21+$0x1F0] =	vst v15  }
0x10c: {  	v15 =	vmul.f32 v25, v8;
	v24 =	vmul.f32 v24, v8;
	[tilespmem:s21+$0x200] =	vst v16  }
0x10d: {  	[tilespmem:s21+$0xFFFFFE80] =	vst v21;
	v16 =	vshll.u32 v14, $0x10;
	v14 =	vand.u32 $0xFFFF0000, v14;
	v21 =	vld [tilespmem:s22+$0xF0]  }
0x10e: {  	v25 =	vld [tilespmem:s22+$0xFFFFFF60];
	[tilespmem:s21+$0xFFFFFF00] =	vst v23;
	v16 =	vmul.f32 v16, v10;
	v14 =	vmul.f32 v14, v10  }
0x10f: {  	v23 =	vshll.u32 v18, $0x10;
	v18 =	vand.u32 $0xFFFF0000, v18;
	[tilespmem:s21+$0xFFFFFF10] =	vst v19  }
0x110: {  	v19 =	vmul.f32 v23, v9;
	v18 =	vmul.f32 v18, v9;
	v23 =	vld [tilespmem:s22+$0xFFFFFFA0];
	[tilespmem:s21+$0xFFFFFF90] =	vst v13  }
0x111: {  	[tilespmem:s21+$0xFFFFFFA0] =	vst v20  }
0x112: {  	v13 =	vld [tilespmem:s22+$0xFFFFFFE0];
	[tilespmem:s21+$0x20] =	vst v17;
	v17 =	vshll.u32 v21, $0x10;
	v20 =	vand.u32 $0xFFFF0000, v21  }
0x113: {  	v21 =	vshll.u32 v25, $0x10;
	v25 =	vand.u32 $0xFFFF0000, v25;
	[tilespmem:s21+$0x30] =	vst v22;
	v20 =	vmul.f32 v20, v12  }
0x114: {  	v21 =	vmul.f32 v21, v4;
	v22 =	vmul.f32 v25, v4;
	v25 =	vld [tilespmem:s22+$0x20];
	[tilespmem:s21+$0xB0] =	vst v15  }
0x115: {  	v12 =	vmul.f32 v17, v12;
	v15 =	vshll.u32 v23, $0x10;
	v23 =	vand.u32 $0xFFFF0000, v23;
	[tilespmem:s21+$0x220] =	vst v20  }
0x116: {  	v15 =	vmul.f32 v15, v5;
	v17 =	vmul.f32 v23, v5;
	[tilespmem:s21+$0xC0] =	vst v24  }
0x117: {  	v20 =	vshll.u32 v13, $0x10;
	v13 =	vand.u32 $0xFFFF0000, v13;
	v23 =	vld [tilespmem:s22+$0x60];
	[tilespmem:s21+$0x140] =	vst v16  }
0x118: {  	v16 =	vmul.f32 v20, v6;
	v13 =	vmul.f32 v13, v6;
	[tilespmem:s21+$0x150] =	vst v14  }
0x119: {  	s26 =	sadd.s32 $0x1, s25;
	[tilespmem:s21+$0xFFFFFDE0] =	vst v19;
	v14 =	vshll.u32 v25, $0x10;
	v19 =	vand.u32 $0xFFFF0000, v25;
	v20 =	vld [tilespmem:s22+$0xA0]  }
0x11a: {  	s10 =	sadd.s32 $0x3, s25;
	v24 =	vmov s26;
	s26 =	sadd.s32 $0x2, s25;
	[tilespmem:s21+$0xFFFFFDF0] =	vst v18;
	v14 =	vmul.f32 v14, v7;
	v18 =	vmul.f32 v19, v7  }
0x11b: {  	v25 =	vmov s10;
	s10 =	sadd.s32 $0x4, s25;
	v19 =	vmov s26;
	v26 =	vld [tilespmem:s22+$0xFFFFFF20];
	[tilespmem:s21+$0xFFFFFE90] =	vst v21  }
0x11c: {  	v21 =	vmov s10;
	[tilespmem:s21+$0xFFFFFEA0] =	vst v22;
	v22 =	vshll.u32 v23, $0x10;
	v23 =	vand.u32 $0xFFFF0000, v23  }
0x11d: {  	v24 =	vshrl.u32 v24, $0x3;
	v27 =	vld [tilespmem:s22+$0xFFFFFF70];
	[tilespmem:s21+$0xFFFFFF20] =	vst v15;
	v15 =	vmul.f32 v22, v8;
	v22 =	vmul.f32 v23, v8  }
0x11e: {  	v19 =	vshrl.u32 v19, $0x3;
	[tilespmem:s21+$0xFFFFFF30] =	vst v17;
	v17 =	vshll.u32 v20, $0x10;
	v20 =	vand.u32 $0xFFFF0000, v20  }
0x11f: {  	v23 =	vshrl.u32 v25, $0x3;
	v25 =	vld [tilespmem:s22+$0xFFFFFFB0];
	[tilespmem:s21+$0xFFFFFFB0] =	vst v16;
	v16 =	vmul.f32 v17, v10;
	v17 =	vmul.f32 v20, v10  }
0x120: {  	v20 =	vshrl.u32 v21, $0x3;
	v21 =	vshll.u32 v26, $0x10;
	v26 =	vand.u32 $0xFFFF0000, v26;
	[tilespmem:s21+$0xFFFFFFC0] =	vst v13  }
0x121: {  	v13 =	vshll.u32 v24, v1;
	v21 =	vmul.f32 v21, v9;
	v24 =	vmul.f32 v26, v9;
	v26 =	vld [tilespmem:s22+$0xFFFFFFF0];
	[tilespmem:s21+$0x40] =	vst v14  }
0x122: {  	v14 =	vshll.u32 v19, v1;
	v19 =	vshll.u32 v27, $0x10;
	v27 =	vand.u32 $0xFFFF0000, v27;
	[tilespmem:s21+$0x50] =	vst v18  }
0x123: {  	v18 =	vshll.u32 v23, v1;
	v19 =	vmul.f32 v19, v4;
	v23 =	vmul.f32 v27, v4;
	v27 =	vld [tilespmem:s22+$0x30];
	[tilespmem:s21+$0xD0] =	vst v15  }
0x124: {  	v20 =	vshll.u32 v20, v1;
	v15 =	vshll.u32 v25, $0x10;
	v25 =	vand.u32 $0xFFFF0000, v25;
	[tilespmem:s21+$0xE0] =	vst v22  }
0x125: {  	v13 =	vadd.s32 $0x1, v13;
	v22 =	vmul.f32 v15, v5;
	v25 =	vmul.f32 v25, v5;
	v28 =	vld [tilespmem:s22+$0x70];
	[tilespmem:s21+$0x160] =	vst v16  }
0x126: {  	v13 =	vbroadcast v13, $0x0;
	v15 =	vshll.u32 v26, $0x10;
	v16 =	vand.u32 $0xFFFF0000, v26;
	[tilespmem:s21+$0x170] =	vst v17  }
0x127: {  	v14 =	vadd.s32 $0x2, v14;
	[tilespmem:s21+$0xFFFFFE00] =	vst v21;
	v21 =	vmul.f32 v15, v6;
	v26 =	vmul.f32 v16, v6;
	v29 =	vld [tilespmem:s22+$0xB0]  }
0x128: {  	v14 =	vbroadcast v14, $0x0;
	[tilespmem:s21+$0xFFFFFE10] =	vst v24;
	v15 =	vshll.u32 v27, $0x10;
	v16 =	vand.u32 $0xFFFF0000, v27  }
0x129: {  	v18 =	vadd.s32 $0x3, v18;
	v24 =	vld [tilespmem:s22+$0xFFFFFF30];
	[tilespmem:s21+$0xFFFFFEB0] =	vst v19;
	v27 =	vmul.f32 v15, v7;
	v17 =	vmul.f32 v16, v7  }
0x12a: {  	v15 =	vbroadcast v18, $0x0;
	[tilespmem:s21+$0xFFFFFEC0] =	vst v23;
	v16 =	vshll.u32 v28, $0x10;
	v18 =	vand.u32 $0xFFFF0000, v28  }
.Ltmp7:
0x12b: {  	v20 =	vadd.s32 $0x4, v20;
	[tilespmem:s21+$0xFFFFFF40] =	vst v22;
	v19 =	vmul.f32 v16, v8;
	v18 =	vmul.f32 v18, v8;
	(pc) =	sbr.rel @p1 .LBB2_8-.Ltmp7, $4  }
0x12c: {  	s10 =	sadd.s32 $0x7, s25;
	v16 =	vbroadcast v20, $0x0;
	[tilespmem:s21+$0xFFFFFF50] =	vst v25;
	v20 =	vshll.u32 v29, $0x10;
	v22 =	vand.u32 $0xFFFF0000, v29  }
0x12d: {  	v25 =	vmov s10;
	[tilespmem:s21+$0xFFFFFFD0] =	vst v21;
	v23 =	vmul.f32 v20, v10;
	v21 =	vmul.f32 v22, v10  }
0x12e: {  	v20 =	vshrl.u32 v25, $0x3;
	v22 =	vshll.u32 v24, $0x10;
	v25 =	vand.u32 $0xFFFF0000, v24;
	[tilespmem:s21+$0xFFFFFFE0] =	vst v26  }
0x12f: {  	s25 =	sadd.s32 $0x8, s25;
	v24 =	vshll.u32 v20, v1;
	v22 =	vmul.f32 v22, v9;
	v20 =	vmul.f32 v25, v9;
	[tilespmem:s21+$0x60] =	vst v27  }
0x130: {  	[tilespmem:s21+$0x70] =	vst v17  }
0x131: {  	[tilespmem:s21+$0xF0] =	vst v19  }
0x132: {  	[tilespmem:s21+$0x100] =	vst v18  }
0x133: {  	[tilespmem:s21+$0x180] =	vst v23  }
0x134: {  	[tilespmem:s21+$0x190] =	vst v21  }
0x135: {  	[tilespmem:s21+$0x210] =	vst v12  }
0x136: {  	s22 =	sadd.s32 $0x200, s22;
	v33 =	vmul.f32 v2, v4;
	v35 =	vmul.f32 v2, v5;
	v5 =	vld.idx.msk [tilespmem:v13+s31+$0x0], $0xffff;
	[tilespmem:s21+$0xFFFFFE20] =	vst v22  }
0x137: {  	v6 =	vmul.f32 v2, v6;
	v7 =	vmul.f32 v2, v7;
	v34 =	vld [tilespmem:s22+$0xC0];
	[tilespmem:s21+$0xFFFFFE30] =	vst v20  }
0x138: {  	v32 =	vadd.s32 $0x7, v24;
	v8 =	vmul.f32 v2, v8;
	v10 =	vmul.f32 v2, v10;
	v38 =	vld [tilespmem:s22+$0xFFFFFF40];
	[tilespmem:s23+$0x230] =	vst v11  }
0x139: {  	s10 =	sadd.s32 $0x5, s24;
	v36 =	vmov s24;
	s25 =	sadd.s32 $0x6, s24;
	v9 =	vmul.f32 v2, v9;
	v17 =	vbroadcast v32, $0x0;
	v40 =	vld [tilespmem:s22+$0xFFFFFF80];
	[tilespmem:s21+$0xFFFFFED0] =	vst v33  }
0x13a: {  	v37 =	vmov s10;
	v39 =	vmov s25;
	v47 =	vld [tilespmem:s22+$0xFFFFFFC0];
	v12 =	vshrl.u32 v36, $0x3;
	[tilespmem:s21+$0xFFFFFF60] =	vst v35  }
0x13b: {  	[tilespmem:s21+$0xFFFFFFF0] =	vst v6;
	v6 =	vld.idx.msk [tilespmem:v14+s31+$0x0], $0xffff;
	v13 =	vshrl.u32 v37, $0x3;
	v14 =	vshrl.u32 v39, $0x3;
	v53 =	vshll.u32 v12, v1  }
0x13c: {  	v49 =	vld [tilespmem:s22+$0x0];
	[tilespmem:s21+$0x80] =	vst v7;
	v13 =	vshll.u32 v13, v1;
	v45 =	vshll.u32 v14, v1;
	v56 =	vbroadcast v53, $0x0  }
0x13d: {  	v7 =	vld.idx.msk [tilespmem:v15+s31+$0x0], $0xffff;
	[tilespmem:s21+$0x1A0] =	vst v10;
	v42 =	vadd.s32 $0x5, v13;
	v10 =	vadd.s32 $0x6, v45;
	v48 =	vshll.u32 v38, $0x10  }
0x13e: {  	v58 =	vld [tilespmem:s22+$0x40];
	[tilespmem:s21+$0x110] =	vst v8;
	v46 =	vbroadcast v42, $0x0;
	v50 =	vand.u32 $0xFFFF0000, v38;
	v11 =	vmul.f32 v48, v5  }
0x13f: {  	s26 =	sadd.s32 $0x480, s21;
	v8 =	vld.idx.msk [tilespmem:v16+s31+$0x0], $0xffff;
	[tilespmem:s23+$0xFFFFFE40] =	vst v9;
	v10 =	vbroadcast v10, $0x0;
	v51 =	vshll.u32 v40, $0x10;
	v16 =	vmul.f32 v50, v5  }
0x140: {  	v61 =	vld [tilespmem:s22+$0x80];
	v54 =	vand.u32 $0xFFFF0000, v40;
	v55 =	vmul.f32 v51, v6;
	[tilespmem:s26+$0xFFFFFE50] =	vst v11  }
0x141: {  	v57 =	vshll.u32 v47, $0x10;
	v4 =	vld.idx.msk [tilespmem:v17+s31+$0x0], $0xffff;
	v12 =	vmul.f32 v54, v6;
	[tilespmem:s26+$0xFFFFFE60] =	vst v16  }
0x142: {  	v21 =	vld [tilespmem:s22+$0xFFFFFF00];
	v18 =	vand.u32 $0xFFFF0000, v47;
	v59 =	vmul.f32 v57, v7;
	[tilespmem:s26+$0xFFFFFEE0] =	vst v55  }
0x143: {  	v60 =	vshll.u32 v49, $0x10;
	v18 =	vmul.f32 v18, v7;
	[tilespmem:s26+$0xFFFFFEF0] =	vst v12;
	v11 =	vld.idx.msk [tilespmem:v56+s31+$0x0], $0xffff  }
0x144: {  	v15 =	vand.u32 $0xFFFF0000, v49;
	v14 =	vmul.f32 v60, v8;
	[tilespmem:s26+$0xFFFFFF70] =	vst v59;
	v9 =	vld.idx.msk [tilespmem:v46+s31+$0x0], $0xffff  }
0x145: {  	v41 =	vshll.u32 v34, $0x10;
	v24 =	vmul.f32 v15, v8;
	[tilespmem:s26+$0xFFFFFF80] =	vst v18;
	v10 =	vld.idx.msk [tilespmem:v10+s31+$0x0], $0xffff  }
0x146: {  	v43 =	vand.u32 $0xFFFF0000, v34;
	[tilespmem:s26+$0x0] =	vst v14;
	v26 =	vld [tilespmem:s22+$0xFFFFFF50];
	v44 =	vmul.f32 v41, v4  }
0x147: {  	v30 =	vand.u32 $0xFFFF0000, v21;
	[tilespmem:s26+$0x10] =	vst v24;
	v31 =	vld [tilespmem:s22+$0xFFFFFF90];
	v13 =	vmul.f32 v43, v4  }
0x148: {  	v25 =	vand.u32 $0xFFFF0000, v58;
	[tilespmem:s26+$0x1B0] =	vst v44;
	v32 =	vmul.f32 v30, v11  }
0x149: {  	v27 =	vshll.u32 v61, $0x10;
	v37 =	vld [tilespmem:s22+$0x10];
	[tilespmem:s26+$0x1C0] =	vst v13;
	v15 =	vmul.f32 v25, v9  }
0x14a: {  	v12 =	vand.u32 $0xFFFF0000, v61;
	v14 =	vmul.f32 v27, v10;
	[tilespmem:s26+$0xFFFFFDD0] =	vst v32  }
0x14b: {  	v52 =	vld [tilespmem:s22+$0xD0];
	v16 =	vand.u32 $0xFFFF0000, v26;
	v12 =	vmul.f32 v12, v10;
	[tilespmem:s26+$0xA0] =	vst v15  }
0x14c: {  	v39 =	vshll.u32 v31, $0x10;
	v38 =	vmul.f32 v16, v5;
	[tilespmem:s26+$0x120] =	vst v14  }
0x14d: {  	v34 =	vld [tilespmem:s22+$0xFFFFFFD0];
	v40 =	vand.u32 $0xFFFF0000, v31;
	v16 =	vmul.f32 v39, v6;
	[tilespmem:s26+$0x130] =	vst v12  }
0x14e: {  	v45 =	vshll.u32 v37, $0x10;
	v42 =	vmul.f32 v40, v6;
	[tilespmem:s26+$0xFFFFFE80] =	vst v38  }
0x14f: {  	v33 =	vshll.u32 v26, $0x10;
	v47 =	vmul.f32 v45, v8;
	[tilespmem:s26+$0xFFFFFF00] =	vst v16  }
0x150: {  	v15 =	vmul.f32 v33, v5;
	[tilespmem:s26+$0xFFFFFF10] =	vst v42;
	v62 =	vshll.u32 v52, $0x10  }
0x151: {  	[tilespmem:s26+$0x20] =	vst v47;
	v44 =	vld [tilespmem:s22+$0x90];
	v17 =	vand.u32 $0xFFFF0000, v52;
	v63 =	vmul.f32 v62, v4  }
0x152: {  	v43 =	vshll.u32 v34, $0x10;
	[tilespmem:s26+$0xFFFFFE70] =	vst v15;
	v22 =	vmul.f32 v17, v4  }
0x153: {  	v23 =	vshll.u32 v58, $0x10;
	v14 =	vmul.f32 v43, v7;
	v52 =	vld [tilespmem:s22+$0xFFFFFF60];
	[tilespmem:s26+$0x1D0] =	vst v63  }
0x154: {  	v12 =	vand.u32 $0xFFFF0000, v34;
	v17 =	vmul.f32 v23, v9;
	[tilespmem:s26+$0x1E0] =	vst v22  }
0x155: {  	v29 =	vshll.u32 v21, $0x10;
	v12 =	vmul.f32 v12, v7;
	[tilespmem:s26+$0xFFFFFF90] =	vst v14;
	v28 =	vld [tilespmem:s22+$0xE0]  }
0x156: {  	[tilespmem:s26+$0x90] =	vst v17;
	v17 =	vmul.f32 v29, v11;
	v55 =	vshll.u32 v44, $0x10  }
0x157: {  	[tilespmem:s26+$0xFFFFFFA0] =	vst v12;
	v41 =	vld [tilespmem:s22+$0x50];
	v56 =	vand.u32 $0xFFFF0000, v44;
	v57 =	vmul.f32 v55, v10  }
0x158: {  	[tilespmem:s26+$0xFFFFFDC0] =	vst v17;
	v12 =	vmul.f32 v56, v10;
	v61 =	vshll.u32 v52, $0x10  }
0x159: {  	v60 =	vld [tilespmem:s22+$0xFFFFFFE0];
	v62 =	vand.u32 $0xFFFF0000, v52;
	[tilespmem:s26+$0x140] =	vst v57;
	v16 =	vmul.f32 v61, v5  }
0x15a: {  	[tilespmem:s26+$0x150] =	vst v12;
	v12 =	vmul.f32 v62, v5;
	v35 =	vshll.u32 v28, $0x10  }
0x15b: {  	v13 =	vand.u32 $0xFFFF0000, v28;
	[tilespmem:s26+$0xFFFFFE90] =	vst v16;
	v36 =	vmul.f32 v35, v4  }
0x15c: {  	v48 =	vld [tilespmem:s22+$0xFFFFFF10];
	v49 =	vshll.u32 v41, $0x10;
	[tilespmem:s26+$0xFFFFFEA0] =	vst v12;
	v13 =	vmul.f32 v13, v4  }
0x15d: {  	v18 =	vand.u32 $0xFFFF0000, v41;
	v50 =	vmul.f32 v49, v9;
	[tilespmem:s26+$0x1F0] =	vst v36  }
0x15e: {  	v58 =	vld [tilespmem:s22+$0xFFFFFFA0];
	v24 =	vshll.u32 v60, $0x10;
	v54 =	vmul.f32 v18, v9;
	[tilespmem:s26+$0x200] =	vst v13  }
0x15f: {  	v25 =	vand.u32 $0xFFFF0000, v60;
	v16 =	vmul.f32 v24, v7;
	[tilespmem:s26+$0xB0] =	vst v50  }
0x160: {  	v46 =	vand.u32 $0xFFFF0000, v37;
	v12 =	vmul.f32 v25, v7;
	[tilespmem:s26+$0xC0] =	vst v54;
	v15 =	vld [tilespmem:s22+$0xF0]  }
0x161: {  	v14 =	vand.u32 $0xFFFF0000, v48;
	[tilespmem:s26+$0xFFFFFFB0] =	vst v16;
	v13 =	vmul.f32 v46, v8;
	v23 =	vld [tilespmem:s22+$0x60]  }
0x162: {  	v59 =	vshll.u32 v48, $0x10;
	[tilespmem:s26+$0xFFFFFFC0] =	vst v12;
	v14 =	vmul.f32 v14, v11  }
0x163: {  	v22 =	vand.u32 $0xFFFF0000, v58;
	[tilespmem:s26+$0x30] =	vst v13;
	v13 =	vmul.f32 v59, v11  }
0x164: {  	v21 =	vshll.u32 v58, $0x10;
	[tilespmem:s26+$0xFFFFFDF0] =	vst v14;
	v14 =	vmul.f32 v22, v6  }
0x165: {  	v63 =	vld [tilespmem:s22+$0x20];
	[tilespmem:s26+$0xFFFFFDE0] =	vst v13;
	v13 =	vmul.f32 v21, v6;
	v51 =	vand.u32 $0xFFFF0000, v15  }
0x166: {  	[tilespmem:s26+$0xFFFFFF30] =	vst v14;
	v30 =	vshll.u32 v23, $0x10;
	v53 =	vmul.f32 v51, v4  }
0x167: {  	[tilespmem:s26+$0xFFFFFF20] =	vst v13;
	v31 =	vand.u32 $0xFFFF0000, v23;
	v16 =	vmul.f32 v30, v9  }
0x168: {  	v26 =	vld [tilespmem:s22+$0xA0];
	v15 =	vshll.u32 v15, $0x10;
	v12 =	vmul.f32 v31, v9;
	[tilespmem:s26+$0x220] =	vst v53  }
0x169: {  	v56 =	vmul.f32 v15, v4;
	[tilespmem:s26+$0xD0] =	vst v16  }
0x16a: {  	v29 =	vld [tilespmem:s22+$0xFFFFFF20];
	v4 =	vmul.f32 v2, v4;
	v27 =	vshll.u32 v63, $0x10;
	[tilespmem:s26+$0xE0] =	vst v12  }
0x16b: {  	v28 =	vand.u32 $0xFFFF0000, v63;
	v13 =	vmul.f32 v27, v8;
	[tilespmem:s26+$0x210] =	vst v56  }
0x16c: {  	v14 =	vmul.f32 v28, v8;
	[tilespmem:s26+$0x230] =	vst v4  }
0x16d: {  	v32 =	vld [tilespmem:s22+$0xFFFFFF70];
	v33 =	vshll.u32 v26, $0x10;
	v59 =	vmul.f32 v2, v8;
	[tilespmem:s26+$0x40] =	vst v13  }
0x16e: {  	v34 =	vand.u32 $0xFFFF0000, v26;
	v35 =	vld [tilespmem:s22+$0xFFFFFFB0];
	[tilespmem:s26+$0x50] =	vst v14;
	v13 =	vmul.f32 v33, v10  }
0x16f: {  	v36 =	vshll.u32 v29, $0x10;
	v14 =	vmul.f32 v34, v10;
	v41 =	vld [tilespmem:s22+$0x30];
	[tilespmem:s26+$0x80] =	vst v59  }
0x170: {  	v37 =	vand.u32 $0xFFFF0000, v29;
	v16 =	vmul.f32 v36, v11;
	[tilespmem:s26+$0x160] =	vst v13  }
0x171: {  	v12 =	vmul.f32 v37, v11;
	[tilespmem:s26+$0x170] =	vst v14  }
0x172: {  	v60 =	vmul.f32 v2, v10;
	v39 =	vshll.u32 v32, $0x10;
	[tilespmem:s26+$0xFFFFFE00] =	vst v16  }
0x173: {  	v38 =	vld [tilespmem:s22+$0xFFFFFFF0];
	v40 =	vand.u32 $0xFFFF0000, v32;
	v13 =	vmul.f32 v39, v5;
	[tilespmem:s26+$0xFFFFFE10] =	vst v12  }
0x174: {  	v42 =	vshll.u32 v35, $0x10;
	v14 =	vmul.f32 v40, v5;
	v47 =	vld [tilespmem:s22+$0xB0];
	[tilespmem:s26+$0x1A0] =	vst v60  }
0x175: {  	v43 =	vand.u32 $0xFFFF0000, v35;
	v16 =	vmul.f32 v42, v6;
	[tilespmem:s26+$0xFFFFFEB0] =	vst v13  }
0x176: {  	v44 =	vld [tilespmem:s22+$0x70];
	v12 =	vmul.f32 v43, v6;
	[tilespmem:s26+$0xFFFFFEC0] =	vst v14  }
0x177: {  	v5 =	vmul.f32 v2, v5;
	[tilespmem:s26+$0xFFFFFF40] =	vst v16  }
0x178: {  	v45 =	vshll.u32 v38, $0x10;
	v6 =	vmul.f32 v2, v6;
	[tilespmem:s26+$0xFFFFFF50] =	vst v12  }
0x179: {  	v46 =	vand.u32 $0xFFFF0000, v38;
	v13 =	vmul.f32 v45, v7;
	[tilespmem:s26+$0xFFFFFED0] =	vst v5  }
0x17a: {  	v14 =	vmul.f32 v46, v7;
	[tilespmem:s26+$0xFFFFFF60] =	vst v6  }
0x17b: {  	v51 =	vshll.u32 v44, $0x10;
	v5 =	vmul.f32 v2, v7;
	[tilespmem:s26+$0xFFFFFFD0] =	vst v13  }
0x17c: {  	v52 =	vand.u32 $0xFFFF0000, v44;
	v53 =	vmul.f32 v51, v9;
	[tilespmem:s26+$0xFFFFFFE0] =	vst v14  }
0x17d: {  	v14 =	vmul.f32 v52, v9;
	[tilespmem:s26+$0xFFFFFFF0] =	vst v5  }
0x17e: {  	v50 =	vld [tilespmem:s22+$0xFFFFFF30];
	v48 =	vshll.u32 v41, $0x10;
	v5 =	vmul.f32 v2, v9;
	[tilespmem:s26+$0xF0] =	vst v53  }
0x17f: {  	v49 =	vand.u32 $0xFFFF0000, v41;
	v16 =	vmul.f32 v48, v8;
	[tilespmem:s26+$0x100] =	vst v14  }
0x180: {  	v12 =	vmul.f32 v49, v8;
	[tilespmem:s26+$0x110] =	vst v5  }
0x181: {  	v54 =	vshll.u32 v47, $0x10;
	v5 =	vmul.f32 v2, v11;
	[tilespmem:s26+$0x60] =	vst v16  }
0x182: {  	v55 =	vand.u32 $0xFFFF0000, v47;
	[tilespmem:s26+$0x70] =	vst v12;
	v16 =	vmul.f32 v54, v10  }
0x183: {  	v57 =	vshll.u32 v50, $0x10;
	v12 =	vmul.f32 v55, v10;
	[tilespmem:s26+$0xFFFFFE40] =	vst v5  }
0x184: {  	v13 =	vand.u32 $0xFFFF0000, v50;
	v15 =	vmul.f32 v57, v11;
	[tilespmem:s26+$0x180] =	vst v16  }
0x185: {  	v58 =	vmul.f32 v13, v11;
	[tilespmem:s26+$0x190] =	vst v12  }
0x186: {  	[tilespmem:s26+$0xFFFFFE20] =	vst v15  }
0x187: {  	[tilespmem:s26+$0xFFFFFE30] =	vst v58  }
0x188: {  	v4 =	vld [tilespmem:$0x110]  }
0x189: {  	v5 =	vld [tilespmem:$0x120]  }
0x18a: {  	v6 =	vld [tilespmem:$0x130]  }
0x18b: {  	v61 =	vld [tilespmem:$0x140]  }
0x18c: {  	v62 =	vld [tilespmem:$0x150]  }
0x18d: {  	v63 =	vld [tilespmem:$0x180];
	[tilespmem:$0x4490] =	vst v4  }
0x18e: {  	v4 =	vld [tilespmem:$0x160];
	[tilespmem:$0x44A0] =	vst v5  }
0x18f: {  	v5 =	vld [tilespmem:$0x170];
	[tilespmem:$0x44B0] =	vst v6  }
0x190: {  	[tilespmem:$0x44C0] =	vst v61  }
0x191: {  	[tilespmem:$0x44D0] =	vst v62  }
0x192: {  	s10 =	sadd.s32 s16, s14;
	[tilespmem:$0x4500] =	vst v63  }
0x193: {  	p1 =	sgt.u32 s10, $0x9C3;
	[tilespmem:$0x44E0] =	vst v4  }
0x194: {  	s10 =	sshll.u32 @!p1 s10, $0x4;
	[tilespmem:$0x44F0] =	vst v5  }
0x195: {  	[spmem:s3] =	stream.indirect.scatter.add.f32 [tilespmem:s29], [sflag:$0x3], $0x90, s8, s5, $0xb8;
	[tilespmem:$0x1ECA0] =	vst v63  }
0x196: {  	s23 =	simm.s32 @!p1 $0x10;
	s21 =	sadd.s32 @!p1 s1, s10;
	s22 =	simm.s32 @!p1 $0x0  }
0x197: {  	[tilespmem:s23], [sflag:$0x1] =	stream.linear.gather @!p1 [hbm4b:s21+s22], $0x80, $0x38;
	[tilespmem:$0x1ECA0] =	vst v63  }
0x198: {  	s10 =	sadd.s32 @!p1 s10, s20;
	s21 =	simm.s32 @!p1 $0x110  }
0x199: {  	[tilespmem:s21], [sflag:$0x1] =	stream.linear.gather @!p1 [hbm4b:s10+s22], $0x80, $0x38;
	[tilespmem:$0x1ECA0] =	vst v63  }
0x19a: {  	s10 =	simm.s32 @!p1 $0x1  }
0x19b: {  	_ =	swait.ge @!p1 [sflag:s10], $0x80  }
0x19c: {  	[sflag:s10] =	ssyncset.done @!p1 $0x0  }
0x19d: {  	[sflag:s10] =	ssyncadd.s32 @!p1 $0xFFFFFF80  }
0x19e: {  	_ =	swait.ge @!p1 [sflag:s10], $0x80  }
0x19f: {  	[sflag:s10] =	ssyncset.done @!p1 $0x0  }
0x1a0: {  	[sflag:s10] =	ssyncadd.s32 @!p1 $0xFFFFFF80  }
0x1a1: {  	_ =	swait.ge [sflag:s11], $0x4800  }
0x1a2: {  	[sflag:s11] =	ssyncset.done $0x0  }
0x1a3: {  	s10 =	simm.s32 @!p0 $0x2;
	[sflag:s11] =	ssyncadd.s32 $0xFFFFB800  }
0x1a4: {  	_ =	swait.ge @!p0 [sflag:s10], $0x2000  }
0x1a5: {  	[sflag:s10] =	ssyncset.done @!p0 $0x0  }
0x1a6: {  	[sflag:s10] =	ssyncadd.s32 @!p0 $0xFFFFE000  }
0x1a7: {  	_ =	swait.ge @!p0 [sflag:s10], $0x80  }
0x1a8: {  	[sflag:s10] =	ssyncset.done @!p0 $0x0  }
0x1a9: {  	[sflag:s10] =	ssyncadd.s32 @!p0 $0xFFFFFF80  }
0x1aa: {  	_ =	swait.ge @!p0 [sflag:s10], $0x80  }
0x1ab: {  	[sflag:s10] =	ssyncset.done @!p0 $0x0  }
0x1ac: {  	[sflag:s10] =	ssyncadd.s32 @!p0 $0xFFFFFF80  }
.LBB2_10:
.Ltmp8:
0x1ad: {  	(pc) =	sbr.rel @p0 .LBB2_16-.Ltmp8, $1  }
0x1ae: {  	_ =	sdelay $0x3  }
0x1af: {  	p0 =	sge.u32 s14, s17  }
0x1b0: {  	s10 =	simm.s32 @!p0 $0x80;
	s21 =	simm.s32 @!p0 $0x10;
	s22 =	simm.s32 @!p0 $0x490  }
0x1b1: {  	[tilespmem:s22], [sflag:$0x2] =	stream.indirect.gather @!p0 [hbm4b:s2+s10], $0x40, s21, s10, $0xb8;
	[tilespmem:$0x1ECA0] =	vst v63  }
0x1b2: {  	s23 =	simm.s32 $0x0;
	p1 =	por $0x1, $0x1;
	s22 =	simm.s32 @!p0 $0x210  }
0x1b3: {  	[tilespmem:s22], [sflag:$0x2] =	stream.indirect.gather @!p0 [hbm4b:s6+s10], $0x1, s21, s10, $0xb8;
	[tilespmem:$0x1ECA0] =	vst v63  }
0x1b4: {  	s24 =	simm.s32 $0x0;
	s21 =	simm.s32 @!p0 $0x110;
	s22 =	simm.s32 @!p0 $0x310  }
0x1b5: {  	[tilespmem:s22], [sflag:$0x2] =	stream.indirect.gather @!p0 [hbm4b:s7+s10], $0x1, s21, s10, $0xb8;
	[tilespmem:$0x1ECA0] =	vst v63  }
.LBB2_12:
0x1b6: {  	v4 =	vld [tilespmem:s24+$0x390]  }
0x1b7: {  	v5 =	vld [tilespmem:s24+$0x290]  }
0x1b8: {  	v6 =	vld [tilespmem:s24+$0x2A0]  }
0x1b9: {  	v7 =	vld [tilespmem:s24+$0x3A0]  }
0x1ba: {  	v8 =	vld [tilespmem:s24+$0x3B0]  }
0x1bb: {  	v10 =	vld [tilespmem:s24+$0x2B0];
	_ =	sdelay $0x1  }
0x1bc: {  	v12 =	vld [tilespmem:s24+$0x3C0];
	v9 =	vadd.f32 v4, v3  }
0x1bd: {  	v4 =	vadd.f32 v4, v5;
	v5 =	vld [tilespmem:s24+$0x2C0];
	v14 =	vadd.f32 v7, v3  }
0x1be: {  	v6 =	vadd.f32 v7, v6;
	v56 =	vadd.f32 v8, v3;
	v11 =	vmul.f32 $2.000000030e-01, v9  }
0x1bf: {  	v8 =	vadd.f32 v8, v10;
	v13 =	vmul.f32 $2.000000030e-01, v4;
	v57 =	vmul.f32 $2.000000030e-01, v14  }
0x1c0: {  	v58 =	vmul.f32 $2.000000030e-01, v6;
	v59 =	vmul.f32 $2.000000030e-01, v56  }
0x1c1: {  	v60 =	vmul.f32 $2.000000030e-01, v8;
	v9 =	vmax.f32 v9, v11;
	v4 =	vmax.f32 v4, v13  }
0x1c2: {  	v11 =	vmax.f32 v14, v57;
	v5 =	vadd.f32 v12, v5;
	v12 =	vadd.f32 v12, v3  }
0x1c3: {  	v6 =	vmax.f32 v6, v58;
	v7 =	vmax.f32 v56, v59;
	v8 =	vmax.f32 v8, v60  }
0x1c4: {  	v4 =	vsub.f32 v4, v9;
	v61 =	vmul.f32 $2.000000030e-01, v12;
	v62 =	vmul.f32 $2.000000030e-01, v5  }
0x1c5: {  	v6 =	vsub.f32 v6, v11;
	v7 =	vsub.f32 v8, v7  }
0x1c6: {  	v4 =	vmul.f32 $1.442695020e+00, v4;
	v63 =	vmax.f32 v12, v61;
	v5 =	vmax.f32 v5, v62  }
0x1c7: {  	v6 =	vmul.f32 $1.442695020e+00, v6;
	v5 =	vsub.f32 v5, v63  }
0x1c8: {  	(erf) = vpow2.f32 v4;
	v4 =	vmul.f32 $1.442695020e+00, v7  }
0x1c9: {  	(erf) = vpow2.f32 v6;
	v5 =	vmul.f32 $1.442695020e+00, v5  }
0x1ca: {  	(erf) = vpow2.f32 v4  }
0x1cb: {  	(erf) = vpow2.f32 v5;
	_ =	sdelay $0x4  }
0x1cc: {  	p2 =	por p1, p1  }
.Ltmp9:
0x1cd: {  	v4 =	vpop (erf);
	(pc) =	sbr.rel @p2 .LBB2_12-.Ltmp9, $4  }
0x1ce: {  	v5 =	vpop (erf);
	[tilespmem:s24+$0x410] =	vst v4  }
0x1cf: {  	v4 =	vpop (erf);
	[tilespmem:s24+$0x420] =	vst v5  }
0x1d0: {  	s22 =	simm.s32 $0x2590;
	[tilespmem:s24+$0x430] =	vst v4;
	v4 =	vpop (erf)  }
0x1d1: {  	s21 =	simm.s32 $0x4750;
	p1 =	por $0x0, $0x0;
	[tilespmem:s24+$0x440] =	vst v4;
	s24 =	simm.s32 $0x40  }
0x1d2: {  	s10 =	simm.s32 $0x7  }
0x1d3: {  	v4 =	vmov s10  }
0x1d4: {  	v4 =	vshrl.u32 v4, $0x3  }
0x1d5: {  	s24 =	simm.s32 $0x1;
	s25 =	simm.s32 $0x3;
	v4 =	vshll.u32 v4, v1  }
0x1d6: {  	v5 =	vmov s24;
	s24 =	simm.s32 $0x2;
	v7 =	vmov s25;
	v4 =	vadd.s32 $0x7, v4  }
0x1d7: {  	s26 =	simm.s32 $0x4;
	v5 =	vshrl.u32 v5, $0x3;
	v6 =	vmov s24;
	v4 =	vbroadcast v4, $0x0  }
0x1d8: {  	v8 =	vmov s26;
	v5 =	vshll.u32 v5, v1;
	v6 =	vshrl.u32 v6, $0x3  }
0x1d9: {  	v7 =	vshrl.u32 v7, $0x3;
	v5 =	vadd.s32 $0x1, v5;
	v6 =	vshll.u32 v6, v1  }
0x1da: {  	v7 =	vshll.u32 v7, v1;
	v5 =	vbroadcast v5, $0x0;
	v6 =	vadd.s32 $0x2, v6  }
0x1db: {  	v9 =	vld [tilespmem:s22+$0xC0];
	v8 =	vshrl.u32 v8, $0x3;
	v7 =	vadd.s32 $0x3, v7;
	v6 =	vbroadcast v6, $0x0  }
0x1dc: {  	v8 =	vshll.u32 v8, v1;
	v7 =	vbroadcast v7, $0x0  }
0x1dd: {  	v8 =	vadd.s32 $0x4, v8;
	v12 =	vld.idx.msk [tilespmem:v4+s31+$0x0], $0xffff  }
0x1de: {  	v11 =	vld [tilespmem:s22+$0xFFFFFF40];
	v8 =	vbroadcast v8, $0x0  }
0x1df: {  	v15 =	vld [tilespmem:s22+$0xFFFFFF80];
	s24 =	simm.s32 $0x5  }
0x1e0: {  	v13 =	vmov s23;
	s25 =	simm.s32 $0x6;
	v10 =	vmov s24;
	v16 =	vshll.u32 v9, $0x10;
	v4 =	vld.idx.msk [tilespmem:v5+s31+$0x0], $0xffff  }
0x1e1: {  	v9 =	vand.u32 $0xFFFF0000, v9;
	v5 =	vld.idx.msk [tilespmem:v6+s31+$0x0], $0xffff;
	v6 =	vshrl.u32 v10, $0x3;
	v10 =	vmov s25  }
0x1e2: {  	v14 =	vshll.u32 v6, v1;
	v6 =	vld.idx.msk [tilespmem:v7+s31+$0x0], $0xffff;
	v7 =	vshrl.u32 v10, $0x3;
	v10 =	vmul.f32 v16, v12  }
0x1e3: {  	v17 =	vld [tilespmem:s22+$0xFFFFFFC0];
	v14 =	vadd.s32 $0x5, v14;
	v16 =	vshll.u32 v7, v1;
	v9 =	vmul.f32 v9, v12  }
0x1e4: {  	v7 =	vld.idx.msk [tilespmem:v8+s31+$0x0], $0xffff;
	v8 =	vbroadcast v14, $0x0;
	v14 =	vadd.s32 $0x6, v16;
	v16 =	vshll.u32 v11, $0x10;
	[tilespmem:s21+$0x1B0] =	vst v10  }
0x1e5: {  	v11 =	vand.u32 $0xFFFF0000, v11;
	v10 =	vshrl.u32 v13, $0x3;
	v13 =	vld [tilespmem:s22+$0x0];
	v16 =	vmul.f32 v16, v4;
	[tilespmem:s21+$0x1C0] =	vst v9  }
0x1e6: {  	v9 =	vbroadcast v14, $0x0;
	v14 =	vshll.u32 v15, $0x10;
	v11 =	vmul.f32 v11, v4;
	v18 =	vld [tilespmem:s22+$0xD0]  }
0x1e7: {  	v15 =	vand.u32 $0xFFFF0000, v15;
	v10 =	vshll.u32 v10, v1;
	v14 =	vmul.f32 v14, v5;
	[tilespmem:s21+$0xFFFFFE50] =	vst v16  }
0x1e8: {  	v16 =	vbroadcast v10, $0x0;
	v10 =	vshll.u32 v17, $0x10;
	[tilespmem:s21+$0xFFFFFE60] =	vst v11;
	v11 =	vmul.f32 v15, v5  }
0x1e9: {  	v15 =	vld [tilespmem:s22+$0x40];
	v17 =	vand.u32 $0xFFFF0000, v17;
	[tilespmem:s21+$0xFFFFFEE0] =	vst v14;
	v10 =	vmul.f32 v10, v6  }
0x1ea: {  	v17 =	vmul.f32 v17, v6;
	v8 =	vld.idx.msk [tilespmem:v8+s31+$0x0], $0xffff;
	[tilespmem:s21+$0xFFFFFEF0] =	vst v11;
	v14 =	vshll.u32 v13, $0x10  }
0x1eb: {  	v11 =	vld [tilespmem:s22+$0x80];
	[tilespmem:s21+$0xFFFFFF70] =	vst v10;
	v14 =	vmul.f32 v14, v7;
	v19 =	vshll.u32 v18, $0x10  }
0x1ec: {  	[tilespmem:s21+$0xFFFFFF80] =	vst v17;
	v10 =	vld.idx.msk [tilespmem:v9+s31+$0x0], $0xffff;
	v9 =	vand.u32 $0xFFFF0000, v18;
	v17 =	vmul.f32 v19, v12  }
0x1ed: {  	v13 =	vand.u32 $0xFFFF0000, v13;
	v18 =	vld [tilespmem:s22+$0xFFFFFF00];
	[tilespmem:s21+$0x0] =	vst v14;
	v14 =	vmul.f32 v9, v12  }
0x1ee: {  	v13 =	vmul.f32 v13, v7;
	v19 =	vshll.u32 v15, $0x10;
	v9 =	vld.idx.msk [tilespmem:v16+s31+$0x0], $0xffff;
	[tilespmem:s21+$0x1D0] =	vst v17  }
0x1ef: {  	v15 =	vand.u32 $0xFFFF0000, v15;
	v16 =	vld [tilespmem:s22+$0xFFFFFF50];
	v17 =	vmul.f32 v19, v8;
	[tilespmem:s21+$0x1E0] =	vst v14  }
0x1f0: {  	[tilespmem:s21+$0x10] =	vst v13;
	v15 =	vmul.f32 v15, v8;
	v14 =	vshll.u32 v11, $0x10;
	v13 =	vld [tilespmem:s22+$0xE0]  }
0x1f1: {  	v11 =	vand.u32 $0xFFFF0000, v11;
	v14 =	vmul.f32 v14, v10;
	[tilespmem:s21+$0x90] =	vst v17  }
0x1f2: {  	v17 =	vshll.u32 v18, $0x10;
	v11 =	vmul.f32 v11, v10;
	[tilespmem:s21+$0xA0] =	vst v15  }
0x1f3: {  	v15 =	vand.u32 $0xFFFF0000, v18;
	v18 =	vld [tilespmem:s22+$0xFFFFFF90];
	v17 =	vmul.f32 v17, v9;
	[tilespmem:s21+$0x120] =	vst v14  }
0x1f4: {  	v14 =	vmul.f32 v15, v9;
	v15 =	vshll.u32 v16, $0x10;
	[tilespmem:s21+$0x130] =	vst v11  }
0x1f5: {  	v19 =	vld [tilespmem:s22+$0xFFFFFFD0];
	v11 =	vmul.f32 v15, v4;
	[tilespmem:s21+$0xFFFFFDC0] =	vst v17;
	v15 =	vshll.u32 v13, $0x10  }
0x1f6: {  	[tilespmem:s21+$0xFFFFFDD0] =	vst v14;
	v13 =	vand.u32 $0xFFFF0000, v13;
	v14 =	vmul.f32 v15, v12  }
0x1f7: {  	v17 =	vld [tilespmem:s22+$0x10];
	[tilespmem:s21+$0xFFFFFE70] =	vst v11;
	v15 =	vand.u32 $0xFFFF0000, v16;
	v13 =	vmul.f32 v13, v12  }
0x1f8: {  	v20 =	vshll.u32 v18, $0x10;
	v16 =	vld [tilespmem:s22+$0x50];
	v15 =	vmul.f32 v15, v4;
	[tilespmem:s21+$0x1F0] =	vst v14  }
0x1f9: {  	v14 =	vand.u32 $0xFFFF0000, v18;
	v18 =	vmul.f32 v20, v5;
	[tilespmem:s21+$0x200] =	vst v13  }
0x1fa: {  	v20 =	vld [tilespmem:s22+$0x90];
	v13 =	vmul.f32 v14, v5;
	v14 =	vshll.u32 v19, $0x10;
	[tilespmem:s21+$0xFFFFFE80] =	vst v15  }
0x1fb: {  	v22 =	vld [tilespmem:s22+$0xFFFFFF10];
	v19 =	vand.u32 $0xFFFF0000, v19;
	v14 =	vmul.f32 v14, v6;
	[tilespmem:s21+$0xFFFFFF00] =	vst v18  }
0x1fc: {  	v11 =	vmul.f32 v2, v12;
	v15 =	vld [tilespmem:s22+$0xF0];
	v21 =	vshll.u32 v17, $0x10;
	v19 =	vmul.f32 v19, v6;
	[tilespmem:s21+$0xFFFFFF10] =	vst v13  }
0x1fd: {  	v17 =	vand.u32 $0xFFFF0000, v17;
	v18 =	vmul.f32 v21, v7;
	v21 =	vshll.u32 v16, $0x10;
	[tilespmem:s21+$0xFFFFFF90] =	vst v14  }
0x1fe: {  	v13 =	vmul.f32 v17, v7;
	v16 =	vand.u32 $0xFFFF0000, v16;
	v17 =	vmul.f32 v21, v8;
	v21 =	vld [tilespmem:s22+$0xFFFFFF60];
	[tilespmem:s21+$0xFFFFFFA0] =	vst v19  }
0x1ff: {  	v14 =	vmul.f32 v16, v8;
	v23 =	vld [tilespmem:s22+$0xFFFFFFA0];
	[tilespmem:s21+$0x20] =	vst v18;
	v16 =	vshll.u32 v20, $0x10;
	v20 =	vand.u32 $0xFFFF0000, v20  }
0x200: {  	[tilespmem:s21+$0x30] =	vst v13;
	v16 =	vmul.f32 v16, v10;
	v19 =	vmul.f32 v20, v10  }
0x201: {  	v24 =	vld [tilespmem:s22+$0xFFFFFFE0];
	v18 =	vand.u32 $0xFFFF0000, v15;
	v20 =	vshll.u32 v22, $0x10;
	v22 =	vand.u32 $0xFFFF0000, v22;
	[tilespmem:s21+$0xB0] =	vst v17  }
0x202: {  	s24 =	simm.s32 $0xB;
	v15 =	vshll.u32 v15, $0x10;
	[tilespmem:s21+$0xC0] =	vst v14;
	v13 =	vmul.f32 v18, v12;
	v18 =	vmul.f32 v20, v9  }
0x203: {  	v25 =	vmov s24;
	v20 =	vmul.f32 v22, v9;
	v22 =	vld [tilespmem:s22+$0x20];
	v12 =	vmul.f32 v15, v12;
	[tilespmem:s21+$0x140] =	vst v16  }
0x204: {  	[tilespmem:s21+$0x150] =	vst v19;
	v17 =	vshll.u32 v21, $0x10;
	v21 =	vand.u32 $0xFFFF0000, v21;
	v14 =	vand.u32 $0xFFFF0000, v23  }
0x205: {  	[tilespmem:s21+$0x220] =	vst v13;
	v13 =	vmul.f32 v17, v4;
	v17 =	vmul.f32 v21, v4;
	v21 =	vshll.u32 v23, $0x10  }
0x206: {  	s26 =	simm.s32 $0x9;
	[tilespmem:s21+$0xFFFFFDE0] =	vst v18;
	v14 =	vmul.f32 v14, v5;
	v23 =	vand.u32 $0xFFFF0000, v24;
	v15 =	vmul.f32 v21, v5;
	v21 =	vld [tilespmem:s22+$0x60]  }
0x207: {  	[tilespmem:s21+$0xFFFFFDF0] =	vst v20;
	v16 =	vshll.u32 v24, $0x10;
	v24 =	vmov s26;
	v19 =	vmul.f32 v23, v6;
	v23 =	vld [tilespmem:s22+$0xA0]  }
0x208: {  	s25 =	simm.s32 $0xC;
	v16 =	vmul.f32 v16, v6;
	v24 =	vshrl.u32 v24, $0x3;
	v18 =	vshll.u32 v22, $0x10;
	[tilespmem:s21+$0xFFFFFE90] =	vst v13  }
0x209: {  	s23 =	simm.s32 $0xA;
	v26 =	vld [tilespmem:s22+$0xFFFFFF20];
	v22 =	vand.u32 $0xFFFF0000, v22;
	v13 =	vmov s25;
	[tilespmem:s21+$0xFFFFFEA0] =	vst v17;
	v18 =	vmul.f32 v18, v7  }
0x20a: {  	[tilespmem:s21+$0xFFFFFF30] =	vst v14;
	v20 =	vmul.f32 v22, v7;
	v22 =	vmov s23;
	v13 =	vshrl.u32 v13, $0x3  }
0x20b: {  	v27 =	vld [tilespmem:s22+$0xFFFFFF70];
	[tilespmem:s21+$0xFFFFFFC0] =	vst v19;
	v19 =	vshll.u32 v24, v1;
	v17 =	vshll.u32 v21, $0x10;
	v21 =	vand.u32 $0xFFFF0000, v21  }
0x20c: {  	[tilespmem:s21+$0xFFFFFF20] =	vst v15;
	v14 =	vshll.u32 v23, $0x10;
	v15 =	vmul.f32 v17, v8;
	v17 =	vmul.f32 v21, v8  }
0x20d: {  	[tilespmem:s21+$0xFFFFFFB0] =	vst v16;
	v21 =	vshrl.u32 v22, $0x3;
	v22 =	vand.u32 $0xFFFF0000, v23;
	v23 =	vshrl.u32 v25, $0x3  }
0x20e: {  	[tilespmem:s21+$0x40] =	vst v18;
	v25 =	vld [tilespmem:s22+$0xFFFFFFB0];
	v16 =	vmul.f32 v22, v10;
	v22 =	vshll.u32 v26, $0x10;
	v26 =	vand.u32 $0xFFFF0000, v26  }
0x20f: {  	v28 =	vshll.u32 v13, v1;
	[tilespmem:s21+$0x50] =	vst v20;
	v14 =	vmul.f32 v14, v10;
	v24 =	vmul.f32 v26, v9;
	v26 =	vld [tilespmem:s22+$0xFFFFFFF0]  }
0x210: {  	v18 =	vshll.u32 v21, v1;
	v21 =	vshll.u32 v27, $0x10;
	v27 =	vand.u32 $0xFFFF0000, v27;
	[tilespmem:s21+$0xD0] =	vst v15  }
0x211: {  	v20 =	vshll.u32 v23, v1;
	v22 =	vmul.f32 v22, v9;
	v21 =	vmul.f32 v21, v4;
	[tilespmem:s21+$0xE0] =	vst v17  }
0x212: {  	v23 =	vmul.f32 v27, v4;
	v27 =	vld [tilespmem:s22+$0x30];
	v17 =	vadd.s32 $0x1, v19;
	[tilespmem:s21+$0x170] =	vst v16;
	v16 =	vadd.s32 $0x2, v18  }
0x213: {  	[tilespmem:s21+$0x160] =	vst v14;
	v29 =	vld [tilespmem:s22+$0x70];
	v18 =	vadd.s32 $0x3, v20;
	v13 =	vshll.u32 v25, $0x10;
	v15 =	vand.u32 $0xFFFF0000, v25  }
0x214: {  	[tilespmem:s21+$0xFFFFFE00] =	vst v22;
	v19 =	vmul.f32 v13, v5;
	v25 =	vmul.f32 v15, v5;
	v14 =	vshll.u32 v26, $0x10  }
0x215: {  	v30 =	vld [tilespmem:s22+$0xB0];
	[tilespmem:s21+$0xFFFFFE10] =	vst v24;
	v13 =	vbroadcast v17, $0x0;
	v15 =	vand.u32 $0xFFFF0000, v26;
	v22 =	vmul.f32 v14, v6  }
0x216: {  	s26 =	simm.s32 $0xF;
	[tilespmem:s21+$0xFFFFFEB0] =	vst v21;
	v21 =	vadd.s32 $0x4, v28;
	v20 =	vld [tilespmem:s22+$0xFFFFFF30];
	v26 =	vmul.f32 v15, v6;
	v14 =	vbroadcast v16, $0x0  }
0x217: {  	v15 =	vshll.u32 v27, $0x10;
	v16 =	vand.u32 $0xFFFF0000, v27;
	[tilespmem:s21+$0xFFFFFF50] =	vst v25;
	v25 =	vmov s26  }
0x218: {  	v27 =	vmul.f32 v15, v7;
	v17 =	vmul.f32 v16, v7;
	v16 =	vshll.u32 v29, $0x10  }
0x219: {  	[tilespmem:s21+$0xFFFFFF40] =	vst v19;
	v15 =	vbroadcast v18, $0x0;
	v18 =	vand.u32 $0xFFFF0000, v29;
	v19 =	vmul.f32 v16, v8  }
0x21a: {  	[tilespmem:s21+$0xFFFFFEC0] =	vst v23;
	v24 =	vand.u32 $0xFFFF0000, v30;
	v18 =	vmul.f32 v18, v8;
	v16 =	vbroadcast v21, $0x0  }
0x21b: {  	v21 =	vshll.u32 v30, $0x10;
	[tilespmem:s21+$0xFFFFFFD0] =	vst v22;
	v22 =	vshrl.u32 v25, $0x3;
	v25 =	vshll.u32 v20, $0x10  }
0x21c: {  	v20 =	vand.u32 $0xFFFF0000, v20;
	[tilespmem:s21+$0xFFFFFFE0] =	vst v26;
	v23 =	vmul.f32 v21, v10;
	v21 =	vmul.f32 v24, v10  }
0x21d: {  	s24 =	simm.s32 $0x8;
	s25 =	simm.s32 $0x10;
	s23 =	simm.s32 $0x4750;
	v24 =	vshll.u32 v22, v1;
	v22 =	vmul.f32 v25, v9;
	v20 =	vmul.f32 v20, v9;
	[tilespmem:s21+$0x60] =	vst v27  }
.LBB2_14:
0x21e: {  	p1 =	slt.u32 s25, $0x78;
	v24 =	vadd.s32 $0x7, v24;
	[tilespmem:s21+$0x70] =	vst v17  }
0x21f: {  	v17 =	vbroadcast v24, $0x0;
	[tilespmem:s21+$0xF0] =	vst v19  }
0x220: {  	v13 =	vld.idx.msk [tilespmem:v13+s31+$0x0], $0xffff;
	[tilespmem:s21+$0x100] =	vst v18  }
0x221: {  	v14 =	vld.idx.msk [tilespmem:v14+s31+$0x0], $0xffff;
	[tilespmem:s21+$0x180] =	vst v23  }
0x222: {  	s10 =	sadd.s32 $0x5, s24;
	v15 =	vld.idx.msk [tilespmem:v15+s31+$0x0], $0xffff;
	[tilespmem:s21+$0x190] =	vst v21  }
0x223: {  	s22 =	sadd.s32 $0x200, s22;
	v19 =	vmov s10;
	s10 =	sadd.s32 $0x6, s24;
	v18 =	vmov s24;
	s24 =	smov.u32 s25;
	v16 =	vld.idx.msk [tilespmem:v16+s31+$0x0], $0xffff;
	[tilespmem:s21+$0x210] =	vst v12  }
0x224: {  	v23 =	vmul.f32 v2, v4;
	v12 =	vshrl.u32 v19, $0x3;
	v19 =	vmov s10;
	v21 =	vld [tilespmem:s22+$0xC0];
	[tilespmem:s21+$0xFFFFFE20] =	vst v22  }
0x225: {  	v24 =	vmul.f32 v2, v5;
	v22 =	vshll.u32 v12, v1;
	v19 =	vshrl.u32 v19, $0x3;
	v12 =	vld.idx.msk [tilespmem:v17+s31+$0x0], $0xffff;
	[tilespmem:s21+$0xFFFFFE30] =	vst v20  }
0x226: {  	v20 =	vadd.s32 $0x5, v22;
	v19 =	vshll.u32 v19, v1;
	v22 =	vmul.f32 v2, v6;
	v4 =	vmovc v13;
	v17 =	vld [tilespmem:s22+$0xFFFFFF00];
	[tilespmem:s21+$0xFFFFFED0] =	vst v23  }
0x227: {  	v20 =	vbroadcast v20, $0x0;
	v19 =	vadd.s32 $0x6, v19;
	v23 =	vmul.f32 v2, v7;
	v5 =	vmovc v14;
	v13 =	vld [tilespmem:s22+$0xFFFFFF40];
	[tilespmem:s21+$0xFFFFFF60] =	vst v24  }
0x228: {  	v8 =	vmul.f32 v2, v8;
	v14 =	vshrl.u32 v18, $0x3;
	v19 =	vbroadcast v19, $0x0;
	v6 =	vmovc v15;
	v18 =	vld [tilespmem:s22+$0xFFFFFF80];
	[tilespmem:s21+$0xFFFFFFF0] =	vst v22  }
0x229: {  	v10 =	vmul.f32 v2, v10;
	v14 =	vshll.u32 v14, v1;
	v7 =	vmov v16;
	v15 =	vld [tilespmem:s22+$0xFFFFFFC0];
	[tilespmem:s21+$0x80] =	vst v23  }
0x22a: {  	v9 =	vmul.f32 v2, v9;
	v14 =	vbroadcast v14, $0x0;
	v22 =	vshll.u32 v21, $0x10;
	v16 =	vld [tilespmem:s22+$0x0];
	[tilespmem:s21+$0x110] =	vst v8  }
0x22b: {  	v8 =	vand.u32 $0xFFFF0000, v21;
	v21 =	vmul.f32 v22, v12;
	v23 =	vshll.u32 v17, $0x10;
	v24 =	vld [tilespmem:s22+$0x40];
	[tilespmem:s21+$0x1A0] =	vst v10  }
0x22c: {  	v17 =	vand.u32 $0xFFFF0000, v17;
	v25 =	vmul.f32 v8, v12;
	s21 =	sadd.s32 $0x480, s21;
	v10 =	vshll.u32 v13, $0x10;
	v22 =	vld [tilespmem:s22+$0x80];
	[tilespmem:s23+$0x230] =	vst v11  }
0x22d: {  	v11 =	vand.u32 $0xFFFF0000, v13;
	v13 =	vshll.u32 v18, $0x10;
	v18 =	vand.u32 $0xFFFF0000, v18;
	v8 =	vld.idx.msk [tilespmem:v20+s31+$0x0], $0xffff;
	[tilespmem:s21+$0x1B0] =	vst v21  }
0x22e: {  	v20 =	vmul.f32 v10, v4;
	v21 =	vshll.u32 v15, $0x10;
	v15 =	vand.u32 $0xFFFF0000, v15;
	v10 =	vld.idx.msk [tilespmem:v19+s31+$0x0], $0xffff;
	[tilespmem:s21+$0x1C0] =	vst v25  }
0x22f: {  	v11 =	vmul.f32 v11, v4;
	v19 =	vshll.u32 v16, $0x10;
	v16 =	vand.u32 $0xFFFF0000, v16;
	v25 =	vld [tilespmem:s22+$0xD0];
	[tilespmem:s23+$0xFFFFFE40] =	vst v9;
	s23 =	smov.u32 s21  }
0x230: {  	v13 =	vmul.f32 v13, v5;
	[tilespmem:s21+$0xFFFFFE50] =	vst v20;
	v20 =	vshll.u32 v24, $0x10;
	v24 =	vand.u32 $0xFFFF0000, v24  }
0x231: {  	v9 =	vld.idx.msk [tilespmem:v14+s31+$0x0], $0xffff;
	[tilespmem:s21+$0xFFFFFE60] =	vst v11;
	v11 =	vmul.f32 v18, v5;
	v14 =	vshll.u32 v22, $0x10;
	v18 =	vand.u32 $0xFFFF0000, v22  }
0x232: {  	v15 =	vmul.f32 v15, v6;
	v22 =	vld [tilespmem:s22+$0xFFFFFF50];
	[tilespmem:s21+$0xFFFFFEE0] =	vst v13;
	v13 =	vmul.f32 v21, v6  }
0x233: {  	v16 =	vmul.f32 v16, v7;
	[tilespmem:s21+$0xFFFFFEF0] =	vst v11;
	v11 =	vmul.f32 v19, v7  }
0x234: {  	v19 =	vld [tilespmem:s22+$0xFFFFFF90];
	[tilespmem:s21+$0xFFFFFF70] =	vst v13;
	v13 =	vmul.f32 v20, v8;
	v20 =	vmul.f32 v24, v8;
	v21 =	vshll.u32 v25, $0x10  }
0x235: {  	v14 =	vmul.f32 v14, v10;
	[tilespmem:s21+$0xFFFFFF80] =	vst v15;
	v15 =	vand.u32 $0xFFFF0000, v25;
	v21 =	vmul.f32 v21, v12  }
0x236: {  	v18 =	vmul.f32 v18, v10;
	v24 =	vld [tilespmem:s22+$0xFFFFFFD0];
	[tilespmem:s21+$0x0] =	vst v11;
	v11 =	vmul.f32 v15, v12  }
0x237: {  	v15 =	vmul.f32 v23, v9;
	v17 =	vmul.f32 v17, v9;
	v23 =	vshll.u32 v22, $0x10;
	[tilespmem:s21+$0x1D0] =	vst v21  }
0x238: {  	v21 =	vand.u32 $0xFFFF0000, v22;
	v22 =	vmul.f32 v23, v4;
	[tilespmem:s21+$0x1E0] =	vst v11;
	v11 =	vmul.f32 v2, v12  }
0x239: {  	v21 =	vmul.f32 v21, v4;
	v23 =	vshll.u32 v19, $0x10;
	v19 =	vand.u32 $0xFFFF0000, v19;
	[tilespmem:s21+$0x10] =	vst v16;
	v16 =	vld [tilespmem:s22+$0xE0]  }
0x23a: {  	v23 =	vmul.f32 v23, v5;
	v19 =	vmul.f32 v19, v5;
	v25 =	vld [tilespmem:s22+$0x10];
	[tilespmem:s21+$0x90] =	vst v13  }
0x23b: {  	v13 =	vshll.u32 v24, $0x10;
	v24 =	vand.u32 $0xFFFF0000, v24;
	[tilespmem:s21+$0xA0] =	vst v20  }
0x23c: {  	v13 =	vmul.f32 v13, v6;
	v20 =	vmul.f32 v24, v6;
	v24 =	vld [tilespmem:s22+$0x50];
	[tilespmem:s21+$0x120] =	vst v14  }
0x23d: {  	[tilespmem:s21+$0x130] =	vst v18  }
0x23e: {  	[tilespmem:s21+$0xFFFFFDC0] =	vst v15;
	v14 =	vld [tilespmem:s22+$0x90];
	v15 =	vshll.u32 v16, $0x10  }
0x23f: {  	v16 =	vand.u32 $0xFFFF0000, v16;
	[tilespmem:s21+$0xFFFFFDD0] =	vst v17;
	v17 =	vshll.u32 v25, $0x10;
	v15 =	vmul.f32 v15, v12  }
0x240: {  	v16 =	vmul.f32 v16, v12;
	v18 =	vld [tilespmem:s22+$0xFFFFFF10];
	[tilespmem:s21+$0xFFFFFE70] =	vst v22;
	v22 =	vand.u32 $0xFFFF0000, v25;
	v17 =	vmul.f32 v17, v7  }
0x241: {  	v22 =	vmul.f32 v22, v7;
	v25 =	vshll.u32 v24, $0x10;
	v24 =	vand.u32 $0xFFFF0000, v24;
	[tilespmem:s21+$0x1F0] =	vst v15  }
0x242: {  	v15 =	vmul.f32 v25, v8;
	v24 =	vmul.f32 v24, v8;
	[tilespmem:s21+$0x200] =	vst v16  }
0x243: {  	[tilespmem:s21+$0xFFFFFE80] =	vst v21;
	v16 =	vshll.u32 v14, $0x10;
	v14 =	vand.u32 $0xFFFF0000, v14;
	v21 =	vld [tilespmem:s22+$0xF0]  }
0x244: {  	v25 =	vld [tilespmem:s22+$0xFFFFFF60];
	[tilespmem:s21+$0xFFFFFF00] =	vst v23;
	v16 =	vmul.f32 v16, v10;
	v14 =	vmul.f32 v14, v10  }
0x245: {  	v23 =	vshll.u32 v18, $0x10;
	v18 =	vand.u32 $0xFFFF0000, v18;
	[tilespmem:s21+$0xFFFFFF10] =	vst v19  }
0x246: {  	v19 =	vmul.f32 v23, v9;
	v18 =	vmul.f32 v18, v9;
	v23 =	vld [tilespmem:s22+$0xFFFFFFA0];
	[tilespmem:s21+$0xFFFFFF90] =	vst v13  }
0x247: {  	[tilespmem:s21+$0xFFFFFFA0] =	vst v20  }
0x248: {  	v13 =	vld [tilespmem:s22+$0xFFFFFFE0];
	[tilespmem:s21+$0x20] =	vst v17;
	v17 =	vshll.u32 v21, $0x10;
	v20 =	vand.u32 $0xFFFF0000, v21  }
0x249: {  	v21 =	vshll.u32 v25, $0x10;
	v25 =	vand.u32 $0xFFFF0000, v25;
	[tilespmem:s21+$0x30] =	vst v22;
	v20 =	vmul.f32 v20, v12  }
0x24a: {  	v21 =	vmul.f32 v21, v4;
	v22 =	vmul.f32 v25, v4;
	v25 =	vld [tilespmem:s22+$0x20];
	[tilespmem:s21+$0xB0] =	vst v15  }
0x24b: {  	v12 =	vmul.f32 v17, v12;
	v15 =	vshll.u32 v23, $0x10;
	v23 =	vand.u32 $0xFFFF0000, v23;
	[tilespmem:s21+$0x220] =	vst v20  }
0x24c: {  	v15 =	vmul.f32 v15, v5;
	v17 =	vmul.f32 v23, v5;
	[tilespmem:s21+$0xC0] =	vst v24  }
0x24d: {  	v20 =	vshll.u32 v13, $0x10;
	v13 =	vand.u32 $0xFFFF0000, v13;
	v23 =	vld [tilespmem:s22+$0x60];
	[tilespmem:s21+$0x140] =	vst v16  }
0x24e: {  	v16 =	vmul.f32 v20, v6;
	v13 =	vmul.f32 v13, v6;
	[tilespmem:s21+$0x150] =	vst v14  }
0x24f: {  	s10 =	sadd.s32 $0x1, s25;
	[tilespmem:s21+$0xFFFFFDE0] =	vst v19;
	v14 =	vshll.u32 v25, $0x10;
	v19 =	vand.u32 $0xFFFF0000, v25;
	v20 =	vld [tilespmem:s22+$0xA0]  }
0x250: {  	s26 =	sadd.s32 $0x3, s25;
	v24 =	vmov s10;
	s10 =	sadd.s32 $0x2, s25;
	[tilespmem:s21+$0xFFFFFDF0] =	vst v18;
	v14 =	vmul.f32 v14, v7;
	v18 =	vmul.f32 v19, v7  }
0x251: {  	v25 =	vmov s26;
	v19 =	vmov s10;
	s10 =	sadd.s32 $0x4, s25;
	v26 =	vld [tilespmem:s22+$0xFFFFFF20];
	[tilespmem:s21+$0xFFFFFE90] =	vst v21  }
0x252: {  	v21 =	vmov s10;
	[tilespmem:s21+$0xFFFFFEA0] =	vst v22;
	v22 =	vshll.u32 v23, $0x10;
	v23 =	vand.u32 $0xFFFF0000, v23  }
0x253: {  	v24 =	vshrl.u32 v24, $0x3;
	v27 =	vld [tilespmem:s22+$0xFFFFFF70];
	[tilespmem:s21+$0xFFFFFF20] =	vst v15;
	v15 =	vmul.f32 v22, v8;
	v22 =	vmul.f32 v23, v8  }
0x254: {  	v19 =	vshrl.u32 v19, $0x3;
	[tilespmem:s21+$0xFFFFFF30] =	vst v17;
	v17 =	vshll.u32 v20, $0x10;
	v20 =	vand.u32 $0xFFFF0000, v20  }
0x255: {  	v23 =	vshrl.u32 v25, $0x3;
	v25 =	vld [tilespmem:s22+$0xFFFFFFB0];
	[tilespmem:s21+$0xFFFFFFB0] =	vst v16;
	v16 =	vmul.f32 v17, v10;
	v17 =	vmul.f32 v20, v10  }
0x256: {  	v20 =	vshrl.u32 v21, $0x3;
	v21 =	vshll.u32 v26, $0x10;
	v26 =	vand.u32 $0xFFFF0000, v26;
	[tilespmem:s21+$0xFFFFFFC0] =	vst v13  }
0x257: {  	v13 =	vshll.u32 v24, v1;
	v21 =	vmul.f32 v21, v9;
	v24 =	vmul.f32 v26, v9;
	v26 =	vld [tilespmem:s22+$0xFFFFFFF0];
	[tilespmem:s21+$0x40] =	vst v14  }
0x258: {  	v14 =	vshll.u32 v19, v1;
	v19 =	vshll.u32 v27, $0x10;
	v27 =	vand.u32 $0xFFFF0000, v27;
	[tilespmem:s21+$0x50] =	vst v18  }
0x259: {  	v18 =	vshll.u32 v23, v1;
	v19 =	vmul.f32 v19, v4;
	v23 =	vmul.f32 v27, v4;
	v27 =	vld [tilespmem:s22+$0x30];
	[tilespmem:s21+$0xD0] =	vst v15  }
0x25a: {  	v20 =	vshll.u32 v20, v1;
	v15 =	vshll.u32 v25, $0x10;
	v25 =	vand.u32 $0xFFFF0000, v25;
	[tilespmem:s21+$0xE0] =	vst v22  }
0x25b: {  	v13 =	vadd.s32 $0x1, v13;
	v22 =	vmul.f32 v15, v5;
	v25 =	vmul.f32 v25, v5;
	v28 =	vld [tilespmem:s22+$0x70];
	[tilespmem:s21+$0x160] =	vst v16  }
0x25c: {  	v13 =	vbroadcast v13, $0x0;
	v15 =	vshll.u32 v26, $0x10;
	v16 =	vand.u32 $0xFFFF0000, v26;
	[tilespmem:s21+$0x170] =	vst v17  }
0x25d: {  	v14 =	vadd.s32 $0x2, v14;
	[tilespmem:s21+$0xFFFFFE00] =	vst v21;
	v21 =	vmul.f32 v15, v6;
	v26 =	vmul.f32 v16, v6;
	v29 =	vld [tilespmem:s22+$0xB0]  }
0x25e: {  	v14 =	vbroadcast v14, $0x0;
	[tilespmem:s21+$0xFFFFFE10] =	vst v24;
	v15 =	vshll.u32 v27, $0x10;
	v16 =	vand.u32 $0xFFFF0000, v27  }
0x25f: {  	v18 =	vadd.s32 $0x3, v18;
	v24 =	vld [tilespmem:s22+$0xFFFFFF30];
	[tilespmem:s21+$0xFFFFFEB0] =	vst v19;
	v27 =	vmul.f32 v15, v7;
	v17 =	vmul.f32 v16, v7  }
0x260: {  	v15 =	vbroadcast v18, $0x0;
	[tilespmem:s21+$0xFFFFFEC0] =	vst v23;
	v16 =	vshll.u32 v28, $0x10;
	v18 =	vand.u32 $0xFFFF0000, v28  }
.Ltmp10:
0x261: {  	v20 =	vadd.s32 $0x4, v20;
	[tilespmem:s21+$0xFFFFFF40] =	vst v22;
	v19 =	vmul.f32 v16, v8;
	v18 =	vmul.f32 v18, v8;
	(pc) =	sbr.rel @p1 .LBB2_14-.Ltmp10, $4  }
0x262: {  	s10 =	sadd.s32 $0x7, s25;
	v16 =	vbroadcast v20, $0x0;
	[tilespmem:s21+$0xFFFFFF50] =	vst v25;
	v20 =	vshll.u32 v29, $0x10;
	v22 =	vand.u32 $0xFFFF0000, v29  }
0x263: {  	v25 =	vmov s10;
	[tilespmem:s21+$0xFFFFFFD0] =	vst v21;
	v23 =	vmul.f32 v20, v10;
	v21 =	vmul.f32 v22, v10  }
0x264: {  	v20 =	vshrl.u32 v25, $0x3;
	v22 =	vshll.u32 v24, $0x10;
	v25 =	vand.u32 $0xFFFF0000, v24;
	[tilespmem:s21+$0xFFFFFFE0] =	vst v26  }
0x265: {  	s25 =	sadd.s32 $0x8, s25;
	v24 =	vshll.u32 v20, v1;
	v22 =	vmul.f32 v22, v9;
	v20 =	vmul.f32 v25, v9;
	[tilespmem:s21+$0x60] =	vst v27  }
0x266: {  	[tilespmem:s21+$0x70] =	vst v17  }
0x267: {  	[tilespmem:s21+$0xF0] =	vst v19  }
0x268: {  	[tilespmem:s21+$0x100] =	vst v18  }
0x269: {  	[tilespmem:s21+$0x180] =	vst v23  }
0x26a: {  	[tilespmem:s21+$0x190] =	vst v21  }
0x26b: {  	[tilespmem:s21+$0x210] =	vst v12  }
0x26c: {  	s22 =	sadd.s32 $0x200, s22;
	v33 =	vmul.f32 v2, v4;
	v35 =	vmul.f32 v2, v5;
	v5 =	vld.idx.msk [tilespmem:v13+s31+$0x0], $0xffff;
	[tilespmem:s21+$0xFFFFFE20] =	vst v22  }
0x26d: {  	v6 =	vmul.f32 v2, v6;
	v7 =	vmul.f32 v2, v7;
	v34 =	vld [tilespmem:s22+$0xC0];
	[tilespmem:s21+$0xFFFFFE30] =	vst v20  }
0x26e: {  	v32 =	vadd.s32 $0x7, v24;
	v8 =	vmul.f32 v2, v8;
	v10 =	vmul.f32 v2, v10;
	v38 =	vld [tilespmem:s22+$0xFFFFFF40];
	[tilespmem:s23+$0x230] =	vst v11  }
0x26f: {  	s10 =	sadd.s32 $0x5, s24;
	v36 =	vmov s24;
	s25 =	sadd.s32 $0x6, s24;
	v9 =	vmul.f32 v2, v9;
	v17 =	vbroadcast v32, $0x0;
	v40 =	vld [tilespmem:s22+$0xFFFFFF80];
	[tilespmem:s21+$0xFFFFFED0] =	vst v33  }
0x270: {  	v37 =	vmov s10;
	v39 =	vmov s25;
	v47 =	vld [tilespmem:s22+$0xFFFFFFC0];
	v12 =	vshrl.u32 v36, $0x3;
	[tilespmem:s21+$0xFFFFFF60] =	vst v35  }
0x271: {  	[tilespmem:s21+$0xFFFFFFF0] =	vst v6;
	v6 =	vld.idx.msk [tilespmem:v14+s31+$0x0], $0xffff;
	v13 =	vshrl.u32 v37, $0x3;
	v14 =	vshrl.u32 v39, $0x3;
	v53 =	vshll.u32 v12, v1  }
0x272: {  	v49 =	vld [tilespmem:s22+$0x0];
	[tilespmem:s21+$0x80] =	vst v7;
	v13 =	vshll.u32 v13, v1;
	v45 =	vshll.u32 v14, v1;
	v56 =	vbroadcast v53, $0x0  }
0x273: {  	v7 =	vld.idx.msk [tilespmem:v15+s31+$0x0], $0xffff;
	[tilespmem:s21+$0x1A0] =	vst v10;
	v42 =	vadd.s32 $0x5, v13;
	v10 =	vadd.s32 $0x6, v45;
	v48 =	vshll.u32 v38, $0x10  }
0x274: {  	v58 =	vld [tilespmem:s22+$0x40];
	[tilespmem:s21+$0x110] =	vst v8;
	v46 =	vbroadcast v42, $0x0;
	v50 =	vand.u32 $0xFFFF0000, v38;
	v11 =	vmul.f32 v48, v5  }
0x275: {  	s26 =	sadd.s32 $0x480, s21;
	v8 =	vld.idx.msk [tilespmem:v16+s31+$0x0], $0xffff;
	[tilespmem:s23+$0xFFFFFE40] =	vst v9;
	v10 =	vbroadcast v10, $0x0;
	v51 =	vshll.u32 v40, $0x10;
	v16 =	vmul.f32 v50, v5  }
0x276: {  	v61 =	vld [tilespmem:s22+$0x80];
	v54 =	vand.u32 $0xFFFF0000, v40;
	v55 =	vmul.f32 v51, v6;
	[tilespmem:s26+$0xFFFFFE50] =	vst v11  }
0x277: {  	v57 =	vshll.u32 v47, $0x10;
	v4 =	vld.idx.msk [tilespmem:v17+s31+$0x0], $0xffff;
	v12 =	vmul.f32 v54, v6;
	[tilespmem:s26+$0xFFFFFE60] =	vst v16  }
0x278: {  	v21 =	vld [tilespmem:s22+$0xFFFFFF00];
	v18 =	vand.u32 $0xFFFF0000, v47;
	v59 =	vmul.f32 v57, v7;
	[tilespmem:s26+$0xFFFFFEE0] =	vst v55  }
0x279: {  	v60 =	vshll.u32 v49, $0x10;
	v18 =	vmul.f32 v18, v7;
	[tilespmem:s26+$0xFFFFFEF0] =	vst v12;
	v11 =	vld.idx.msk [tilespmem:v56+s31+$0x0], $0xffff  }
0x27a: {  	v15 =	vand.u32 $0xFFFF0000, v49;
	v14 =	vmul.f32 v60, v8;
	[tilespmem:s26+$0xFFFFFF70] =	vst v59;
	v9 =	vld.idx.msk [tilespmem:v46+s31+$0x0], $0xffff  }
0x27b: {  	v41 =	vshll.u32 v34, $0x10;
	v24 =	vmul.f32 v15, v8;
	[tilespmem:s26+$0xFFFFFF80] =	vst v18;
	v10 =	vld.idx.msk [tilespmem:v10+s31+$0x0], $0xffff  }
0x27c: {  	v43 =	vand.u32 $0xFFFF0000, v34;
	[tilespmem:s26+$0x0] =	vst v14;
	v26 =	vld [tilespmem:s22+$0xFFFFFF50];
	v44 =	vmul.f32 v41, v4  }
0x27d: {  	v30 =	vand.u32 $0xFFFF0000, v21;
	[tilespmem:s26+$0x10] =	vst v24;
	v31 =	vld [tilespmem:s22+$0xFFFFFF90];
	v13 =	vmul.f32 v43, v4  }
0x27e: {  	v25 =	vand.u32 $0xFFFF0000, v58;
	[tilespmem:s26+$0x1B0] =	vst v44;
	v32 =	vmul.f32 v30, v11  }
0x27f: {  	v27 =	vshll.u32 v61, $0x10;
	v37 =	vld [tilespmem:s22+$0x10];
	[tilespmem:s26+$0x1C0] =	vst v13;
	v15 =	vmul.f32 v25, v9  }
0x280: {  	v12 =	vand.u32 $0xFFFF0000, v61;
	v14 =	vmul.f32 v27, v10;
	[tilespmem:s26+$0xFFFFFDD0] =	vst v32  }
0x281: {  	v52 =	vld [tilespmem:s22+$0xD0];
	v16 =	vand.u32 $0xFFFF0000, v26;
	v12 =	vmul.f32 v12, v10;
	[tilespmem:s26+$0xA0] =	vst v15  }
0x282: {  	v39 =	vshll.u32 v31, $0x10;
	v38 =	vmul.f32 v16, v5;
	[tilespmem:s26+$0x120] =	vst v14  }
0x283: {  	v34 =	vld [tilespmem:s22+$0xFFFFFFD0];
	v40 =	vand.u32 $0xFFFF0000, v31;
	v16 =	vmul.f32 v39, v6;
	[tilespmem:s26+$0x130] =	vst v12  }
0x284: {  	v45 =	vshll.u32 v37, $0x10;
	v42 =	vmul.f32 v40, v6;
	[tilespmem:s26+$0xFFFFFE80] =	vst v38  }
0x285: {  	v33 =	vshll.u32 v26, $0x10;
	v47 =	vmul.f32 v45, v8;
	[tilespmem:s26+$0xFFFFFF00] =	vst v16  }
0x286: {  	v15 =	vmul.f32 v33, v5;
	[tilespmem:s26+$0xFFFFFF10] =	vst v42;
	v62 =	vshll.u32 v52, $0x10  }
0x287: {  	[tilespmem:s26+$0x20] =	vst v47;
	v44 =	vld [tilespmem:s22+$0x90];
	v17 =	vand.u32 $0xFFFF0000, v52;
	v63 =	vmul.f32 v62, v4  }
0x288: {  	v43 =	vshll.u32 v34, $0x10;
	[tilespmem:s26+$0xFFFFFE70] =	vst v15;
	v22 =	vmul.f32 v17, v4  }
0x289: {  	v23 =	vshll.u32 v58, $0x10;
	v14 =	vmul.f32 v43, v7;
	v52 =	vld [tilespmem:s22+$0xFFFFFF60];
	[tilespmem:s26+$0x1D0] =	vst v63  }
0x28a: {  	v12 =	vand.u32 $0xFFFF0000, v34;
	v17 =	vmul.f32 v23, v9;
	[tilespmem:s26+$0x1E0] =	vst v22  }
0x28b: {  	v29 =	vshll.u32 v21, $0x10;
	v12 =	vmul.f32 v12, v7;
	[tilespmem:s26+$0xFFFFFF90] =	vst v14;
	v28 =	vld [tilespmem:s22+$0xE0]  }
0x28c: {  	[tilespmem:s26+$0x90] =	vst v17;
	v17 =	vmul.f32 v29, v11;
	v55 =	vshll.u32 v44, $0x10  }
0x28d: {  	[tilespmem:s26+$0xFFFFFFA0] =	vst v12;
	v41 =	vld [tilespmem:s22+$0x50];
	v56 =	vand.u32 $0xFFFF0000, v44;
	v57 =	vmul.f32 v55, v10  }
0x28e: {  	[tilespmem:s26+$0xFFFFFDC0] =	vst v17;
	v12 =	vmul.f32 v56, v10;
	v61 =	vshll.u32 v52, $0x10  }
0x28f: {  	v60 =	vld [tilespmem:s22+$0xFFFFFFE0];
	v62 =	vand.u32 $0xFFFF0000, v52;
	[tilespmem:s26+$0x140] =	vst v57;
	v16 =	vmul.f32 v61, v5  }
0x290: {  	[tilespmem:s26+$0x150] =	vst v12;
	v12 =	vmul.f32 v62, v5;
	v35 =	vshll.u32 v28, $0x10  }
0x291: {  	v13 =	vand.u32 $0xFFFF0000, v28;
	[tilespmem:s26+$0xFFFFFE90] =	vst v16;
	v36 =	vmul.f32 v35, v4  }
0x292: {  	v48 =	vld [tilespmem:s22+$0xFFFFFF10];
	v49 =	vshll.u32 v41, $0x10;
	[tilespmem:s26+$0xFFFFFEA0] =	vst v12;
	v13 =	vmul.f32 v13, v4  }
0x293: {  	v18 =	vand.u32 $0xFFFF0000, v41;
	v50 =	vmul.f32 v49, v9;
	[tilespmem:s26+$0x1F0] =	vst v36  }
0x294: {  	v58 =	vld [tilespmem:s22+$0xFFFFFFA0];
	v24 =	vshll.u32 v60, $0x10;
	v54 =	vmul.f32 v18, v9;
	[tilespmem:s26+$0x200] =	vst v13  }
0x295: {  	v25 =	vand.u32 $0xFFFF0000, v60;
	v16 =	vmul.f32 v24, v7;
	[tilespmem:s26+$0xB0] =	vst v50  }
0x296: {  	v46 =	vand.u32 $0xFFFF0000, v37;
	v12 =	vmul.f32 v25, v7;
	[tilespmem:s26+$0xC0] =	vst v54;
	v15 =	vld [tilespmem:s22+$0xF0]  }
0x297: {  	v14 =	vand.u32 $0xFFFF0000, v48;
	[tilespmem:s26+$0xFFFFFFB0] =	vst v16;
	v13 =	vmul.f32 v46, v8;
	v23 =	vld [tilespmem:s22+$0x60]  }
0x298: {  	v59 =	vshll.u32 v48, $0x10;
	[tilespmem:s26+$0xFFFFFFC0] =	vst v12;
	v14 =	vmul.f32 v14, v11  }
0x299: {  	v22 =	vand.u32 $0xFFFF0000, v58;
	[tilespmem:s26+$0x30] =	vst v13;
	v13 =	vmul.f32 v59, v11  }
0x29a: {  	v21 =	vshll.u32 v58, $0x10;
	[tilespmem:s26+$0xFFFFFDF0] =	vst v14;
	v14 =	vmul.f32 v22, v6  }
0x29b: {  	v63 =	vld [tilespmem:s22+$0x20];
	[tilespmem:s26+$0xFFFFFDE0] =	vst v13;
	v13 =	vmul.f32 v21, v6;
	v51 =	vand.u32 $0xFFFF0000, v15  }
0x29c: {  	[tilespmem:s26+$0xFFFFFF30] =	vst v14;
	v30 =	vshll.u32 v23, $0x10;
	v53 =	vmul.f32 v51, v4  }
0x29d: {  	[tilespmem:s26+$0xFFFFFF20] =	vst v13;
	v31 =	vand.u32 $0xFFFF0000, v23;
	v16 =	vmul.f32 v30, v9  }
0x29e: {  	v26 =	vld [tilespmem:s22+$0xA0];
	v15 =	vshll.u32 v15, $0x10;
	v12 =	vmul.f32 v31, v9;
	[tilespmem:s26+$0x220] =	vst v53  }
0x29f: {  	v56 =	vmul.f32 v15, v4;
	[tilespmem:s26+$0xD0] =	vst v16  }
0x2a0: {  	v29 =	vld [tilespmem:s22+$0xFFFFFF20];
	v4 =	vmul.f32 v2, v4;
	v27 =	vshll.u32 v63, $0x10;
	[tilespmem:s26+$0xE0] =	vst v12  }
0x2a1: {  	v28 =	vand.u32 $0xFFFF0000, v63;
	v13 =	vmul.f32 v27, v8;
	[tilespmem:s26+$0x210] =	vst v56  }
0x2a2: {  	v14 =	vmul.f32 v28, v8;
	[tilespmem:s26+$0x230] =	vst v4  }
0x2a3: {  	v32 =	vld [tilespmem:s22+$0xFFFFFF70];
	v33 =	vshll.u32 v26, $0x10;
	v59 =	vmul.f32 v2, v8;
	[tilespmem:s26+$0x40] =	vst v13  }
0x2a4: {  	v34 =	vand.u32 $0xFFFF0000, v26;
	v35 =	vld [tilespmem:s22+$0xFFFFFFB0];
	[tilespmem:s26+$0x50] =	vst v14;
	v13 =	vmul.f32 v33, v10  }
0x2a5: {  	v36 =	vshll.u32 v29, $0x10;
	v14 =	vmul.f32 v34, v10;
	v41 =	vld [tilespmem:s22+$0x30];
	[tilespmem:s26+$0x80] =	vst v59  }
0x2a6: {  	v37 =	vand.u32 $0xFFFF0000, v29;
	v16 =	vmul.f32 v36, v11;
	[tilespmem:s26+$0x160] =	vst v13  }
0x2a7: {  	v12 =	vmul.f32 v37, v11;
	[tilespmem:s26+$0x170] =	vst v14  }
0x2a8: {  	v60 =	vmul.f32 v2, v10;
	v39 =	vshll.u32 v32, $0x10;
	[tilespmem:s26+$0xFFFFFE00] =	vst v16  }
0x2a9: {  	v38 =	vld [tilespmem:s22+$0xFFFFFFF0];
	v40 =	vand.u32 $0xFFFF0000, v32;
	v13 =	vmul.f32 v39, v5;
	[tilespmem:s26+$0xFFFFFE10] =	vst v12  }
0x2aa: {  	v42 =	vshll.u32 v35, $0x10;
	v14 =	vmul.f32 v40, v5;
	v47 =	vld [tilespmem:s22+$0xB0];
	[tilespmem:s26+$0x1A0] =	vst v60  }
0x2ab: {  	v43 =	vand.u32 $0xFFFF0000, v35;
	v16 =	vmul.f32 v42, v6;
	[tilespmem:s26+$0xFFFFFEB0] =	vst v13  }
0x2ac: {  	v44 =	vld [tilespmem:s22+$0x70];
	v12 =	vmul.f32 v43, v6;
	[tilespmem:s26+$0xFFFFFEC0] =	vst v14  }
0x2ad: {  	v5 =	vmul.f32 v2, v5;
	[tilespmem:s26+$0xFFFFFF40] =	vst v16  }
0x2ae: {  	v45 =	vshll.u32 v38, $0x10;
	v6 =	vmul.f32 v2, v6;
	[tilespmem:s26+$0xFFFFFF50] =	vst v12  }
0x2af: {  	v46 =	vand.u32 $0xFFFF0000, v38;
	v13 =	vmul.f32 v45, v7;
	[tilespmem:s26+$0xFFFFFED0] =	vst v5  }
0x2b0: {  	v14 =	vmul.f32 v46, v7;
	[tilespmem:s26+$0xFFFFFF60] =	vst v6  }
0x2b1: {  	v51 =	vshll.u32 v44, $0x10;
	v5 =	vmul.f32 v2, v7;
	[tilespmem:s26+$0xFFFFFFD0] =	vst v13  }
0x2b2: {  	v52 =	vand.u32 $0xFFFF0000, v44;
	v53 =	vmul.f32 v51, v9;
	[tilespmem:s26+$0xFFFFFFE0] =	vst v14  }
0x2b3: {  	v14 =	vmul.f32 v52, v9;
	[tilespmem:s26+$0xFFFFFFF0] =	vst v5  }
0x2b4: {  	v50 =	vld [tilespmem:s22+$0xFFFFFF30];
	v48 =	vshll.u32 v41, $0x10;
	v5 =	vmul.f32 v2, v9;
	[tilespmem:s26+$0xF0] =	vst v53  }
0x2b5: {  	v49 =	vand.u32 $0xFFFF0000, v41;
	v16 =	vmul.f32 v48, v8;
	[tilespmem:s26+$0x100] =	vst v14  }
0x2b6: {  	v12 =	vmul.f32 v49, v8;
	[tilespmem:s26+$0x110] =	vst v5  }
0x2b7: {  	v54 =	vshll.u32 v47, $0x10;
	v5 =	vmul.f32 v2, v11;
	[tilespmem:s26+$0x60] =	vst v16  }
0x2b8: {  	v55 =	vand.u32 $0xFFFF0000, v47;
	[tilespmem:s26+$0x70] =	vst v12;
	v16 =	vmul.f32 v54, v10  }
0x2b9: {  	v57 =	vshll.u32 v50, $0x10;
	v12 =	vmul.f32 v55, v10;
	[tilespmem:s26+$0xFFFFFE40] =	vst v5  }
0x2ba: {  	v13 =	vand.u32 $0xFFFF0000, v50;
	v15 =	vmul.f32 v57, v11;
	[tilespmem:s26+$0x180] =	vst v16  }
0x2bb: {  	v58 =	vmul.f32 v13, v11;
	[tilespmem:s26+$0x190] =	vst v12  }
0x2bc: {  	[tilespmem:s26+$0xFFFFFE20] =	vst v15  }
0x2bd: {  	[tilespmem:s26+$0xFFFFFE30] =	vst v58  }
0x2be: {  	v4 =	vld [tilespmem:$0x190]  }
0x2bf: {  	v5 =	vld [tilespmem:$0x1A0]  }
0x2c0: {  	v6 =	vld [tilespmem:$0x1B0]  }
0x2c1: {  	v61 =	vld [tilespmem:$0x1C0]  }
0x2c2: {  	v62 =	vld [tilespmem:$0x1D0]  }
0x2c3: {  	v63 =	vld [tilespmem:$0x200];
	[tilespmem:$0x4490] =	vst v4  }
0x2c4: {  	v4 =	vld [tilespmem:$0x1E0];
	[tilespmem:$0x44A0] =	vst v5  }
0x2c5: {  	v5 =	vld [tilespmem:$0x1F0];
	[tilespmem:$0x44B0] =	vst v6  }
0x2c6: {  	[tilespmem:$0x44C0] =	vst v61  }
0x2c7: {  	[tilespmem:$0x44D0] =	vst v62  }
0x2c8: {  	s10 =	sadd.s32 s18, s14;
	[tilespmem:$0x4500] =	vst v63  }
0x2c9: {  	p1 =	sgt.u32 s10, $0x9C3;
	[tilespmem:$0x44E0] =	vst v4  }
0x2ca: {  	s10 =	sshll.u32 @!p1 s10, $0x4;
	[tilespmem:$0x44F0] =	vst v5  }
0x2cb: {  	[spmem:s3] =	stream.indirect.scatter.add.f32 [tilespmem:s29], [sflag:$0x3], $0x90, s8, s5, $0xb8;
	[tilespmem:$0x1ECA0] =	vst v63  }
0x2cc: {  	s21 =	simm.s32 @!p1 $0x0;
	s14 =	sadd.s32 @!p1 s1, s10;
	s22 =	simm.s32 @!p1 $0x90  }
0x2cd: {  	[tilespmem:s22], [sflag:$0x1] =	stream.linear.gather @!p1 [hbm4b:s14+s21], $0x80, $0x38;
	[tilespmem:$0x1ECA0] =	vst v63  }
0x2ce: {  	s10 =	sadd.s32 @!p1 s10, s20;
	s14 =	simm.s32 @!p1 $0x190  }
0x2cf: {  	[tilespmem:s14], [sflag:$0x1] =	stream.linear.gather @!p1 [hbm4b:s10+s21], $0x80, $0x38;
	[tilespmem:$0x1ECA0] =	vst v63  }
0x2d0: {  	s10 =	simm.s32 @!p1 $0x1  }
0x2d1: {  	_ =	swait.ge @!p1 [sflag:s10], $0x80  }
0x2d2: {  	[sflag:s10] =	ssyncset.done @!p1 $0x0  }
0x2d3: {  	[sflag:s10] =	ssyncadd.s32 @!p1 $0xFFFFFF80  }
0x2d4: {  	_ =	swait.ge @!p1 [sflag:s10], $0x80  }
0x2d5: {  	[sflag:s10] =	ssyncset.done @!p1 $0x0  }
0x2d6: {  	[sflag:s10] =	ssyncadd.s32 @!p1 $0xFFFFFF80  }
0x2d7: {  	_ =	swait.ge [sflag:s11], $0x4800  }
0x2d8: {  	[sflag:s11] =	ssyncset.done $0x0  }
0x2d9: {  	s10 =	simm.s32 @!p0 $0x2;
	[sflag:s11] =	ssyncadd.s32 $0xFFFFB800  }
0x2da: {  	_ =	swait.ge @!p0 [sflag:s10], $0x2000  }
0x2db: {  	[sflag:s10] =	ssyncset.done @!p0 $0x0  }
0x2dc: {  	[sflag:s10] =	ssyncadd.s32 @!p0 $0xFFFFE000  }
0x2dd: {  	_ =	swait.ge @!p0 [sflag:s10], $0x80  }
.Ltmp11:
0x2de: {  	[sflag:s10] =	ssyncset.done @!p0 $0x0;
	(pc) =	sbr.rel .LBB2_16-.Ltmp11, $4  }
0x2df: {  	[sflag:s10] =	ssyncadd.s32 @!p0 $0xFFFFFF80  }
0x2e0: {  	_ =	swait.ge @!p0 [sflag:s10], $0x80  }
0x2e1: {  	[sflag:s10] =	ssyncset.done @!p0 $0x0  }
0x2e2: {  	[sflag:s10] =	ssyncadd.s32 @!p0 $0xFFFFFF80  }
.LBB2_18:
0x2e3: {  	_ =	sfence.sel $0x180000  }
0x2e4: {  	[bflag:$0x0] =	sbarrier.arrive $0xFFFF  }
0x2e5: {  	_ =	strace $0x9000004A  }
0x2e6: {  	s0 =	stileid.u32;
	[bflag:$0x2] =	sbarrier.arrive $0xFFFF  }
0x2e7: {  	p0 =	sne.s32 s0, $0x0;
	s0 =	rddreg [dreg:$0x3]  }
0x2e8: {  	s0 =	sadd.s32 @!p0 $0x100000, s0  }
0x2e9: {  	[sflag:s0] =	ssyncadd.tile.s32 @!p0 $0x1;
	_ =	shalt  }
.Lfunc_end2:
_tile_overlayer_lowered:
.L_overlay_start_2:
0x2ea: {  	(tag) =	ssettag $0x2  }
0x2eb: {  	s0 =	rddreg [dreg:$0x0];
	s2 =	stileid.u32  }
0x2ec: {  	s1 =	rddreg [dreg:$0x1];
	p0 =	sne.s32 s2, $0x0  }
0x2ed: {  	s3 =	rddreg [dreg:$0x2];
	[bflag:$0x3] =	sbarrier.arrive $0xFFFF;
	s2 =	simm.s32 @!p0 $0x1C04  }
0x2ee: {  	[timem:s3], [sflag:s2] =	dma.local @!p0 [hbm:s0], s1  }
0x2ef: {  	s0 =	simm.s32 @!p0 $0x4  }
0x2f0: {  	_ =	swait.ge @!p0 [sflag:s0], s1  }
0x2f1: {  	s1 =	ssub.s32 @!p0 $0x0, s1;
	[sflag:s0] =	ssyncset.done @!p0 $0x0  }
0x2f2: {  	[sflag:s0] =	ssyncadd.s32 @!p0 s1  }
0x2f3: {  	[bflag:$0x3] =	sbarrier.arrive $0xFFFF  }
0x2f4: {  	_ =	shalt  }

// kernel: kernel.8.cloned.1.call-start
scs
__scs_entry_jumppad:
0x0: {  	(pc) =	sbr.rel $0x88, $3  }
0x1: {  	(tag) =	ssettag $0x0;
	lr =	simm.s32 $0x1  }
0x2: {  	[smem:$0x3F97] =	sst lr;
	_ =	strace $0xD0000000  }
0x3: {  	_ = 	snop  }
0x4: {  	_ = 	snop  }
0x5: {  	_ = 	snop  }
0x6: {  	_ = 	snop  }
0x7: {  	_ = 	snop  }
__scs_overlays_trampoline_lowered:
0x8: {  	[smem:$0x3FA6] =	sst s0  }
0x9: {  	[smem:$0x3FA7] =	sst s1  }
0xa: {  	[smem:$0x3FA8] =	sst s2  }
0xb: {  	[smem:$0x3FA9] =	sst s3  }
0xc: {  	[smem:$0x3FAA] =	sst s4  }
0xd: {  	[smem:$0x3FAB] =	sst s5  }
0xe: {  	[smem:$0x3FAC] =	sst s6  }
0xf: {  	[smem:$0x3FAD] =	sst s7  }
0x10: {  	[smem:$0x3FAE] =	sst s8  }
0x11: {  	[smem:$0x3FAF] =	sst s9;
	s0 =	simm.s32 @!p0 $0x0  }
0x12: {  	s1 =	sld [smem:$0x3F95];
	s0 =	simm.s32 @p0 $0x1  }
0x13: {  	[smem:$0x3FB0] =	sst s0;
	s0 =	simm.s32 @!p1 $0x0  }
0x14: {  	s2 =	sld [smem:$0x3F94];
	s0 =	simm.s32 @p1 $0x1  }
0x15: {  	[smem:$0x3FB1] =	sst s0;
	s0 =	simm.s32 @!p2 $0x0  }
0x16: {  	s3 =	sld [smem:$0x3FDB];
	s0 =	simm.s32 @p2 $0x1  }
0x17: {  	s4 =	simm.s32 $0x1BF5;
	[smem:$0x3FB3] =	sst s0  }
0x18: {  	s0 =	sld [smem:$0x3F96];
	_ =	swait.ge [sflag:s4], $0x0  }
0x19: {  	s7 =	sld [smem:$0x3F97]  }
0x1a: {  	s8 =	sadd.s32 $0xFFFFE003, lr  }
0x1b: {  	s9 =	sadd.s32 $0xFFFFFEF7, lr;
	s5 =	simm.s32 $0xFFFFFFFF;
	p2 =	slt.u32 s8, $0xFFFFF086  }
0x1c: {  	p1 =	slt.u32 s9, $0xF7A;
	s5 =	simm.s32 @!p2 $0x0  }
0x1d: {  	s5 =	simm.s32 @p1 $0x1;
	p0 =	seq.s32 s7, s2  }
0x1e: {  	s7 =	smul.u32 @!p0 $0xF7A, s2;
	p2 =	seq.s32 @!p0 s5, $0x0  }
0x1f: {  	s9 =	smul.u32 $0xF7A, s1;
	s8 =	simm.s32 @!p0 $0x1BF5;
	p2 =	por !p2, p0  }
0x20: {  	[sflag:s8] =	ssyncset.s32 @!p0 $0xFFFFF086;
	s6 =	sadd.s32 @!p0 s3, s7;
	s7 =	simm.s32 @!p0 $0x108  }
0x21: {  	s3 =	sadd.s32 s3, s9;
	s6 =	sadd.s32 @!p0 $0x88, s6;
	s7 =	simm.s32 @p2 $0x1082  }
0x22: {  	[simem:s7], [sflag:s8] =	dma.local @!p0 [hbm:s6], $0xF7A  }
0x23: {  	s9 =	sor.u32 $0xD0000000, s2;
	s6 =	simm.s32 $0x108;
	_ =	swait.ge @!p0 [sflag:s8], $0x0  }
0x24: {  	s3 =	sadd.s32 $0x88, s3;
	s6 =	simm.s32 @!p1 $0x1082;
	[sflag:s4] =	ssyncset.s32 $0xFFFFF086  }
0x25: {  	[simem:s6], [sflag:s4] =	dma.local [hbm:s3], $0xF7A  }
0x26: {  	[smem:$0x3F97] =	sst s1;
	(tag) =	ssettag s2;
	_ =	strace s9  }
0x27: {  	s1 =	sld [smem:$0x3FA7]  }
0x28: {  	s2 =	sld [smem:$0x3FA8]  }
0x29: {  	s4 =	sld [smem:$0x3FAA]  }
0x2a: {  	p0 =	seq.s32 s5, $0x0;
	s5 =	sld [smem:$0x3FAB]  }
0x2b: {  	s6 =	sld [smem:$0x3FAC]  }
0x2c: {  	s7 =	sld [smem:$0x3FAD]  }
0x2d: {  	s3 =	simm.s32 $0x108;
	s8 =	sld [smem:$0x3FAE]  }
0x2e: {  	s3 =	simm.s32 @!p0 $0x1082;
	s9 =	sld [smem:$0x3FAF]  }
0x2f: {  	lr =	sadd.s32 s0, s3;
	s0 =	sld [smem:$0x3FA6]  }
0x30: {  	s3 =	sld [smem:$0x3FA9]  }
0x31: {  	[smem:$0x3FB2] =	sst s10  }
0x32: {  	s10 =	sld [smem:$0x3FB0];
	_ =	sdelay $0x3  }
0x33: {  	p0 =	seq.s32 s10, $0x1;
	s10 =	sld [smem:$0x3FB2];
	_ =	sdelay $0x3  }
0x34: {  	[smem:$0x3FB2] =	sst s10  }
0x35: {  	s10 =	sld [smem:$0x3FB1];
	_ =	sdelay $0x3  }
0x36: {  	p1 =	seq.s32 s10, $0x1;
	s10 =	sld [smem:$0x3FB2];
	_ =	sdelay $0x3  }
0x37: {  	[smem:$0x3FB2] =	sst s10  }
0x38: {  	s10 =	sld [smem:$0x3FB3]  }
0x39: {  	_ = 	snop;
	(pc) =	sbr.ind lr, $3  }
0x3a: {  	_ = 	snop  }
0x3b: {  	_ = 	snop  }
0x3c: {  	p2 =	seq.s32 s10, $0x1;
	s10 =	sld [smem:$0x3FB2]  }
0x3d: {  	_ =	shalt  }
0x3e: {  	_ =	shalt  }
0x3f: {  	_ =	shalt  }
0x40: {  	_ =	shalt  }
0x41: {  	_ =	shalt  }
0x42: {  	_ =	shalt  }
0x43: {  	_ =	shalt  }
0x44: {  	_ =	shalt  }
0x45: {  	_ =	shalt  }
0x46: {  	_ =	shalt  }
0x47: {  	_ =	shalt  }
0x48: {  	_ =	shalt  }
0x49: {  	_ =	shalt  }
0x4a: {  	_ =	shalt  }
0x4b: {  	_ =	shalt  }
0x4c: {  	_ =	shalt  }
0x4d: {  	_ =	shalt  }
0x4e: {  	_ =	shalt  }
0x4f: {  	_ =	shalt  }
0x50: {  	_ =	shalt  }
0x51: {  	_ =	shalt  }
0x52: {  	_ =	shalt  }
0x53: {  	_ =	shalt  }
0x54: {  	_ =	shalt  }
0x55: {  	_ =	shalt  }
0x56: {  	_ =	shalt  }
0x57: {  	_ =	shalt  }
0x58: {  	_ =	shalt  }
0x59: {  	_ =	shalt  }
0x5a: {  	_ =	shalt  }
0x5b: {  	_ =	shalt  }
0x5c: {  	_ =	shalt  }
0x5d: {  	_ =	shalt  }
0x5e: {  	_ =	shalt  }
0x5f: {  	_ =	shalt  }
0x60: {  	_ =	shalt  }
0x61: {  	_ =	shalt  }
0x62: {  	_ =	shalt  }
0x63: {  	_ =	shalt  }
0x64: {  	_ =	shalt  }
0x65: {  	_ =	shalt  }
0x66: {  	_ =	shalt  }
0x67: {  	_ =	shalt  }
0x68: {  	_ =	shalt  }
0x69: {  	_ =	shalt  }
0x6a: {  	_ =	shalt  }
0x6b: {  	_ =	shalt  }
0x6c: {  	_ =	shalt  }
0x6d: {  	_ =	shalt  }
0x6e: {  	_ =	shalt  }
0x6f: {  	_ =	shalt  }
0x70: {  	_ =	shalt  }
0x71: {  	_ =	shalt  }
0x72: {  	_ =	shalt  }
0x73: {  	_ =	shalt  }
0x74: {  	_ =	shalt  }
0x75: {  	_ =	shalt  }
0x76: {  	_ =	shalt  }
0x77: {  	_ =	shalt  }
0x78: {  	_ =	shalt  }
0x79: {  	_ =	shalt  }
0x7a: {  	_ =	shalt  }
0x7b: {  	_ =	shalt  }
0x7c: {  	_ =	shalt  }
0x7d: {  	_ =	shalt  }
0x7e: {  	_ =	shalt  }
0x7f: {  	_ =	shalt  }
0x80: {  	_ =	shalt  }
0x81: {  	_ =	shalt  }
0x82: {  	_ =	shalt  }
0x83: {  	_ =	shalt  }
0x84: {  	_ =	shalt  }
0x85: {  	_ =	shalt  }
0x86: {  	_ =	shalt  }
0x87: {  	_ =	shalt  }
.Lfunc_end0:
.L_simem_size_0:
called_computation_lowered:
.L_overlay_start_0:
0x88: {  	s2 =	sld [smem:$0x3FD9]  }
0x89: {  	s3 =	sld [smem:$0x3FFE];
	_ =	sdelay $0x1  }
0x8a: {  	s1 =	srdreg.scid  }
0x8b: {  	s0 =	sand.u32 $0x1, s1  }
0x8c: {  	s17 =	sshll.u32 s0, $0xA;
	s2 =	sadd.s32 s3, s2  }
0x8d: {  	s2 =	sadd.s32 s2, s17  }
0x8e: {  	[smem:$0x3FBE] =	sst s2  }
0x8f: {  	_ = 	snop  }
0x90: {  	s2 =	sld [smem:$0x3FD0];
	(tm) =	ssettm $0x1  }
0x91: {  	s18 =	sld [smem:$0x3FFB];
	_ =	sdelay $0x3  }
0x92: {  	_ =	strace s18  }
0x93: {  	s3 =	sld [smem:$0x3FFC];
	_ =	sdelay $0x3  }
0x94: {  	_ =	strace s3  }
0x95: {  	s3 =	sld [smem:$0x3FFD];
	_ =	sdelay $0x3  }
0x96: {  	_ =	strace s3  }
0x97: {  	_ =	strace $0x8FFFFFFF  }
0x98: {  	s19 =	sld [smem:$0x3FDB];
	_ =	sdelay $0x1  }
0x99: {  	s4 =	simm.s32 $_scs_section_size  }
0x9a: {  	s5 =	simm.s32 $_size__tile_overlayer_lowered;
	s6 =	simm.s32 $_tile_overlayer_lowered  }
0x9b: {  	s22 =	simm.s32 $0x1BFF;
	s21 =	sshll.u32 s6, $0x1;
	s3 =	sadd.s32 s4, s19  }
0x9c: {  	s7 =	simm.s32 $0x0;
	s20 =	sshll.u32 s5, $0x1;
	s5 =	sadd.s32 s21, s3  }
0x9d: {  	[timem:s7], [sflag:s22] =	dma.local [hbm:s5], s20  }
0x9e: {  	_ =	swait.ge [sflag:s22], s20  }
0x9f: {  	s4 =	ssub.s32 $0x0, s20;
	[sflag:s22] =	ssyncset.done $0x0  }
0xa0: {  	[sflag:s22] =	ssyncadd.s32 s4;
	_ =	sdelay $0x1  }
0xa1: {  	s23 =	simm.s32 $0x1B8B  }
0xa2: {  	_ =	swait.ge [sflag:s23], $0x1  }
0xa3: {  	[sflag:s23] =	ssyncset.done $0x0  }
0xa4: {  	s25 =	simm.s32 $0x1B8E;
	s24 =	sld [smem:$0x3FFE];
	[sflag:s23] =	ssyncadd.s32 $0xFFFFFFFF  }
0xa5: {  	s26 =	simm.s32 $execute0_lowered;
	[smem:$0x3FD2] =	sst s25  }
0xa6: {  	s5 =	sshll.u32 s26, $0x1;
	_ =	strace $0x80000046;
	[dreg:$0x1] =	wrdreg $0xFFFFFFFF  }
0xa7: {  	s28 =	simm.s32 $_size_execute0_lowered;
	s3 =	sadd.s32 s3, s5;
	[dreg:$0x0] =	wrdreg $0x0  }
0xa8: {  	s5 =	sshll.u32 s28, $0x1;
	[dreg:$0x2] =	wrdreg s3  }
0xa9: {  	[dreg:$0x3] =	wrdreg s5  }
0xaa: {  	[dreg:$0x4] =	wrdreg $0xC0  }
0xab: {  	_ =	task [dreg:s7], $0x5FFFF  }
0xac: {  	[dreg:$0x1] =	wrdreg $0xFFFFFFFF  }
0xad: {  	[dreg:$0x0] =	wrdreg $0x60  }
0xae: {  	[dreg:$0x2] =	wrdreg s24  }
0xaf: {  	[dreg:$0x3] =	wrdreg s2  }
0xb0: {  	[dreg:$0x4] =	wrdreg $0x8D100  }
0xb1: {  	[dreg:$0x5] =	wrdreg $0x9  }
0xb2: {  	_ =	task.clear_ibuf [dreg:s7], $0x6FFFF;
	_ =	strace $0x90000046  }
0xb3: {  	s29 =	simm.s32 $0x9;
	_ =	strace $0x80000048  }
0xb4: {  	_ =	swait.ge [sflag:s29], $0x1  }
0xb5: {  	[sflag:s29] =	ssyncadd.s32 $0xFFFFFFFF  }
0xb6: {  	_ =	strace $0x90000048  }
0xb7: {  	_ =	sfence  }
0xb8: {  	s30 =	sld [smem:$0x0];
	_ =	sdelay $0x2  }
0xb9: {  	s31 =	sshll.u32 s1, $0xD;
	s1 =	sshrl.u32 s1, $0x2  }
0xba: {  	s3 =	sand.u32 $0x4000, s31;
	s1 =	sadd.s32 s1, s30  }
0xbb: {  	s0 =	sor.u32 s3, s0;
	s1 =	sshll.u32 s1, $0x11  }
0xbc: {  	s0 =	sor.u32 s1, s0  }
0xbd: {  	s0 =	sadd.s32 $0x8F2B, s0  }
0xbe: {  	[sflag:s0] =	ssyncadd.remote.s32 $0x1  }
0xbf: {  	_ =	sfence.sel $0xFFFF  }
0xc0: {  	[dreg:$0x0] =	wrdreg $0xFFFFFFFF;
	(pc) =	sbr.abs _section_cstart, $3  }
0xc1: {  	[dreg:$0x1] =	wrdreg $0xFFFFFFFF  }
0xc2: {  	_ =	task.clear_ibuf [dreg:s7], $0x2FFFF;
	_ =	strace $0x9FFFFFFF  }
0xc3: {  	(tm) =	ssettm $0x7FFFFFFF  }
tec
execute0_lowered:
.L_overlay_start_1:
0x0: {  	(tag) =	ssettag $0x1  }
0x1: {  	s1 =	rddreg [dreg:$0x0]  }
0x2: {  	s2 =	rddreg [dreg:$0x1]  }
0x3: {  	s3 =	rddreg [dreg:$0x2];
	s0 =	srdreg.scid  }
0x4: {  	s5 =	simm.s32 $0x0;
	s9 =	stileid.u32;
	s28 =	simm.s32 $0x4  }
0x5: {  	s29 =	simm.s32 $0x4510;
	s30 =	simm.s32 $0x10;
	s31 =	simm.s32 $0x410  }
0x6: {  	s0 =	sand.u32 $0x1, s0;
	[smem:$0x7FF] =	sst s5;
	s13 =	smul.u32 $0x15F90, s9  }
0x7: {  	s6 =	sadd.s32 $0x13C00, s1;
	s7 =	sadd.s32 $0x14200, s1;
	s8 =	sadd.s32 $0x14800, s1  }
0x8: {  	s14 =	sshll.u32 s9, $0x1;
	s9 =	smul.u32 $0x57E40, s9;
	s5 =	simm.s32 $0x80  }
0x9: {  	s4 =	smul.u32 $0x15F900, s0;
	_ =	strace $0x80000047;
	[dreg:$0x4] =	wrdreg s8  }
0xa: {  	s10 =	ssub.s32 $0x2, s0;
	s0 =	sor.u32 s0, s14;
	s15 =	ssub.s32 $0x9C4, s14  }
0xb: {  	s8 =	simm.s32 $0x4490;
	s11 =	sshrl.u32 s10, $0x1;
	s9 =	sshrl.u32 s9, $0x2  }
0xc: {  	s12 =	sshll.u32 s0, $0x4;
	s16 =	sor.u32 $0x40, s0;
	s22 =	sadd.s32 s13, s3  }
0xd: {  	s4 =	sadd.s32 s13, s4;
	s9 =	sadd.s32 s9, s3;
	s17 =	sadd.s32 s1, s12  }
0xe: {  	s11 =	ssub.s32 s10, s11;
	s18 =	sadd.s32 $0x12000, s9;
	[dreg:$0x5] =	wrdreg s17  }
0xf: {  	s12 =	simm.s32 $0x0;
	s19 =	sadd.s32 $0x9C40, s17;
	[dreg:$0x6] =	wrdreg s18  }
0x10: {  	s4 =	sshrl.u32 s4, $0x3;
	s20 =	sadd.s32 $0x200, s17;
	[dreg:$0x7] =	wrdreg s19  }
0x11: {  	s10 =	sadd.s32 $0x9E40, s17;
	s17 =	ssub.s32 $0x984, s14;
	[dreg:$0x8] =	wrdreg s20  }
0x12: {  	s23 =	smax.u32 s11, $0x1;
	s24 =	sadd.s32 $0x4800, s9;
	[dreg:$0x9] =	wrdreg s10  }
0x13: {  	s25 =	sadd.s32 $0x9000, s9;
	s26 =	sadd.s32 $0xD800, s9;
	[dreg:$0xb] =	wrdreg s23  }
.Ltmp0:
0x14: {  	s11 =	simm.s32 $0x3;
	[dreg:$0xc] =	wrdreg s24;
	(pc) =	sbr.rel .LBB2_1-.Ltmp0, $4  }
0x15: {  	s4 =	sadd.s32 s4, s1;
	s18 =	sor.u32 $0x60, s0;
	[dreg:$0xd] =	wrdreg s25  }
0x16: {  	s19 =	ssub.s32 $0x9A4, s14;
	s0 =	sshrl.u32 s22, $0x3;
	[dreg:$0xf] =	wrdreg s26  }
0x17: {  	v0 =	vimm.f32 $0.0e+00;
	v1 =	vimm.s32 $0x0;
	vm0 =	vcmask $0x300;
	s20 =	sadd.s32 $0x9C40, s1;
	s21 =	sadd.s32 $0x14A00, s4;
	[dreg:$0xe] =	wrdreg s0  }
0x18: {  	v1 =	vsel vm0, $0x3, v1;
	v2 =	vsel vm0, $0x3F800000, v0;
	s0 =	simm.s32 $0x1;
	s4 =	simm.s32 $0x2;
	[dreg:$0xa] =	wrdreg s21  }
.LBB2_17:
0x19: {  	s10 =	stileid.u32;
	[bflag:$0x0] =	sbarrier.arrive $0xFFFF  }
0x1a: {  	s10 =	sshll.u32 s10, $0x6;
	s13 =	rddreg [dreg:$0xa]  }
0x1b: {  	s14 =	rddreg [dreg:$0xe];
	s10 =	sor.u32 $0x1C04, s10  }
0x1c: {  	[hbm:s13], [sflag:s10] =	dma.local [spmem:s14], $0x2BF2  }
0x1d: {  	_ =	swait.ge [sflag:s28], $0x2BF2  }
0x1e: {  	s12 =	sadd.s32 $0x1, s12;
	s26 =	rddreg [dreg:$0xb]  }
0x1f: {  	p0 =	sne.s32 s12, s26  }
.Ltmp1:
0x20: {  	_ = 	snop;
	(pc) =	sbr.rel @!p0 .LBB2_18-.Ltmp1, $3  }
0x21: {  	_ =	sdelay $0x1  }
0x22: {  	[sflag:s28] =	ssyncset.done $0x0  }
0x23: {  	[sflag:s28] =	ssyncadd.s32 $0xFFFFD40E  }
.LBB2_1:
0x24: {  	s10 =	simm.s32 $0x0;
	s13 =	rddreg [dreg:$0x4]  }
0x25: {  	[tilespmem:s10], [sflag:$0x4] =	stream.linear.gather [hbm4b:s13+s10], $0x10, $0x38;
	[tilespmem:$0x1ECA0] =	vst v63  }
0x26: {  	_ =	swait.ge [sflag:s28], $0x10  }
0x27: {  	[sflag:s28] =	ssyncset.done $0x0  }
0x28: {  	[sflag:s28] =	ssyncadd.s32 $0xFFFFFFF0  }
0x29: {  	s14 =	simm.s32 $0x440;
	s13 =	simm.s32 $0x80;
	v3 =	vld [tilespmem:$0x0]  }
.LBB2_2:
0x2a: {  	p0 =	sne.s32 s14, $0x11FC0;
	[tilespmem:s13+$0x4510] =	vst v0  }
0x2b: {  	[tilespmem:s13+$0x4490] =	vst v0  }
0x2c: {  	[tilespmem:s13+$0x44A0] =	vst v0  }
0x2d: {  	[tilespmem:s13+$0x44B0] =	vst v0  }
.Ltmp2:
0x2e: {  	[tilespmem:s13+$0x44C0] =	vst v0;
	(pc) =	sbr.rel @p0 .LBB2_2-.Ltmp2, $4  }
0x2f: {  	[tilespmem:s13+$0x44D0] =	vst v0  }
0x30: {  	[tilespmem:s13+$0x44E0] =	vst v0  }
0x31: {  	[tilespmem:s13+$0x44F0] =	vst v0  }
0x32: {  	[tilespmem:s13+$0x4500] =	vst v0;
	s13 =	sshra.s32 s14, $0x2;
	s14 =	sadd.s32 $0x240, s14  }
0x33: {  	[tilespmem:s13+$0x4510] =	vst v0  }
0x34: {  	[tilespmem:s13+$0x4490] =	vst v0  }
0x35: {  	[tilespmem:s13+$0x44A0] =	vst v0  }
0x36: {  	[tilespmem:s13+$0x44B0] =	vst v0  }
0x37: {  	[tilespmem:s13+$0x44C0] =	vst v0  }
0x38: {  	[tilespmem:s13+$0x44D0] =	vst v0  }
0x39: {  	[tilespmem:s13+$0x44E0] =	vst v0  }
0x3a: {  	[tilespmem:s13+$0x44F0] =	vst v0  }
0x3b: {  	[tilespmem:s13+$0x4500] =	vst v0  }
0x3c: {  	[spmem:s9] =	stream.linear.scatter [tilespmem:s29], [sflag:$0x4], $0x4800, $0x38;
	[tilespmem:$0x1ECA0] =	vst v63  }
0x3d: {  	_ =	swait.ge [sflag:s28], $0x4800  }
0x3e: {  	[sflag:s28] =	ssyncset.done $0x0  }
0x3f: {  	s10 =	rddreg [dreg:$0xc];
	[sflag:s28] =	ssyncadd.s32 $0xFFFFB800  }
0x40: {  	[spmem:s10] =	stream.linear.scatter [tilespmem:s29], [sflag:$0x4], $0x4800, $0x38;
	[tilespmem:$0x1ECA0] =	vst v63  }
0x41: {  	_ =	swait.ge [sflag:s28], $0x4800  }
0x42: {  	[sflag:s28] =	ssyncset.done $0x0  }
0x43: {  	s21 =	rddreg [dreg:$0xd];
	[sflag:s28] =	ssyncadd.s32 $0xFFFFB800  }
0x44: {  	[spmem:s21] =	stream.linear.scatter [tilespmem:s29], [sflag:$0x4], $0x4800, $0x38;
	[tilespmem:$0x1ECA0] =	vst v63  }
0x45: {  	_ =	swait.ge [sflag:s28], $0x4800  }
0x46: {  	[sflag:s28] =	ssyncset.done $0x0  }
0x47: {  	s22 =	rddreg [dreg:$0xf];
	[sflag:s28] =	ssyncadd.s32 $0xFFFFB800  }
0x48: {  	[spmem:s22] =	stream.linear.scatter [tilespmem:s29], [sflag:$0x4], $0x4800, $0x38;
	[tilespmem:$0x1ECA0] =	vst v63  }
0x49: {  	_ =	swait.ge [sflag:s28], $0x4800  }
0x4a: {  	[sflag:s28] =	ssyncset.done $0x0  }
0x4b: {  	s23 =	rddreg [dreg:$0x6];
	[sflag:s28] =	ssyncadd.s32 $0xFFFFB800  }
0x4c: {  	[spmem:s23] =	stream.linear.scatter [tilespmem:s29], [sflag:$0x4], $0x3F90, $0x38;
	[tilespmem:$0x1ECA0] =	vst v63  }
0x4d: {  	_ =	swait.ge [sflag:s28], $0x3F90  }
0x4e: {  	[sflag:s28] =	ssyncset.done $0x0  }
0x4f: {  	[sflag:s28] =	ssyncadd.s32 $0xFFFFC070  }
0x50: {  	[bflag:$0x0] =	sbarrier.arrive $0xFFFF  }
0x51: {  	s13 =	simm.s32 $0x0;
	s24 =	rddreg [dreg:$0x5]  }
0x52: {  	[tilespmem:s30], [sflag:$0x1] =	stream.linear.gather [hbm4b:s24+s13], $0x80, $0x38;
	[tilespmem:$0x1ECA0] =	vst v63  }
0x53: {  	s14 =	simm.s32 $0x110;
	s25 =	rddreg [dreg:$0x7]  }
0x54: {  	[tilespmem:s14], [sflag:$0x1] =	stream.linear.gather [hbm4b:s25+s13], $0x80, $0x38;
	[tilespmem:$0x1ECA0] =	vst v63  }
0x55: {  	_ =	swait.ge [sflag:s0], $0x80  }
0x56: {  	[sflag:s0] =	ssyncset.done $0x0  }
0x57: {  	[sflag:s0] =	ssyncadd.s32 $0xFFFFFF80  }
0x58: {  	_ =	swait.ge [sflag:s0], $0x80  }
0x59: {  	[sflag:s0] =	ssyncset.done $0x0  }
0x5a: {  	s26 =	simm.s32 $0x490;
	[sflag:s0] =	ssyncadd.s32 $0xFFFFFF80  }
0x5b: {  	[tilespmem:s26], [sflag:$0x2] =	stream.indirect.gather [hbm4b:s2+s5], $0x40, s30, s5, $0xb8;
	[tilespmem:$0x1ECA0] =	vst v63  }
0x5c: {  	_ =	swait.ge [sflag:s4], $0x2000  }
0x5d: {  	[sflag:s4] =	ssyncset.done $0x0  }
0x5e: {  	s21 =	simm.s32 $0x210;
	[sflag:s4] =	ssyncadd.s32 $0xFFFFE000  }
0x5f: {  	[tilespmem:s21], [sflag:$0x2] =	stream.indirect.gather [hbm4b:s6+s5], $0x1, s30, s5, $0xb8;
	[tilespmem:$0x1ECA0] =	vst v63  }
0x60: {  	_ =	swait.ge [sflag:s4], $0x80  }
0x61: {  	[sflag:s4] =	ssyncset.done $0x0  }
0x62: {  	s22 =	simm.s32 $0x310;
	[sflag:s4] =	ssyncadd.s32 $0xFFFFFF80  }
0x63: {  	[tilespmem:s22], [sflag:$0x2] =	stream.indirect.gather [hbm4b:s7+s5], $0x1, s14, s5, $0xb8;
	[tilespmem:$0x1ECA0] =	vst v63  }
0x64: {  	_ =	swait.ge [sflag:s4], $0x80  }
0x65: {  	[sflag:s4] =	ssyncset.done $0x0  }
0x66: {  	s24 =	simm.s32 $0x90;
	s23 =	rddreg [dreg:$0x8];
	[sflag:s4] =	ssyncadd.s32 $0xFFFFFF80  }
0x67: {  	[tilespmem:s24], [sflag:$0x1] =	stream.linear.gather [hbm4b:s23+s13], $0x80, $0x38;
	[tilespmem:$0x1ECA0] =	vst v63  }
0x68: {  	s26 =	simm.s32 $0x190;
	s25 =	rddreg [dreg:$0x9]  }
0x69: {  	[tilespmem:s26], [sflag:$0x1] =	stream.linear.gather [hbm4b:s25+s13], $0x80, $0x38;
	[tilespmem:$0x1ECA0] =	vst v63  }
0x6a: {  	_ =	swait.ge [sflag:s0], $0x80  }
.Ltmp3:
0x6b: {  	[sflag:s0] =	ssyncset.done $0x0;
	(pc) =	sbr.rel .LBB2_4-.Ltmp3, $4  }
0x6c: {  	[sflag:s0] =	ssyncadd.s32 $0xFFFFFF80  }
0x6d: {  	_ =	swait.ge [sflag:s0], $0x80  }
0x6e: {  	[sflag:s0] =	ssyncset.done $0x0  }
0x6f: {  	[sflag:s0] =	ssyncadd.s32 $0xFFFFFF80  }
.LBB2_16:
0x70: {  	s13 =	sadd.s32 $0x1, s13  }
0x71: {  	p0 =	sne.s32 s13, $0x28  }
.Ltmp4:
0x72: {  	_ = 	snop;
	(pc) =	sbr.rel @!p0 .LBB2_17-.Ltmp4, $1  }
0x73: {  	_ =	sdelay $0x3  }
.LBB2_4:
0x74: {  	s14 =	sshll.u32 s13, $0x6  }
0x75: {  	p1 =	sge.u32 s14, s15  }
.Ltmp5:
0x76: {  	_ = 	snop;
	(pc) =	sbr.rel @p1 .LBB2_10-.Ltmp5, $2  }
0x77: {  	_ =	sdelay $0x2  }
0x78: {  	p0 =	sge.u32 s14, s19  }
0x79: {  	s21 =	simm.s32 @!p0 $0x80;
	s22 =	simm.s32 @!p0 $0x90;
	s23 =	simm.s32 @!p0 $0x2490  }
0x7a: {  	[tilespmem:s23], [sflag:$0x2] =	stream.indirect.gather @!p0 [hbm4b:s2+s21], $0x40, s22, s21, $0xb8;
	[tilespmem:$0x1ECA0] =	vst v63  }
0x7b: {  	s23 =	simm.s32 @!p0 $0x290  }
0x7c: {  	[tilespmem:s23], [sflag:$0x2] =	stream.indirect.gather @!p0 [hbm4b:s6+s21], $0x1, s22, s21, $0xb8;
	[tilespmem:$0x1ECA0] =	vst v63  }
0x7d: {  	s22 =	simm.s32 @!p0 $0x190;
	s23 =	simm.s32 @!p0 $0x390  }
0x7e: {  	[tilespmem:s23], [sflag:$0x2] =	stream.indirect.gather @!p0 [hbm4b:s7+s21], $0x1, s22, s21, $0xb8;
	[tilespmem:$0x1ECA0] =	vst v63  }
0x7f: {  	p1 =	por $0x1, $0x1;
	s24 =	simm.s32 $0x0;
	s23 =	simm.s32 $0x0  }
.LBB2_6:
0x80: {  	v4 =	vld [tilespmem:s24+$0x310]  }
0x81: {  	v5 =	vld [tilespmem:s24+$0x210]  }
0x82: {  	v6 =	vld [tilespmem:s24+$0x220]  }
0x83: {  	v7 =	vld [tilespmem:s24+$0x320]  }
0x84: {  	v8 =	vld [tilespmem:s24+$0x330]  }
0x85: {  	v10 =	vld [tilespmem:s24+$0x230];
	_ =	sdelay $0x1  }
0x86: {  	v12 =	vld [tilespmem:s24+$0x340];
	v9 =	vadd.f32 v4, v3  }
0x87: {  	v4 =	vadd.f32 v4, v5;
	v5 =	vld [tilespmem:s24+$0x240];
	v14 =	vadd.f32 v7, v3  }
0x88: {  	v6 =	vadd.f32 v7, v6;
	v56 =	vadd.f32 v8, v3;
	v11 =	vmul.f32 $2.000000030e-01, v9  }
0x89: {  	v8 =	vadd.f32 v8, v10;
	v13 =	vmul.f32 $2.000000030e-01, v4;
	v57 =	vmul.f32 $2.000000030e-01, v14  }
0x8a: {  	v58 =	vmul.f32 $2.000000030e-01, v6;
	v59 =	vmul.f32 $2.000000030e-01, v56  }
0x8b: {  	v60 =	vmul.f32 $2.000000030e-01, v8;
	v9 =	vmax.f32 v9, v11;
	v4 =	vmax.f32 v4, v13  }
0x8c: {  	v11 =	vmax.f32 v14, v57;
	v5 =	vadd.f32 v12, v5;
	v12 =	vadd.f32 v12, v3  }
0x8d: {  	v6 =	vmax.f32 v6, v58;
	v7 =	vmax.f32 v56, v59;
	v8 =	vmax.f32 v8, v60  }
0x8e: {  	v4 =	vsub.f32 v4, v9;
	v61 =	vmul.f32 $2.000000030e-01, v12;
	v62 =	vmul.f32 $2.000000030e-01, v5  }
0x8f: {  	v6 =	vsub.f32 v6, v11;
	v7 =	vsub.f32 v8, v7  }
0x90: {  	v4 =	vmul.f32 $1.442695020e+00, v4;
	v63 =	vmax.f32 v12, v61;
	v5 =	vmax.f32 v5, v62  }
0x91: {  	v6 =	vmul.f32 $1.442695020e+00, v6;
	v5 =	vsub.f32 v5, v63  }
0x92: {  	(erf) = vpow2.f32 v4;
	v4 =	vmul.f32 $1.442695020e+00, v7  }
0x93: {  	(erf) = vpow2.f32 v6;
	v5 =	vmul.f32 $1.442695020e+00, v5  }
0x94: {  	(erf) = vpow2.f32 v4  }
0x95: {  	(erf) = vpow2.f32 v5;
	_ =	sdelay $0x4  }
0x96: {  	p2 =	por p1, p1  }
.Ltmp6:
0x97: {  	v4 =	vpop (erf);
	(pc) =	sbr.rel @p2 .LBB2_6-.Ltmp6, $4  }
0x98: {  	v5 =	vpop (erf);
	[tilespmem:s24+$0x410] =	vst v4  }
0x99: {  	v4 =	vpop (erf);
	[tilespmem:s24+$0x420] =	vst v5  }
0x9a: {  	s22 =	simm.s32 $0x590;
	[tilespmem:s24+$0x430] =	vst v4;
	v4 =	vpop (erf)  }
0x9b: {  	s21 =	simm.s32 $0x4750;
	p1 =	por $0x0, $0x0;
	[tilespmem:s24+$0x440] =	vst v4;
	s24 =	simm.s32 $0x40  }
0x9c: {  	s24 =	simm.s32 $0x7  }
0x9d: {  	v4 =	vmov s24  }
0x9e: {  	v4 =	vshrl.u32 v4, $0x3  }
0x9f: {  	s25 =	simm.s32 $0x1;
	s10 =	simm.s32 $0x2;
	v4 =	vshll.u32 v4, v1  }
0xa0: {  	s26 =	simm.s32 $0x4;
	v5 =	vmov s25;
	v6 =	vmov s10;
	v4 =	vadd.s32 $0x7, v4  }
0xa1: {  	s25 =	simm.s32 $0x3;
	v8 =	vmov s26;
	v5 =	vshrl.u32 v5, $0x3;
	v4 =	vbroadcast v4, $0x0  }
0xa2: {  	v6 =	vshrl.u32 v6, $0x3;
	v7 =	vmov s25;
	v5 =	vshll.u32 v5, v1  }
0xa3: {  	v6 =	vshll.u32 v6, v1;
	v7 =	vshrl.u32 v7, $0x3;
	v5 =	vadd.s32 $0x1, v5  }
0xa4: {  	v6 =	vadd.s32 $0x2, v6;
	v7 =	vshll.u32 v7, v1;
	v5 =	vbroadcast v5, $0x0  }
0xa5: {  	v9 =	vld [tilespmem:s22+$0xC0];
	v8 =	vshrl.u32 v8, $0x3;
	v6 =	vbroadcast v6, $0x0;
	v7 =	vadd.s32 $0x3, v7  }
0xa6: {  	v8 =	vshll.u32 v8, v1;
	v7 =	vbroadcast v7, $0x0  }
0xa7: {  	v8 =	vadd.s32 $0x4, v8;
	v12 =	vld.idx.msk [tilespmem:v4+s31+$0x0], $0xffff  }
0xa8: {  	v11 =	vld [tilespmem:s22+$0xFFFFFF40];
	v8 =	vbroadcast v8, $0x0  }
0xa9: {  	v15 =	vld [tilespmem:s22+$0xFFFFFF80];
	s10 =	simm.s32 $0x5  }
0xaa: {  	v13 =	vmov s23;
	s24 =	simm.s32 $0x6;
	v10 =	vmov s10;
	v16 =	vshll.u32 v9, $0x10;
	v4 =	vld.idx.msk [tilespmem:v5+s31+$0x0], $0xffff  }
0xab: {  	v9 =	vand.u32 $0xFFFF0000, v9;
	v5 =	vld.idx.msk [tilespmem:v6+s31+$0x0], $0xffff;
	v6 =	vshrl.u32 v10, $0x3;
	v10 =	vmov s24  }
0xac: {  	v14 =	vshll.u32 v6, v1;
	v6 =	vld.idx.msk [tilespmem:v7+s31+$0x0], $0xffff;
	v7 =	vshrl.u32 v10, $0x3;
	v10 =	vmul.f32 v16, v12  }
0xad: {  	v17 =	vld [tilespmem:s22+$0xFFFFFFC0];
	v14 =	vadd.s32 $0x5, v14;
	v16 =	vshll.u32 v7, v1;
	v9 =	vmul.f32 v9, v12  }
0xae: {  	v7 =	vld.idx.msk [tilespmem:v8+s31+$0x0], $0xffff;
	v8 =	vbroadcast v14, $0x0;
	v14 =	vadd.s32 $0x6, v16;
	v16 =	vshll.u32 v11, $0x10;
	[tilespmem:s21+$0x1B0] =	vst v10  }
0xaf: {  	v11 =	vand.u32 $0xFFFF0000, v11;
	v10 =	vshrl.u32 v13, $0x3;
	v13 =	vld [tilespmem:s22+$0x0];
	v16 =	vmul.f32 v16, v4;
	[tilespmem:s21+$0x1C0] =	vst v9  }
0xb0: {  	v9 =	vbroadcast v14, $0x0;
	v14 =	vshll.u32 v15, $0x10;
	v11 =	vmul.f32 v11, v4;
	v18 =	vld [tilespmem:s22+$0xD0]  }
0xb1: {  	v15 =	vand.u32 $0xFFFF0000, v15;
	v10 =	vshll.u32 v10, v1;
	v14 =	vmul.f32 v14, v5;
	[tilespmem:s21+$0xFFFFFE50] =	vst v16  }
0xb2: {  	v16 =	vbroadcast v10, $0x0;
	v10 =	vshll.u32 v17, $0x10;
	[tilespmem:s21+$0xFFFFFE60] =	vst v11;
	v11 =	vmul.f32 v15, v5  }
0xb3: {  	v15 =	vld [tilespmem:s22+$0x40];
	v17 =	vand.u32 $0xFFFF0000, v17;
	[tilespmem:s21+$0xFFFFFEE0] =	vst v14;
	v10 =	vmul.f32 v10, v6  }
0xb4: {  	v17 =	vmul.f32 v17, v6;
	v8 =	vld.idx.msk [tilespmem:v8+s31+$0x0], $0xffff;
	[tilespmem:s21+$0xFFFFFEF0] =	vst v11;
	v14 =	vshll.u32 v13, $0x10  }
0xb5: {  	v11 =	vld [tilespmem:s22+$0x80];
	[tilespmem:s21+$0xFFFFFF70] =	vst v10;
	v14 =	vmul.f32 v14, v7;
	v19 =	vshll.u32 v18, $0x10  }
0xb6: {  	[tilespmem:s21+$0xFFFFFF80] =	vst v17;
	v10 =	vld.idx.msk [tilespmem:v9+s31+$0x0], $0xffff;
	v9 =	vand.u32 $0xFFFF0000, v18;
	v17 =	vmul.f32 v19, v12  }
0xb7: {  	v13 =	vand.u32 $0xFFFF0000, v13;
	v18 =	vld [tilespmem:s22+$0xFFFFFF00];
	[tilespmem:s21+$0x0] =	vst v14;
	v14 =	vmul.f32 v9, v12  }
0xb8: {  	v13 =	vmul.f32 v13, v7;
	v19 =	vshll.u32 v15, $0x10;
	v9 =	vld.idx.msk [tilespmem:v16+s31+$0x0], $0xffff;
	[tilespmem:s21+$0x1D0] =	vst v17  }
0xb9: {  	v15 =	vand.u32 $0xFFFF0000, v15;
	v16 =	vld [tilespmem:s22+$0xFFFFFF50];
	v17 =	vmul.f32 v19, v8;
	[tilespmem:s21+$0x1E0] =	vst v14  }
0xba: {  	[tilespmem:s21+$0x10] =	vst v13;
	v15 =	vmul.f32 v15, v8;
	v14 =	vshll.u32 v11, $0x10;
	v13 =	vld [tilespmem:s22+$0xE0]  }
0xbb: {  	v11 =	vand.u32 $0xFFFF0000, v11;
	v14 =	vmul.f32 v14, v10;
	[tilespmem:s21+$0x90] =	vst v17  }
0xbc: {  	v17 =	vshll.u32 v18, $0x10;
	v11 =	vmul.f32 v11, v10;
	[tilespmem:s21+$0xA0] =	vst v15  }
0xbd: {  	v15 =	vand.u32 $0xFFFF0000, v18;
	v18 =	vld [tilespmem:s22+$0xFFFFFF90];
	v17 =	vmul.f32 v17, v9;
	[tilespmem:s21+$0x120] =	vst v14  }
0xbe: {  	v14 =	vmul.f32 v15, v9;
	v15 =	vshll.u32 v16, $0x10;
	[tilespmem:s21+$0x130] =	vst v11  }
0xbf: {  	v19 =	vld [tilespmem:s22+$0xFFFFFFD0];
	v11 =	vmul.f32 v15, v4;
	[tilespmem:s21+$0xFFFFFDC0] =	vst v17;
	v15 =	vshll.u32 v13, $0x10  }
0xc0: {  	[tilespmem:s21+$0xFFFFFDD0] =	vst v14;
	v13 =	vand.u32 $0xFFFF0000, v13;
	v14 =	vmul.f32 v15, v12  }
0xc1: {  	v17 =	vld [tilespmem:s22+$0x10];
	[tilespmem:s21+$0xFFFFFE70] =	vst v11;
	v15 =	vand.u32 $0xFFFF0000, v16;
	v13 =	vmul.f32 v13, v12  }
0xc2: {  	v20 =	vshll.u32 v18, $0x10;
	v16 =	vld [tilespmem:s22+$0x50];
	v15 =	vmul.f32 v15, v4;
	[tilespmem:s21+$0x1F0] =	vst v14  }
0xc3: {  	v14 =	vand.u32 $0xFFFF0000, v18;
	v18 =	vmul.f32 v20, v5;
	[tilespmem:s21+$0x200] =	vst v13  }
0xc4: {  	v20 =	vld [tilespmem:s22+$0x90];
	v13 =	vmul.f32 v14, v5;
	v14 =	vshll.u32 v19, $0x10;
	[tilespmem:s21+$0xFFFFFE80] =	vst v15  }
0xc5: {  	v22 =	vld [tilespmem:s22+$0xFFFFFF10];
	v19 =	vand.u32 $0xFFFF0000, v19;
	v14 =	vmul.f32 v14, v6;
	[tilespmem:s21+$0xFFFFFF00] =	vst v18  }
0xc6: {  	v11 =	vmul.f32 v2, v12;
	v15 =	vld [tilespmem:s22+$0xF0];
	v21 =	vshll.u32 v17, $0x10;
	v19 =	vmul.f32 v19, v6;
	[tilespmem:s21+$0xFFFFFF10] =	vst v13  }
0xc7: {  	v17 =	vand.u32 $0xFFFF0000, v17;
	v18 =	vmul.f32 v21, v7;
	v21 =	vshll.u32 v16, $0x10;
	[tilespmem:s21+$0xFFFFFF90] =	vst v14  }
0xc8: {  	v13 =	vmul.f32 v17, v7;
	v16 =	vand.u32 $0xFFFF0000, v16;
	v17 =	vmul.f32 v21, v8;
	v21 =	vld [tilespmem:s22+$0xFFFFFF60];
	[tilespmem:s21+$0xFFFFFFA0] =	vst v19  }
0xc9: {  	v14 =	vmul.f32 v16, v8;
	v23 =	vld [tilespmem:s22+$0xFFFFFFA0];
	[tilespmem:s21+$0x20] =	vst v18;
	v16 =	vshll.u32 v20, $0x10;
	v20 =	vand.u32 $0xFFFF0000, v20  }
0xca: {  	[tilespmem:s21+$0x30] =	vst v13;
	v16 =	vmul.f32 v16, v10;
	v19 =	vmul.f32 v20, v10  }
0xcb: {  	v24 =	vld [tilespmem:s22+$0xFFFFFFE0];
	v18 =	vand.u32 $0xFFFF0000, v15;
	v20 =	vshll.u32 v22, $0x10;
	v22 =	vand.u32 $0xFFFF0000, v22;
	[tilespmem:s21+$0xB0] =	vst v17  }
0xcc: {  	s10 =	simm.s32 $0xB;
	v15 =	vshll.u32 v15, $0x10;
	[tilespmem:s21+$0xC0] =	vst v14;
	v13 =	vmul.f32 v18, v12;
	v18 =	vmul.f32 v20, v9  }
0xcd: {  	v25 =	vmov s10;
	v20 =	vmul.f32 v22, v9;
	v22 =	vld [tilespmem:s22+$0x20];
	v12 =	vmul.f32 v15, v12;
	[tilespmem:s21+$0x140] =	vst v16  }
0xce: {  	[tilespmem:s21+$0x150] =	vst v19;
	v17 =	vshll.u32 v21, $0x10;
	v21 =	vand.u32 $0xFFFF0000, v21;
	v14 =	vand.u32 $0xFFFF0000, v23  }
0xcf: {  	[tilespmem:s21+$0x220] =	vst v13;
	v13 =	vmul.f32 v17, v4;
	v17 =	vmul.f32 v21, v4;
	v21 =	vshll.u32 v23, $0x10  }
0xd0: {  	s25 =	simm.s32 $0x9;
	[tilespmem:s21+$0xFFFFFDE0] =	vst v18;
	v14 =	vmul.f32 v14, v5;
	v23 =	vand.u32 $0xFFFF0000, v24;
	v15 =	vmul.f32 v21, v5;
	v21 =	vld [tilespmem:s22+$0x60]  }
0xd1: {  	[tilespmem:s21+$0xFFFFFDF0] =	vst v20;
	v16 =	vshll.u32 v24, $0x10;
	v24 =	vmov s25;
	v19 =	vmul.f32 v23, v6;
	v23 =	vld [tilespmem:s22+$0xA0]  }
0xd2: {  	s25 =	simm.s32 $0xC;
	v16 =	vmul.f32 v16, v6;
	v24 =	vshrl.u32 v24, $0x3;
	v18 =	vshll.u32 v22, $0x10;
	[tilespmem:s21+$0xFFFFFE90] =	vst v13  }
0xd3: {  	s26 =	simm.s32 $0xA;
	v26 =	vld [tilespmem:s22+$0xFFFFFF20];
	v22 =	vand.u32 $0xFFFF0000, v22;
	v13 =	vmov s25;
	[tilespmem:s21+$0xFFFFFEA0] =	vst v17;
	v18 =	vmul.f32 v18, v7  }
0xd4: {  	[tilespmem:s21+$0xFFFFFF30] =	vst v14;
	v20 =	vmul.f32 v22, v7;
	v22 =	vmov s26;
	v13 =	vshrl.u32 v13, $0x3  }
0xd5: {  	v27 =	vld [tilespmem:s22+$0xFFFFFF70];
	[tilespmem:s21+$0xFFFFFFC0] =	vst v19;
	v19 =	vshll.u32 v24, v1;
	v17 =	vshll.u32 v21, $0x10;
	v21 =	vand.u32 $0xFFFF0000, v21  }
0xd6: {  	[tilespmem:s21+$0xFFFFFF20] =	vst v15;
	v14 =	vshll.u32 v23, $0x10;
	v15 =	vmul.f32 v17, v8;
	v17 =	vmul.f32 v21, v8  }
0xd7: {  	[tilespmem:s21+$0xFFFFFFB0] =	vst v16;
	v21 =	vshrl.u32 v22, $0x3;
	v22 =	vand.u32 $0xFFFF0000, v23;
	v23 =	vshrl.u32 v25, $0x3  }
0xd8: {  	[tilespmem:s21+$0x40] =	vst v18;
	v25 =	vld [tilespmem:s22+$0xFFFFFFB0];
	v16 =	vmul.f32 v22, v10;
	v22 =	vshll.u32 v26, $0x10;
	v26 =	vand.u32 $0xFFFF0000, v26  }
0xd9: {  	v28 =	vshll.u32 v13, v1;
	[tilespmem:s21+$0x50] =	vst v20;
	v14 =	vmul.f32 v14, v10;
	v24 =	vmul.f32 v26, v9;
	v26 =	vld [tilespmem:s22+$0xFFFFFFF0]  }
0xda: {  	v18 =	vshll.u32 v21, v1;
	v21 =	vshll.u32 v27, $0x10;
	v27 =	vand.u32 $0xFFFF0000, v27;
	[tilespmem:s21+$0xD0] =	vst v15  }
0xdb: {  	v20 =	vshll.u32 v23, v1;
	v22 =	vmul.f32 v22, v9;
	v21 =	vmul.f32 v21, v4;
	[tilespmem:s21+$0xE0] =	vst v17  }
0xdc: {  	v23 =	vmul.f32 v27, v4;
	v27 =	vld [tilespmem:s22+$0x30];
	v17 =	vadd.s32 $0x1, v19;
	[tilespmem:s21+$0x170] =	vst v16;
	v16 =	vadd.s32 $0x2, v18  }
0xdd: {  	[tilespmem:s21+$0x160] =	vst v14;
	v29 =	vld [tilespmem:s22+$0x70];
	v18 =	vadd.s32 $0x3, v20;
	v13 =	vshll.u32 v25, $0x10;
	v15 =	vand.u32 $0xFFFF0000, v25  }
0xde: {  	[tilespmem:s21+$0xFFFFFE00] =	vst v22;
	v19 =	vmul.f32 v13, v5;
	v25 =	vmul.f32 v15, v5;
	v14 =	vshll.u32 v26, $0x10  }
0xdf: {  	v30 =	vld [tilespmem:s22+$0xB0];
	[tilespmem:s21+$0xFFFFFE10] =	vst v24;
	v13 =	vbroadcast v17, $0x0;
	v15 =	vand.u32 $0xFFFF0000, v26;
	v22 =	vmul.f32 v14, v6  }
0xe0: {  	s26 =	simm.s32 $0xF;
	[tilespmem:s21+$0xFFFFFEB0] =	vst v21;
	v21 =	vadd.s32 $0x4, v28;
	v20 =	vld [tilespmem:s22+$0xFFFFFF30];
	v26 =	vmul.f32 v15, v6;
	v14 =	vbroadcast v16, $0x0  }
0xe1: {  	v15 =	vshll.u32 v27, $0x10;
	v16 =	vand.u32 $0xFFFF0000, v27;
	[tilespmem:s21+$0xFFFFFF50] =	vst v25;
	v25 =	vmov s26  }
0xe2: {  	v27 =	vmul.f32 v15, v7;
	v17 =	vmul.f32 v16, v7;
	v16 =	vshll.u32 v29, $0x10  }
0xe3: {  	[tilespmem:s21+$0xFFFFFF40] =	vst v19;
	v15 =	vbroadcast v18, $0x0;
	v18 =	vand.u32 $0xFFFF0000, v29;
	v19 =	vmul.f32 v16, v8  }
0xe4: {  	[tilespmem:s21+$0xFFFFFEC0] =	vst v23;
	v24 =	vand.u32 $0xFFFF0000, v30;
	v18 =	vmul.f32 v18, v8;
	v16 =	vbroadcast v21, $0x0  }
0xe5: {  	v21 =	vshll.u32 v30, $0x10;
	[tilespmem:s21+$0xFFFFFFD0] =	vst v22;
	v22 =	vshrl.u32 v25, $0x3;
	v25 =	vshll.u32 v20, $0x10  }
0xe6: {  	v20 =	vand.u32 $0xFFFF0000, v20;
	[tilespmem:s21+$0xFFFFFFE0] =	vst v26;
	v23 =	vmul.f32 v21, v10;
	v21 =	vmul.f32 v24, v10  }
0xe7: {  	s23 =	simm.s32 $0x4750;
	s24 =	simm.s32 $0x8;
	s25 =	simm.s32 $0x10;
	v24 =	vshll.u32 v22, v1;
	v22 =	vmul.f32 v25, v9;
	v20 =	vmul.f32 v20, v9;
	[tilespmem:s21+$0x60] =	vst v27  }
.LBB2_8:
0xe8: {  	p1 =	slt.u32 s25, $0x78;
	v24 =	vadd.s32 $0x7, v24;
	[tilespmem:s21+$0x70] =	vst v17  }
0xe9: {  	v17 =	vbroadcast v24, $0x0;
	[tilespmem:s21+$0xF0] =	vst v19  }
0xea: {  	v13 =	vld.idx.msk [tilespmem:v13+s31+$0x0], $0xffff;
	[tilespmem:s21+$0x100] =	vst v18  }
0xeb: {  	v14 =	vld.idx.msk [tilespmem:v14+s31+$0x0], $0xffff;
	[tilespmem:s21+$0x180] =	vst v23  }
0xec: {  	s26 =	sadd.s32 $0x5, s24;
	v15 =	vld.idx.msk [tilespmem:v15+s31+$0x0], $0xffff;
	[tilespmem:s21+$0x190] =	vst v21  }
0xed: {  	s22 =	sadd.s32 $0x200, s22;
	v19 =	vmov s26;
	s26 =	sadd.s32 $0x6, s24;
	v18 =	vmov s24;
	s24 =	smov.u32 s25;
	v16 =	vld.idx.msk [tilespmem:v16+s31+$0x0], $0xffff;
	[tilespmem:s21+$0x210] =	vst v12  }
0xee: {  	v23 =	vmul.f32 v2, v4;
	v12 =	vshrl.u32 v19, $0x3;
	v19 =	vmov s26;
	v21 =	vld [tilespmem:s22+$0xC0];
	[tilespmem:s21+$0xFFFFFE20] =	vst v22  }
0xef: {  	v24 =	vmul.f32 v2, v5;
	v22 =	vshll.u32 v12, v1;
	v19 =	vshrl.u32 v19, $0x3;
	v12 =	vld.idx.msk [tilespmem:v17+s31+$0x0], $0xffff;
	[tilespmem:s21+$0xFFFFFE30] =	vst v20  }
0xf0: {  	v20 =	vadd.s32 $0x5, v22;
	v19 =	vshll.u32 v19, v1;
	v22 =	vmul.f32 v2, v6;
	v4 =	vmovc v13;
	v17 =	vld [tilespmem:s22+$0xFFFFFF00];
	[tilespmem:s21+$0xFFFFFED0] =	vst v23  }
0xf1: {  	v20 =	vbroadcast v20, $0x0;
	v19 =	vadd.s32 $0x6, v19;
	v23 =	vmul.f32 v2, v7;
	v5 =	vmovc v14;
	v13 =	vld [tilespmem:s22+$0xFFFFFF40];
	[tilespmem:s21+$0xFFFFFF60] =	vst v24  }
0xf2: {  	v8 =	vmul.f32 v2, v8;
	v14 =	vshrl.u32 v18, $0x3;
	v19 =	vbroadcast v19, $0x0;
	v6 =	vmovc v15;
	v18 =	vld [tilespmem:s22+$0xFFFFFF80];
	[tilespmem:s21+$0xFFFFFFF0] =	vst v22  }
0xf3: {  	v10 =	vmul.f32 v2, v10;
	v14 =	vshll.u32 v14, v1;
	v7 =	vmov v16;
	v15 =	vld [tilespmem:s22+$0xFFFFFFC0];
	[tilespmem:s21+$0x80] =	vst v23  }
0xf4: {  	v9 =	vmul.f32 v2, v9;
	v14 =	vbroadcast v14, $0x0;
	v22 =	vshll.u32 v21, $0x10;
	v16 =	vld [tilespmem:s22+$0x0];
	[tilespmem:s21+$0x110] =	vst v8  }
0xf5: {  	v8 =	vand.u32 $0xFFFF0000, v21;
	v21 =	vmul.f32 v22, v12;
	v23 =	vshll.u32 v17, $0x10;
	v24 =	vld [tilespmem:s22+$0x40];
	[tilespmem:s21+$0x1A0] =	vst v10  }
0xf6: {  	v17 =	vand.u32 $0xFFFF0000, v17;
	v25 =	vmul.f32 v8, v12;
	s21 =	sadd.s32 $0x480, s21;
	v10 =	vshll.u32 v13, $0x10;
	v22 =	vld [tilespmem:s22+$0x80];
	[tilespmem:s23+$0x230] =	vst v11  }
0xf7: {  	v11 =	vand.u32 $0xFFFF0000, v13;
	v13 =	vshll.u32 v18, $0x10;
	v18 =	vand.u32 $0xFFFF0000, v18;
	v8 =	vld.idx.msk [tilespmem:v20+s31+$0x0], $0xffff;
	[tilespmem:s21+$0x1B0] =	vst v21  }
0xf8: {  	v20 =	vmul.f32 v10, v4;
	v21 =	vshll.u32 v15, $0x10;
	v15 =	vand.u32 $0xFFFF0000, v15;
	v10 =	vld.idx.msk [tilespmem:v19+s31+$0x0], $0xffff;
	[tilespmem:s21+$0x1C0] =	vst v25  }
0xf9: {  	v11 =	vmul.f32 v11, v4;
	v19 =	vshll.u32 v16, $0x10;
	v16 =	vand.u32 $0xFFFF0000, v16;
	v25 =	vld [tilespmem:s22+$0xD0];
	[tilespmem:s23+$0xFFFFFE40] =	vst v9;
	s23 =	smov.u32 s21  }
0xfa: {  	v13 =	vmul.f32 v13, v5;
	[tilespmem:s21+$0xFFFFFE50] =	vst v20;
	v20 =	vshll.u32 v24, $0x10;
	v24 =	vand.u32 $0xFFFF0000, v24  }
0xfb: {  	v9 =	vld.idx.msk [tilespmem:v14+s31+$0x0], $0xffff;
	[tilespmem:s21+$0xFFFFFE60] =	vst v11;
	v11 =	vmul.f32 v18, v5;
	v14 =	vshll.u32 v22, $0x10;
	v18 =	vand.u32 $0xFFFF0000, v22  }
0xfc: {  	v15 =	vmul.f32 v15, v6;
	v22 =	vld [tilespmem:s22+$0xFFFFFF50];
	[tilespmem:s21+$0xFFFFFEE0] =	vst v13;
	v13 =	vmul.f32 v21, v6  }
0xfd: {  	v16 =	vmul.f32 v16, v7;
	[tilespmem:s21+$0xFFFFFEF0] =	vst v11;
	v11 =	vmul.f32 v19, v7  }
0xfe: {  	v19 =	vld [tilespmem:s22+$0xFFFFFF90];
	[tilespmem:s21+$0xFFFFFF70] =	vst v13;
	v13 =	vmul.f32 v20, v8;
	v20 =	vmul.f32 v24, v8;
	v21 =	vshll.u32 v25, $0x10  }
0xff: {  	v14 =	vmul.f32 v14, v10;
	[tilespmem:s21+$0xFFFFFF80] =	vst v15;
	v15 =	vand.u32 $0xFFFF0000, v25;
	v21 =	vmul.f32 v21, v12  }
0x100: {  	v18 =	vmul.f32 v18, v10;
	v24 =	vld [tilespmem:s22+$0xFFFFFFD0];
	[tilespmem:s21+$0x0] =	vst v11;
	v11 =	vmul.f32 v15, v12  }
0x101: {  	v15 =	vmul.f32 v23, v9;
	v17 =	vmul.f32 v17, v9;
	v23 =	vshll.u32 v22, $0x10;
	[tilespmem:s21+$0x1D0] =	vst v21  }
0x102: {  	v21 =	vand.u32 $0xFFFF0000, v22;
	v22 =	vmul.f32 v23, v4;
	[tilespmem:s21+$0x1E0] =	vst v11;
	v11 =	vmul.f32 v2, v12  }
0x103: {  	v21 =	vmul.f32 v21, v4;
	v23 =	vshll.u32 v19, $0x10;
	v19 =	vand.u32 $0xFFFF0000, v19;
	[tilespmem:s21+$0x10] =	vst v16;
	v16 =	vld [tilespmem:s22+$0xE0]  }
0x104: {  	v23 =	vmul.f32 v23, v5;
	v19 =	vmul.f32 v19, v5;
	v25 =	vld [tilespmem:s22+$0x10];
	[tilespmem:s21+$0x90] =	vst v13  }
0x105: {  	v13 =	vshll.u32 v24, $0x10;
	v24 =	vand.u32 $0xFFFF0000, v24;
	[tilespmem:s21+$0xA0] =	vst v20  }
0x106: {  	v13 =	vmul.f32 v13, v6;
	v20 =	vmul.f32 v24, v6;
	v24 =	vld [tilespmem:s22+$0x50];
	[tilespmem:s21+$0x120] =	vst v14  }
0x107: {  	[tilespmem:s21+$0x130] =	vst v18  }
0x108: {  	[tilespmem:s21+$0xFFFFFDC0] =	vst v15;
	v14 =	vld [tilespmem:s22+$0x90];
	v15 =	vshll.u32 v16, $0x10  }
0x109: {  	v16 =	vand.u32 $0xFFFF0000, v16;
	[tilespmem:s21+$0xFFFFFDD0] =	vst v17;
	v17 =	vshll.u32 v25, $0x10;
	v15 =	vmul.f32 v15, v12  }
0x10a: {  	v16 =	vmul.f32 v16, v12;
	v18 =	vld [tilespmem:s22+$0xFFFFFF10];
	[tilespmem:s21+$0xFFFFFE70] =	vst v22;
	v22 =	vand.u32 $0xFFFF0000, v25;
	v17 =	vmul.f32 v17, v7  }
0x10b: {  	v22 =	vmul.f32 v22, v7;
	v25 =	vshll.u32 v24, $0x10;
	v24 =	vand.u32 $0xFFFF0000, v24;
	[tilespmem:s21+$0x1F0] =	vst v15  }
0x10c: {  	v15 =	vmul.f32 v25, v8;
	v24 =	vmul.f32 v24, v8;
	[tilespmem:s21+$0x200] =	vst v16  }
0x10d: {  	[tilespmem:s21+$0xFFFFFE80] =	vst v21;
	v16 =	vshll.u32 v14, $0x10;
	v14 =	vand.u32 $0xFFFF0000, v14;
	v21 =	vld [tilespmem:s22+$0xF0]  }
0x10e: {  	v25 =	vld [tilespmem:s22+$0xFFFFFF60];
	[tilespmem:s21+$0xFFFFFF00] =	vst v23;
	v16 =	vmul.f32 v16, v10;
	v14 =	vmul.f32 v14, v10  }
0x10f: {  	v23 =	vshll.u32 v18, $0x10;
	v18 =	vand.u32 $0xFFFF0000, v18;
	[tilespmem:s21+$0xFFFFFF10] =	vst v19  }
0x110: {  	v19 =	vmul.f32 v23, v9;
	v18 =	vmul.f32 v18, v9;
	v23 =	vld [tilespmem:s22+$0xFFFFFFA0];
	[tilespmem:s21+$0xFFFFFF90] =	vst v13  }
0x111: {  	[tilespmem:s21+$0xFFFFFFA0] =	vst v20  }
0x112: {  	v13 =	vld [tilespmem:s22+$0xFFFFFFE0];
	[tilespmem:s21+$0x20] =	vst v17;
	v17 =	vshll.u32 v21, $0x10;
	v20 =	vand.u32 $0xFFFF0000, v21  }
0x113: {  	v21 =	vshll.u32 v25, $0x10;
	v25 =	vand.u32 $0xFFFF0000, v25;
	[tilespmem:s21+$0x30] =	vst v22;
	v20 =	vmul.f32 v20, v12  }
0x114: {  	v21 =	vmul.f32 v21, v4;
	v22 =	vmul.f32 v25, v4;
	v25 =	vld [tilespmem:s22+$0x20];
	[tilespmem:s21+$0xB0] =	vst v15  }
0x115: {  	v12 =	vmul.f32 v17, v12;
	v15 =	vshll.u32 v23, $0x10;
	v23 =	vand.u32 $0xFFFF0000, v23;
	[tilespmem:s21+$0x220] =	vst v20  }
0x116: {  	v15 =	vmul.f32 v15, v5;
	v17 =	vmul.f32 v23, v5;
	[tilespmem:s21+$0xC0] =	vst v24  }
0x117: {  	v20 =	vshll.u32 v13, $0x10;
	v13 =	vand.u32 $0xFFFF0000, v13;
	v23 =	vld [tilespmem:s22+$0x60];
	[tilespmem:s21+$0x140] =	vst v16  }
0x118: {  	v16 =	vmul.f32 v20, v6;
	v13 =	vmul.f32 v13, v6;
	[tilespmem:s21+$0x150] =	vst v14  }
0x119: {  	s26 =	sadd.s32 $0x1, s25;
	[tilespmem:s21+$0xFFFFFDE0] =	vst v19;
	v14 =	vshll.u32 v25, $0x10;
	v19 =	vand.u32 $0xFFFF0000, v25;
	v20 =	vld [tilespmem:s22+$0xA0]  }
0x11a: {  	s10 =	sadd.s32 $0x3, s25;
	v24 =	vmov s26;
	s26 =	sadd.s32 $0x2, s25;
	[tilespmem:s21+$0xFFFFFDF0] =	vst v18;
	v14 =	vmul.f32 v14, v7;
	v18 =	vmul.f32 v19, v7  }
0x11b: {  	v25 =	vmov s10;
	s10 =	sadd.s32 $0x4, s25;
	v19 =	vmov s26;
	v26 =	vld [tilespmem:s22+$0xFFFFFF20];
	[tilespmem:s21+$0xFFFFFE90] =	vst v21  }
0x11c: {  	v21 =	vmov s10;
	[tilespmem:s21+$0xFFFFFEA0] =	vst v22;
	v22 =	vshll.u32 v23, $0x10;
	v23 =	vand.u32 $0xFFFF0000, v23  }
0x11d: {  	v24 =	vshrl.u32 v24, $0x3;
	v27 =	vld [tilespmem:s22+$0xFFFFFF70];
	[tilespmem:s21+$0xFFFFFF20] =	vst v15;
	v15 =	vmul.f32 v22, v8;
	v22 =	vmul.f32 v23, v8  }
0x11e: {  	v19 =	vshrl.u32 v19, $0x3;
	[tilespmem:s21+$0xFFFFFF30] =	vst v17;
	v17 =	vshll.u32 v20, $0x10;
	v20 =	vand.u32 $0xFFFF0000, v20  }
0x11f: {  	v23 =	vshrl.u32 v25, $0x3;
	v25 =	vld [tilespmem:s22+$0xFFFFFFB0];
	[tilespmem:s21+$0xFFFFFFB0] =	vst v16;
	v16 =	vmul.f32 v17, v10;
	v17 =	vmul.f32 v20, v10  }
0x120: {  	v20 =	vshrl.u32 v21, $0x3;
	v21 =	vshll.u32 v26, $0x10;
	v26 =	vand.u32 $0xFFFF0000, v26;
	[tilespmem:s21+$0xFFFFFFC0] =	vst v13  }
0x121: {  	v13 =	vshll.u32 v24, v1;
	v21 =	vmul.f32 v21, v9;
	v24 =	vmul.f32 v26, v9;
	v26 =	vld [tilespmem:s22+$0xFFFFFFF0];
	[tilespmem:s21+$0x40] =	vst v14  }
0x122: {  	v14 =	vshll.u32 v19, v1;
	v19 =	vshll.u32 v27, $0x10;
	v27 =	vand.u32 $0xFFFF0000, v27;
	[tilespmem:s21+$0x50] =	vst v18  }
0x123: {  	v18 =	vshll.u32 v23, v1;
	v19 =	vmul.f32 v19, v4;
	v23 =	vmul.f32 v27, v4;
	v27 =	vld [tilespmem:s22+$0x30];
	[tilespmem:s21+$0xD0] =	vst v15  }
0x124: {  	v20 =	vshll.u32 v20, v1;
	v15 =	vshll.u32 v25, $0x10;
	v25 =	vand.u32 $0xFFFF0000, v25;
	[tilespmem:s21+$0xE0] =	vst v22  }
0x125: {  	v13 =	vadd.s32 $0x1, v13;
	v22 =	vmul.f32 v15, v5;
	v25 =	vmul.f32 v25, v5;
	v28 =	vld [tilespmem:s22+$0x70];
	[tilespmem:s21+$0x160] =	vst v16  }
0x126: {  	v13 =	vbroadcast v13, $0x0;
	v15 =	vshll.u32 v26, $0x10;
	v16 =	vand.u32 $0xFFFF0000, v26;
	[tilespmem:s21+$0x170] =	vst v17  }
0x127: {  	v14 =	vadd.s32 $0x2, v14;
	[tilespmem:s21+$0xFFFFFE00] =	vst v21;
	v21 =	vmul.f32 v15, v6;
	v26 =	vmul.f32 v16, v6;
	v29 =	vld [tilespmem:s22+$0xB0]  }
0x128: {  	v14 =	vbroadcast v14, $0x0;
	[tilespmem:s21+$0xFFFFFE10] =	vst v24;
	v15 =	vshll.u32 v27, $0x10;
	v16 =	vand.u32 $0xFFFF0000, v27  }
0x129: {  	v18 =	vadd.s32 $0x3, v18;
	v24 =	vld [tilespmem:s22+$0xFFFFFF30];
	[tilespmem:s21+$0xFFFFFEB0] =	vst v19;
	v27 =	vmul.f32 v15, v7;
	v17 =	vmul.f32 v16, v7  }
0x12a: {  	v15 =	vbroadcast v18, $0x0;
	[tilespmem:s21+$0xFFFFFEC0] =	vst v23;
	v16 =	vshll.u32 v28, $0x10;
	v18 =	vand.u32 $0xFFFF0000, v28  }
.Ltmp7:
0x12b: {  	v20 =	vadd.s32 $0x4, v20;
	[tilespmem:s21+$0xFFFFFF40] =	vst v22;
	v19 =	vmul.f32 v16, v8;
	v18 =	vmul.f32 v18, v8;
	(pc) =	sbr.rel @p1 .LBB2_8-.Ltmp7, $4  }
0x12c: {  	s10 =	sadd.s32 $0x7, s25;
	v16 =	vbroadcast v20, $0x0;
	[tilespmem:s21+$0xFFFFFF50] =	vst v25;
	v20 =	vshll.u32 v29, $0x10;
	v22 =	vand.u32 $0xFFFF0000, v29  }
0x12d: {  	v25 =	vmov s10;
	[tilespmem:s21+$0xFFFFFFD0] =	vst v21;
	v23 =	vmul.f32 v20, v10;
	v21 =	vmul.f32 v22, v10  }
0x12e: {  	v20 =	vshrl.u32 v25, $0x3;
	v22 =	vshll.u32 v24, $0x10;
	v25 =	vand.u32 $0xFFFF0000, v24;
	[tilespmem:s21+$0xFFFFFFE0] =	vst v26  }
0x12f: {  	s25 =	sadd.s32 $0x8, s25;
	v24 =	vshll.u32 v20, v1;
	v22 =	vmul.f32 v22, v9;
	v20 =	vmul.f32 v25, v9;
	[tilespmem:s21+$0x60] =	vst v27  }
0x130: {  	[tilespmem:s21+$0x70] =	vst v17  }
0x131: {  	[tilespmem:s21+$0xF0] =	vst v19  }
0x132: {  	[tilespmem:s21+$0x100] =	vst v18  }
0x133: {  	[tilespmem:s21+$0x180] =	vst v23  }
0x134: {  	[tilespmem:s21+$0x190] =	vst v21  }
0x135: {  	[tilespmem:s21+$0x210] =	vst v12  }
0x136: {  	s22 =	sadd.s32 $0x200, s22;
	v33 =	vmul.f32 v2, v4;
	v35 =	vmul.f32 v2, v5;
	v5 =	vld.idx.msk [tilespmem:v13+s31+$0x0], $0xffff;
	[tilespmem:s21+$0xFFFFFE20] =	vst v22  }
0x137: {  	v6 =	vmul.f32 v2, v6;
	v7 =	vmul.f32 v2, v7;
	v34 =	vld [tilespmem:s22+$0xC0];
	[tilespmem:s21+$0xFFFFFE30] =	vst v20  }
0x138: {  	v32 =	vadd.s32 $0x7, v24;
	v8 =	vmul.f32 v2, v8;
	v10 =	vmul.f32 v2, v10;
	v38 =	vld [tilespmem:s22+$0xFFFFFF40];
	[tilespmem:s23+$0x230] =	vst v11  }
0x139: {  	s10 =	sadd.s32 $0x5, s24;
	v36 =	vmov s24;
	s25 =	sadd.s32 $0x6, s24;
	v9 =	vmul.f32 v2, v9;
	v17 =	vbroadcast v32, $0x0;
	v40 =	vld [tilespmem:s22+$0xFFFFFF80];
	[tilespmem:s21+$0xFFFFFED0] =	vst v33  }
0x13a: {  	v37 =	vmov s10;
	v39 =	vmov s25;
	v47 =	vld [tilespmem:s22+$0xFFFFFFC0];
	v12 =	vshrl.u32 v36, $0x3;
	[tilespmem:s21+$0xFFFFFF60] =	vst v35  }
0x13b: {  	[tilespmem:s21+$0xFFFFFFF0] =	vst v6;
	v6 =	vld.idx.msk [tilespmem:v14+s31+$0x0], $0xffff;
	v13 =	vshrl.u32 v37, $0x3;
	v14 =	vshrl.u32 v39, $0x3;
	v53 =	vshll.u32 v12, v1  }
0x13c: {  	v49 =	vld [tilespmem:s22+$0x0];
	[tilespmem:s21+$0x80] =	vst v7;
	v13 =	vshll.u32 v13, v1;
	v45 =	vshll.u32 v14, v1;
	v56 =	vbroadcast v53, $0x0  }
0x13d: {  	v7 =	vld.idx.msk [tilespmem:v15+s31+$0x0], $0xffff;
	[tilespmem:s21+$0x1A0] =	vst v10;
	v42 =	vadd.s32 $0x5, v13;
	v10 =	vadd.s32 $0x6, v45;
	v48 =	vshll.u32 v38, $0x10  }
0x13e: {  	v58 =	vld [tilespmem:s22+$0x40];
	[tilespmem:s21+$0x110] =	vst v8;
	v46 =	vbroadcast v42, $0x0;
	v50 =	vand.u32 $0xFFFF0000, v38;
	v11 =	vmul.f32 v48, v5  }
0x13f: {  	s26 =	sadd.s32 $0x480, s21;
	v8 =	vld.idx.msk [tilespmem:v16+s31+$0x0], $0xffff;
	[tilespmem:s23+$0xFFFFFE40] =	vst v9;
	v10 =	vbroadcast v10, $0x0;
	v51 =	vshll.u32 v40, $0x10;
	v16 =	vmul.f32 v50, v5  }
0x140: {  	v61 =	vld [tilespmem:s22+$0x80];
	v54 =	vand.u32 $0xFFFF0000, v40;
	v55 =	vmul.f32 v51, v6;
	[tilespmem:s26+$0xFFFFFE50] =	vst v11  }
0x141: {  	v57 =	vshll.u32 v47, $0x10;
	v4 =	vld.idx.msk [tilespmem:v17+s31+$0x0], $0xffff;
	v12 =	vmul.f32 v54, v6;
	[tilespmem:s26+$0xFFFFFE60] =	vst v16  }
0x142: {  	v21 =	vld [tilespmem:s22+$0xFFFFFF00];
	v18 =	vand.u32 $0xFFFF0000, v47;
	v59 =	vmul.f32 v57, v7;
	[tilespmem:s26+$0xFFFFFEE0] =	vst v55  }
0x143: {  	v60 =	vshll.u32 v49, $0x10;
	v18 =	vmul.f32 v18, v7;
	[tilespmem:s26+$0xFFFFFEF0] =	vst v12;
	v11 =	vld.idx.msk [tilespmem:v56+s31+$0x0], $0xffff  }
0x144: {  	v15 =	vand.u32 $0xFFFF0000, v49;
	v14 =	vmul.f32 v60, v8;
	[tilespmem:s26+$0xFFFFFF70] =	vst v59;
	v9 =	vld.idx.msk [tilespmem:v46+s31+$0x0], $0xffff  }
0x145: {  	v41 =	vshll.u32 v34, $0x10;
	v24 =	vmul.f32 v15, v8;
	[tilespmem:s26+$0xFFFFFF80] =	vst v18;
	v10 =	vld.idx.msk [tilespmem:v10+s31+$0x0], $0xffff  }
0x146: {  	v43 =	vand.u32 $0xFFFF0000, v34;
	[tilespmem:s26+$0x0] =	vst v14;
	v26 =	vld [tilespmem:s22+$0xFFFFFF50];
	v44 =	vmul.f32 v41, v4  }
0x147: {  	v30 =	vand.u32 $0xFFFF0000, v21;
	[tilespmem:s26+$0x10] =	vst v24;
	v31 =	vld [tilespmem:s22+$0xFFFFFF90];
	v13 =	vmul.f32 v43, v4  }
0x148: {  	v25 =	vand.u32 $0xFFFF0000, v58;
	[tilespmem:s26+$0x1B0] =	vst v44;
	v32 =	vmul.f32 v30, v11  }
0x149: {  	v27 =	vshll.u32 v61, $0x10;
	v37 =	vld [tilespmem:s22+$0x10];
	[tilespmem:s26+$0x1C0] =	vst v13;
	v15 =	vmul.f32 v25, v9  }
0x14a: {  	v12 =	vand.u32 $0xFFFF0000, v61;
	v14 =	vmul.f32 v27, v10;
	[tilespmem:s26+$0xFFFFFDD0] =	vst v32  }
0x14b: {  	v52 =	vld [tilespmem:s22+$0xD0];
	v16 =	vand.u32 $0xFFFF0000, v26;
	v12 =	vmul.f32 v12, v10;
	[tilespmem:s26+$0xA0] =	vst v15  }
0x14c: {  	v39 =	vshll.u32 v31, $0x10;
	v38 =	vmul.f32 v16, v5;
	[tilespmem:s26+$0x120] =	vst v14  }
0x14d: {  	v34 =	vld [tilespmem:s22+$0xFFFFFFD0];
	v40 =	vand.u32 $0xFFFF0000, v31;
	v16 =	vmul.f32 v39, v6;
	[tilespmem:s26+$0x130] =	vst v12  }
0x14e: {  	v45 =	vshll.u32 v37, $0x10;
	v42 =	vmul.f32 v40, v6;
	[tilespmem:s26+$0xFFFFFE80] =	vst v38  }
0x14f: {  	v33 =	vshll.u32 v26, $0x10;
	v47 =	vmul.f32 v45, v8;
	[tilespmem:s26+$0xFFFFFF00] =	vst v16  }
0x150: {  	v15 =	vmul.f32 v33, v5;
	[tilespmem:s26+$0xFFFFFF10] =	vst v42;
	v62 =	vshll.u32 v52, $0x10  }
0x151: {  	[tilespmem:s26+$0x20] =	vst v47;
	v44 =	vld [tilespmem:s22+$0x90];
	v17 =	vand.u32 $0xFFFF0000, v52;
	v63 =	vmul.f32 v62, v4  }
0x152: {  	v43 =	vshll.u32 v34, $0x10;
	[tilespmem:s26+$0xFFFFFE70] =	vst v15;
	v22 =	vmul.f32 v17, v4  }
0x153: {  	v23 =	vshll.u32 v58, $0x10;
	v14 =	vmul.f32 v43, v7;
	v52 =	vld [tilespmem:s22+$0xFFFFFF60];
	[tilespmem:s26+$0x1D0] =	vst v63  }
0x154: {  	v12 =	vand.u32 $0xFFFF0000, v34;
	v17 =	vmul.f32 v23, v9;
	[tilespmem:s26+$0x1E0] =	vst v22  }
0x155: {  	v29 =	vshll.u32 v21, $0x10;
	v12 =	vmul.f32 v12, v7;
	[tilespmem:s26+$0xFFFFFF90] =	vst v14;
	v28 =	vld [tilespmem:s22+$0xE0]  }
0x156: {  	[tilespmem:s26+$0x90] =	vst v17;
	v17 =	vmul.f32 v29, v11;
	v55 =	vshll.u32 v44, $0x10  }
0x157: {  	[tilespmem:s26+$0xFFFFFFA0] =	vst v12;
	v41 =	vld [tilespmem:s22+$0x50];
	v56 =	vand.u32 $0xFFFF0000, v44;
	v57 =	vmul.f32 v55, v10  }
0x158: {  	[tilespmem:s26+$0xFFFFFDC0] =	vst v17;
	v12 =	vmul.f32 v56, v10;
	v61 =	vshll.u32 v52, $0x10  }
0x159: {  	v60 =	vld [tilespmem:s22+$0xFFFFFFE0];
	v62 =	vand.u32 $0xFFFF0000, v52;
	[tilespmem:s26+$0x140] =	vst v57;
	v16 =	vmul.f32 v61, v5  }
0x15a: {  	[tilespmem:s26+$0x150] =	vst v12;
	v12 =	vmul.f32 v62, v5;
	v35 =	vshll.u32 v28, $0x10  }
0x15b: {  	v13 =	vand.u32 $0xFFFF0000, v28;
	[tilespmem:s26+$0xFFFFFE90] =	vst v16;
	v36 =	vmul.f32 v35, v4  }
0x15c: {  	v48 =	vld [tilespmem:s22+$0xFFFFFF10];
	v49 =	vshll.u32 v41, $0x10;
	[tilespmem:s26+$0xFFFFFEA0] =	vst v12;
	v13 =	vmul.f32 v13, v4  }
0x15d: {  	v18 =	vand.u32 $0xFFFF0000, v41;
	v50 =	vmul.f32 v49, v9;
	[tilespmem:s26+$0x1F0] =	vst v36  }
0x15e: {  	v58 =	vld [tilespmem:s22+$0xFFFFFFA0];
	v24 =	vshll.u32 v60, $0x10;
	v54 =	vmul.f32 v18, v9;
	[tilespmem:s26+$0x200] =	vst v13  }
0x15f: {  	v25 =	vand.u32 $0xFFFF0000, v60;
	v16 =	vmul.f32 v24, v7;
	[tilespmem:s26+$0xB0] =	vst v50  }
0x160: {  	v46 =	vand.u32 $0xFFFF0000, v37;
	v12 =	vmul.f32 v25, v7;
	[tilespmem:s26+$0xC0] =	vst v54;
	v15 =	vld [tilespmem:s22+$0xF0]  }
0x161: {  	v14 =	vand.u32 $0xFFFF0000, v48;
	[tilespmem:s26+$0xFFFFFFB0] =	vst v16;
	v13 =	vmul.f32 v46, v8;
	v23 =	vld [tilespmem:s22+$0x60]  }
0x162: {  	v59 =	vshll.u32 v48, $0x10;
	[tilespmem:s26+$0xFFFFFFC0] =	vst v12;
	v14 =	vmul.f32 v14, v11  }
0x163: {  	v22 =	vand.u32 $0xFFFF0000, v58;
	[tilespmem:s26+$0x30] =	vst v13;
	v13 =	vmul.f32 v59, v11  }
0x164: {  	v21 =	vshll.u32 v58, $0x10;
	[tilespmem:s26+$0xFFFFFDF0] =	vst v14;
	v14 =	vmul.f32 v22, v6  }
0x165: {  	v63 =	vld [tilespmem:s22+$0x20];
	[tilespmem:s26+$0xFFFFFDE0] =	vst v13;
	v13 =	vmul.f32 v21, v6;
	v51 =	vand.u32 $0xFFFF0000, v15  }
0x166: {  	[tilespmem:s26+$0xFFFFFF30] =	vst v14;
	v30 =	vshll.u32 v23, $0x10;
	v53 =	vmul.f32 v51, v4  }
0x167: {  	[tilespmem:s26+$0xFFFFFF20] =	vst v13;
	v31 =	vand.u32 $0xFFFF0000, v23;
	v16 =	vmul.f32 v30, v9  }
0x168: {  	v26 =	vld [tilespmem:s22+$0xA0];
	v15 =	vshll.u32 v15, $0x10;
	v12 =	vmul.f32 v31, v9;
	[tilespmem:s26+$0x220] =	vst v53  }
0x169: {  	v56 =	vmul.f32 v15, v4;
	[tilespmem:s26+$0xD0] =	vst v16  }
0x16a: {  	v29 =	vld [tilespmem:s22+$0xFFFFFF20];
	v4 =	vmul.f32 v2, v4;
	v27 =	vshll.u32 v63, $0x10;
	[tilespmem:s26+$0xE0] =	vst v12  }
0x16b: {  	v28 =	vand.u32 $0xFFFF0000, v63;
	v13 =	vmul.f32 v27, v8;
	[tilespmem:s26+$0x210] =	vst v56  }
0x16c: {  	v14 =	vmul.f32 v28, v8;
	[tilespmem:s26+$0x230] =	vst v4  }
0x16d: {  	v32 =	vld [tilespmem:s22+$0xFFFFFF70];
	v33 =	vshll.u32 v26, $0x10;
	v59 =	vmul.f32 v2, v8;
	[tilespmem:s26+$0x40] =	vst v13  }
0x16e: {  	v34 =	vand.u32 $0xFFFF0000, v26;
	v35 =	vld [tilespmem:s22+$0xFFFFFFB0];
	[tilespmem:s26+$0x50] =	vst v14;
	v13 =	vmul.f32 v33, v10  }
0x16f: {  	v36 =	vshll.u32 v29, $0x10;
	v14 =	vmul.f32 v34, v10;
	v41 =	vld [tilespmem:s22+$0x30];
	[tilespmem:s26+$0x80] =	vst v59  }
0x170: {  	v37 =	vand.u32 $0xFFFF0000, v29;
	v16 =	vmul.f32 v36, v11;
	[tilespmem:s26+$0x160] =	vst v13  }
0x171: {  	v12 =	vmul.f32 v37, v11;
	[tilespmem:s26+$0x170] =	vst v14  }
0x172: {  	v60 =	vmul.f32 v2, v10;
	v39 =	vshll.u32 v32, $0x10;
	[tilespmem:s26+$0xFFFFFE00] =	vst v16  }
0x173: {  	v38 =	vld [tilespmem:s22+$0xFFFFFFF0];
	v40 =	vand.u32 $0xFFFF0000, v32;
	v13 =	vmul.f32 v39, v5;
	[tilespmem:s26+$0xFFFFFE10] =	vst v12  }
0x174: {  	v42 =	vshll.u32 v35, $0x10;
	v14 =	vmul.f32 v40, v5;
	v47 =	vld [tilespmem:s22+$0xB0];
	[tilespmem:s26+$0x1A0] =	vst v60  }
0x175: {  	v43 =	vand.u32 $0xFFFF0000, v35;
	v16 =	vmul.f32 v42, v6;
	[tilespmem:s26+$0xFFFFFEB0] =	vst v13  }
0x176: {  	v44 =	vld [tilespmem:s22+$0x70];
	v12 =	vmul.f32 v43, v6;
	[tilespmem:s26+$0xFFFFFEC0] =	vst v14  }
0x177: {  	v5 =	vmul.f32 v2, v5;
	[tilespmem:s26+$0xFFFFFF40] =	vst v16  }
0x178: {  	v45 =	vshll.u32 v38, $0x10;
	v6 =	vmul.f32 v2, v6;
	[tilespmem:s26+$0xFFFFFF50] =	vst v12  }
0x179: {  	v46 =	vand.u32 $0xFFFF0000, v38;
	v13 =	vmul.f32 v45, v7;
	[tilespmem:s26+$0xFFFFFED0] =	vst v5  }
0x17a: {  	v14 =	vmul.f32 v46, v7;
	[tilespmem:s26+$0xFFFFFF60] =	vst v6  }
0x17b: {  	v51 =	vshll.u32 v44, $0x10;
	v5 =	vmul.f32 v2, v7;
	[tilespmem:s26+$0xFFFFFFD0] =	vst v13  }
0x17c: {  	v52 =	vand.u32 $0xFFFF0000, v44;
	v53 =	vmul.f32 v51, v9;
	[tilespmem:s26+$0xFFFFFFE0] =	vst v14  }
0x17d: {  	v14 =	vmul.f32 v52, v9;
	[tilespmem:s26+$0xFFFFFFF0] =	vst v5  }
0x17e: {  	v50 =	vld [tilespmem:s22+$0xFFFFFF30];
	v48 =	vshll.u32 v41, $0x10;
	v5 =	vmul.f32 v2, v9;
	[tilespmem:s26+$0xF0] =	vst v53  }
0x17f: {  	v49 =	vand.u32 $0xFFFF0000, v41;
	v16 =	vmul.f32 v48, v8;
	[tilespmem:s26+$0x100] =	vst v14  }
0x180: {  	v12 =	vmul.f32 v49, v8;
	[tilespmem:s26+$0x110] =	vst v5  }
0x181: {  	v54 =	vshll.u32 v47, $0x10;
	v5 =	vmul.f32 v2, v11;
	[tilespmem:s26+$0x60] =	vst v16  }
0x182: {  	v55 =	vand.u32 $0xFFFF0000, v47;
	[tilespmem:s26+$0x70] =	vst v12;
	v16 =	vmul.f32 v54, v10  }
0x183: {  	v57 =	vshll.u32 v50, $0x10;
	v12 =	vmul.f32 v55, v10;
	[tilespmem:s26+$0xFFFFFE40] =	vst v5  }
0x184: {  	v13 =	vand.u32 $0xFFFF0000, v50;
	v15 =	vmul.f32 v57, v11;
	[tilespmem:s26+$0x180] =	vst v16  }
0x185: {  	v58 =	vmul.f32 v13, v11;
	[tilespmem:s26+$0x190] =	vst v12  }
0x186: {  	[tilespmem:s26+$0xFFFFFE20] =	vst v15  }
0x187: {  	[tilespmem:s26+$0xFFFFFE30] =	vst v58  }
0x188: {  	v4 =	vld [tilespmem:$0x110]  }
0x189: {  	v5 =	vld [tilespmem:$0x120]  }
0x18a: {  	v6 =	vld [tilespmem:$0x130]  }
0x18b: {  	v61 =	vld [tilespmem:$0x140]  }
0x18c: {  	v62 =	vld [tilespmem:$0x150]  }
0x18d: {  	v63 =	vld [tilespmem:$0x180];
	[tilespmem:$0x4490] =	vst v4  }
0x18e: {  	v4 =	vld [tilespmem:$0x160];
	[tilespmem:$0x44A0] =	vst v5  }
0x18f: {  	v5 =	vld [tilespmem:$0x170];
	[tilespmem:$0x44B0] =	vst v6  }
0x190: {  	[tilespmem:$0x44C0] =	vst v61  }
0x191: {  	[tilespmem:$0x44D0] =	vst v62  }
0x192: {  	s10 =	sadd.s32 s16, s14;
	[tilespmem:$0x4500] =	vst v63  }
0x193: {  	p1 =	sgt.u32 s10, $0x9C3;
	[tilespmem:$0x44E0] =	vst v4  }
0x194: {  	s10 =	sshll.u32 @!p1 s10, $0x4;
	[tilespmem:$0x44F0] =	vst v5  }
0x195: {  	[spmem:s3] =	stream.indirect.scatter.add.f32 [tilespmem:s29], [sflag:$0x3], $0x90, s8, s5, $0xb8;
	[tilespmem:$0x1ECA0] =	vst v63  }
0x196: {  	s23 =	simm.s32 @!p1 $0x10;
	s21 =	sadd.s32 @!p1 s1, s10;
	s22 =	simm.s32 @!p1 $0x0  }
0x197: {  	[tilespmem:s23], [sflag:$0x1] =	stream.linear.gather @!p1 [hbm4b:s21+s22], $0x80, $0x38;
	[tilespmem:$0x1ECA0] =	vst v63  }
0x198: {  	s10 =	sadd.s32 @!p1 s10, s20;
	s21 =	simm.s32 @!p1 $0x110  }
0x199: {  	[tilespmem:s21], [sflag:$0x1] =	stream.linear.gather @!p1 [hbm4b:s10+s22], $0x80, $0x38;
	[tilespmem:$0x1ECA0] =	vst v63  }
0x19a: {  	s10 =	simm.s32 @!p1 $0x1  }
0x19b: {  	_ =	swait.ge @!p1 [sflag:s10], $0x80  }
0x19c: {  	[sflag:s10] =	ssyncset.done @!p1 $0x0  }
0x19d: {  	[sflag:s10] =	ssyncadd.s32 @!p1 $0xFFFFFF80  }
0x19e: {  	_ =	swait.ge @!p1 [sflag:s10], $0x80  }
0x19f: {  	[sflag:s10] =	ssyncset.done @!p1 $0x0  }
0x1a0: {  	[sflag:s10] =	ssyncadd.s32 @!p1 $0xFFFFFF80  }
0x1a1: {  	_ =	swait.ge [sflag:s11], $0x4800  }
0x1a2: {  	[sflag:s11] =	ssyncset.done $0x0  }
0x1a3: {  	s10 =	simm.s32 @!p0 $0x2;
	[sflag:s11] =	ssyncadd.s32 $0xFFFFB800  }
0x1a4: {  	_ =	swait.ge @!p0 [sflag:s10], $0x2000  }
0x1a5: {  	[sflag:s10] =	ssyncset.done @!p0 $0x0  }
0x1a6: {  	[sflag:s10] =	ssyncadd.s32 @!p0 $0xFFFFE000  }
0x1a7: {  	_ =	swait.ge @!p0 [sflag:s10], $0x80  }
0x1a8: {  	[sflag:s10] =	ssyncset.done @!p0 $0x0  }
0x1a9: {  	[sflag:s10] =	ssyncadd.s32 @!p0 $0xFFFFFF80  }
0x1aa: {  	_ =	swait.ge @!p0 [sflag:s10], $0x80  }
0x1ab: {  	[sflag:s10] =	ssyncset.done @!p0 $0x0  }
0x1ac: {  	[sflag:s10] =	ssyncadd.s32 @!p0 $0xFFFFFF80  }
.LBB2_10:
.Ltmp8:
0x1ad: {  	(pc) =	sbr.rel @p0 .LBB2_16-.Ltmp8, $1  }
0x1ae: {  	_ =	sdelay $0x3  }
0x1af: {  	p0 =	sge.u32 s14, s17  }
0x1b0: {  	s10 =	simm.s32 @!p0 $0x80;
	s21 =	simm.s32 @!p0 $0x10;
	s22 =	simm.s32 @!p0 $0x490  }
0x1b1: {  	[tilespmem:s22], [sflag:$0x2] =	stream.indirect.gather @!p0 [hbm4b:s2+s10], $0x40, s21, s10, $0xb8;
	[tilespmem:$0x1ECA0] =	vst v63  }
0x1b2: {  	s23 =	simm.s32 $0x0;
	p1 =	por $0x1, $0x1;
	s22 =	simm.s32 @!p0 $0x210  }
0x1b3: {  	[tilespmem:s22], [sflag:$0x2] =	stream.indirect.gather @!p0 [hbm4b:s6+s10], $0x1, s21, s10, $0xb8;
	[tilespmem:$0x1ECA0] =	vst v63  }
0x1b4: {  	s24 =	simm.s32 $0x0;
	s21 =	simm.s32 @!p0 $0x110;
	s22 =	simm.s32 @!p0 $0x310  }
0x1b5: {  	[tilespmem:s22], [sflag:$0x2] =	stream.indirect.gather @!p0 [hbm4b:s7+s10], $0x1, s21, s10, $0xb8;
	[tilespmem:$0x1ECA0] =	vst v63  }
.LBB2_12:
0x1b6: {  	v4 =	vld [tilespmem:s24+$0x390]  }
0x1b7: {  	v5 =	vld [tilespmem:s24+$0x290]  }
0x1b8: {  	v6 =	vld [tilespmem:s24+$0x2A0]  }
0x1b9: {  	v7 =	vld [tilespmem:s24+$0x3A0]  }
0x1ba: {  	v8 =	vld [tilespmem:s24+$0x3B0]  }
0x1bb: {  	v10 =	vld [tilespmem:s24+$0x2B0];
	_ =	sdelay $0x1  }
0x1bc: {  	v12 =	vld [tilespmem:s24+$0x3C0];
	v9 =	vadd.f32 v4, v3  }
0x1bd: {  	v4 =	vadd.f32 v4, v5;
	v5 =	vld [tilespmem:s24+$0x2C0];
	v14 =	vadd.f32 v7, v3  }
0x1be: {  	v6 =	vadd.f32 v7, v6;
	v56 =	vadd.f32 v8, v3;
	v11 =	vmul.f32 $2.000000030e-01, v9  }
0x1bf: {  	v8 =	vadd.f32 v8, v10;
	v13 =	vmul.f32 $2.000000030e-01, v4;
	v57 =	vmul.f32 $2.000000030e-01, v14  }
0x1c0: {  	v58 =	vmul.f32 $2.000000030e-01, v6;
	v59 =	vmul.f32 $2.000000030e-01, v56  }
0x1c1: {  	v60 =	vmul.f32 $2.000000030e-01, v8;
	v9 =	vmax.f32 v9, v11;
	v4 =	vmax.f32 v4, v13  }
0x1c2: {  	v11 =	vmax.f32 v14, v57;
	v5 =	vadd.f32 v12, v5;
	v12 =	vadd.f32 v12, v3  }
0x1c3: {  	v6 =	vmax.f32 v6, v58;
	v7 =	vmax.f32 v56, v59;
	v8 =	vmax.f32 v8, v60  }
0x1c4: {  	v4 =	vsub.f32 v4, v9;
	v61 =	vmul.f32 $2.000000030e-01, v12;
	v62 =	vmul.f32 $2.000000030e-01, v5  }
0x1c5: {  	v6 =	vsub.f32 v6, v11;
	v7 =	vsub.f32 v8, v7  }
0x1c6: {  	v4 =	vmul.f32 $1.442695020e+00, v4;
	v63 =	vmax.f32 v12, v61;
	v5 =	vmax.f32 v5, v62  }
0x1c7: {  	v6 =	vmul.f32 $1.442695020e+00, v6;
	v5 =	vsub.f32 v5, v63  }
0x1c8: {  	(erf) = vpow2.f32 v4;
	v4 =	vmul.f32 $1.442695020e+00, v7  }
0x1c9: {  	(erf) = vpow2.f32 v6;
	v5 =	vmul.f32 $1.442695020e+00, v5  }
0x1ca: {  	(erf) = vpow2.f32 v4  }
0x1cb: {  	(erf) = vpow2.f32 v5;
	_ =	sdelay $0x4  }
0x1cc: {  	p2 =	por p1, p1  }
.Ltmp9:
0x1cd: {  	v4 =	vpop (erf);
	(pc) =	sbr.rel @p2 .LBB2_12-.Ltmp9, $4  }
0x1ce: {  	v5 =	vpop (erf);
	[tilespmem:s24+$0x410] =	vst v4  }
0x1cf: {  	v4 =	vpop (erf);
	[tilespmem:s24+$0x420] =	vst v5  }
0x1d0: {  	s22 =	simm.s32 $0x2590;
	[tilespmem:s24+$0x430] =	vst v4;
	v4 =	vpop (erf)  }
0x1d1: {  	s21 =	simm.s32 $0x4750;
	p1 =	por $0x0, $0x0;
	[tilespmem:s24+$0x440] =	vst v4;
	s24 =	simm.s32 $0x40  }
0x1d2: {  	s10 =	simm.s32 $0x7  }
0x1d3: {  	v4 =	vmov s10  }
0x1d4: {  	v4 =	vshrl.u32 v4, $0x3  }
0x1d5: {  	s24 =	simm.s32 $0x1;
	s25 =	simm.s32 $0x3;
	v4 =	vshll.u32 v4, v1  }
0x1d6: {  	v5 =	vmov s24;
	s24 =	simm.s32 $0x2;
	v7 =	vmov s25;
	v4 =	vadd.s32 $0x7, v4  }
0x1d7: {  	s26 =	simm.s32 $0x4;
	v5 =	vshrl.u32 v5, $0x3;
	v6 =	vmov s24;
	v4 =	vbroadcast v4, $0x0  }
0x1d8: {  	v8 =	vmov s26;
	v5 =	vshll.u32 v5, v1;
	v6 =	vshrl.u32 v6, $0x3  }
0x1d9: {  	v7 =	vshrl.u32 v7, $0x3;
	v5 =	vadd.s32 $0x1, v5;
	v6 =	vshll.u32 v6, v1  }
0x1da: {  	v7 =	vshll.u32 v7, v1;
	v5 =	vbroadcast v5, $0x0;
	v6 =	vadd.s32 $0x2, v6  }
0x1db: {  	v9 =	vld [tilespmem:s22+$0xC0];
	v8 =	vshrl.u32 v8, $0x3;
	v7 =	vadd.s32 $0x3, v7;
	v6 =	vbroadcast v6, $0x0  }
0x1dc: {  	v8 =	vshll.u32 v8, v1;
	v7 =	vbroadcast v7, $0x0  }
0x1dd: {  	v8 =	vadd.s32 $0x4, v8;
	v12 =	vld.idx.msk [tilespmem:v4+s31+$0x0], $0xffff  }
0x1de: {  	v11 =	vld [tilespmem:s22+$0xFFFFFF40];
	v8 =	vbroadcast v8, $0x0  }
0x1df: {  	v15 =	vld [tilespmem:s22+$0xFFFFFF80];
	s24 =	simm.s32 $0x5  }
0x1e0: {  	v13 =	vmov s23;
	s25 =	simm.s32 $0x6;
	v10 =	vmov s24;
	v16 =	vshll.u32 v9, $0x10;
	v4 =	vld.idx.msk [tilespmem:v5+s31+$0x0], $0xffff  }
0x1e1: {  	v9 =	vand.u32 $0xFFFF0000, v9;
	v5 =	vld.idx.msk [tilespmem:v6+s31+$0x0], $0xffff;
	v6 =	vshrl.u32 v10, $0x3;
	v10 =	vmov s25  }
0x1e2: {  	v14 =	vshll.u32 v6, v1;
	v6 =	vld.idx.msk [tilespmem:v7+s31+$0x0], $0xffff;
	v7 =	vshrl.u32 v10, $0x3;
	v10 =	vmul.f32 v16, v12  }
0x1e3: {  	v17 =	vld [tilespmem:s22+$0xFFFFFFC0];
	v14 =	vadd.s32 $0x5, v14;
	v16 =	vshll.u32 v7, v1;
	v9 =	vmul.f32 v9, v12  }
0x1e4: {  	v7 =	vld.idx.msk [tilespmem:v8+s31+$0x0], $0xffff;
	v8 =	vbroadcast v14, $0x0;
	v14 =	vadd.s32 $0x6, v16;
	v16 =	vshll.u32 v11, $0x10;
	[tilespmem:s21+$0x1B0] =	vst v10  }
0x1e5: {  	v11 =	vand.u32 $0xFFFF0000, v11;
	v10 =	vshrl.u32 v13, $0x3;
	v13 =	vld [tilespmem:s22+$0x0];
	v16 =	vmul.f32 v16, v4;
	[tilespmem:s21+$0x1C0] =	vst v9  }
0x1e6: {  	v9 =	vbroadcast v14, $0x0;
	v14 =	vshll.u32 v15, $0x10;
	v11 =	vmul.f32 v11, v4;
	v18 =	vld [tilespmem:s22+$0xD0]  }
0x1e7: {  	v15 =	vand.u32 $0xFFFF0000, v15;
	v10 =	vshll.u32 v10, v1;
	v14 =	vmul.f32 v14, v5;
	[tilespmem:s21+$0xFFFFFE50] =	vst v16  }
0x1e8: {  	v16 =	vbroadcast v10, $0x0;
	v10 =	vshll.u32 v17, $0x10;
	[tilespmem:s21+$0xFFFFFE60] =	vst v11;
	v11 =	vmul.f32 v15, v5  }
0x1e9: {  	v15 =	vld [tilespmem:s22+$0x40];
	v17 =	vand.u32 $0xFFFF0000, v17;
	[tilespmem:s21+$0xFFFFFEE0] =	vst v14;
	v10 =	vmul.f32 v10, v6  }
0x1ea: {  	v17 =	vmul.f32 v17, v6;
	v8 =	vld.idx.msk [tilespmem:v8+s31+$0x0], $0xffff;
	[tilespmem:s21+$0xFFFFFEF0] =	vst v11;
	v14 =	vshll.u32 v13, $0x10  }
0x1eb: {  	v11 =	vld [tilespmem:s22+$0x80];
	[tilespmem:s21+$0xFFFFFF70] =	vst v10;
	v14 =	vmul.f32 v14, v7;
	v19 =	vshll.u32 v18, $0x10  }
0x1ec: {  	[tilespmem:s21+$0xFFFFFF80] =	vst v17;
	v10 =	vld.idx.msk [tilespmem:v9+s31+$0x0], $0xffff;
	v9 =	vand.u32 $0xFFFF0000, v18;
	v17 =	vmul.f32 v19, v12  }
0x1ed: {  	v13 =	vand.u32 $0xFFFF0000, v13;
	v18 =	vld [tilespmem:s22+$0xFFFFFF00];
	[tilespmem:s21+$0x0] =	vst v14;
	v14 =	vmul.f32 v9, v12  }
0x1ee: {  	v13 =	vmul.f32 v13, v7;
	v19 =	vshll.u32 v15, $0x10;
	v9 =	vld.idx.msk [tilespmem:v16+s31+$0x0], $0xffff;
	[tilespmem:s21+$0x1D0] =	vst v17  }
0x1ef: {  	v15 =	vand.u32 $0xFFFF0000, v15;
	v16 =	vld [tilespmem:s22+$0xFFFFFF50];
	v17 =	vmul.f32 v19, v8;
	[tilespmem:s21+$0x1E0] =	vst v14  }
0x1f0: {  	[tilespmem:s21+$0x10] =	vst v13;
	v15 =	vmul.f32 v15, v8;
	v14 =	vshll.u32 v11, $0x10;
	v13 =	vld [tilespmem:s22+$0xE0]  }
0x1f1: {  	v11 =	vand.u32 $0xFFFF0000, v11;
	v14 =	vmul.f32 v14, v10;
	[tilespmem:s21+$0x90] =	vst v17  }
0x1f2: {  	v17 =	vshll.u32 v18, $0x10;
	v11 =	vmul.f32 v11, v10;
	[tilespmem:s21+$0xA0] =	vst v15  }
0x1f3: {  	v15 =	vand.u32 $0xFFFF0000, v18;
	v18 =	vld [tilespmem:s22+$0xFFFFFF90];
	v17 =	vmul.f32 v17, v9;
	[tilespmem:s21+$0x120] =	vst v14  }
0x1f4: {  	v14 =	vmul.f32 v15, v9;
	v15 =	vshll.u32 v16, $0x10;
	[tilespmem:s21+$0x130] =	vst v11  }
0x1f5: {  	v19 =	vld [tilespmem:s22+$0xFFFFFFD0];
	v11 =	vmul.f32 v15, v4;
	[tilespmem:s21+$0xFFFFFDC0] =	vst v17;
	v15 =	vshll.u32 v13, $0x10  }
0x1f6: {  	[tilespmem:s21+$0xFFFFFDD0] =	vst v14;
	v13 =	vand.u32 $0xFFFF0000, v13;
	v14 =	vmul.f32 v15, v12  }
0x1f7: {  	v17 =	vld [tilespmem:s22+$0x10];
	[tilespmem:s21+$0xFFFFFE70] =	vst v11;
	v15 =	vand.u32 $0xFFFF0000, v16;
	v13 =	vmul.f32 v13, v12  }
0x1f8: {  	v20 =	vshll.u32 v18, $0x10;
	v16 =	vld [tilespmem:s22+$0x50];
	v15 =	vmul.f32 v15, v4;
	[tilespmem:s21+$0x1F0] =	vst v14  }
0x1f9: {  	v14 =	vand.u32 $0xFFFF0000, v18;
	v18 =	vmul.f32 v20, v5;
	[tilespmem:s21+$0x200] =	vst v13  }
0x1fa: {  	v20 =	vld [tilespmem:s22+$0x90];
	v13 =	vmul.f32 v14, v5;
	v14 =	vshll.u32 v19, $0x10;
	[tilespmem:s21+$0xFFFFFE80] =	vst v15  }
0x1fb: {  	v22 =	vld [tilespmem:s22+$0xFFFFFF10];
	v19 =	vand.u32 $0xFFFF0000, v19;
	v14 =	vmul.f32 v14, v6;
	[tilespmem:s21+$0xFFFFFF00] =	vst v18  }
0x1fc: {  	v11 =	vmul.f32 v2, v12;
	v15 =	vld [tilespmem:s22+$0xF0];
	v21 =	vshll.u32 v17, $0x10;
	v19 =	vmul.f32 v19, v6;
	[tilespmem:s21+$0xFFFFFF10] =	vst v13  }
0x1fd: {  	v17 =	vand.u32 $0xFFFF0000, v17;
	v18 =	vmul.f32 v21, v7;
	v21 =	vshll.u32 v16, $0x10;
	[tilespmem:s21+$0xFFFFFF90] =	vst v14  }
0x1fe: {  	v13 =	vmul.f32 v17, v7;
	v16 =	vand.u32 $0xFFFF0000, v16;
	v17 =	vmul.f32 v21, v8;
	v21 =	vld [tilespmem:s22+$0xFFFFFF60];
	[tilespmem:s21+$0xFFFFFFA0] =	vst v19  }
0x1ff: {  	v14 =	vmul.f32 v16, v8;
	v23 =	vld [tilespmem:s22+$0xFFFFFFA0];
	[tilespmem:s21+$0x20] =	vst v18;
	v16 =	vshll.u32 v20, $0x10;
	v20 =	vand.u32 $0xFFFF0000, v20  }
0x200: {  	[tilespmem:s21+$0x30] =	vst v13;
	v16 =	vmul.f32 v16, v10;
	v19 =	vmul.f32 v20, v10  }
0x201: {  	v24 =	vld [tilespmem:s22+$0xFFFFFFE0];
	v18 =	vand.u32 $0xFFFF0000, v15;
	v20 =	vshll.u32 v22, $0x10;
	v22 =	vand.u32 $0xFFFF0000, v22;
	[tilespmem:s21+$0xB0] =	vst v17  }
0x202: {  	s24 =	simm.s32 $0xB;
	v15 =	vshll.u32 v15, $0x10;
	[tilespmem:s21+$0xC0] =	vst v14;
	v13 =	vmul.f32 v18, v12;
	v18 =	vmul.f32 v20, v9  }
0x203: {  	v25 =	vmov s24;
	v20 =	vmul.f32 v22, v9;
	v22 =	vld [tilespmem:s22+$0x20];
	v12 =	vmul.f32 v15, v12;
	[tilespmem:s21+$0x140] =	vst v16  }
0x204: {  	[tilespmem:s21+$0x150] =	vst v19;
	v17 =	vshll.u32 v21, $0x10;
	v21 =	vand.u32 $0xFFFF0000, v21;
	v14 =	vand.u32 $0xFFFF0000, v23  }
0x205: {  	[tilespmem:s21+$0x220] =	vst v13;
	v13 =	vmul.f32 v17, v4;
	v17 =	vmul.f32 v21, v4;
	v21 =	vshll.u32 v23, $0x10  }
0x206: {  	s26 =	simm.s32 $0x9;
	[tilespmem:s21+$0xFFFFFDE0] =	vst v18;
	v14 =	vmul.f32 v14, v5;
	v23 =	vand.u32 $0xFFFF0000, v24;
	v15 =	vmul.f32 v21, v5;
	v21 =	vld [tilespmem:s22+$0x60]  }
0x207: {  	[tilespmem:s21+$0xFFFFFDF0] =	vst v20;
	v16 =	vshll.u32 v24, $0x10;
	v24 =	vmov s26;
	v19 =	vmul.f32 v23, v6;
	v23 =	vld [tilespmem:s22+$0xA0]  }
0x208: {  	s25 =	simm.s32 $0xC;
	v16 =	vmul.f32 v16, v6;
	v24 =	vshrl.u32 v24, $0x3;
	v18 =	vshll.u32 v22, $0x10;
	[tilespmem:s21+$0xFFFFFE90] =	vst v13  }
0x209: {  	s23 =	simm.s32 $0xA;
	v26 =	vld [tilespmem:s22+$0xFFFFFF20];
	v22 =	vand.u32 $0xFFFF0000, v22;
	v13 =	vmov s25;
	[tilespmem:s21+$0xFFFFFEA0] =	vst v17;
	v18 =	vmul.f32 v18, v7  }
0x20a: {  	[tilespmem:s21+$0xFFFFFF30] =	vst v14;
	v20 =	vmul.f32 v22, v7;
	v22 =	vmov s23;
	v13 =	vshrl.u32 v13, $0x3  }
0x20b: {  	v27 =	vld [tilespmem:s22+$0xFFFFFF70];
	[tilespmem:s21+$0xFFFFFFC0] =	vst v19;
	v19 =	vshll.u32 v24, v1;
	v17 =	vshll.u32 v21, $0x10;
	v21 =	vand.u32 $0xFFFF0000, v21  }
0x20c: {  	[tilespmem:s21+$0xFFFFFF20] =	vst v15;
	v14 =	vshll.u32 v23, $0x10;
	v15 =	vmul.f32 v17, v8;
	v17 =	vmul.f32 v21, v8  }
0x20d: {  	[tilespmem:s21+$0xFFFFFFB0] =	vst v16;
	v21 =	vshrl.u32 v22, $0x3;
	v22 =	vand.u32 $0xFFFF0000, v23;
	v23 =	vshrl.u32 v25, $0x3  }
0x20e: {  	[tilespmem:s21+$0x40] =	vst v18;
	v25 =	vld [tilespmem:s22+$0xFFFFFFB0];
	v16 =	vmul.f32 v22, v10;
	v22 =	vshll.u32 v26, $0x10;
	v26 =	vand.u32 $0xFFFF0000, v26  }
0x20f: {  	v28 =	vshll.u32 v13, v1;
	[tilespmem:s21+$0x50] =	vst v20;
	v14 =	vmul.f32 v14, v10;
	v24 =	vmul.f32 v26, v9;
	v26 =	vld [tilespmem:s22+$0xFFFFFFF0]  }
0x210: {  	v18 =	vshll.u32 v21, v1;
	v21 =	vshll.u32 v27, $0x10;
	v27 =	vand.u32 $0xFFFF0000, v27;
	[tilespmem:s21+$0xD0] =	vst v15  }
0x211: {  	v20 =	vshll.u32 v23, v1;
	v22 =	vmul.f32 v22, v9;
	v21 =	vmul.f32 v21, v4;
	[tilespmem:s21+$0xE0] =	vst v17  }
0x212: {  	v23 =	vmul.f32 v27, v4;
	v27 =	vld [tilespmem:s22+$0x30];
	v17 =	vadd.s32 $0x1, v19;
	[tilespmem:s21+$0x170] =	vst v16;
	v16 =	vadd.s32 $0x2, v18  }
0x213: {  	[tilespmem:s21+$0x160] =	vst v14;
	v29 =	vld [tilespmem:s22+$0x70];
	v18 =	vadd.s32 $0x3, v20;
	v13 =	vshll.u32 v25, $0x10;
	v15 =	vand.u32 $0xFFFF0000, v25  }
0x214: {  	[tilespmem:s21+$0xFFFFFE00] =	vst v22;
	v19 =	vmul.f32 v13, v5;
	v25 =	vmul.f32 v15, v5;
	v14 =	vshll.u32 v26, $0x10  }
0x215: {  	v30 =	vld [tilespmem:s22+$0xB0];
	[tilespmem:s21+$0xFFFFFE10] =	vst v24;
	v13 =	vbroadcast v17, $0x0;
	v15 =	vand.u32 $0xFFFF0000, v26;
	v22 =	vmul.f32 v14, v6  }
0x216: {  	s26 =	simm.s32 $0xF;
	[tilespmem:s21+$0xFFFFFEB0] =	vst v21;
	v21 =	vadd.s32 $0x4, v28;
	v20 =	vld [tilespmem:s22+$0xFFFFFF30];
	v26 =	vmul.f32 v15, v6;
	v14 =	vbroadcast v16, $0x0  }
0x217: {  	v15 =	vshll.u32 v27, $0x10;
	v16 =	vand.u32 $0xFFFF0000, v27;
	[tilespmem:s21+$0xFFFFFF50] =	vst v25;
	v25 =	vmov s26  }
0x218: {  	v27 =	vmul.f32 v15, v7;
	v17 =	vmul.f32 v16, v7;
	v16 =	vshll.u32 v29, $0x10  }
0x219: {  	[tilespmem:s21+$0xFFFFFF40] =	vst v19;
	v15 =	vbroadcast v18, $0x0;
	v18 =	vand.u32 $0xFFFF0000, v29;
	v19 =	vmul.f32 v16, v8  }
0x21a: {  	[tilespmem:s21+$0xFFFFFEC0] =	vst v23;
	v24 =	vand.u32 $0xFFFF0000, v30;
	v18 =	vmul.f32 v18, v8;
	v16 =	vbroadcast v21, $0x0  }
0x21b: {  	v21 =	vshll.u32 v30, $0x10;
	[tilespmem:s21+$0xFFFFFFD0] =	vst v22;
	v22 =	vshrl.u32 v25, $0x3;
	v25 =	vshll.u32 v20, $0x10  }
0x21c: {  	v20 =	vand.u32 $0xFFFF0000, v20;
	[tilespmem:s21+$0xFFFFFFE0] =	vst v26;
	v23 =	vmul.f32 v21, v10;
	v21 =	vmul.f32 v24, v10  }
0x21d: {  	s24 =	simm.s32 $0x8;
	s25 =	simm.s32 $0x10;
	s23 =	simm.s32 $0x4750;
	v24 =	vshll.u32 v22, v1;
	v22 =	vmul.f32 v25, v9;
	v20 =	vmul.f32 v20, v9;
	[tilespmem:s21+$0x60] =	vst v27  }
.LBB2_14:
0x21e: {  	p1 =	slt.u32 s25, $0x78;
	v24 =	vadd.s32 $0x7, v24;
	[tilespmem:s21+$0x70] =	vst v17  }
0x21f: {  	v17 =	vbroadcast v24, $0x0;
	[tilespmem:s21+$0xF0] =	vst v19  }
0x220: {  	v13 =	vld.idx.msk [tilespmem:v13+s31+$0x0], $0xffff;
	[tilespmem:s21+$0x100] =	vst v18  }
0x221: {  	v14 =	vld.idx.msk [tilespmem:v14+s31+$0x0], $0xffff;
	[tilespmem:s21+$0x180] =	vst v23  }
0x222: {  	s10 =	sadd.s32 $0x5, s24;
	v15 =	vld.idx.msk [tilespmem:v15+s31+$0x0], $0xffff;
	[tilespmem:s21+$0x190] =	vst v21  }
0x223: {  	s22 =	sadd.s32 $0x200, s22;
	v19 =	vmov s10;
	s10 =	sadd.s32 $0x6, s24;
	v18 =	vmov s24;
	s24 =	smov.u32 s25;
	v16 =	vld.idx.msk [tilespmem:v16+s31+$0x0], $0xffff;
	[tilespmem:s21+$0x210] =	vst v12  }
0x224: {  	v23 =	vmul.f32 v2, v4;
	v12 =	vshrl.u32 v19, $0x3;
	v19 =	vmov s10;
	v21 =	vld [tilespmem:s22+$0xC0];
	[tilespmem:s21+$0xFFFFFE20] =	vst v22  }
0x225: {  	v24 =	vmul.f32 v2, v5;
	v22 =	vshll.u32 v12, v1;
	v19 =	vshrl.u32 v19, $0x3;
	v12 =	vld.idx.msk [tilespmem:v17+s31+$0x0], $0xffff;
	[tilespmem:s21+$0xFFFFFE30] =	vst v20  }
0x226: {  	v20 =	vadd.s32 $0x5, v22;
	v19 =	vshll.u32 v19, v1;
	v22 =	vmul.f32 v2, v6;
	v4 =	vmovc v13;
	v17 =	vld [tilespmem:s22+$0xFFFFFF00];
	[tilespmem:s21+$0xFFFFFED0] =	vst v23  }
0x227: {  	v20 =	vbroadcast v20, $0x0;
	v19 =	vadd.s32 $0x6, v19;
	v23 =	vmul.f32 v2, v7;
	v5 =	vmovc v14;
	v13 =	vld [tilespmem:s22+$0xFFFFFF40];
	[tilespmem:s21+$0xFFFFFF60] =	vst v24  }
0x228: {  	v8 =	vmul.f32 v2, v8;
	v14 =	vshrl.u32 v18, $0x3;
	v19 =	vbroadcast v19, $0x0;
	v6 =	vmovc v15;
	v18 =	vld [tilespmem:s22+$0xFFFFFF80];
	[tilespmem:s21+$0xFFFFFFF0] =	vst v22  }
0x229: {  	v10 =	vmul.f32 v2, v10;
	v14 =	vshll.u32 v14, v1;
	v7 =	vmov v16;
	v15 =	vld [tilespmem:s22+$0xFFFFFFC0];
	[tilespmem:s21+$0x80] =	vst v23  }
0x22a: {  	v9 =	vmul.f32 v2, v9;
	v14 =	vbroadcast v14, $0x0;
	v22 =	vshll.u32 v21, $0x10;
	v16 =	vld [tilespmem:s22+$0x0];
	[tilespmem:s21+$0x110] =	vst v8  }
0x22b: {  	v8 =	vand.u32 $0xFFFF0000, v21;
	v21 =	vmul.f32 v22, v12;
	v23 =	vshll.u32 v17, $0x10;
	v24 =	vld [tilespmem:s22+$0x40];
	[tilespmem:s21+$0x1A0] =	vst v10  }
0x22c: {  	v17 =	vand.u32 $0xFFFF0000, v17;
	v25 =	vmul.f32 v8, v12;
	s21 =	sadd.s32 $0x480, s21;
	v10 =	vshll.u32 v13, $0x10;
	v22 =	vld [tilespmem:s22+$0x80];
	[tilespmem:s23+$0x230] =	vst v11  }
0x22d: {  	v11 =	vand.u32 $0xFFFF0000, v13;
	v13 =	vshll.u32 v18, $0x10;
	v18 =	vand.u32 $0xFFFF0000, v18;
	v8 =	vld.idx.msk [tilespmem:v20+s31+$0x0], $0xffff;
	[tilespmem:s21+$0x1B0] =	vst v21  }
0x22e: {  	v20 =	vmul.f32 v10, v4;
	v21 =	vshll.u32 v15, $0x10;
	v15 =	vand.u32 $0xFFFF0000, v15;
	v10 =	vld.idx.msk [tilespmem:v19+s31+$0x0], $0xffff;
	[tilespmem:s21+$0x1C0] =	vst v25  }
0x22f: {  	v11 =	vmul.f32 v11, v4;
	v19 =	vshll.u32 v16, $0x10;
	v16 =	vand.u32 $0xFFFF0000, v16;
	v25 =	vld [tilespmem:s22+$0xD0];
	[tilespmem:s23+$0xFFFFFE40] =	vst v9;
	s23 =	smov.u32 s21  }
0x230: {  	v13 =	vmul.f32 v13, v5;
	[tilespmem:s21+$0xFFFFFE50] =	vst v20;
	v20 =	vshll.u32 v24, $0x10;
	v24 =	vand.u32 $0xFFFF0000, v24  }
0x231: {  	v9 =	vld.idx.msk [tilespmem:v14+s31+$0x0], $0xffff;
	[tilespmem:s21+$0xFFFFFE60] =	vst v11;
	v11 =	vmul.f32 v18, v5;
	v14 =	vshll.u32 v22, $0x10;
	v18 =	vand.u32 $0xFFFF0000, v22  }
0x232: {  	v15 =	vmul.f32 v15, v6;
	v22 =	vld [tilespmem:s22+$0xFFFFFF50];
	[tilespmem:s21+$0xFFFFFEE0] =	vst v13;
	v13 =	vmul.f32 v21, v6  }
0x233: {  	v16 =	vmul.f32 v16, v7;
	[tilespmem:s21+$0xFFFFFEF0] =	vst v11;
	v11 =	vmul.f32 v19, v7  }
0x234: {  	v19 =	vld [tilespmem:s22+$0xFFFFFF90];
	[tilespmem:s21+$0xFFFFFF70] =	vst v13;
	v13 =	vmul.f32 v20, v8;
	v20 =	vmul.f32 v24, v8;
	v21 =	vshll.u32 v25, $0x10  }
0x235: {  	v14 =	vmul.f32 v14, v10;
	[tilespmem:s21+$0xFFFFFF80] =	vst v15;
	v15 =	vand.u32 $0xFFFF0000, v25;
	v21 =	vmul.f32 v21, v12  }
0x236: {  	v18 =	vmul.f32 v18, v10;
	v24 =	vld [tilespmem:s22+$0xFFFFFFD0];
	[tilespmem:s21+$0x0] =	vst v11;
	v11 =	vmul.f32 v15, v12  }
0x237: {  	v15 =	vmul.f32 v23, v9;
	v17 =	vmul.f32 v17, v9;
	v23 =	vshll.u32 v22, $0x10;
	[tilespmem:s21+$0x1D0] =	vst v21  }
0x238: {  	v21 =	vand.u32 $0xFFFF0000, v22;
	v22 =	vmul.f32 v23, v4;
	[tilespmem:s21+$0x1E0] =	vst v11;
	v11 =	vmul.f32 v2, v12  }
0x239: {  	v21 =	vmul.f32 v21, v4;
	v23 =	vshll.u32 v19, $0x10;
	v19 =	vand.u32 $0xFFFF0000, v19;
	[tilespmem:s21+$0x10] =	vst v16;
	v16 =	vld [tilespmem:s22+$0xE0]  }
0x23a: {  	v23 =	vmul.f32 v23, v5;
	v19 =	vmul.f32 v19, v5;
	v25 =	vld [tilespmem:s22+$0x10];
	[tilespmem:s21+$0x90] =	vst v13  }
0x23b: {  	v13 =	vshll.u32 v24, $0x10;
	v24 =	vand.u32 $0xFFFF0000, v24;
	[tilespmem:s21+$0xA0] =	vst v20  }
0x23c: {  	v13 =	vmul.f32 v13, v6;
	v20 =	vmul.f32 v24, v6;
	v24 =	vld [tilespmem:s22+$0x50];
	[tilespmem:s21+$0x120] =	vst v14  }
0x23d: {  	[tilespmem:s21+$0x130] =	vst v18  }
0x23e: {  	[tilespmem:s21+$0xFFFFFDC0] =	vst v15;
	v14 =	vld [tilespmem:s22+$0x90];
	v15 =	vshll.u32 v16, $0x10  }
0x23f: {  	v16 =	vand.u32 $0xFFFF0000, v16;
	[tilespmem:s21+$0xFFFFFDD0] =	vst v17;
	v17 =	vshll.u32 v25, $0x10;
	v15 =	vmul.f32 v15, v12  }
0x240: {  	v16 =	vmul.f32 v16, v12;
	v18 =	vld [tilespmem:s22+$0xFFFFFF10];
	[tilespmem:s21+$0xFFFFFE70] =	vst v22;
	v22 =	vand.u32 $0xFFFF0000, v25;
	v17 =	vmul.f32 v17, v7  }
0x241: {  	v22 =	vmul.f32 v22, v7;
	v25 =	vshll.u32 v24, $0x10;
	v24 =	vand.u32 $0xFFFF0000, v24;
	[tilespmem:s21+$0x1F0] =	vst v15  }
0x242: {  	v15 =	vmul.f32 v25, v8;
	v24 =	vmul.f32 v24, v8;
	[tilespmem:s21+$0x200] =	vst v16  }
0x243: {  	[tilespmem:s21+$0xFFFFFE80] =	vst v21;
	v16 =	vshll.u32 v14, $0x10;
	v14 =	vand.u32 $0xFFFF0000, v14;
	v21 =	vld [tilespmem:s22+$0xF0]  }
0x244: {  	v25 =	vld [tilespmem:s22+$0xFFFFFF60];
	[tilespmem:s21+$0xFFFFFF00] =	vst v23;
	v16 =	vmul.f32 v16, v10;
	v14 =	vmul.f32 v14, v10  }
0x245: {  	v23 =	vshll.u32 v18, $0x10;
	v18 =	vand.u32 $0xFFFF0000, v18;
	[tilespmem:s21+$0xFFFFFF10] =	vst v19  }
0x246: {  	v19 =	vmul.f32 v23, v9;
	v18 =	vmul.f32 v18, v9;
	v23 =	vld [tilespmem:s22+$0xFFFFFFA0];
	[tilespmem:s21+$0xFFFFFF90] =	vst v13  }
0x247: {  	[tilespmem:s21+$0xFFFFFFA0] =	vst v20  }
0x248: {  	v13 =	vld [tilespmem:s22+$0xFFFFFFE0];
	[tilespmem:s21+$0x20] =	vst v17;
	v17 =	vshll.u32 v21, $0x10;
	v20 =	vand.u32 $0xFFFF0000, v21  }
0x249: {  	v21 =	vshll.u32 v25, $0x10;
	v25 =	vand.u32 $0xFFFF0000, v25;
	[tilespmem:s21+$0x30] =	vst v22;
	v20 =	vmul.f32 v20, v12  }
0x24a: {  	v21 =	vmul.f32 v21, v4;
	v22 =	vmul.f32 v25, v4;
	v25 =	vld [tilespmem:s22+$0x20];
	[tilespmem:s21+$0xB0] =	vst v15  }
0x24b: {  	v12 =	vmul.f32 v17, v12;
	v15 =	vshll.u32 v23, $0x10;
	v23 =	vand.u32 $0xFFFF0000, v23;
	[tilespmem:s21+$0x220] =	vst v20  }
0x24c: {  	v15 =	vmul.f32 v15, v5;
	v17 =	vmul.f32 v23, v5;
	[tilespmem:s21+$0xC0] =	vst v24  }
0x24d: {  	v20 =	vshll.u32 v13, $0x10;
	v13 =	vand.u32 $0xFFFF0000, v13;
	v23 =	vld [tilespmem:s22+$0x60];
	[tilespmem:s21+$0x140] =	vst v16  }
0x24e: {  	v16 =	vmul.f32 v20, v6;
	v13 =	vmul.f32 v13, v6;
	[tilespmem:s21+$0x150] =	vst v14  }
0x24f: {  	s10 =	sadd.s32 $0x1, s25;
	[tilespmem:s21+$0xFFFFFDE0] =	vst v19;
	v14 =	vshll.u32 v25, $0x10;
	v19 =	vand.u32 $0xFFFF0000, v25;
	v20 =	vld [tilespmem:s22+$0xA0]  }
0x250: {  	s26 =	sadd.s32 $0x3, s25;
	v24 =	vmov s10;
	s10 =	sadd.s32 $0x2, s25;
	[tilespmem:s21+$0xFFFFFDF0] =	vst v18;
	v14 =	vmul.f32 v14, v7;
	v18 =	vmul.f32 v19, v7  }
0x251: {  	v25 =	vmov s26;
	v19 =	vmov s10;
	s10 =	sadd.s32 $0x4, s25;
	v26 =	vld [tilespmem:s22+$0xFFFFFF20];
	[tilespmem:s21+$0xFFFFFE90] =	vst v21  }
0x252: {  	v21 =	vmov s10;
	[tilespmem:s21+$0xFFFFFEA0] =	vst v22;
	v22 =	vshll.u32 v23, $0x10;
	v23 =	vand.u32 $0xFFFF0000, v23  }
0x253: {  	v24 =	vshrl.u32 v24, $0x3;
	v27 =	vld [tilespmem:s22+$0xFFFFFF70];
	[tilespmem:s21+$0xFFFFFF20] =	vst v15;
	v15 =	vmul.f32 v22, v8;
	v22 =	vmul.f32 v23, v8  }
0x254: {  	v19 =	vshrl.u32 v19, $0x3;
	[tilespmem:s21+$0xFFFFFF30] =	vst v17;
	v17 =	vshll.u32 v20, $0x10;
	v20 =	vand.u32 $0xFFFF0000, v20  }
0x255: {  	v23 =	vshrl.u32 v25, $0x3;
	v25 =	vld [tilespmem:s22+$0xFFFFFFB0];
	[tilespmem:s21+$0xFFFFFFB0] =	vst v16;
	v16 =	vmul.f32 v17, v10;
	v17 =	vmul.f32 v20, v10  }
0x256: {  	v20 =	vshrl.u32 v21, $0x3;
	v21 =	vshll.u32 v26, $0x10;
	v26 =	vand.u32 $0xFFFF0000, v26;
	[tilespmem:s21+$0xFFFFFFC0] =	vst v13  }
0x257: {  	v13 =	vshll.u32 v24, v1;
	v21 =	vmul.f32 v21, v9;
	v24 =	vmul.f32 v26, v9;
	v26 =	vld [tilespmem:s22+$0xFFFFFFF0];
	[tilespmem:s21+$0x40] =	vst v14  }
0x258: {  	v14 =	vshll.u32 v19, v1;
	v19 =	vshll.u32 v27, $0x10;
	v27 =	vand.u32 $0xFFFF0000, v27;
	[tilespmem:s21+$0x50] =	vst v18  }
0x259: {  	v18 =	vshll.u32 v23, v1;
	v19 =	vmul.f32 v19, v4;
	v23 =	vmul.f32 v27, v4;
	v27 =	vld [tilespmem:s22+$0x30];
	[tilespmem:s21+$0xD0] =	vst v15  }
0x25a: {  	v20 =	vshll.u32 v20, v1;
	v15 =	vshll.u32 v25, $0x10;
	v25 =	vand.u32 $0xFFFF0000, v25;
	[tilespmem:s21+$0xE0] =	vst v22  }
0x25b: {  	v13 =	vadd.s32 $0x1, v13;
	v22 =	vmul.f32 v15, v5;
	v25 =	vmul.f32 v25, v5;
	v28 =	vld [tilespmem:s22+$0x70];
	[tilespmem:s21+$0x160] =	vst v16  }
0x25c: {  	v13 =	vbroadcast v13, $0x0;
	v15 =	vshll.u32 v26, $0x10;
	v16 =	vand.u32 $0xFFFF0000, v26;
	[tilespmem:s21+$0x170] =	vst v17  }
0x25d: {  	v14 =	vadd.s32 $0x2, v14;
	[tilespmem:s21+$0xFFFFFE00] =	vst v21;
	v21 =	vmul.f32 v15, v6;
	v26 =	vmul.f32 v16, v6;
	v29 =	vld [tilespmem:s22+$0xB0]  }
0x25e: {  	v14 =	vbroadcast v14, $0x0;
	[tilespmem:s21+$0xFFFFFE10] =	vst v24;
	v15 =	vshll.u32 v27, $0x10;
	v16 =	vand.u32 $0xFFFF0000, v27  }
0x25f: {  	v18 =	vadd.s32 $0x3, v18;
	v24 =	vld [tilespmem:s22+$0xFFFFFF30];
	[tilespmem:s21+$0xFFFFFEB0] =	vst v19;
	v27 =	vmul.f32 v15, v7;
	v17 =	vmul.f32 v16, v7  }
0x260: {  	v15 =	vbroadcast v18, $0x0;
	[tilespmem:s21+$0xFFFFFEC0] =	vst v23;
	v16 =	vshll.u32 v28, $0x10;
	v18 =	vand.u32 $0xFFFF0000, v28  }
.Ltmp10:
0x261: {  	v20 =	vadd.s32 $0x4, v20;
	[tilespmem:s21+$0xFFFFFF40] =	vst v22;
	v19 =	vmul.f32 v16, v8;
	v18 =	vmul.f32 v18, v8;
	(pc) =	sbr.rel @p1 .LBB2_14-.Ltmp10, $4  }
0x262: {  	s10 =	sadd.s32 $0x7, s25;
	v16 =	vbroadcast v20, $0x0;
	[tilespmem:s21+$0xFFFFFF50] =	vst v25;
	v20 =	vshll.u32 v29, $0x10;
	v22 =	vand.u32 $0xFFFF0000, v29  }
0x263: {  	v25 =	vmov s10;
	[tilespmem:s21+$0xFFFFFFD0] =	vst v21;
	v23 =	vmul.f32 v20, v10;
	v21 =	vmul.f32 v22, v10  }
0x264: {  	v20 =	vshrl.u32 v25, $0x3;
	v22 =	vshll.u32 v24, $0x10;
	v25 =	vand.u32 $0xFFFF0000, v24;
	[tilespmem:s21+$0xFFFFFFE0] =	vst v26  }
0x265: {  	s25 =	sadd.s32 $0x8, s25;
	v24 =	vshll.u32 v20, v1;
	v22 =	vmul.f32 v22, v9;
	v20 =	vmul.f32 v25, v9;
	[tilespmem:s21+$0x60] =	vst v27  }
0x266: {  	[tilespmem:s21+$0x70] =	vst v17  }
0x267: {  	[tilespmem:s21+$0xF0] =	vst v19  }
0x268: {  	[tilespmem:s21+$0x100] =	vst v18  }
0x269: {  	[tilespmem:s21+$0x180] =	vst v23  }
0x26a: {  	[tilespmem:s21+$0x190] =	vst v21  }
0x26b: {  	[tilespmem:s21+$0x210] =	vst v12  }
0x26c: {  	s22 =	sadd.s32 $0x200, s22;
	v33 =	vmul.f32 v2, v4;
	v35 =	vmul.f32 v2, v5;
	v5 =	vld.idx.msk [tilespmem:v13+s31+$0x0], $0xffff;
	[tilespmem:s21+$0xFFFFFE20] =	vst v22  }
0x26d: {  	v6 =	vmul.f32 v2, v6;
	v7 =	vmul.f32 v2, v7;
	v34 =	vld [tilespmem:s22+$0xC0];
	[tilespmem:s21+$0xFFFFFE30] =	vst v20  }
0x26e: {  	v32 =	vadd.s32 $0x7, v24;
	v8 =	vmul.f32 v2, v8;
	v10 =	vmul.f32 v2, v10;
	v38 =	vld [tilespmem:s22+$0xFFFFFF40];
	[tilespmem:s23+$0x230] =	vst v11  }
0x26f: {  	s10 =	sadd.s32 $0x5, s24;
	v36 =	vmov s24;
	s25 =	sadd.s32 $0x6, s24;
	v9 =	vmul.f32 v2, v9;
	v17 =	vbroadcast v32, $0x0;
	v40 =	vld [tilespmem:s22+$0xFFFFFF80];
	[tilespmem:s21+$0xFFFFFED0] =	vst v33  }
0x270: {  	v37 =	vmov s10;
	v39 =	vmov s25;
	v47 =	vld [tilespmem:s22+$0xFFFFFFC0];
	v12 =	vshrl.u32 v36, $0x3;
	[tilespmem:s21+$0xFFFFFF60] =	vst v35  }
0x271: {  	[tilespmem:s21+$0xFFFFFFF0] =	vst v6;
	v6 =	vld.idx.msk [tilespmem:v14+s31+$0x0], $0xffff;
	v13 =	vshrl.u32 v37, $0x3;
	v14 =	vshrl.u32 v39, $0x3;
	v53 =	vshll.u32 v12, v1  }
0x272: {  	v49 =	vld [tilespmem:s22+$0x0];
	[tilespmem:s21+$0x80] =	vst v7;
	v13 =	vshll.u32 v13, v1;
	v45 =	vshll.u32 v14, v1;
	v56 =	vbroadcast v53, $0x0  }
0x273: {  	v7 =	vld.idx.msk [tilespmem:v15+s31+$0x0], $0xffff;
	[tilespmem:s21+$0x1A0] =	vst v10;
	v42 =	vadd.s32 $0x5, v13;
	v10 =	vadd.s32 $0x6, v45;
	v48 =	vshll.u32 v38, $0x10  }
0x274: {  	v58 =	vld [tilespmem:s22+$0x40];
	[tilespmem:s21+$0x110] =	vst v8;
	v46 =	vbroadcast v42, $0x0;
	v50 =	vand.u32 $0xFFFF0000, v38;
	v11 =	vmul.f32 v48, v5  }
0x275: {  	s26 =	sadd.s32 $0x480, s21;
	v8 =	vld.idx.msk [tilespmem:v16+s31+$0x0], $0xffff;
	[tilespmem:s23+$0xFFFFFE40] =	vst v9;
	v10 =	vbroadcast v10, $0x0;
	v51 =	vshll.u32 v40, $0x10;
	v16 =	vmul.f32 v50, v5  }
0x276: {  	v61 =	vld [tilespmem:s22+$0x80];
	v54 =	vand.u32 $0xFFFF0000, v40;
	v55 =	vmul.f32 v51, v6;
	[tilespmem:s26+$0xFFFFFE50] =	vst v11  }
0x277: {  	v57 =	vshll.u32 v47, $0x10;
	v4 =	vld.idx.msk [tilespmem:v17+s31+$0x0], $0xffff;
	v12 =	vmul.f32 v54, v6;
	[tilespmem:s26+$0xFFFFFE60] =	vst v16  }
0x278: {  	v21 =	vld [tilespmem:s22+$0xFFFFFF00];
	v18 =	vand.u32 $0xFFFF0000, v47;
	v59 =	vmul.f32 v57, v7;
	[tilespmem:s26+$0xFFFFFEE0] =	vst v55  }
0x279: {  	v60 =	vshll.u32 v49, $0x10;
	v18 =	vmul.f32 v18, v7;
	[tilespmem:s26+$0xFFFFFEF0] =	vst v12;
	v11 =	vld.idx.msk [tilespmem:v56+s31+$0x0], $0xffff  }
0x27a: {  	v15 =	vand.u32 $0xFFFF0000, v49;
	v14 =	vmul.f32 v60, v8;
	[tilespmem:s26+$0xFFFFFF70] =	vst v59;
	v9 =	vld.idx.msk [tilespmem:v46+s31+$0x0], $0xffff  }
0x27b: {  	v41 =	vshll.u32 v34, $0x10;
	v24 =	vmul.f32 v15, v8;
	[tilespmem:s26+$0xFFFFFF80] =	vst v18;
	v10 =	vld.idx.msk [tilespmem:v10+s31+$0x0], $0xffff  }
0x27c: {  	v43 =	vand.u32 $0xFFFF0000, v34;
	[tilespmem:s26+$0x0] =	vst v14;
	v26 =	vld [tilespmem:s22+$0xFFFFFF50];
	v44 =	vmul.f32 v41, v4  }
0x27d: {  	v30 =	vand.u32 $0xFFFF0000, v21;
	[tilespmem:s26+$0x10] =	vst v24;
	v31 =	vld [tilespmem:s22+$0xFFFFFF90];
	v13 =	vmul.f32 v43, v4  }
0x27e: {  	v25 =	vand.u32 $0xFFFF0000, v58;
	[tilespmem:s26+$0x1B0] =	vst v44;
	v32 =	vmul.f32 v30, v11  }
0x27f: {  	v27 =	vshll.u32 v61, $0x10;
	v37 =	vld [tilespmem:s22+$0x10];
	[tilespmem:s26+$0x1C0] =	vst v13;
	v15 =	vmul.f32 v25, v9  }
0x280: {  	v12 =	vand.u32 $0xFFFF0000, v61;
	v14 =	vmul.f32 v27, v10;
	[tilespmem:s26+$0xFFFFFDD0] =	vst v32  }
0x281: {  	v52 =	vld [tilespmem:s22+$0xD0];
	v16 =	vand.u32 $0xFFFF0000, v26;
	v12 =	vmul.f32 v12, v10;
	[tilespmem:s26+$0xA0] =	vst v15  }
0x282: {  	v39 =	vshll.u32 v31, $0x10;
	v38 =	vmul.f32 v16, v5;
	[tilespmem:s26+$0x120] =	vst v14  }
0x283: {  	v34 =	vld [tilespmem:s22+$0xFFFFFFD0];
	v40 =	vand.u32 $0xFFFF0000, v31;
	v16 =	vmul.f32 v39, v6;
	[tilespmem:s26+$0x130] =	vst v12  }
0x284: {  	v45 =	vshll.u32 v37, $0x10;
	v42 =	vmul.f32 v40, v6;
	[tilespmem:s26+$0xFFFFFE80] =	vst v38  }
0x285: {  	v33 =	vshll.u32 v26, $0x10;
	v47 =	vmul.f32 v45, v8;
	[tilespmem:s26+$0xFFFFFF00] =	vst v16  }
0x286: {  	v15 =	vmul.f32 v33, v5;
	[tilespmem:s26+$0xFFFFFF10] =	vst v42;
	v62 =	vshll.u32 v52, $0x10  }
0x287: {  	[tilespmem:s26+$0x20] =	vst v47;
	v44 =	vld [tilespmem:s22+$0x90];
	v17 =	vand.u32 $0xFFFF0000, v52;
	v63 =	vmul.f32 v62, v4  }
0x288: {  	v43 =	vshll.u32 v34, $0x10;
	[tilespmem:s26+$0xFFFFFE70] =	vst v15;
	v22 =	vmul.f32 v17, v4  }
0x289: {  	v23 =	vshll.u32 v58, $0x10;
	v14 =	vmul.f32 v43, v7;
	v52 =	vld [tilespmem:s22+$0xFFFFFF60];
	[tilespmem:s26+$0x1D0] =	vst v63  }
0x28a: {  	v12 =	vand.u32 $0xFFFF0000, v34;
	v17 =	vmul.f32 v23, v9;
	[tilespmem:s26+$0x1E0] =	vst v22  }
0x28b: {  	v29 =	vshll.u32 v21, $0x10;
	v12 =	vmul.f32 v12, v7;
	[tilespmem:s26+$0xFFFFFF90] =	vst v14;
	v28 =	vld [tilespmem:s22+$0xE0]  }
0x28c: {  	[tilespmem:s26+$0x90] =	vst v17;
	v17 =	vmul.f32 v29, v11;
	v55 =	vshll.u32 v44, $0x10  }
0x28d: {  	[tilespmem:s26+$0xFFFFFFA0] =	vst v12;
	v41 =	vld [tilespmem:s22+$0x50];
	v56 =	vand.u32 $0xFFFF0000, v44;
	v57 =	vmul.f32 v55, v10  }
0x28e: {  	[tilespmem:s26+$0xFFFFFDC0] =	vst v17;
	v12 =	vmul.f32 v56, v10;
	v61 =	vshll.u32 v52, $0x10  }
0x28f: {  	v60 =	vld [tilespmem:s22+$0xFFFFFFE0];
	v62 =	vand.u32 $0xFFFF0000, v52;
	[tilespmem:s26+$0x140] =	vst v57;
	v16 =	vmul.f32 v61, v5  }
0x290: {  	[tilespmem:s26+$0x150] =	vst v12;
	v12 =	vmul.f32 v62, v5;
	v35 =	vshll.u32 v28, $0x10  }
0x291: {  	v13 =	vand.u32 $0xFFFF0000, v28;
	[tilespmem:s26+$0xFFFFFE90] =	vst v16;
	v36 =	vmul.f32 v35, v4  }
0x292: {  	v48 =	vld [tilespmem:s22+$0xFFFFFF10];
	v49 =	vshll.u32 v41, $0x10;
	[tilespmem:s26+$0xFFFFFEA0] =	vst v12;
	v13 =	vmul.f32 v13, v4  }
0x293: {  	v18 =	vand.u32 $0xFFFF0000, v41;
	v50 =	vmul.f32 v49, v9;
	[tilespmem:s26+$0x1F0] =	vst v36  }
0x294: {  	v58 =	vld [tilespmem:s22+$0xFFFFFFA0];
	v24 =	vshll.u32 v60, $0x10;
	v54 =	vmul.f32 v18, v9;
	[tilespmem:s26+$0x200] =	vst v13  }
0x295: {  	v25 =	vand.u32 $0xFFFF0000, v60;
	v16 =	vmul.f32 v24, v7;
	[tilespmem:s26+$0xB0] =	vst v50  }
0x296: {  	v46 =	vand.u32 $0xFFFF0000, v37;
	v12 =	vmul.f32 v25, v7;
	[tilespmem:s26+$0xC0] =	vst v54;
	v15 =	vld [tilespmem:s22+$0xF0]  }
0x297: {  	v14 =	vand.u32 $0xFFFF0000, v48;
	[tilespmem:s26+$0xFFFFFFB0] =	vst v16;
	v13 =	vmul.f32 v46, v8;
	v23 =	vld [tilespmem:s22+$0x60]  }
0x298: {  	v59 =	vshll.u32 v48, $0x10;
	[tilespmem:s26+$0xFFFFFFC0] =	vst v12;
	v14 =	vmul.f32 v14, v11  }
0x299: {  	v22 =	vand.u32 $0xFFFF0000, v58;
	[tilespmem:s26+$0x30] =	vst v13;
	v13 =	vmul.f32 v59, v11  }
0x29a: {  	v21 =	vshll.u32 v58, $0x10;
	[tilespmem:s26+$0xFFFFFDF0] =	vst v14;
	v14 =	vmul.f32 v22, v6  }
0x29b: {  	v63 =	vld [tilespmem:s22+$0x20];
	[tilespmem:s26+$0xFFFFFDE0] =	vst v13;
	v13 =	vmul.f32 v21, v6;
	v51 =	vand.u32 $0xFFFF0000, v15  }
0x29c: {  	[tilespmem:s26+$0xFFFFFF30] =	vst v14;
	v30 =	vshll.u32 v23, $0x10;
	v53 =	vmul.f32 v51, v4  }
0x29d: {  	[tilespmem:s26+$0xFFFFFF20] =	vst v13;
	v31 =	vand.u32 $0xFFFF0000, v23;
	v16 =	vmul.f32 v30, v9  }
0x29e: {  	v26 =	vld [tilespmem:s22+$0xA0];
	v15 =	vshll.u32 v15, $0x10;
	v12 =	vmul.f32 v31, v9;
	[tilespmem:s26+$0x220] =	vst v53  }
0x29f: {  	v56 =	vmul.f32 v15, v4;
	[tilespmem:s26+$0xD0] =	vst v16  }
0x2a0: {  	v29 =	vld [tilespmem:s22+$0xFFFFFF20];
	v4 =	vmul.f32 v2, v4;
	v27 =	vshll.u32 v63, $0x10;
	[tilespmem:s26+$0xE0] =	vst v12  }
0x2a1: {  	v28 =	vand.u32 $0xFFFF0000, v63;
	v13 =	vmul.f32 v27, v8;
	[tilespmem:s26+$0x210] =	vst v56  }
0x2a2: {  	v14 =	vmul.f32 v28, v8;
	[tilespmem:s26+$0x230] =	vst v4  }
0x2a3: {  	v32 =	vld [tilespmem:s22+$0xFFFFFF70];
	v33 =	vshll.u32 v26, $0x10;
	v59 =	vmul.f32 v2, v8;
	[tilespmem:s26+$0x40] =	vst v13  }
0x2a4: {  	v34 =	vand.u32 $0xFFFF0000, v26;
	v35 =	vld [tilespmem:s22+$0xFFFFFFB0];
	[tilespmem:s26+$0x50] =	vst v14;
	v13 =	vmul.f32 v33, v10  }
0x2a5: {  	v36 =	vshll.u32 v29, $0x10;
	v14 =	vmul.f32 v34, v10;
	v41 =	vld [tilespmem:s22+$0x30];
	[tilespmem:s26+$0x80] =	vst v59  }
0x2a6: {  	v37 =	vand.u32 $0xFFFF0000, v29;
	v16 =	vmul.f32 v36, v11;
	[tilespmem:s26+$0x160] =	vst v13  }
0x2a7: {  	v12 =	vmul.f32 v37, v11;
	[tilespmem:s26+$0x170] =	vst v14  }
0x2a8: {  	v60 =	vmul.f32 v2, v10;
	v39 =	vshll.u32 v32, $0x10;
	[tilespmem:s26+$0xFFFFFE00] =	vst v16  }
0x2a9: {  	v38 =	vld [tilespmem:s22+$0xFFFFFFF0];
	v40 =	vand.u32 $0xFFFF0000, v32;
	v13 =	vmul.f32 v39, v5;
	[tilespmem:s26+$0xFFFFFE10] =	vst v12  }
0x2aa: {  	v42 =	vshll.u32 v35, $0x10;
	v14 =	vmul.f32 v40, v5;
	v47 =	vld [tilespmem:s22+$0xB0];
	[tilespmem:s26+$0x1A0] =	vst v60  }
0x2ab: {  	v43 =	vand.u32 $0xFFFF0000, v35;
	v16 =	vmul.f32 v42, v6;
	[tilespmem:s26+$0xFFFFFEB0] =	vst v13  }
0x2ac: {  	v44 =	vld [tilespmem:s22+$0x70];
	v12 =	vmul.f32 v43, v6;
	[tilespmem:s26+$0xFFFFFEC0] =	vst v14  }
0x2ad: {  	v5 =	vmul.f32 v2, v5;
	[tilespmem:s26+$0xFFFFFF40] =	vst v16  }
0x2ae: {  	v45 =	vshll.u32 v38, $0x10;
	v6 =	vmul.f32 v2, v6;
	[tilespmem:s26+$0xFFFFFF50] =	vst v12  }
0x2af: {  	v46 =	vand.u32 $0xFFFF0000, v38;
	v13 =	vmul.f32 v45, v7;
	[tilespmem:s26+$0xFFFFFED0] =	vst v5  }
0x2b0: {  	v14 =	vmul.f32 v46, v7;
	[tilespmem:s26+$0xFFFFFF60] =	vst v6  }
0x2b1: {  	v51 =	vshll.u32 v44, $0x10;
	v5 =	vmul.f32 v2, v7;
	[tilespmem:s26+$0xFFFFFFD0] =	vst v13  }
0x2b2: {  	v52 =	vand.u32 $0xFFFF0000, v44;
	v53 =	vmul.f32 v51, v9;
	[tilespmem:s26+$0xFFFFFFE0] =	vst v14  }
0x2b3: {  	v14 =	vmul.f32 v52, v9;
	[tilespmem:s26+$0xFFFFFFF0] =	vst v5  }
0x2b4: {  	v50 =	vld [tilespmem:s22+$0xFFFFFF30];
	v48 =	vshll.u32 v41, $0x10;
	v5 =	vmul.f32 v2, v9;
	[tilespmem:s26+$0xF0] =	vst v53  }
0x2b5: {  	v49 =	vand.u32 $0xFFFF0000, v41;
	v16 =	vmul.f32 v48, v8;
	[tilespmem:s26+$0x100] =	vst v14  }
0x2b6: {  	v12 =	vmul.f32 v49, v8;
	[tilespmem:s26+$0x110] =	vst v5  }
0x2b7: {  	v54 =	vshll.u32 v47, $0x10;
	v5 =	vmul.f32 v2, v11;
	[tilespmem:s26+$0x60] =	vst v16  }
0x2b8: {  	v55 =	vand.u32 $0xFFFF0000, v47;
	[tilespmem:s26+$0x70] =	vst v12;
	v16 =	vmul.f32 v54, v10  }
0x2b9: {  	v57 =	vshll.u32 v50, $0x10;
	v12 =	vmul.f32 v55, v10;
	[tilespmem:s26+$0xFFFFFE40] =	vst v5  }
0x2ba: {  	v13 =	vand.u32 $0xFFFF0000, v50;
	v15 =	vmul.f32 v57, v11;
	[tilespmem:s26+$0x180] =	vst v16  }
0x2bb: {  	v58 =	vmul.f32 v13, v11;
	[tilespmem:s26+$0x190] =	vst v12  }
0x2bc: {  	[tilespmem:s26+$0xFFFFFE20] =	vst v15  }
0x2bd: {  	[tilespmem:s26+$0xFFFFFE30] =	vst v58  }
0x2be: {  	v4 =	vld [tilespmem:$0x190]  }
0x2bf: {  	v5 =	vld [tilespmem:$0x1A0]  }
0x2c0: {  	v6 =	vld [tilespmem:$0x1B0]  }
0x2c1: {  	v61 =	vld [tilespmem:$0x1C0]  }
0x2c2: {  	v62 =	vld [tilespmem:$0x1D0]  }
0x2c3: {  	v63 =	vld [tilespmem:$0x200];
	[tilespmem:$0x4490] =	vst v4  }
0x2c4: {  	v4 =	vld [tilespmem:$0x1E0];
	[tilespmem:$0x44A0] =	vst v5  }
0x2c5: {  	v5 =	vld [tilespmem:$0x1F0];
	[tilespmem:$0x44B0] =	vst v6  }
0x2c6: {  	[tilespmem:$0x44C0] =	vst v61  }
0x2c7: {  	[tilespmem:$0x44D0] =	vst v62  }
0x2c8: {  	s10 =	sadd.s32 s18, s14;
	[tilespmem:$0x4500] =	vst v63  }
0x2c9: {  	p1 =	sgt.u32 s10, $0x9C3;
	[tilespmem:$0x44E0] =	vst v4  }
0x2ca: {  	s10 =	sshll.u32 @!p1 s10, $0x4;
	[tilespmem:$0x44F0] =	vst v5  }
0x2cb: {  	[spmem:s3] =	stream.indirect.scatter.add.f32 [tilespmem:s29], [sflag:$0x3], $0x90, s8, s5, $0xb8;
	[tilespmem:$0x1ECA0] =	vst v63  }
0x2cc: {  	s21 =	simm.s32 @!p1 $0x0;
	s14 =	sadd.s32 @!p1 s1, s10;
	s22 =	simm.s32 @!p1 $0x90  }
0x2cd: {  	[tilespmem:s22], [sflag:$0x1] =	stream.linear.gather @!p1 [hbm4b:s14+s21], $0x80, $0x38;
	[tilespmem:$0x1ECA0] =	vst v63  }
0x2ce: {  	s10 =	sadd.s32 @!p1 s10, s20;
	s14 =	simm.s32 @!p1 $0x190  }
0x2cf: {  	[tilespmem:s14], [sflag:$0x1] =	stream.linear.gather @!p1 [hbm4b:s10+s21], $0x80, $0x38;
	[tilespmem:$0x1ECA0] =	vst v63  }
0x2d0: {  	s10 =	simm.s32 @!p1 $0x1  }
0x2d1: {  	_ =	swait.ge @!p1 [sflag:s10], $0x80  }
0x2d2: {  	[sflag:s10] =	ssyncset.done @!p1 $0x0  }
0x2d3: {  	[sflag:s10] =	ssyncadd.s32 @!p1 $0xFFFFFF80  }
0x2d4: {  	_ =	swait.ge @!p1 [sflag:s10], $0x80  }
0x2d5: {  	[sflag:s10] =	ssyncset.done @!p1 $0x0  }
0x2d6: {  	[sflag:s10] =	ssyncadd.s32 @!p1 $0xFFFFFF80  }
0x2d7: {  	_ =	swait.ge [sflag:s11], $0x4800  }
0x2d8: {  	[sflag:s11] =	ssyncset.done $0x0  }
0x2d9: {  	s10 =	simm.s32 @!p0 $0x2;
	[sflag:s11] =	ssyncadd.s32 $0xFFFFB800  }
0x2da: {  	_ =	swait.ge @!p0 [sflag:s10], $0x2000  }
0x2db: {  	[sflag:s10] =	ssyncset.done @!p0 $0x0  }
0x2dc: {  	[sflag:s10] =	ssyncadd.s32 @!p0 $0xFFFFE000  }
0x2dd: {  	_ =	swait.ge @!p0 [sflag:s10], $0x80  }
.Ltmp11:
0x2de: {  	[sflag:s10] =	ssyncset.done @!p0 $0x0;
	(pc) =	sbr.rel .LBB2_16-.Ltmp11, $4  }
0x2df: {  	[sflag:s10] =	ssyncadd.s32 @!p0 $0xFFFFFF80  }
0x2e0: {  	_ =	swait.ge @!p0 [sflag:s10], $0x80  }
0x2e1: {  	[sflag:s10] =	ssyncset.done @!p0 $0x0  }
0x2e2: {  	[sflag:s10] =	ssyncadd.s32 @!p0 $0xFFFFFF80  }
.LBB2_18:
0x2e3: {  	_ =	sfence.sel $0x180000  }
0x2e4: {  	[bflag:$0x0] =	sbarrier.arrive $0xFFFF  }
0x2e5: {  	_ =	strace $0x90000047  }
0x2e6: {  	s0 =	stileid.u32;
	[bflag:$0x2] =	sbarrier.arrive $0xFFFF  }
0x2e7: {  	p0 =	sne.s32 s0, $0x0;
	s0 =	rddreg [dreg:$0x3]  }
0x2e8: {  	s0 =	sadd.s32 @!p0 $0x100000, s0  }
0x2e9: {  	[sflag:s0] =	ssyncadd.tile.s32 @!p0 $0x1;
	_ =	shalt  }
.Lfunc_end2:
_tile_overlayer_lowered:
.L_overlay_start_2:
0x2ea: {  	(tag) =	ssettag $0x2  }
0x2eb: {  	s0 =	rddreg [dreg:$0x0];
	s2 =	stileid.u32  }
0x2ec: {  	s1 =	rddreg [dreg:$0x1];
	p0 =	sne.s32 s2, $0x0  }
0x2ed: {  	s3 =	rddreg [dreg:$0x2];
	[bflag:$0x3] =	sbarrier.arrive $0xFFFF;
	s2 =	simm.s32 @!p0 $0x1C04  }
0x2ee: {  	[timem:s3], [sflag:s2] =	dma.local @!p0 [hbm:s0], s1  }
0x2ef: {  	s0 =	simm.s32 @!p0 $0x4  }
0x2f0: {  	_ =	swait.ge @!p0 [sflag:s0], s1  }
0x2f1: {  	s1 =	ssub.s32 @!p0 $0x0, s1;
	[sflag:s0] =	ssyncset.done @!p0 $0x0  }
0x2f2: {  	[sflag:s0] =	ssyncadd.s32 @!p0 s1  }
0x2f3: {  	[bflag:$0x3] =	sbarrier.arrive $0xFFFF  }
0x2f4: {  	_ =	shalt  }

</sc_bundles>
